<compile_context>
chip_gen: v7x
topology: tpu7x:2x2x1
jax: 0.10.2.dev20260603
libtpu: 0.0.44.dev20260713+nightly
codegen_flags: <defaults>
</compile_context>

<pallas_src>
import functools

import jax
import jax.numpy as jnp
from jax import lax
from jax.experimental import pallas as pl
from jax.experimental.pallas import tpu as pltpu
from jax.experimental.pallas import tpu_sc as plsc

N_NODES = 10000
N_EDGES = 320000
FEAT = 128
N_GRAPHS = 64

NC = 2
NS = 16
CHUNK = 64
CH_PER_TILE = 158
E_PAD = NC * NS * CH_PER_TILE * CHUNK
PHASE_CH = 40
N_PHASES = 4
NBUF = 4
N_PAD = 10112
STRIPE = N_PAD // NS


def _sc_aggregate(h, src_r, dst_r, zeros):
    mesh = plsc.VectorSubcoreMesh(core_axis_name="c", subcore_axis_name="s")

    @functools.partial(
        pl.kernel,
        mesh=mesh,
        out_type=jax.ShapeDtypeStruct((NC, N_PAD, FEAT), jnp.float32),
        scratch_types=[
            pltpu.VMEM((PHASE_CH, CHUNK), jnp.int32),
            pltpu.VMEM((PHASE_CH, CHUNK), jnp.int32),
            pltpu.VMEM((NBUF, CHUNK, FEAT), jnp.float32),
            pltpu.VMEM_SHARED((N_PAD, FEAT), jnp.float32),
            pltpu.SemaphoreType.DMA,
            pltpu.SemaphoreType.DMA,
        ],
    )
    def agg_kernel(h_hbm, src_hbm, dst_hbm, zeros_hbm, out_hbm,
                   src_v, dst_v, rows_v, agg_sh, sem_g, sem_s):
        cid = lax.axis_index("c")
        sid = lax.axis_index("s")
        pltpu.sync_copy(zeros_hbm, agg_sh.at[pl.ds(sid * STRIPE, STRIPE)])
        plsc.subcore_barrier()

        for p in range(N_PHASES):
            n_ch = min(PHASE_CH, CH_PER_TILE - p * PHASE_CH)
            pltpu.sync_copy(src_hbm.at[cid, sid, pl.ds(p * PHASE_CH, n_ch)],
                            src_v.at[pl.ds(0, n_ch)])
            pltpu.sync_copy(dst_hbm.at[cid, sid, pl.ds(p * PHASE_CH, n_ch)],
                            dst_v.at[pl.ds(0, n_ch)])

            pltpu.async_copy(h_hbm.at[src_v.at[0]], rows_v.at[0], sem_g)
            if n_ch > 1:
                pltpu.async_copy(h_hbm.at[src_v.at[1]], rows_v.at[1], sem_g)

            def body(j, carry):
                b = lax.rem(j, NBUF)
                pltpu.make_async_copy(h_hbm.at[src_v.at[j]], rows_v.at[b],
                                      sem_g).wait()

                @pl.when(j > 1)
                def _():
                    pltpu.make_async_copy(rows_v.at[lax.rem(j - 2, NBUF)],
                                          agg_sh.at[dst_v.at[j - 2]],
                                          sem_s).wait()

                @pl.when(j + 2 < n_ch)
                def _():
                    pltpu.async_copy(h_hbm.at[src_v.at[j + 2]],
                                     rows_v.at[lax.rem(j + 2, NBUF)], sem_g)

                pltpu.async_copy(rows_v.at[b], agg_sh.at[dst_v.at[j]], sem_s,
                                 add=True)
                return carry

            lax.fori_loop(0, n_ch, body, 0)
            pltpu.make_async_copy(rows_v.at[(n_ch - 2) % NBUF],
                                  agg_sh.at[dst_v.at[n_ch - 2]],
                                  sem_s).wait()
            pltpu.make_async_copy(rows_v.at[(n_ch - 1) % NBUF],
                                  agg_sh.at[dst_v.at[n_ch - 1]],
                                  sem_s).wait()
        plsc.subcore_barrier()
        pltpu.sync_copy(agg_sh.at[pl.ds(sid * STRIPE, STRIPE)],
                        out_hbm.at[cid, pl.ds(sid * STRIPE, STRIPE)])

    return agg_kernel(h, src_r, dst_r, zeros)


def _dot3(a, b):
    ah = a.astype(jnp.bfloat16)
    al = (a - ah.astype(jnp.float32)).astype(jnp.bfloat16)
    bh = b.astype(jnp.bfloat16)
    bl = (b - bh.astype(jnp.float32)).astype(jnp.bfloat16)

    def d(x, y):
        return jax.lax.dot_general(x, y, (((1,), (0,)), ((), ())),
                                   preferred_element_type=jnp.float32)

    return d(ah, bh) + (d(ah, bl) + d(al, bh))


def _mlp_body(h_ref, a0_ref, a1_ref, w1_ref, w2_ref, o_ref):
    z = h_ref[...] + a0_ref[0] + a1_ref[0]
    z = jnp.maximum(_dot3(z, w1_ref[...]), 0.0)
    z = jnp.maximum(_dot3(z, w2_ref[...]), 0.0)
    o_ref[...] = z


def _mlp(h, agg2, w1, w2):
    blk = 1000
    return pl.pallas_call(
        _mlp_body,
        grid=(N_NODES // blk,),
        in_specs=[
            pl.BlockSpec((blk, FEAT), lambda i: (i, 0)),
            pl.BlockSpec((1, blk, FEAT), lambda i: (0, i, 0)),
            pl.BlockSpec((1, blk, FEAT), lambda i: (1, i, 0)),
            pl.BlockSpec((FEAT, FEAT), lambda i: (0, 0)),
            pl.BlockSpec((FEAT, FEAT), lambda i: (0, 0)),
        ],
        out_specs=pl.BlockSpec((blk, FEAT), lambda i: (i, 0)),
        out_shape=jax.ShapeDtypeStruct((N_NODES, FEAT), jnp.float32),
    )(h, agg2, agg2, w1, w2)


def _pool_body(h_ref, b_ref, ow_ref, ob_ref, out_ref, off_sm, maxs_vm):
    batv = b_ref[...]

    def off_body(g, carry):
        off_sm[g] = jnp.sum((batv < g).astype(jnp.int32))
        return carry

    lax.fori_loop(0, N_GRAPHS + 1, off_body, 0)

    gid = lax.broadcasted_iota(jnp.int32, (N_GRAPHS, N_NODES), 0)
    onehot = (gid == batv).astype(jnp.float32)
    sums = _dot3(onehot, h_ref[...])
    counts = jnp.sum(onehot, axis=1, keepdims=True)

    RB = 256

    def g_body(g, carry):
        start = off_sm[g]
        end = off_sm[g + 1]
        nb = (end - start + RB - 1) // RB

        def k_body(k, acc):
            st = start + k * RB
            stc = jnp.minimum(st, N_NODES - RB)
            rows = h_ref[pl.ds(stc, RB), :]
            ridx = stc + lax.broadcasted_iota(jnp.int32, (RB, 1), 0)
            m = (ridx >= start) & (ridx < end)
            blkmax = jnp.max(jnp.where(m, rows, -jnp.inf), axis=0, keepdims=True)
            return jnp.maximum(acc, blkmax)

        acc = lax.fori_loop(0, nb, k_body,
                            jnp.full((1, FEAT), -jnp.inf, jnp.float32))
        maxs_vm[pl.ds(g, 1), :] = acc
        return carry

    lax.fori_loop(0, N_GRAPHS, g_body, 0)

    maxs = jnp.where(counts > 0, maxs_vm[...], 0.0)
    means = sums / jnp.maximum(counts, 1.0)
    pooled = jnp.concatenate([maxs, means, sums], axis=1)
    out_ref[...] = _dot3(pooled, ow_ref[...]) + ob_ref[...]


def _pool(h, batch2d, out_w, out_b2d):
    return pl.pallas_call(
        _pool_body,
        in_specs=[
            pl.BlockSpec((N_NODES, FEAT), lambda: (0, 0)),
            pl.BlockSpec((1, N_NODES), lambda: (0, 0)),
            pl.BlockSpec((3 * FEAT, FEAT), lambda: (0, 0)),
            pl.BlockSpec((1, FEAT), lambda: (0, 0)),
        ],
        out_specs=pl.BlockSpec((N_GRAPHS, FEAT), lambda: (0, 0)),
        out_shape=jax.ShapeDtypeStruct((N_GRAPHS, FEAT), jnp.float32),
        scratch_shapes=[
            pltpu.SMEM((N_GRAPHS + 1,), jnp.int32),
            pltpu.VMEM((N_GRAPHS, FEAT), jnp.float32),
        ],
    )(h, batch2d, out_w, out_b2d)


def kernel(x, edge_index, batch_index, w1_0, w2_0, w1_1, w2_1, w1_2, w2_2,
           out_w, out_b):
    src, dst = edge_index[0], edge_index[1]
    pad_n = E_PAD - N_EDGES
    pad_i = jnp.arange(pad_n, dtype=jnp.int32)
    src_p = jnp.concatenate([src, pad_i % N_NODES])
    dst_p = jnp.concatenate([dst, N_NODES + (pad_i % (N_PAD - N_NODES))])
    src_r = src_p.reshape(NC, NS, CH_PER_TILE, CHUNK)
    dst_r = dst_p.reshape(NC, NS, CH_PER_TILE, CHUNK)
    zeros = jnp.zeros((STRIPE, FEAT), jnp.float32)
    batch2d = batch_index.reshape(1, N_NODES)
    out_b2d = out_b.reshape(1, FEAT)

    h = x
    for (w1, w2) in ((w1_0, w2_0), (w1_1, w2_1), (w1_2, w2_2)):
        agg2 = _sc_aggregate(h, src_r, dst_r, zeros)
        h = _mlp(h, agg2, w1, w2)
    return _pool(h, batch2d, out_w, out_b2d)

# --- scband reference (transcript-rebuilt; emitter-appended) ---
"""Pipeline reference for scband-gin-hybrid-29231547416662 (READ-ONLY COPY).

The authoritative reference and input builder live on the scoring server;
editing this copy changes nothing except your own understanding.
"""

import jax, jax.numpy as jnp
import numpy as np

N_NODES = 10000
N_EDGES = 320000
FEAT = 128
EMB = 128
DENSE = 128
N_GRAPHS = 64


def setup_inputs(seed: int = 0) -> dict:
    key = jax.random.key(seed)
    ks = jax.random.split(key, 12)
    x = jax.random.normal(ks[0], (N_NODES, FEAT), dtype=jnp.float32)
    edge_index = jax.random.randint(ks[1], (2, N_EDGES), 0, N_NODES, dtype=jnp.int32)
    batch_index = jnp.sort(jax.random.randint(ks[2], (N_NODES,), 0, N_GRAPHS, dtype=jnp.int32))
    s = 0.05
    w1_0 = jax.random.normal(ks[3], (FEAT, EMB), dtype=jnp.float32) * s
    w2_0 = jax.random.normal(ks[4], (EMB, EMB), dtype=jnp.float32) * s
    w1_1 = jax.random.normal(ks[5], (EMB, EMB), dtype=jnp.float32) * s
    w2_1 = jax.random.normal(ks[6], (EMB, EMB), dtype=jnp.float32) * s
    w1_2 = jax.random.normal(ks[7], (EMB, EMB), dtype=jnp.float32) * s
    w2_2 = jax.random.normal(ks[8], (EMB, EMB), dtype=jnp.float32) * s
    out_w = jax.random.normal(ks[9], (EMB * 3, DENSE), dtype=jnp.float32) * s
    out_b = jnp.zeros((DENSE,), dtype=jnp.float32)
    return {"x": x, "edge_index": edge_index, "batch_index": batch_index,
            "w1_0": w1_0, "w2_0": w2_0, "w1_1": w1_1, "w2_1": w2_1,
            "w1_2": w1_2, "w2_2": w2_2, "out_w": out_w, "out_b": out_b}


def _gin_conv(h, edge_index, w1, w2):
    # GINConv with eps=0: mlp((1+eps)*x + sum_{j in N(i)} x_j)
    src, dst = edge_index[0], edge_index[1]
    agg = jax.ops.segment_sum(h[src], dst, num_segments=N_NODES)
    z = h + agg
    z = z @ w1
    z = jax.nn.relu(z)
    z = z @ w2
    return z


def reference(x, edge_index, batch_index, w1_0, w2_0, w1_1, w2_1, w1_2, w2_2, out_w, out_b):
    hidden = _gin_conv(x, edge_index, w1_0, w2_0)
    hidden = jax.nn.relu(hidden)  # dropout p=0 -> identity (eval mode)
    for (w1, w2) in ((w1_1, w2_1), (w1_2, w2_2)):
        hidden = _gin_conv(hidden, edge_index, w1, w2)
        hidden = jax.nn.relu(hidden)
    # global max / mean / add pool per graph
    sums = jax.ops.segment_sum(hidden, batch_index, num_segments=N_GRAPHS)
    counts = jax.ops.segment_sum(jnp.ones((N_NODES,), dtype=jnp.float32), batch_index, num_segments=N_GRAPHS)
    counts_c = jnp.maximum(counts, 1.0)
    means = sums / counts_c[:, None]
    maxs = jax.ops.segment_max(hidden, batch_index, num_segments=N_GRAPHS)
    maxs = jnp.where(counts[:, None] > 0, maxs, 0.0)
    pooled = jnp.concatenate([maxs, means, sums], axis=1)
    out = pooled @ out_w + out_b
    return out


if False:  # reference __main__ guard neutralized (emitter)
    inp = setup_inputs()
    y = reference(**inp)
    print(y.shape)

if __name__ == "__main__":
    import jax
    _d = setup_inputs()
    print(jax.jit(kernel)(*tuple(_d.values())))

</pallas_src>

<mosaic_0001>
#map = affine_map<(d0, d1) -> (0, 0)>
#map1 = affine_map<(d0, d1) -> (0, 0, 0, 0)>
#map2 = affine_map<(d0, d1) -> (0, 0, 0)>
module attributes {stable_mosaic.version = 14 : i64} {
  func.func @agg_kernel(%arg0: i32, %arg1: i32, %arg2: memref<10000x128xf32, #tpu.memory_space<hbm>>, %arg3: memref<2x16x158x64xi32, #tpu.memory_space<hbm>>, %arg4: memref<2x16x158x64xi32, #tpu.memory_space<hbm>>, %arg5: memref<632x128xf32, #tpu.memory_space<hbm>>, %arg6: memref<2x10112x128xf32, #tpu.memory_space<hbm>>, %arg7: memref<40x64xi32, #tpu.memory_space<vmem>>, %arg8: memref<40x64xi32, #tpu.memory_space<vmem>>, %arg9: memref<4x64x128xf32, #tpu.memory_space<vmem>>, %arg10: memref<10112x128xf32, #tpu.memory_space<vmem_shared>>, %arg11: memref<!tpu.dma_semaphore, #tpu.memory_space<semaphore_mem>>, %arg12: memref<!tpu.dma_semaphore, #tpu.memory_space<semaphore_mem>>) attributes {dimension_semantics = [#tpu.dimension_semantics<core_parallel>, #tpu.dimension_semantics<subcore_parallel>], iteration_bounds = array<i64: 2, 16>, scalar_prefetch = 0 : i64, scratch_operands = 6 : i64, tpu.core_type = #tpu.core_type<sc_vector_subcore>, window_params = [{transform_indices = #map}, {transform_indices = #map1}, {transform_indices = #map1}, {transform_indices = #map}, {transform_indices = #map2}]} {
    %mul3A = arith.constant 632 : i32
    %mul3A_0 = arith.muli %arg1, %mul3A : i32
    "tpu.region"() ({
      %run_scoped3A = tpu.sem_alloc : memref<!tpu.dma_semaphore, #tpu.memory_space<semaphore_mem>>
      %dma_start3A_219 = arith.constant 0 : i32
      %dma_start3A_220 = tpu.memref_slice %arg10[%mul3A_0, %dma_start3A_219] : memref<10112x128xf32, #tpu.memory_space<vmem_shared>> -> memref<632x128xf32, #tpu.memory_space<vmem_shared>>
      tpu.enqueue_dma source(%arg5 : memref<632x128xf32, #tpu.memory_space<hbm>>) target(%dma_start3A_220 : memref<632x128xf32, #tpu.memory_space<vmem_shared>>) target_semaphore(%run_scoped3A : memref<!tpu.dma_semaphore, #tpu.memory_space<semaphore_mem>>)
      %dma_wait3A_221 = arith.constant 0 : i32
      %dma_wait3A_222 = tpu.memref_slice %arg10[%mul3A_0, %dma_wait3A_221] : memref<10112x128xf32, #tpu.memory_space<vmem_shared>> -> memref<632x128xf32, #tpu.memory_space<vmem_shared>>
      tpu.wait_dma2 semaphore(%run_scoped3A : memref<!tpu.dma_semaphore, #tpu.memory_space<semaphore_mem>>) src(%arg5 : memref<632x128xf32, #tpu.memory_space<hbm>>) dst(%dma_wait3A_222 : memref<632x128xf32, #tpu.memory_space<vmem_shared>>)
      tpu.yield
    }) : () -> ()
    %barrier3A = arith.constant 0 : index
    tpu.barrier barrier_id(%barrier3A)
    "tpu.region"() ({
      %run_scoped3A = tpu.sem_alloc : memref<!tpu.dma_semaphore, #tpu.memory_space<semaphore_mem>>
      %dma_start3A_219 = arith.constant 0 : i32
      %dma_start3A_220 = arith.constant 0 : i32
      %dma_start3A_221 = tpu.memref_slice %arg7[%dma_start3A_219, %dma_start3A_220] : memref<40x64xi32, #tpu.memory_space<vmem>> -> memref<40x64xi32, #tpu.memory_space<vmem>>
      %dma_start3A_222 = arith.constant 0 : i32
      %dma_start3A_223 = arith.constant 0 : i32
      %dma_start3A_224 = tpu.memref_slice %arg3[%arg0, %arg1, %dma_start3A_222, %dma_start3A_223] : memref<2x16x158x64xi32, #tpu.memory_space<hbm>> -> memref<1x1x40x64xi32, #tpu.memory_space<hbm>>
      %dma_start3A_225 = tpu.memref_squeeze %dma_start3A_224 : memref<1x1x40x64xi32, #tpu.memory_space<hbm>> -> memref<40x64xi32, #tpu.memory_space<hbm>>
      %dma_start3A_226 = arith.constant 0 : i32
      %dma_start3A_227 = arith.constant 0 : i32
      %dma_start3A_228 = tpu.memref_slice %arg7[%dma_start3A_226, %dma_start3A_227] : memref<40x64xi32, #tpu.memory_space<vmem>> -> memref<40x64xi32, #tpu.memory_space<vmem>>
      %dma_start3A_229 = arith.constant 0 : i32
      %dma_start3A_230 = arith.constant 0 : i32
      %dma_start3A_231 = tpu.memref_slice %arg3[%arg0, %arg1, %dma_start3A_229, %dma_start3A_230] : memref<2x16x158x64xi32, #tpu.memory_space<hbm>> -> memref<1x1x40x64xi32, #tpu.memory_space<hbm>>
      %dma_start3A_232 = tpu.memref_squeeze %dma_start3A_231 : memref<1x1x40x64xi32, #tpu.memory_space<hbm>> -> memref<40x64xi32, #tpu.memory_space<hbm>>
      tpu.enqueue_dma source(%dma_start3A_232 : memref<40x64xi32, #tpu.memory_space<hbm>>) target(%dma_start3A_228 : memref<40x64xi32, #tpu.memory_space<vmem>>) target_semaphore(%run_scoped3A : memref<!tpu.dma_semaphore, #tpu.memory_space<semaphore_mem>>)
      %dma_wait3A_233 = arith.constant 0 : i32
      %dma_wait3A_234 = arith.constant 0 : i32
      %dma_wait3A_235 = tpu.memref_slice %arg7[%dma_wait3A_233, %dma_wait3A_234] : memref<40x64xi32, #tpu.memory_space<vmem>> -> memref<40x64xi32, #tpu.memory_space<vmem>>
      %dma_wait3A_236 = arith.constant 0 : i32
      %dma_wait3A_237 = arith.constant 0 : i32
      %dma_wait3A_238 = tpu.memref_slice %arg3[%arg0, %arg1, %dma_wait3A_236, %dma_wait3A_237] : memref<2x16x158x64xi32, #tpu.memory_space<hbm>> -> memref<1x1x40x64xi32, #tpu.memory_space<hbm>>
      %dma_wait3A_239 = tpu.memref_squeeze %dma_wait3A_238 : memref<1x1x40x64xi32, #tpu.memory_space<hbm>> -> memref<40x64xi32, #tpu.memory_space<hbm>>
      %dma_wait3A_240 = arith.constant 0 : i32
      %dma_wait3A_241 = arith.constant 0 : i32
      %dma_wait3A_242 = tpu.memref_slice %arg7[%dma_wait3A_240, %dma_wait3A_241] : memref<40x64xi32, #tpu.memory_space<vmem>> -> memref<40x64xi32, #tpu.memory_space<vmem>>
      %dma_wait3A_243 = arith.constant 0 : i32
      %dma_wait3A_244 = arith.constant 0 : i32
      %dma_wait3A_245 = tpu.memref_slice %arg3[%arg0, %arg1, %dma_wait3A_243, %dma_wait3A_244] : memref<2x16x158x64xi32, #tpu.memory_space<hbm>> -> memref<1x1x40x64xi32, #tpu.memory_space<hbm>>
      %dma_wait3A_246 = tpu.memref_squeeze %dma_wait3A_245 : memref<1x1x40x64xi32, #tpu.memory_space<hbm>> -> memref<40x64xi32, #tpu.memory_space<hbm>>
      tpu.wait_dma2 semaphore(%run_scoped3A : memref<!tpu.dma_semaphore, #tpu.memory_space<semaphore_mem>>) src(%dma_wait3A_246 : memref<40x64xi32, #tpu.memory_space<hbm>>) dst(%dma_wait3A_242 : memref<40x64xi32, #tpu.memory_space<vmem>>)
      tpu.yield
    }) : () -> ()
    "tpu.region"() ({
      %run_scoped3A = tpu.sem_alloc : memref<!tpu.dma_semaphore, #tpu.memory_space<semaphore_mem>>
      %dma_start3A_219 = arith.constant 0 : i32
      %dma_start3A_220 = arith.constant 0 : i32
      %dma_start3A_221 = tpu.memref_slice %arg8[%dma_start3A_219, %dma_start3A_220] : memref<40x64xi32, #tpu.memory_space<vmem>> -> memref<40x64xi32, #tpu.memory_space<vmem>>
      %dma_start3A_222 = arith.constant 0 : i32
      %dma_start3A_223 = arith.constant 0 : i32
      %dma_start3A_224 = tpu.memref_slice %arg4[%arg0, %arg1, %dma_start3A_222, %dma_start3A_223] : memref<2x16x158x64xi32, #tpu.memory_space<hbm>> -> memref<1x1x40x64xi32, #tpu.memory_space<hbm>>
      %dma_start3A_225 = tpu.memref_squeeze %dma_start3A_224 : memref<1x1x40x64xi32, #tpu.memory_space<hbm>> -> memref<40x64xi32, #tpu.memory_space<hbm>>
      %dma_start3A_226 = arith.constant 0 : i32
      %dma_start3A_227 = arith.constant 0 : i32
      %dma_start3A_228 = tpu.memref_slice %arg8[%dma_start3A_226, %dma_start3A_227] : memref<40x64xi32, #tpu.memory_space<vmem>> -> memref<40x64xi32, #tpu.memory_space<vmem>>
      %dma_start3A_229 = arith.constant 0 : i32
      %dma_start3A_230 = arith.constant 0 : i32
      %dma_start3A_231 = tpu.memref_slice %arg4[%arg0, %arg1, %dma_start3A_229, %dma_start3A_230] : memref<2x16x158x64xi32, #tpu.memory_space<hbm>> -> memref<1x1x40x64xi32, #tpu.memory_space<hbm>>
      %dma_start3A_232 = tpu.memref_squeeze %dma_start3A_231 : memref<1x1x40x64xi32, #tpu.memory_space<hbm>> -> memref<40x64xi32, #tpu.memory_space<hbm>>
      tpu.enqueue_dma source(%dma_start3A_232 : memref<40x64xi32, #tpu.memory_space<hbm>>) target(%dma_start3A_228 : memref<40x64xi32, #tpu.memory_space<vmem>>) target_semaphore(%run_scoped3A : memref<!tpu.dma_semaphore, #tpu.memory_space<semaphore_mem>>)
      %dma_wait3A_233 = arith.constant 0 : i32
      %dma_wait3A_234 = arith.constant 0 : i32
      %dma_wait3A_235 = tpu.memref_slice %arg8[%dma_wait3A_233, %dma_wait3A_234] : memref<40x64xi32, #tpu.memory_space<vmem>> -> memref<40x64xi32, #tpu.memory_space<vmem>>
      %dma_wait3A_236 = arith.constant 0 : i32
      %dma_wait3A_237 = arith.constant 0 : i32
      %dma_wait3A_238 = tpu.memref_slice %arg4[%arg0, %arg1, %dma_wait3A_236, %dma_wait3A_237] : memref<2x16x158x64xi32, #tpu.memory_space<hbm>> -> memref<1x1x40x64xi32, #tpu.memory_space<hbm>>
      %dma_wait3A_239 = tpu.memref_squeeze %dma_wait3A_238 : memref<1x1x40x64xi32, #tpu.memory_space<hbm>> -> memref<40x64xi32, #tpu.memory_space<hbm>>
      %dma_wait3A_240 = arith.constant 0 : i32
      %dma_wait3A_241 = arith.constant 0 : i32
      %dma_wait3A_242 = tpu.memref_slice %arg8[%dma_wait3A_240, %dma_wait3A_241] : memref<40x64xi32, #tpu.memory_space<vmem>> -> memref<40x64xi32, #tpu.memory_space<vmem>>
      %dma_wait3A_243 = arith.constant 0 : i32
      %dma_wait3A_244 = arith.constant 0 : i32
      %dma_wait3A_245 = tpu.memref_slice %arg4[%arg0, %arg1, %dma_wait3A_243, %dma_wait3A_244] : memref<2x16x158x64xi32, #tpu.memory_space<hbm>> -> memref<1x1x40x64xi32, #tpu.memory_space<hbm>>
      %dma_wait3A_246 = tpu.memref_squeeze %dma_wait3A_245 : memref<1x1x40x64xi32, #tpu.memory_space<hbm>> -> memref<40x64xi32, #tpu.memory_space<hbm>>
      tpu.wait_dma2 semaphore(%run_scoped3A : memref<!tpu.dma_semaphore, #tpu.memory_space<semaphore_mem>>) src(%dma_wait3A_246 : memref<40x64xi32, #tpu.memory_space<hbm>>) dst(%dma_wait3A_242 : memref<40x64xi32, #tpu.memory_space<vmem>>)
      tpu.yield
    }) : () -> ()
    %dma_start3A = arith.constant 0 : i32
    %dma_start3A_1 = arith.constant 0 : i32
    %dma_start3A_2 = arith.constant 0 : i32
    %dma_start3A_3 = arith.constant 0 : i32
    %dma_start3A_4 = tpu.memref_slice %arg9[%dma_start3A_1, %dma_start3A_2, %dma_start3A_3] : memref<4x64x128xf32, #tpu.memory_space<vmem>> -> memref<1x64x128xf32, #tpu.memory_space<vmem>>
    %dma_start3A_5 = tpu.memref_squeeze %dma_start3A_4 : memref<1x64x128xf32, #tpu.memory_space<vmem>> -> memref<64x128xf32, #tpu.memory_space<vmem>>
    %dma_start3A_6 = arith.constant 0 : i32
    %dma_start3A_7 = tpu.memref_slice %arg7[%dma_start3A, %dma_start3A_6] : memref<40x64xi32, #tpu.memory_space<vmem>> -> memref<1x64xi32, #tpu.memory_space<vmem>>
    %dma_start3A_8 = tpu.memref_squeeze %dma_start3A_7 : memref<1x64xi32, #tpu.memory_space<vmem>> -> memref<64xi32, #tpu.memory_space<vmem>>
    %dma_start3A_9 = arith.constant 0 : i32
    %dma_start3A_10 = arith.constant 0 : i32
    %dma_start3A_11 = tpu.memref_slice %arg2[%dma_start3A_9, %dma_start3A_10] : memref<10000x128xf32, #tpu.memory_space<hbm>> -> memref<10000x128xf32, #tpu.memory_space<hbm>>
    tpu.enqueue_indirect_dma source(%dma_start3A_11 : memref<10000x128xf32, #tpu.memory_space<hbm>>) target(%dma_start3A_5 : memref<64x128xf32, #tpu.memory_space<vmem>>) offsets(%dma_start3A_8 : memref<64xi32, #tpu.memory_space<vmem>>) semaphore(%arg11 : memref<!tpu.dma_semaphore, #tpu.memory_space<semaphore_mem>>)
    %dma_start3A_12 = arith.constant 1 : i32
    %dma_start3A_13 = arith.constant 1 : i32
    %dma_start3A_14 = arith.constant 0 : i32
    %dma_start3A_15 = arith.constant 0 : i32
    %dma_start3A_16 = tpu.memref_slice %arg9[%dma_start3A_13, %dma_start3A_14, %dma_start3A_15] : memref<4x64x128xf32, #tpu.memory_space<vmem>> -> memref<1x64x128xf32, #tpu.memory_space<vmem>>
    %dma_start3A_17 = tpu.memref_squeeze %dma_start3A_16 : memref<1x64x128xf32, #tpu.memory_space<vmem>> -> memref<64x128xf32, #tpu.memory_space<vmem>>
    %dma_start3A_18 = arith.constant 0 : i32
    %dma_start3A_19 = tpu.memref_slice %arg7[%dma_start3A_12, %dma_start3A_18] : memref<40x64xi32, #tpu.memory_space<vmem>> -> memref<1x64xi32, #tpu.memory_space<vmem>>
    %dma_start3A_20 = tpu.memref_squeeze %dma_start3A_19 : memref<1x64xi32, #tpu.memory_space<vmem>> -> memref<64xi32, #tpu.memory_space<vmem>>
    %dma_start3A_21 = arith.constant 0 : i32
    %dma_start3A_22 = arith.constant 0 : i32
    %dma_start3A_23 = tpu.memref_slice %arg2[%dma_start3A_21, %dma_start3A_22] : memref<10000x128xf32, #tpu.memory_space<hbm>> -> memref<10000x128xf32, #tpu.memory_space<hbm>>
    tpu.enqueue_indirect_dma source(%dma_start3A_23 : memref<10000x128xf32, #tpu.memory_space<hbm>>) target(%dma_start3A_17 : memref<64x128xf32, #tpu.memory_space<vmem>>) offsets(%dma_start3A_20 : memref<64xi32, #tpu.memory_space<vmem>>) semaphore(%arg11 : memref<!tpu.dma_semaphore, #tpu.memory_space<semaphore_mem>>)
    %scan3A = arith.constant 0 : i32
    %scan3A_24 = arith.constant 0 : i32
    %scan3A_25 = arith.constant 40 : i32
    %scan3A_26 = arith.addi %scan3A_24, %scan3A_25 : i32
    %scan3A_27 = arith.constant 1 : i32
    scf.for %scan3A_219 = %scan3A_24 to %scan3A_26 step %scan3A_27  : i32 {
      %rem3A = arith.constant 4 : i32
      %rem3A_220 = arith.remsi %scan3A_219, %rem3A : i32
      %dma_wait3A_221 = arith.constant 0 : i32
      %dma_wait3A_222 = arith.constant 0 : i32
      %dma_wait3A_223 = tpu.memref_slice %arg9[%rem3A_220, %dma_wait3A_221, %dma_wait3A_222] : memref<4x64x128xf32, #tpu.memory_space<vmem>> -> memref<1x64x128xf32, #tpu.memory_space<vmem>>
      %dma_wait3A_224 = tpu.memref_squeeze %dma_wait3A_223 : memref<1x64x128xf32, #tpu.memory_space<vmem>> -> memref<64x128xf32, #tpu.memory_space<vmem>>
      %dma_wait3A_225 = arith.constant 0 : i32
      %dma_wait3A_226 = tpu.memref_slice %arg7[%scan3A_219, %dma_wait3A_225] : memref<40x64xi32, #tpu.memory_space<vmem>> -> memref<1x64xi32, #tpu.memory_space<vmem>>
      %dma_wait3A_227 = tpu.memref_squeeze %dma_wait3A_226 : memref<1x64xi32, #tpu.memory_space<vmem>> -> memref<64xi32, #tpu.memory_space<vmem>>
      %dma_wait3A_228 = arith.constant 0 : i32
      %dma_wait3A_229 = arith.constant 0 : i32
      %dma_wait3A_230 = tpu.memref_slice %arg2[%dma_wait3A_228, %dma_wait3A_229] : memref<10000x128xf32, #tpu.memory_space<hbm>> -> memref<10000x128xf32, #tpu.memory_space<hbm>>
      tpu.wait_indirect_dma semaphore(%arg11 : memref<!tpu.dma_semaphore, #tpu.memory_space<semaphore_mem>>) src(%dma_wait3A_230 : memref<10000x128xf32, #tpu.memory_space<hbm>>) dst(%dma_wait3A_224 : memref<64x128xf32, #tpu.memory_space<vmem>>)
      %gt3A = arith.constant 1 : i32
      %gt3A_231 = arith.cmpi sgt, %scan3A_219, %gt3A : i32
      %convert_element_type3A = arith.extui %gt3A_231 : i1 to i32
      %cond3A = arith.constant 0 : i32
      %cond3A_232 = arith.cmpi ne, %convert_element_type3A, %cond3A : i32
      scf.if %cond3A_232 {
        %sub3A = arith.constant 2 : i32
        %sub3A_248 = arith.subi %scan3A_219, %sub3A : i32
        %rem3A_249 = arith.constant 4 : i32
        %rem3A_250 = arith.remsi %sub3A_248, %rem3A_249 : i32
        %sub3A_251 = arith.constant 2 : i32
        %sub3A_252 = arith.subi %scan3A_219, %sub3A_251 : i32
        %dma_wait3A_253 = arith.constant 0 : i32
        %dma_wait3A_254 = arith.constant 0 : i32
        %dma_wait3A_255 = tpu.memref_slice %arg9[%rem3A_250, %dma_wait3A_253, %dma_wait3A_254] : memref<4x64x128xf32, #tpu.memory_space<vmem>> -> memref<1x64x128xf32, #tpu.memory_space<vmem>>
        %dma_wait3A_256 = tpu.memref_squeeze %dma_wait3A_255 : memref<1x64x128xf32, #tpu.memory_space<vmem>> -> memref<64x128xf32, #tpu.memory_space<vmem>>
        %dma_wait3A_257 = arith.constant 0 : i32
        %dma_wait3A_258 = tpu.memref_slice %arg8[%sub3A_252, %dma_wait3A_257] : memref<40x64xi32, #tpu.memory_space<vmem>> -> memref<1x64xi32, #tpu.memory_space<vmem>>
        %dma_wait3A_259 = tpu.memref_squeeze %dma_wait3A_258 : memref<1x64xi32, #tpu.memory_space<vmem>> -> memref<64xi32, #tpu.memory_space<vmem>>
        %dma_wait3A_260 = arith.constant 0 : i32
        %dma_wait3A_261 = arith.constant 0 : i32
        %dma_wait3A_262 = tpu.memref_slice %arg10[%dma_wait3A_260, %dma_wait3A_261] : memref<10112x128xf32, #tpu.memory_space<vmem_shared>> -> memref<10112x128xf32, #tpu.memory_space<vmem_shared>>
        tpu.wait_indirect_dma semaphore(%arg12 : memref<!tpu.dma_semaphore, #tpu.memory_space<semaphore_mem>>) src(%dma_wait3A_256 : memref<64x128xf32, #tpu.memory_space<vmem>>) dst(%dma_wait3A_262 : memref<10112x128xf32, #tpu.memory_space<vmem_shared>>)
      } else {
      }
      %add3A = arith.constant 2 : i32
      %add3A_233 = arith.addi %scan3A_219, %add3A : i32
      %lt3A = arith.constant 40 : i32
      %lt3A_234 = arith.cmpi slt, %add3A_233, %lt3A : i32
      %convert_element_type3A_235 = arith.extui %lt3A_234 : i1 to i32
      %cond3A_236 = arith.constant 0 : i32
      %cond3A_237 = arith.cmpi ne, %convert_element_type3A_235, %cond3A_236 : i32
      scf.if %cond3A_237 {
        %add3A_248 = arith.constant 2 : i32
        %add3A_249 = arith.addi %scan3A_219, %add3A_248 : i32
        %add3A_250 = arith.constant 2 : i32
        %add3A_251 = arith.addi %scan3A_219, %add3A_250 : i32
        %rem3A_252 = arith.constant 4 : i32
        %rem3A_253 = arith.remsi %add3A_251, %rem3A_252 : i32
        %dma_start3A_254 = arith.constant 0 : i32
        %dma_start3A_255 = arith.constant 0 : i32
        %dma_start3A_256 = tpu.memref_slice %arg9[%rem3A_253, %dma_start3A_254, %dma_start3A_255] : memref<4x64x128xf32, #tpu.memory_space<vmem>> -> memref<1x64x128xf32, #tpu.memory_space<vmem>>
        %dma_start3A_257 = tpu.memref_squeeze %dma_start3A_256 : memref<1x64x128xf32, #tpu.memory_space<vmem>> -> memref<64x128xf32, #tpu.memory_space<vmem>>
        %dma_start3A_258 = arith.constant 0 : i32
        %dma_start3A_259 = tpu.memref_slice %arg7[%add3A_249, %dma_start3A_258] : memref<40x64xi32, #tpu.memory_space<vmem>> -> memref<1x64xi32, #tpu.memory_space<vmem>>
        %dma_start3A_260 = tpu.memref_squeeze %dma_start3A_259 : memref<1x64xi32, #tpu.memory_space<vmem>> -> memref<64xi32, #tpu.memory_space<vmem>>
        %dma_start3A_261 = arith.constant 0 : i32
        %dma_start3A_262 = arith.constant 0 : i32
        %dma_start3A_263 = tpu.memref_slice %arg2[%dma_start3A_261, %dma_start3A_262] : memref<10000x128xf32, #tpu.memory_space<hbm>> -> memref<10000x128xf32, #tpu.memory_space<hbm>>
        tpu.enqueue_indirect_dma source(%dma_start3A_263 : memref<10000x128xf32, #tpu.memory_space<hbm>>) target(%dma_start3A_257 : memref<64x128xf32, #tpu.memory_space<vmem>>) offsets(%dma_start3A_260 : memref<64xi32, #tpu.memory_space<vmem>>) semaphore(%arg11 : memref<!tpu.dma_semaphore, #tpu.memory_space<semaphore_mem>>)
      } else {
      }
      %dma_start3A_238 = arith.constant 0 : i32
      %dma_start3A_239 = arith.constant 0 : i32
      %dma_start3A_240 = tpu.memref_slice %arg9[%rem3A_220, %dma_start3A_238, %dma_start3A_239] : memref<4x64x128xf32, #tpu.memory_space<vmem>> -> memref<1x64x128xf32, #tpu.memory_space<vmem>>
      %dma_start3A_241 = tpu.memref_squeeze %dma_start3A_240 : memref<1x64x128xf32, #tpu.memory_space<vmem>> -> memref<64x128xf32, #tpu.memory_space<vmem>>
      %dma_start3A_242 = arith.constant 0 : i32
      %dma_start3A_243 = tpu.memref_slice %arg8[%scan3A_219, %dma_start3A_242] : memref<40x64xi32, #tpu.memory_space<vmem>> -> memref<1x64xi32, #tpu.memory_space<vmem>>
      %dma_start3A_244 = tpu.memref_squeeze %dma_start3A_243 : memref<1x64xi32, #tpu.memory_space<vmem>> -> memref<64xi32, #tpu.memory_space<vmem>>
      %dma_start3A_245 = arith.constant 0 : i32
      %dma_start3A_246 = arith.constant 0 : i32
      %dma_start3A_247 = tpu.memref_slice %arg10[%dma_start3A_245, %dma_start3A_246] : memref<10112x128xf32, #tpu.memory_space<vmem_shared>> -> memref<10112x128xf32, #tpu.memory_space<vmem_shared>>
      tpu.enqueue_indirect_dma source(%dma_start3A_241 : memref<64x128xf32, #tpu.memory_space<vmem>>) target(%dma_start3A_247 : memref<10112x128xf32, #tpu.memory_space<vmem_shared>>) offsets(%dma_start3A_244 : memref<64xi32, #tpu.memory_space<vmem>>) semaphore(%arg12 : memref<!tpu.dma_semaphore, #tpu.memory_space<semaphore_mem>>) {add = true}
    }
    %scan3A_28 = arith.constant 40 : i32
    %dma_wait3A = arith.constant 2 : i32
    %dma_wait3A_29 = arith.constant 38 : i32
    %dma_wait3A_30 = arith.constant 0 : i32
    %dma_wait3A_31 = arith.constant 0 : i32
    %dma_wait3A_32 = tpu.memref_slice %arg9[%dma_wait3A, %dma_wait3A_30, %dma_wait3A_31] : memref<4x64x128xf32, #tpu.memory_space<vmem>> -> memref<1x64x128xf32, #tpu.memory_space<vmem>>
    %dma_wait3A_33 = tpu.memref_squeeze %dma_wait3A_32 : memref<1x64x128xf32, #tpu.memory_space<vmem>> -> memref<64x128xf32, #tpu.memory_space<vmem>>
    %dma_wait3A_34 = arith.constant 0 : i32
    %dma_wait3A_35 = tpu.memref_slice %arg8[%dma_wait3A_29, %dma_wait3A_34] : memref<40x64xi32, #tpu.memory_space<vmem>> -> memref<1x64xi32, #tpu.memory_space<vmem>>
    %dma_wait3A_36 = tpu.memref_squeeze %dma_wait3A_35 : memref<1x64xi32, #tpu.memory_space<vmem>> -> memref<64xi32, #tpu.memory_space<vmem>>
    %dma_wait3A_37 = arith.constant 0 : i32
    %dma_wait3A_38 = arith.constant 0 : i32
    %dma_wait3A_39 = tpu.memref_slice %arg10[%dma_wait3A_37, %dma_wait3A_38] : memref<10112x128xf32, #tpu.memory_space<vmem_shared>> -> memref<10112x128xf32, #tpu.memory_space<vmem_shared>>
    tpu.wait_indirect_dma semaphore(%arg12 : memref<!tpu.dma_semaphore, #tpu.memory_space<semaphore_mem>>) src(%dma_wait3A_33 : memref<64x128xf32, #tpu.memory_space<vmem>>) dst(%dma_wait3A_39 : memref<10112x128xf32, #tpu.memory_space<vmem_shared>>)
    %dma_wait3A_40 = arith.constant 3 : i32
    %dma_wait3A_41 = arith.constant 39 : i32
    %dma_wait3A_42 = arith.constant 0 : i32
    %dma_wait3A_43 = arith.constant 0 : i32
    %dma_wait3A_44 = tpu.memref_slice %arg9[%dma_wait3A_40, %dma_wait3A_42, %dma_wait3A_43] : memref<4x64x128xf32, #tpu.memory_space<vmem>> -> memref<1x64x128xf32, #tpu.memory_space<vmem>>
    %dma_wait3A_45 = tpu.memref_squeeze %dma_wait3A_44 : memref<1x64x128xf32, #tpu.memory_space<vmem>> -> memref<64x128xf32, #tpu.memory_space<vmem>>
    %dma_wait3A_46 = arith.constant 0 : i32
    %dma_wait3A_47 = tpu.memref_slice %arg8[%dma_wait3A_41, %dma_wait3A_46] : memref<40x64xi32, #tpu.memory_space<vmem>> -> memref<1x64xi32, #tpu.memory_space<vmem>>
    %dma_wait3A_48 = tpu.memref_squeeze %dma_wait3A_47 : memref<1x64xi32, #tpu.memory_space<vmem>> -> memref<64xi32, #tpu.memory_space<vmem>>
    %dma_wait3A_49 = arith.constant 0 : i32
    %dma_wait3A_50 = arith.constant 0 : i32
    %dma_wait3A_51 = tpu.memref_slice %arg10[%dma_wait3A_49, %dma_wait3A_50] : memref<10112x128xf32, #tpu.memory_space<vmem_shared>> -> memref<10112x128xf32, #tpu.memory_space<vmem_shared>>
    tpu.wait_indirect_dma semaphore(%arg12 : memref<!tpu.dma_semaphore, #tpu.memory_space<semaphore_mem>>) src(%dma_wait3A_45 : memref<64x128xf32, #tpu.memory_space<vmem>>) dst(%dma_wait3A_51 : memref<10112x128xf32, #tpu.memory_space<vmem_shared>>)
    "tpu.region"() ({
      %run_scoped3A = tpu.sem_alloc : memref<!tpu.dma_semaphore, #tpu.memory_space<semaphore_mem>>
      %dma_start3A_219 = arith.constant 0 : i32
      %dma_start3A_220 = arith.constant 0 : i32
      %dma_start3A_221 = tpu.memref_slice %arg7[%dma_start3A_219, %dma_start3A_220] : memref<40x64xi32, #tpu.memory_space<vmem>> -> memref<40x64xi32, #tpu.memory_space<vmem>>
      %dma_start3A_222 = arith.constant 40 : i32
      %dma_start3A_223 = arith.constant 0 : i32
      %dma_start3A_224 = tpu.memref_slice %arg3[%arg0, %arg1, %dma_start3A_222, %dma_start3A_223] : memref<2x16x158x64xi32, #tpu.memory_space<hbm>> -> memref<1x1x40x64xi32, #tpu.memory_space<hbm>>
      %dma_start3A_225 = tpu.memref_squeeze %dma_start3A_224 : memref<1x1x40x64xi32, #tpu.memory_space<hbm>> -> memref<40x64xi32, #tpu.memory_space<hbm>>
      %dma_start3A_226 = arith.constant 0 : i32
      %dma_start3A_227 = arith.constant 0 : i32
      %dma_start3A_228 = tpu.memref_slice %arg7[%dma_start3A_226, %dma_start3A_227] : memref<40x64xi32, #tpu.memory_space<vmem>> -> memref<40x64xi32, #tpu.memory_space<vmem>>
      %dma_start3A_229 = arith.constant 40 : i32
      %dma_start3A_230 = arith.constant 0 : i32
      %dma_start3A_231 = tpu.memref_slice %arg3[%arg0, %arg1, %dma_start3A_229, %dma_start3A_230] : memref<2x16x158x64xi32, #tpu.memory_space<hbm>> -> memref<1x1x40x64xi32, #tpu.memory_space<hbm>>
      %dma_start3A_232 = tpu.memref_squeeze %dma_start3A_231 : memref<1x1x40x64xi32, #tpu.memory_space<hbm>> -> memref<40x64xi32, #tpu.memory_space<hbm>>
      tpu.enqueue_dma source(%dma_start3A_232 : memref<40x64xi32, #tpu.memory_space<hbm>>) target(%dma_start3A_228 : memref<40x64xi32, #tpu.memory_space<vmem>>) target_semaphore(%run_scoped3A : memref<!tpu.dma_semaphore, #tpu.memory_space<semaphore_mem>>)
      %dma_wait3A_233 = arith.constant 0 : i32
      %dma_wait3A_234 = arith.constant 0 : i32
      %dma_wait3A_235 = tpu.memref_slice %arg7[%dma_wait3A_233, %dma_wait3A_234] : memref<40x64xi32, #tpu.memory_space<vmem>> -> memref<40x64xi32, #tpu.memory_space<vmem>>
      %dma_wait3A_236 = arith.constant 40 : i32
      %dma_wait3A_237 = arith.constant 0 : i32
      %dma_wait3A_238 = tpu.memref_slice %arg3[%arg0, %arg1, %dma_wait3A_236, %dma_wait3A_237] : memref<2x16x158x64xi32, #tpu.memory_space<hbm>> -> memref<1x1x40x64xi32, #tpu.memory_space<hbm>>
      %dma_wait3A_239 = tpu.memref_squeeze %dma_wait3A_238 : memref<1x1x40x64xi32, #tpu.memory_space<hbm>> -> memref<40x64xi32, #tpu.memory_space<hbm>>
      %dma_wait3A_240 = arith.constant 0 : i32
      %dma_wait3A_241 = arith.constant 0 : i32
      %dma_wait3A_242 = tpu.memref_slice %arg7[%dma_wait3A_240, %dma_wait3A_241] : memref<40x64xi32, #tpu.memory_space<vmem>> -> memref<40x64xi32, #tpu.memory_space<vmem>>
      %dma_wait3A_243 = arith.constant 40 : i32
      %dma_wait3A_244 = arith.constant 0 : i32
      %dma_wait3A_245 = tpu.memref_slice %arg3[%arg0, %arg1, %dma_wait3A_243, %dma_wait3A_244] : memref<2x16x158x64xi32, #tpu.memory_space<hbm>> -> memref<1x1x40x64xi32, #tpu.memory_space<hbm>>
      %dma_wait3A_246 = tpu.memref_squeeze %dma_wait3A_245 : memref<1x1x40x64xi32, #tpu.memory_space<hbm>> -> memref<40x64xi32, #tpu.memory_space<hbm>>
      tpu.wait_dma2 semaphore(%run_scoped3A : memref<!tpu.dma_semaphore, #tpu.memory_space<semaphore_mem>>) src(%dma_wait3A_246 : memref<40x64xi32, #tpu.memory_space<hbm>>) dst(%dma_wait3A_242 : memref<40x64xi32, #tpu.memory_space<vmem>>)
      tpu.yield
    }) : () -> ()
    "tpu.region"() ({
      %run_scoped3A = tpu.sem_alloc : memref<!tpu.dma_semaphore, #tpu.memory_space<semaphore_mem>>
      %dma_start3A_219 = arith.constant 0 : i32
      %dma_start3A_220 = arith.constant 0 : i32
      %dma_start3A_221 = tpu.memref_slice %arg8[%dma_start3A_219, %dma_start3A_220] : memref<40x64xi32, #tpu.memory_space<vmem>> -> memref<40x64xi32, #tpu.memory_space<vmem>>
      %dma_start3A_222 = arith.constant 40 : i32
      %dma_start3A_223 = arith.constant 0 : i32
      %dma_start3A_224 = tpu.memref_slice %arg4[%arg0, %arg1, %dma_start3A_222, %dma_start3A_223] : memref<2x16x158x64xi32, #tpu.memory_space<hbm>> -> memref<1x1x40x64xi32, #tpu.memory_space<hbm>>
      %dma_start3A_225 = tpu.memref_squeeze %dma_start3A_224 : memref<1x1x40x64xi32, #tpu.memory_space<hbm>> -> memref<40x64xi32, #tpu.memory_space<hbm>>
      %dma_start3A_226 = arith.constant 0 : i32
      %dma_start3A_227 = arith.constant 0 : i32
      %dma_start3A_228 = tpu.memref_slice %arg8[%dma_start3A_226, %dma_start3A_227] : memref<40x64xi32, #tpu.memory_space<vmem>> -> memref<40x64xi32, #tpu.memory_space<vmem>>
      %dma_start3A_229 = arith.constant 40 : i32
      %dma_start3A_230 = arith.constant 0 : i32
      %dma_start3A_231 = tpu.memref_slice %arg4[%arg0, %arg1, %dma_start3A_229, %dma_start3A_230] : memref<2x16x158x64xi32, #tpu.memory_space<hbm>> -> memref<1x1x40x64xi32, #tpu.memory_space<hbm>>
      %dma_start3A_232 = tpu.memref_squeeze %dma_start3A_231 : memref<1x1x40x64xi32, #tpu.memory_space<hbm>> -> memref<40x64xi32, #tpu.memory_space<hbm>>
      tpu.enqueue_dma source(%dma_start3A_232 : memref<40x64xi32, #tpu.memory_space<hbm>>) target(%dma_start3A_228 : memref<40x64xi32, #tpu.memory_space<vmem>>) target_semaphore(%run_scoped3A : memref<!tpu.dma_semaphore, #tpu.memory_space<semaphore_mem>>)
      %dma_wait3A_233 = arith.constant 0 : i32
      %dma_wait3A_234 = arith.constant 0 : i32
      %dma_wait3A_235 = tpu.memref_slice %arg8[%dma_wait3A_233, %dma_wait3A_234] : memref<40x64xi32, #tpu.memory_space<vmem>> -> memref<40x64xi32, #tpu.memory_space<vmem>>
      %dma_wait3A_236 = arith.constant 40 : i32
      %dma_wait3A_237 = arith.constant 0 : i32
      %dma_wait3A_238 = tpu.memref_slice %arg4[%arg0, %arg1, %dma_wait3A_236, %dma_wait3A_237] : memref<2x16x158x64xi32, #tpu.memory_space<hbm>> -> memref<1x1x40x64xi32, #tpu.memory_space<hbm>>
      %dma_wait3A_239 = tpu.memref_squeeze %dma_wait3A_238 : memref<1x1x40x64xi32, #tpu.memory_space<hbm>> -> memref<40x64xi32, #tpu.memory_space<hbm>>
      %dma_wait3A_240 = arith.constant 0 : i32
      %dma_wait3A_241 = arith.constant 0 : i32
      %dma_wait3A_242 = tpu.memref_slice %arg8[%dma_wait3A_240, %dma_wait3A_241] : memref<40x64xi32, #tpu.memory_space<vmem>> -> memref<40x64xi32, #tpu.memory_space<vmem>>
      %dma_wait3A_243 = arith.constant 40 : i32
      %dma_wait3A_244 = arith.constant 0 : i32
      %dma_wait3A_245 = tpu.memref_slice %arg4[%arg0, %arg1, %dma_wait3A_243, %dma_wait3A_244] : memref<2x16x158x64xi32, #tpu.memory_space<hbm>> -> memref<1x1x40x64xi32, #tpu.memory_space<hbm>>
      %dma_wait3A_246 = tpu.memref_squeeze %dma_wait3A_245 : memref<1x1x40x64xi32, #tpu.memory_space<hbm>> -> memref<40x64xi32, #tpu.memory_space<hbm>>
      tpu.wait_dma2 semaphore(%run_scoped3A : memref<!tpu.dma_semaphore, #tpu.memory_space<semaphore_mem>>) src(%dma_wait3A_246 : memref<40x64xi32, #tpu.memory_space<hbm>>) dst(%dma_wait3A_242 : memref<40x64xi32, #tpu.memory_space<vmem>>)
      tpu.yield
    }) : () -> ()
    %dma_start3A_52 = arith.constant 0 : i32
    %dma_start3A_53 = arith.constant 0 : i32
    %dma_start3A_54 = arith.constant 0 : i32
    %dma_start3A_55 = arith.constant 0 : i32
    %dma_start3A_56 = tpu.memref_slice %arg9[%dma_start3A_53, %dma_start3A_54, %dma_start3A_55] : memref<4x64x128xf32, #tpu.memory_space<vmem>> -> memref<1x64x128xf32, #tpu.memory_space<vmem>>
    %dma_start3A_57 = tpu.memref_squeeze %dma_start3A_56 : memref<1x64x128xf32, #tpu.memory_space<vmem>> -> memref<64x128xf32, #tpu.memory_space<vmem>>
    %dma_start3A_58 = arith.constant 0 : i32
    %dma_start3A_59 = tpu.memref_slice %arg7[%dma_start3A_52, %dma_start3A_58] : memref<40x64xi32, #tpu.memory_space<vmem>> -> memref<1x64xi32, #tpu.memory_space<vmem>>
    %dma_start3A_60 = tpu.memref_squeeze %dma_start3A_59 : memref<1x64xi32, #tpu.memory_space<vmem>> -> memref<64xi32, #tpu.memory_space<vmem>>
    %dma_start3A_61 = arith.constant 0 : i32
    %dma_start3A_62 = arith.constant 0 : i32
    %dma_start3A_63 = tpu.memref_slice %arg2[%dma_start3A_61, %dma_start3A_62] : memref<10000x128xf32, #tpu.memory_space<hbm>> -> memref<10000x128xf32, #tpu.memory_space<hbm>>
    tpu.enqueue_indirect_dma source(%dma_start3A_63 : memref<10000x128xf32, #tpu.memory_space<hbm>>) target(%dma_start3A_57 : memref<64x128xf32, #tpu.memory_space<vmem>>) offsets(%dma_start3A_60 : memref<64xi32, #tpu.memory_space<vmem>>) semaphore(%arg11 : memref<!tpu.dma_semaphore, #tpu.memory_space<semaphore_mem>>)
    %dma_start3A_64 = arith.constant 1 : i32
    %dma_start3A_65 = arith.constant 1 : i32
    %dma_start3A_66 = arith.constant 0 : i32
    %dma_start3A_67 = arith.constant 0 : i32
    %dma_start3A_68 = tpu.memref_slice %arg9[%dma_start3A_65, %dma_start3A_66, %dma_start3A_67] : memref<4x64x128xf32, #tpu.memory_space<vmem>> -> memref<1x64x128xf32, #tpu.memory_space<vmem>>
    %dma_start3A_69 = tpu.memref_squeeze %dma_start3A_68 : memref<1x64x128xf32, #tpu.memory_space<vmem>> -> memref<64x128xf32, #tpu.memory_space<vmem>>
    %dma_start3A_70 = arith.constant 0 : i32
    %dma_start3A_71 = tpu.memref_slice %arg7[%dma_start3A_64, %dma_start3A_70] : memref<40x64xi32, #tpu.memory_space<vmem>> -> memref<1x64xi32, #tpu.memory_space<vmem>>
    %dma_start3A_72 = tpu.memref_squeeze %dma_start3A_71 : memref<1x64xi32, #tpu.memory_space<vmem>> -> memref<64xi32, #tpu.memory_space<vmem>>
    %dma_start3A_73 = arith.constant 0 : i32
    %dma_start3A_74 = arith.constant 0 : i32
    %dma_start3A_75 = tpu.memref_slice %arg2[%dma_start3A_73, %dma_start3A_74] : memref<10000x128xf32, #tpu.memory_space<hbm>> -> memref<10000x128xf32, #tpu.memory_space<hbm>>
    tpu.enqueue_indirect_dma source(%dma_start3A_75 : memref<10000x128xf32, #tpu.memory_space<hbm>>) target(%dma_start3A_69 : memref<64x128xf32, #tpu.memory_space<vmem>>) offsets(%dma_start3A_72 : memref<64xi32, #tpu.memory_space<vmem>>) semaphore(%arg11 : memref<!tpu.dma_semaphore, #tpu.memory_space<semaphore_mem>>)
    %scan3A_76 = arith.constant 0 : i32
    %scan3A_77 = arith.constant 0 : i32
    %scan3A_78 = arith.constant 40 : i32
    %scan3A_79 = arith.addi %scan3A_77, %scan3A_78 : i32
    %scan3A_80 = arith.constant 1 : i32
    scf.for %scan3A_219 = %scan3A_77 to %scan3A_79 step %scan3A_80  : i32 {
      %rem3A = arith.constant 4 : i32
      %rem3A_220 = arith.remsi %scan3A_219, %rem3A : i32
      %dma_wait3A_221 = arith.constant 0 : i32
      %dma_wait3A_222 = arith.constant 0 : i32
      %dma_wait3A_223 = tpu.memref_slice %arg9[%rem3A_220, %dma_wait3A_221, %dma_wait3A_222] : memref<4x64x128xf32, #tpu.memory_space<vmem>> -> memref<1x64x128xf32, #tpu.memory_space<vmem>>
      %dma_wait3A_224 = tpu.memref_squeeze %dma_wait3A_223 : memref<1x64x128xf32, #tpu.memory_space<vmem>> -> memref<64x128xf32, #tpu.memory_space<vmem>>
      %dma_wait3A_225 = arith.constant 0 : i32
      %dma_wait3A_226 = tpu.memref_slice %arg7[%scan3A_219, %dma_wait3A_225] : memref<40x64xi32, #tpu.memory_space<vmem>> -> memref<1x64xi32, #tpu.memory_space<vmem>>
      %dma_wait3A_227 = tpu.memref_squeeze %dma_wait3A_226 : memref<1x64xi32, #tpu.memory_space<vmem>> -> memref<64xi32, #tpu.memory_space<vmem>>
      %dma_wait3A_228 = arith.constant 0 : i32
      %dma_wait3A_229 = arith.constant 0 : i32
      %dma_wait3A_230 = tpu.memref_slice %arg2[%dma_wait3A_228, %dma_wait3A_229] : memref<10000x128xf32, #tpu.memory_space<hbm>> -> memref<10000x128xf32, #tpu.memory_space<hbm>>
      tpu.wait_indirect_dma semaphore(%arg11 : memref<!tpu.dma_semaphore, #tpu.memory_space<semaphore_mem>>) src(%dma_wait3A_230 : memref<10000x128xf32, #tpu.memory_space<hbm>>) dst(%dma_wait3A_224 : memref<64x128xf32, #tpu.memory_space<vmem>>)
      %gt3A = arith.constant 1 : i32
      %gt3A_231 = arith.cmpi sgt, %scan3A_219, %gt3A : i32
      %convert_element_type3A = arith.extui %gt3A_231 : i1 to i32
      %cond3A = arith.constant 0 : i32
      %cond3A_232 = arith.cmpi ne, %convert_element_type3A, %cond3A : i32
      scf.if %cond3A_232 {
        %sub3A = arith.constant 2 : i32
        %sub3A_248 = arith.subi %scan3A_219, %sub3A : i32
        %rem3A_249 = arith.constant 4 : i32
        %rem3A_250 = arith.remsi %sub3A_248, %rem3A_249 : i32
        %sub3A_251 = arith.constant 2 : i32
        %sub3A_252 = arith.subi %scan3A_219, %sub3A_251 : i32
        %dma_wait3A_253 = arith.constant 0 : i32
        %dma_wait3A_254 = arith.constant 0 : i32
        %dma_wait3A_255 = tpu.memref_slice %arg9[%rem3A_250, %dma_wait3A_253, %dma_wait3A_254] : memref<4x64x128xf32, #tpu.memory_space<vmem>> -> memref<1x64x128xf32, #tpu.memory_space<vmem>>
        %dma_wait3A_256 = tpu.memref_squeeze %dma_wait3A_255 : memref<1x64x128xf32, #tpu.memory_space<vmem>> -> memref<64x128xf32, #tpu.memory_space<vmem>>
        %dma_wait3A_257 = arith.constant 0 : i32
        %dma_wait3A_258 = tpu.memref_slice %arg8[%sub3A_252, %dma_wait3A_257] : memref<40x64xi32, #tpu.memory_space<vmem>> -> memref<1x64xi32, #tpu.memory_space<vmem>>
        %dma_wait3A_259 = tpu.memref_squeeze %dma_wait3A_258 : memref<1x64xi32, #tpu.memory_space<vmem>> -> memref<64xi32, #tpu.memory_space<vmem>>
        %dma_wait3A_260 = arith.constant 0 : i32
        %dma_wait3A_261 = arith.constant 0 : i32
        %dma_wait3A_262 = tpu.memref_slice %arg10[%dma_wait3A_260, %dma_wait3A_261] : memref<10112x128xf32, #tpu.memory_space<vmem_shared>> -> memref<10112x128xf32, #tpu.memory_space<vmem_shared>>
        tpu.wait_indirect_dma semaphore(%arg12 : memref<!tpu.dma_semaphore, #tpu.memory_space<semaphore_mem>>) src(%dma_wait3A_256 : memref<64x128xf32, #tpu.memory_space<vmem>>) dst(%dma_wait3A_262 : memref<10112x128xf32, #tpu.memory_space<vmem_shared>>)
      } else {
      }
      %add3A = arith.constant 2 : i32
      %add3A_233 = arith.addi %scan3A_219, %add3A : i32
      %lt3A = arith.constant 40 : i32
      %lt3A_234 = arith.cmpi slt, %add3A_233, %lt3A : i32
      %convert_element_type3A_235 = arith.extui %lt3A_234 : i1 to i32
      %cond3A_236 = arith.constant 0 : i32
      %cond3A_237 = arith.cmpi ne, %convert_element_type3A_235, %cond3A_236 : i32
      scf.if %cond3A_237 {
        %add3A_248 = arith.constant 2 : i32
        %add3A_249 = arith.addi %scan3A_219, %add3A_248 : i32
        %add3A_250 = arith.constant 2 : i32
        %add3A_251 = arith.addi %scan3A_219, %add3A_250 : i32
        %rem3A_252 = arith.constant 4 : i32
        %rem3A_253 = arith.remsi %add3A_251, %rem3A_252 : i32
        %dma_start3A_254 = arith.constant 0 : i32
        %dma_start3A_255 = arith.constant 0 : i32
        %dma_start3A_256 = tpu.memref_slice %arg9[%rem3A_253, %dma_start3A_254, %dma_start3A_255] : memref<4x64x128xf32, #tpu.memory_space<vmem>> -> memref<1x64x128xf32, #tpu.memory_space<vmem>>
        %dma_start3A_257 = tpu.memref_squeeze %dma_start3A_256 : memref<1x64x128xf32, #tpu.memory_space<vmem>> -> memref<64x128xf32, #tpu.memory_space<vmem>>
        %dma_start3A_258 = arith.constant 0 : i32
        %dma_start3A_259 = tpu.memref_slice %arg7[%add3A_249, %dma_start3A_258] : memref<40x64xi32, #tpu.memory_space<vmem>> -> memref<1x64xi32, #tpu.memory_space<vmem>>
        %dma_start3A_260 = tpu.memref_squeeze %dma_start3A_259 : memref<1x64xi32, #tpu.memory_space<vmem>> -> memref<64xi32, #tpu.memory_space<vmem>>
        %dma_start3A_261 = arith.constant 0 : i32
        %dma_start3A_262 = arith.constant 0 : i32
        %dma_start3A_263 = tpu.memref_slice %arg2[%dma_start3A_261, %dma_start3A_262] : memref<10000x128xf32, #tpu.memory_space<hbm>> -> memref<10000x128xf32, #tpu.memory_space<hbm>>
        tpu.enqueue_indirect_dma source(%dma_start3A_263 : memref<10000x128xf32, #tpu.memory_space<hbm>>) target(%dma_start3A_257 : memref<64x128xf32, #tpu.memory_space<vmem>>) offsets(%dma_start3A_260 : memref<64xi32, #tpu.memory_space<vmem>>) semaphore(%arg11 : memref<!tpu.dma_semaphore, #tpu.memory_space<semaphore_mem>>)
      } else {
      }
      %dma_start3A_238 = arith.constant 0 : i32
      %dma_start3A_239 = arith.constant 0 : i32
      %dma_start3A_240 = tpu.memref_slice %arg9[%rem3A_220, %dma_start3A_238, %dma_start3A_239] : memref<4x64x128xf32, #tpu.memory_space<vmem>> -> memref<1x64x128xf32, #tpu.memory_space<vmem>>
      %dma_start3A_241 = tpu.memref_squeeze %dma_start3A_240 : memref<1x64x128xf32, #tpu.memory_space<vmem>> -> memref<64x128xf32, #tpu.memory_space<vmem>>
      %dma_start3A_242 = arith.constant 0 : i32
      %dma_start3A_243 = tpu.memref_slice %arg8[%scan3A_219, %dma_start3A_242] : memref<40x64xi32, #tpu.memory_space<vmem>> -> memref<1x64xi32, #tpu.memory_space<vmem>>
      %dma_start3A_244 = tpu.memref_squeeze %dma_start3A_243 : memref<1x64xi32, #tpu.memory_space<vmem>> -> memref<64xi32, #tpu.memory_space<vmem>>
      %dma_start3A_245 = arith.constant 0 : i32
      %dma_start3A_246 = arith.constant 0 : i32
      %dma_start3A_247 = tpu.memref_slice %arg10[%dma_start3A_245, %dma_start3A_246] : memref<10112x128xf32, #tpu.memory_space<vmem_shared>> -> memref<10112x128xf32, #tpu.memory_space<vmem_shared>>
      tpu.enqueue_indirect_dma source(%dma_start3A_241 : memref<64x128xf32, #tpu.memory_space<vmem>>) target(%dma_start3A_247 : memref<10112x128xf32, #tpu.memory_space<vmem_shared>>) offsets(%dma_start3A_244 : memref<64xi32, #tpu.memory_space<vmem>>) semaphore(%arg12 : memref<!tpu.dma_semaphore, #tpu.memory_space<semaphore_mem>>) {add = true}
    }
    %scan3A_81 = arith.constant 40 : i32
    %dma_wait3A_82 = arith.constant 2 : i32
    %dma_wait3A_83 = arith.constant 38 : i32
    %dma_wait3A_84 = arith.constant 0 : i32
    %dma_wait3A_85 = arith.constant 0 : i32
    %dma_wait3A_86 = tpu.memref_slice %arg9[%dma_wait3A_82, %dma_wait3A_84, %dma_wait3A_85] : memref<4x64x128xf32, #tpu.memory_space<vmem>> -> memref<1x64x128xf32, #tpu.memory_space<vmem>>
    %dma_wait3A_87 = tpu.memref_squeeze %dma_wait3A_86 : memref<1x64x128xf32, #tpu.memory_space<vmem>> -> memref<64x128xf32, #tpu.memory_space<vmem>>
    %dma_wait3A_88 = arith.constant 0 : i32
    %dma_wait3A_89 = tpu.memref_slice %arg8[%dma_wait3A_83, %dma_wait3A_88] : memref<40x64xi32, #tpu.memory_space<vmem>> -> memref<1x64xi32, #tpu.memory_space<vmem>>
    %dma_wait3A_90 = tpu.memref_squeeze %dma_wait3A_89 : memref<1x64xi32, #tpu.memory_space<vmem>> -> memref<64xi32, #tpu.memory_space<vmem>>
    %dma_wait3A_91 = arith.constant 0 : i32
    %dma_wait3A_92 = arith.constant 0 : i32
    %dma_wait3A_93 = tpu.memref_slice %arg10[%dma_wait3A_91, %dma_wait3A_92] : memref<10112x128xf32, #tpu.memory_space<vmem_shared>> -> memref<10112x128xf32, #tpu.memory_space<vmem_shared>>
    tpu.wait_indirect_dma semaphore(%arg12 : memref<!tpu.dma_semaphore, #tpu.memory_space<semaphore_mem>>) src(%dma_wait3A_87 : memref<64x128xf32, #tpu.memory_space<vmem>>) dst(%dma_wait3A_93 : memref<10112x128xf32, #tpu.memory_space<vmem_shared>>)
    %dma_wait3A_94 = arith.constant 3 : i32
    %dma_wait3A_95 = arith.constant 39 : i32
    %dma_wait3A_96 = arith.constant 0 : i32
    %dma_wait3A_97 = arith.constant 0 : i32
    %dma_wait3A_98 = tpu.memref_slice %arg9[%dma_wait3A_94, %dma_wait3A_96, %dma_wait3A_97] : memref<4x64x128xf32, #tpu.memory_space<vmem>> -> memref<1x64x128xf32, #tpu.memory_space<vmem>>
    %dma_wait3A_99 = tpu.memref_squeeze %dma_wait3A_98 : memref<1x64x128xf32, #tpu.memory_space<vmem>> -> memref<64x128xf32, #tpu.memory_space<vmem>>
    %dma_wait3A_100 = arith.constant 0 : i32
    %dma_wait3A_101 = tpu.memref_slice %arg8[%dma_wait3A_95, %dma_wait3A_100] : memref<40x64xi32, #tpu.memory_space<vmem>> -> memref<1x64xi32, #tpu.memory_space<vmem>>
    %dma_wait3A_102 = tpu.memref_squeeze %dma_wait3A_101 : memref<1x64xi32, #tpu.memory_space<vmem>> -> memref<64xi32, #tpu.memory_space<vmem>>
    %dma_wait3A_103 = arith.constant 0 : i32
    %dma_wait3A_104 = arith.constant 0 : i32
    %dma_wait3A_105 = tpu.memref_slice %arg10[%dma_wait3A_103, %dma_wait3A_104] : memref<10112x128xf32, #tpu.memory_space<vmem_shared>> -> memref<10112x128xf32, #tpu.memory_space<vmem_shared>>
    tpu.wait_indirect_dma semaphore(%arg12 : memref<!tpu.dma_semaphore, #tpu.memory_space<semaphore_mem>>) src(%dma_wait3A_99 : memref<64x128xf32, #tpu.memory_space<vmem>>) dst(%dma_wait3A_105 : memref<10112x128xf32, #tpu.memory_space<vmem_shared>>)
    "tpu.region"() ({
      %run_scoped3A = tpu.sem_alloc : memref<!tpu.dma_semaphore, #tpu.memory_space<semaphore_mem>>
      %dma_start3A_219 = arith.constant 0 : i32
      %dma_start3A_220 = arith.constant 0 : i32
      %dma_start3A_221 = tpu.memref_slice %arg7[%dma_start3A_219, %dma_start3A_220] : memref<40x64xi32, #tpu.memory_space<vmem>> -> memref<40x64xi32, #tpu.memory_space<vmem>>
      %dma_start3A_222 = arith.constant 80 : i32
      %dma_start3A_223 = arith.constant 0 : i32
      %dma_start3A_224 = tpu.memref_slice %arg3[%arg0, %arg1, %dma_start3A_222, %dma_start3A_223] : memref<2x16x158x64xi32, #tpu.memory_space<hbm>> -> memref<1x1x40x64xi32, #tpu.memory_space<hbm>>
      %dma_start3A_225 = tpu.memref_squeeze %dma_start3A_224 : memref<1x1x40x64xi32, #tpu.memory_space<hbm>> -> memref<40x64xi32, #tpu.memory_space<hbm>>
      %dma_start3A_226 = arith.constant 0 : i32
      %dma_start3A_227 = arith.constant 0 : i32
      %dma_start3A_228 = tpu.memref_slice %arg7[%dma_start3A_226, %dma_start3A_227] : memref<40x64xi32, #tpu.memory_space<vmem>> -> memref<40x64xi32, #tpu.memory_space<vmem>>
      %dma_start3A_229 = arith.constant 80 : i32
      %dma_start3A_230 = arith.constant 0 : i32
      %dma_start3A_231 = tpu.memref_slice %arg3[%arg0, %arg1, %dma_start3A_229, %dma_start3A_230] : memref<2x16x158x64xi32, #tpu.memory_space<hbm>> -> memref<1x1x40x64xi32, #tpu.memory_space<hbm>>
      %dma_start3A_232 = tpu.memref_squeeze %dma_start3A_231 : memref<1x1x40x64xi32, #tpu.memory_space<hbm>> -> memref<40x64xi32, #tpu.memory_space<hbm>>
      tpu.enqueue_dma source(%dma_start3A_232 : memref<40x64xi32, #tpu.memory_space<hbm>>) target(%dma_start3A_228 : memref<40x64xi32, #tpu.memory_space<vmem>>) target_semaphore(%run_scoped3A : memref<!tpu.dma_semaphore, #tpu.memory_space<semaphore_mem>>)
      %dma_wait3A_233 = arith.constant 0 : i32
      %dma_wait3A_234 = arith.constant 0 : i32
      %dma_wait3A_235 = tpu.memref_slice %arg7[%dma_wait3A_233, %dma_wait3A_234] : memref<40x64xi32, #tpu.memory_space<vmem>> -> memref<40x64xi32, #tpu.memory_space<vmem>>
      %dma_wait3A_236 = arith.constant 80 : i32
      %dma_wait3A_237 = arith.constant 0 : i32
      %dma_wait3A_238 = tpu.memref_slice %arg3[%arg0, %arg1, %dma_wait3A_236, %dma_wait3A_237] : memref<2x16x158x64xi32, #tpu.memory_space<hbm>> -> memref<1x1x40x64xi32, #tpu.memory_space<hbm>>
      %dma_wait3A_239 = tpu.memref_squeeze %dma_wait3A_238 : memref<1x1x40x64xi32, #tpu.memory_space<hbm>> -> memref<40x64xi32, #tpu.memory_space<hbm>>
      %dma_wait3A_240 = arith.constant 0 : i32
      %dma_wait3A_241 = arith.constant 0 : i32
      %dma_wait3A_242 = tpu.memref_slice %arg7[%dma_wait3A_240, %dma_wait3A_241] : memref<40x64xi32, #tpu.memory_space<vmem>> -> memref<40x64xi32, #tpu.memory_space<vmem>>
      %dma_wait3A_243 = arith.constant 80 : i32
      %dma_wait3A_244 = arith.constant 0 : i32
      %dma_wait3A_245 = tpu.memref_slice %arg3[%arg0, %arg1, %dma_wait3A_243, %dma_wait3A_244] : memref<2x16x158x64xi32, #tpu.memory_space<hbm>> -> memref<1x1x40x64xi32, #tpu.memory_space<hbm>>
      %dma_wait3A_246 = tpu.memref_squeeze %dma_wait3A_245 : memref<1x1x40x64xi32, #tpu.memory_space<hbm>> -> memref<40x64xi32, #tpu.memory_space<hbm>>
      tpu.wait_dma2 semaphore(%run_scoped3A : memref<!tpu.dma_semaphore, #tpu.memory_space<semaphore_mem>>) src(%dma_wait3A_246 : memref<40x64xi32, #tpu.memory_space<hbm>>) dst(%dma_wait3A_242 : memref<40x64xi32, #tpu.memory_space<vmem>>)
      tpu.yield
    }) : () -> ()
    "tpu.region"() ({
      %run_scoped3A = tpu.sem_alloc : memref<!tpu.dma_semaphore, #tpu.memory_space<semaphore_mem>>
      %dma_start3A_219 = arith.constant 0 : i32
      %dma_start3A_220 = arith.constant 0 : i32
      %dma_start3A_221 = tpu.memref_slice %arg8[%dma_start3A_219, %dma_start3A_220] : memref<40x64xi32, #tpu.memory_space<vmem>> -> memref<40x64xi32, #tpu.memory_space<vmem>>
      %dma_start3A_222 = arith.constant 80 : i32
      %dma_start3A_223 = arith.constant 0 : i32
      %dma_start3A_224 = tpu.memref_slice %arg4[%arg0, %arg1, %dma_start3A_222, %dma_start3A_223] : memref<2x16x158x64xi32, #tpu.memory_space<hbm>> -> memref<1x1x40x64xi32, #tpu.memory_space<hbm>>
      %dma_start3A_225 = tpu.memref_squeeze %dma_start3A_224 : memref<1x1x40x64xi32, #tpu.memory_space<hbm>> -> memref<40x64xi32, #tpu.memory_space<hbm>>
      %dma_start3A_226 = arith.constant 0 : i32
      %dma_start3A_227 = arith.constant 0 : i32
      %dma_start3A_228 = tpu.memref_slice %arg8[%dma_start3A_226, %dma_start3A_227] : memref<40x64xi32, #tpu.memory_space<vmem>> -> memref<40x64xi32, #tpu.memory_space<vmem>>
      %dma_start3A_229 = arith.constant 80 : i32
      %dma_start3A_230 = arith.constant 0 : i32
      %dma_start3A_231 = tpu.memref_slice %arg4[%arg0, %arg1, %dma_start3A_229, %dma_start3A_230] : memref<2x16x158x64xi32, #tpu.memory_space<hbm>> -> memref<1x1x40x64xi32, #tpu.memory_space<hbm>>
      %dma_start3A_232 = tpu.memref_squeeze %dma_start3A_231 : memref<1x1x40x64xi32, #tpu.memory_space<hbm>> -> memref<40x64xi32, #tpu.memory_space<hbm>>
      tpu.enqueue_dma source(%dma_start3A_232 : memref<40x64xi32, #tpu.memory_space<hbm>>) target(%dma_start3A_228 : memref<40x64xi32, #tpu.memory_space<vmem>>) target_semaphore(%run_scoped3A : memref<!tpu.dma_semaphore, #tpu.memory_space<semaphore_mem>>)
      %dma_wait3A_233 = arith.constant 0 : i32
      %dma_wait3A_234 = arith.constant 0 : i32
      %dma_wait3A_235 = tpu.memref_slice %arg8[%dma_wait3A_233, %dma_wait3A_234] : memref<40x64xi32, #tpu.memory_space<vmem>> -> memref<40x64xi32, #tpu.memory_space<vmem>>
      %dma_wait3A_236 = arith.constant 80 : i32
      %dma_wait3A_237 = arith.constant 0 : i32
      %dma_wait3A_238 = tpu.memref_slice %arg4[%arg0, %arg1, %dma_wait3A_236, %dma_wait3A_237] : memref<2x16x158x64xi32, #tpu.memory_space<hbm>> -> memref<1x1x40x64xi32, #tpu.memory_space<hbm>>
      %dma_wait3A_239 = tpu.memref_squeeze %dma_wait3A_238 : memref<1x1x40x64xi32, #tpu.memory_space<hbm>> -> memref<40x64xi32, #tpu.memory_space<hbm>>
      %dma_wait3A_240 = arith.constant 0 : i32
      %dma_wait3A_241 = arith.constant 0 : i32
      %dma_wait3A_242 = tpu.memref_slice %arg8[%dma_wait3A_240, %dma_wait3A_241] : memref<40x64xi32, #tpu.memory_space<vmem>> -> memref<40x64xi32, #tpu.memory_space<vmem>>
      %dma_wait3A_243 = arith.constant 80 : i32
      %dma_wait3A_244 = arith.constant 0 : i32
      %dma_wait3A_245 = tpu.memref_slice %arg4[%arg0, %arg1, %dma_wait3A_243, %dma_wait3A_244] : memref<2x16x158x64xi32, #tpu.memory_space<hbm>> -> memref<1x1x40x64xi32, #tpu.memory_space<hbm>>
      %dma_wait3A_246 = tpu.memref_squeeze %dma_wait3A_245 : memref<1x1x40x64xi32, #tpu.memory_space<hbm>> -> memref<40x64xi32, #tpu.memory_space<hbm>>
      tpu.wait_dma2 semaphore(%run_scoped3A : memref<!tpu.dma_semaphore, #tpu.memory_space<semaphore_mem>>) src(%dma_wait3A_246 : memref<40x64xi32, #tpu.memory_space<hbm>>) dst(%dma_wait3A_242 : memref<40x64xi32, #tpu.memory_space<vmem>>)
      tpu.yield
    }) : () -> ()
    %dma_start3A_106 = arith.constant 0 : i32
    %dma_start3A_107 = arith.constant 0 : i32
    %dma_start3A_108 = arith.constant 0 : i32
    %dma_start3A_109 = arith.constant 0 : i32
    %dma_start3A_110 = tpu.memref_slice %arg9[%dma_start3A_107, %dma_start3A_108, %dma_start3A_109] : memref<4x64x128xf32, #tpu.memory_space<vmem>> -> memref<1x64x128xf32, #tpu.memory_space<vmem>>
    %dma_start3A_111 = tpu.memref_squeeze %dma_start3A_110 : memref<1x64x128xf32, #tpu.memory_space<vmem>> -> memref<64x128xf32, #tpu.memory_space<vmem>>
    %dma_start3A_112 = arith.constant 0 : i32
    %dma_start3A_113 = tpu.memref_slice %arg7[%dma_start3A_106, %dma_start3A_112] : memref<40x64xi32, #tpu.memory_space<vmem>> -> memref<1x64xi32, #tpu.memory_space<vmem>>
    %dma_start3A_114 = tpu.memref_squeeze %dma_start3A_113 : memref<1x64xi32, #tpu.memory_space<vmem>> -> memref<64xi32, #tpu.memory_space<vmem>>
    %dma_start3A_115 = arith.constant 0 : i32
    %dma_start3A_116 = arith.constant 0 : i32
    %dma_start3A_117 = tpu.memref_slice %arg2[%dma_start3A_115, %dma_start3A_116] : memref<10000x128xf32, #tpu.memory_space<hbm>> -> memref<10000x128xf32, #tpu.memory_space<hbm>>
    tpu.enqueue_indirect_dma source(%dma_start3A_117 : memref<10000x128xf32, #tpu.memory_space<hbm>>) target(%dma_start3A_111 : memref<64x128xf32, #tpu.memory_space<vmem>>) offsets(%dma_start3A_114 : memref<64xi32, #tpu.memory_space<vmem>>) semaphore(%arg11 : memref<!tpu.dma_semaphore, #tpu.memory_space<semaphore_mem>>)
    %dma_start3A_118 = arith.constant 1 : i32
    %dma_start3A_119 = arith.constant 1 : i32
    %dma_start3A_120 = arith.constant 0 : i32
    %dma_start3A_121 = arith.constant 0 : i32
    %dma_start3A_122 = tpu.memref_slice %arg9[%dma_start3A_119, %dma_start3A_120, %dma_start3A_121] : memref<4x64x128xf32, #tpu.memory_space<vmem>> -> memref<1x64x128xf32, #tpu.memory_space<vmem>>
    %dma_start3A_123 = tpu.memref_squeeze %dma_start3A_122 : memref<1x64x128xf32, #tpu.memory_space<vmem>> -> memref<64x128xf32, #tpu.memory_space<vmem>>
    %dma_start3A_124 = arith.constant 0 : i32
    %dma_start3A_125 = tpu.memref_slice %arg7[%dma_start3A_118, %dma_start3A_124] : memref<40x64xi32, #tpu.memory_space<vmem>> -> memref<1x64xi32, #tpu.memory_space<vmem>>
    %dma_start3A_126 = tpu.memref_squeeze %dma_start3A_125 : memref<1x64xi32, #tpu.memory_space<vmem>> -> memref<64xi32, #tpu.memory_space<vmem>>
    %dma_start3A_127 = arith.constant 0 : i32
    %dma_start3A_128 = arith.constant 0 : i32
    %dma_start3A_129 = tpu.memref_slice %arg2[%dma_start3A_127, %dma_start3A_128] : memref<10000x128xf32, #tpu.memory_space<hbm>> -> memref<10000x128xf32, #tpu.memory_space<hbm>>
    tpu.enqueue_indirect_dma source(%dma_start3A_129 : memref<10000x128xf32, #tpu.memory_space<hbm>>) target(%dma_start3A_123 : memref<64x128xf32, #tpu.memory_space<vmem>>) offsets(%dma_start3A_126 : memref<64xi32, #tpu.memory_space<vmem>>) semaphore(%arg11 : memref<!tpu.dma_semaphore, #tpu.memory_space<semaphore_mem>>)
    %scan3A_130 = arith.constant 0 : i32
    %scan3A_131 = arith.constant 0 : i32
    %scan3A_132 = arith.constant 40 : i32
    %scan3A_133 = arith.addi %scan3A_131, %scan3A_132 : i32
    %scan3A_134 = arith.constant 1 : i32
    scf.for %scan3A_219 = %scan3A_131 to %scan3A_133 step %scan3A_134  : i32 {
      %rem3A = arith.constant 4 : i32
      %rem3A_220 = arith.remsi %scan3A_219, %rem3A : i32
      %dma_wait3A_221 = arith.constant 0 : i32
      %dma_wait3A_222 = arith.constant 0 : i32
      %dma_wait3A_223 = tpu.memref_slice %arg9[%rem3A_220, %dma_wait3A_221, %dma_wait3A_222] : memref<4x64x128xf32, #tpu.memory_space<vmem>> -> memref<1x64x128xf32, #tpu.memory_space<vmem>>
      %dma_wait3A_224 = tpu.memref_squeeze %dma_wait3A_223 : memref<1x64x128xf32, #tpu.memory_space<vmem>> -> memref<64x128xf32, #tpu.memory_space<vmem>>
      %dma_wait3A_225 = arith.constant 0 : i32
      %dma_wait3A_226 = tpu.memref_slice %arg7[%scan3A_219, %dma_wait3A_225] : memref<40x64xi32, #tpu.memory_space<vmem>> -> memref<1x64xi32, #tpu.memory_space<vmem>>
      %dma_wait3A_227 = tpu.memref_squeeze %dma_wait3A_226 : memref<1x64xi32, #tpu.memory_space<vmem>> -> memref<64xi32, #tpu.memory_space<vmem>>
      %dma_wait3A_228 = arith.constant 0 : i32
      %dma_wait3A_229 = arith.constant 0 : i32
      %dma_wait3A_230 = tpu.memref_slice %arg2[%dma_wait3A_228, %dma_wait3A_229] : memref<10000x128xf32, #tpu.memory_space<hbm>> -> memref<10000x128xf32, #tpu.memory_space<hbm>>
      tpu.wait_indirect_dma semaphore(%arg11 : memref<!tpu.dma_semaphore, #tpu.memory_space<semaphore_mem>>) src(%dma_wait3A_230 : memref<10000x128xf32, #tpu.memory_space<hbm>>) dst(%dma_wait3A_224 : memref<64x128xf32, #tpu.memory_space<vmem>>)
      %gt3A = arith.constant 1 : i32
      %gt3A_231 = arith.cmpi sgt, %scan3A_219, %gt3A : i32
      %convert_element_type3A = arith.extui %gt3A_231 : i1 to i32
      %cond3A = arith.constant 0 : i32
      %cond3A_232 = arith.cmpi ne, %convert_element_type3A, %cond3A : i32
      scf.if %cond3A_232 {
        %sub3A = arith.constant 2 : i32
        %sub3A_248 = arith.subi %scan3A_219, %sub3A : i32
        %rem3A_249 = arith.constant 4 : i32
        %rem3A_250 = arith.remsi %sub3A_248, %rem3A_249 : i32
        %sub3A_251 = arith.constant 2 : i32
        %sub3A_252 = arith.subi %scan3A_219, %sub3A_251 : i32
        %dma_wait3A_253 = arith.constant 0 : i32
        %dma_wait3A_254 = arith.constant 0 : i32
        %dma_wait3A_255 = tpu.memref_slice %arg9[%rem3A_250, %dma_wait3A_253, %dma_wait3A_254] : memref<4x64x128xf32, #tpu.memory_space<vmem>> -> memref<1x64x128xf32, #tpu.memory_space<vmem>>
        %dma_wait3A_256 = tpu.memref_squeeze %dma_wait3A_255 : memref<1x64x128xf32, #tpu.memory_space<vmem>> -> memref<64x128xf32, #tpu.memory_space<vmem>>
        %dma_wait3A_257 = arith.constant 0 : i32
        %dma_wait3A_258 = tpu.memref_slice %arg8[%sub3A_252, %dma_wait3A_257] : memref<40x64xi32, #tpu.memory_space<vmem>> -> memref<1x64xi32, #tpu.memory_space<vmem>>
        %dma_wait3A_259 = tpu.memref_squeeze %dma_wait3A_258 : memref<1x64xi32, #tpu.memory_space<vmem>> -> memref<64xi32, #tpu.memory_space<vmem>>
        %dma_wait3A_260 = arith.constant 0 : i32
        %dma_wait3A_261 = arith.constant 0 : i32
        %dma_wait3A_262 = tpu.memref_slice %arg10[%dma_wait3A_260, %dma_wait3A_261] : memref<10112x128xf32, #tpu.memory_space<vmem_shared>> -> memref<10112x128xf32, #tpu.memory_space<vmem_shared>>
        tpu.wait_indirect_dma semaphore(%arg12 : memref<!tpu.dma_semaphore, #tpu.memory_space<semaphore_mem>>) src(%dma_wait3A_256 : memref<64x128xf32, #tpu.memory_space<vmem>>) dst(%dma_wait3A_262 : memref<10112x128xf32, #tpu.memory_space<vmem_shared>>)
      } else {
      }
      %add3A = arith.constant 2 : i32
      %add3A_233 = arith.addi %scan3A_219, %add3A : i32
      %lt3A = arith.constant 40 : i32
      %lt3A_234 = arith.cmpi slt, %add3A_233, %lt3A : i32
      %convert_element_type3A_235 = arith.extui %lt3A_234 : i1 to i32
      %cond3A_236 = arith.constant 0 : i32
      %cond3A_237 = arith.cmpi ne, %convert_element_type3A_235, %cond3A_236 : i32
      scf.if %cond3A_237 {
        %add3A_248 = arith.constant 2 : i32
        %add3A_249 = arith.addi %scan3A_219, %add3A_248 : i32
        %add3A_250 = arith.constant 2 : i32
        %add3A_251 = arith.addi %scan3A_219, %add3A_250 : i32
        %rem3A_252 = arith.constant 4 : i32
        %rem3A_253 = arith.remsi %add3A_251, %rem3A_252 : i32
        %dma_start3A_254 = arith.constant 0 : i32
        %dma_start3A_255 = arith.constant 0 : i32
        %dma_start3A_256 = tpu.memref_slice %arg9[%rem3A_253, %dma_start3A_254, %dma_start3A_255] : memref<4x64x128xf32, #tpu.memory_space<vmem>> -> memref<1x64x128xf32, #tpu.memory_space<vmem>>
        %dma_start3A_257 = tpu.memref_squeeze %dma_start3A_256 : memref<1x64x128xf32, #tpu.memory_space<vmem>> -> memref<64x128xf32, #tpu.memory_space<vmem>>
        %dma_start3A_258 = arith.constant 0 : i32
        %dma_start3A_259 = tpu.memref_slice %arg7[%add3A_249, %dma_start3A_258] : memref<40x64xi32, #tpu.memory_space<vmem>> -> memref<1x64xi32, #tpu.memory_space<vmem>>
        %dma_start3A_260 = tpu.memref_squeeze %dma_start3A_259 : memref<1x64xi32, #tpu.memory_space<vmem>> -> memref<64xi32, #tpu.memory_space<vmem>>
        %dma_start3A_261 = arith.constant 0 : i32
        %dma_start3A_262 = arith.constant 0 : i32
        %dma_start3A_263 = tpu.memref_slice %arg2[%dma_start3A_261, %dma_start3A_262] : memref<10000x128xf32, #tpu.memory_space<hbm>> -> memref<10000x128xf32, #tpu.memory_space<hbm>>
        tpu.enqueue_indirect_dma source(%dma_start3A_263 : memref<10000x128xf32, #tpu.memory_space<hbm>>) target(%dma_start3A_257 : memref<64x128xf32, #tpu.memory_space<vmem>>) offsets(%dma_start3A_260 : memref<64xi32, #tpu.memory_space<vmem>>) semaphore(%arg11 : memref<!tpu.dma_semaphore, #tpu.memory_space<semaphore_mem>>)
      } else {
      }
      %dma_start3A_238 = arith.constant 0 : i32
      %dma_start3A_239 = arith.constant 0 : i32
      %dma_start3A_240 = tpu.memref_slice %arg9[%rem3A_220, %dma_start3A_238, %dma_start3A_239] : memref<4x64x128xf32, #tpu.memory_space<vmem>> -> memref<1x64x128xf32, #tpu.memory_space<vmem>>
      %dma_start3A_241 = tpu.memref_squeeze %dma_start3A_240 : memref<1x64x128xf32, #tpu.memory_space<vmem>> -> memref<64x128xf32, #tpu.memory_space<vmem>>
      %dma_start3A_242 = arith.constant 0 : i32
      %dma_start3A_243 = tpu.memref_slice %arg8[%scan3A_219, %dma_start3A_242] : memref<40x64xi32, #tpu.memory_space<vmem>> -> memref<1x64xi32, #tpu.memory_space<vmem>>
      %dma_start3A_244 = tpu.memref_squeeze %dma_start3A_243 : memref<1x64xi32, #tpu.memory_space<vmem>> -> memref<64xi32, #tpu.memory_space<vmem>>
      %dma_start3A_245 = arith.constant 0 : i32
      %dma_start3A_246 = arith.constant 0 : i32
      %dma_start3A_247 = tpu.memref_slice %arg10[%dma_start3A_245, %dma_start3A_246] : memref<10112x128xf32, #tpu.memory_space<vmem_shared>> -> memref<10112x128xf32, #tpu.memory_space<vmem_shared>>
      tpu.enqueue_indirect_dma source(%dma_start3A_241 : memref<64x128xf32, #tpu.memory_space<vmem>>) target(%dma_start3A_247 : memref<10112x128xf32, #tpu.memory_space<vmem_shared>>) offsets(%dma_start3A_244 : memref<64xi32, #tpu.memory_space<vmem>>) semaphore(%arg12 : memref<!tpu.dma_semaphore, #tpu.memory_space<semaphore_mem>>) {add = true}
    }
    %scan3A_135 = arith.constant 40 : i32
    %dma_wait3A_136 = arith.constant 2 : i32
    %dma_wait3A_137 = arith.constant 38 : i32
    %dma_wait3A_138 = arith.constant 0 : i32
    %dma_wait3A_139 = arith.constant 0 : i32
    %dma_wait3A_140 = tpu.memref_slice %arg9[%dma_wait3A_136, %dma_wait3A_138, %dma_wait3A_139] : memref<4x64x128xf32, #tpu.memory_space<vmem>> -> memref<1x64x128xf32, #tpu.memory_space<vmem>>
    %dma_wait3A_141 = tpu.memref_squeeze %dma_wait3A_140 : memref<1x64x128xf32, #tpu.memory_space<vmem>> -> memref<64x128xf32, #tpu.memory_space<vmem>>
    %dma_wait3A_142 = arith.constant 0 : i32
    %dma_wait3A_143 = tpu.memref_slice %arg8[%dma_wait3A_137, %dma_wait3A_142] : memref<40x64xi32, #tpu.memory_space<vmem>> -> memref<1x64xi32, #tpu.memory_space<vmem>>
    %dma_wait3A_144 = tpu.memref_squeeze %dma_wait3A_143 : memref<1x64xi32, #tpu.memory_space<vmem>> -> memref<64xi32, #tpu.memory_space<vmem>>
    %dma_wait3A_145 = arith.constant 0 : i32
    %dma_wait3A_146 = arith.constant 0 : i32
    %dma_wait3A_147 = tpu.memref_slice %arg10[%dma_wait3A_145, %dma_wait3A_146] : memref<10112x128xf32, #tpu.memory_space<vmem_shared>> -> memref<10112x128xf32, #tpu.memory_space<vmem_shared>>
    tpu.wait_indirect_dma semaphore(%arg12 : memref<!tpu.dma_semaphore, #tpu.memory_space<semaphore_mem>>) src(%dma_wait3A_141 : memref<64x128xf32, #tpu.memory_space<vmem>>) dst(%dma_wait3A_147 : memref<10112x128xf32, #tpu.memory_space<vmem_shared>>)
    %dma_wait3A_148 = arith.constant 3 : i32
    %dma_wait3A_149 = arith.constant 39 : i32
    %dma_wait3A_150 = arith.constant 0 : i32
    %dma_wait3A_151 = arith.constant 0 : i32
    %dma_wait3A_152 = tpu.memref_slice %arg9[%dma_wait3A_148, %dma_wait3A_150, %dma_wait3A_151] : memref<4x64x128xf32, #tpu.memory_space<vmem>> -> memref<1x64x128xf32, #tpu.memory_space<vmem>>
    %dma_wait3A_153 = tpu.memref_squeeze %dma_wait3A_152 : memref<1x64x128xf32, #tpu.memory_space<vmem>> -> memref<64x128xf32, #tpu.memory_space<vmem>>
    %dma_wait3A_154 = arith.constant 0 : i32
    %dma_wait3A_155 = tpu.memref_slice %arg8[%dma_wait3A_149, %dma_wait3A_154] : memref<40x64xi32, #tpu.memory_space<vmem>> -> memref<1x64xi32, #tpu.memory_space<vmem>>
    %dma_wait3A_156 = tpu.memref_squeeze %dma_wait3A_155 : memref<1x64xi32, #tpu.memory_space<vmem>> -> memref<64xi32, #tpu.memory_space<vmem>>
    %dma_wait3A_157 = arith.constant 0 : i32
    %dma_wait3A_158 = arith.constant 0 : i32
    %dma_wait3A_159 = tpu.memref_slice %arg10[%dma_wait3A_157, %dma_wait3A_158] : memref<10112x128xf32, #tpu.memory_space<vmem_shared>> -> memref<10112x128xf32, #tpu.memory_space<vmem_shared>>
    tpu.wait_indirect_dma semaphore(%arg12 : memref<!tpu.dma_semaphore, #tpu.memory_space<semaphore_mem>>) src(%dma_wait3A_153 : memref<64x128xf32, #tpu.memory_space<vmem>>) dst(%dma_wait3A_159 : memref<10112x128xf32, #tpu.memory_space<vmem_shared>>)
    "tpu.region"() ({
      %run_scoped3A = tpu.sem_alloc : memref<!tpu.dma_semaphore, #tpu.memory_space<semaphore_mem>>
      %dma_start3A_219 = arith.constant 0 : i32
      %dma_start3A_220 = arith.constant 0 : i32
      %dma_start3A_221 = tpu.memref_slice %arg7[%dma_start3A_219, %dma_start3A_220] : memref<40x64xi32, #tpu.memory_space<vmem>> -> memref<38x64xi32, #tpu.memory_space<vmem>>
      %dma_start3A_222 = arith.constant 120 : i32
      %dma_start3A_223 = arith.constant 0 : i32
      %dma_start3A_224 = tpu.memref_slice %arg3[%arg0, %arg1, %dma_start3A_222, %dma_start3A_223] : memref<2x16x158x64xi32, #tpu.memory_space<hbm>> -> memref<1x1x38x64xi32, #tpu.memory_space<hbm>>
      %dma_start3A_225 = tpu.memref_squeeze %dma_start3A_224 : memref<1x1x38x64xi32, #tpu.memory_space<hbm>> -> memref<38x64xi32, #tpu.memory_space<hbm>>
      %dma_start3A_226 = arith.constant 0 : i32
      %dma_start3A_227 = arith.constant 0 : i32
      %dma_start3A_228 = tpu.memref_slice %arg7[%dma_start3A_226, %dma_start3A_227] : memref<40x64xi32, #tpu.memory_space<vmem>> -> memref<38x64xi32, #tpu.memory_space<vmem>>
      %dma_start3A_229 = arith.constant 120 : i32
      %dma_start3A_230 = arith.constant 0 : i32
      %dma_start3A_231 = tpu.memref_slice %arg3[%arg0, %arg1, %dma_start3A_229, %dma_start3A_230] : memref<2x16x158x64xi32, #tpu.memory_space<hbm>> -> memref<1x1x38x64xi32, #tpu.memory_space<hbm>>
      %dma_start3A_232 = tpu.memref_squeeze %dma_start3A_231 : memref<1x1x38x64xi32, #tpu.memory_space<hbm>> -> memref<38x64xi32, #tpu.memory_space<hbm>>
      tpu.enqueue_dma source(%dma_start3A_232 : memref<38x64xi32, #tpu.memory_space<hbm>>) target(%dma_start3A_228 : memref<38x64xi32, #tpu.memory_space<vmem>>) target_semaphore(%run_scoped3A : memref<!tpu.dma_semaphore, #tpu.memory_space<semaphore_mem>>)
      %dma_wait3A_233 = arith.constant 0 : i32
      %dma_wait3A_234 = arith.constant 0 : i32
      %dma_wait3A_235 = tpu.memref_slice %arg7[%dma_wait3A_233, %dma_wait3A_234] : memref<40x64xi32, #tpu.memory_space<vmem>> -> memref<38x64xi32, #tpu.memory_space<vmem>>
      %dma_wait3A_236 = arith.constant 120 : i32
      %dma_wait3A_237 = arith.constant 0 : i32
      %dma_wait3A_238 = tpu.memref_slice %arg3[%arg0, %arg1, %dma_wait3A_236, %dma_wait3A_237] : memref<2x16x158x64xi32, #tpu.memory_space<hbm>> -> memref<1x1x38x64xi32, #tpu.memory_space<hbm>>
      %dma_wait3A_239 = tpu.memref_squeeze %dma_wait3A_238 : memref<1x1x38x64xi32, #tpu.memory_space<hbm>> -> memref<38x64xi32, #tpu.memory_space<hbm>>
      %dma_wait3A_240 = arith.constant 0 : i32
      %dma_wait3A_241 = arith.constant 0 : i32
      %dma_wait3A_242 = tpu.memref_slice %arg7[%dma_wait3A_240, %dma_wait3A_241] : memref<40x64xi32, #tpu.memory_space<vmem>> -> memref<38x64xi32, #tpu.memory_space<vmem>>
      %dma_wait3A_243 = arith.constant 120 : i32
      %dma_wait3A_244 = arith.constant 0 : i32
      %dma_wait3A_245 = tpu.memref_slice %arg3[%arg0, %arg1, %dma_wait3A_243, %dma_wait3A_244] : memref<2x16x158x64xi32, #tpu.memory_space<hbm>> -> memref<1x1x38x64xi32, #tpu.memory_space<hbm>>
      %dma_wait3A_246 = tpu.memref_squeeze %dma_wait3A_245 : memref<1x1x38x64xi32, #tpu.memory_space<hbm>> -> memref<38x64xi32, #tpu.memory_space<hbm>>
      tpu.wait_dma2 semaphore(%run_scoped3A : memref<!tpu.dma_semaphore, #tpu.memory_space<semaphore_mem>>) src(%dma_wait3A_246 : memref<38x64xi32, #tpu.memory_space<hbm>>) dst(%dma_wait3A_242 : memref<38x64xi32, #tpu.memory_space<vmem>>)
      tpu.yield
    }) : () -> ()
    "tpu.region"() ({
      %run_scoped3A = tpu.sem_alloc : memref<!tpu.dma_semaphore, #tpu.memory_space<semaphore_mem>>
      %dma_start3A_219 = arith.constant 0 : i32
      %dma_start3A_220 = arith.constant 0 : i32
      %dma_start3A_221 = tpu.memref_slice %arg8[%dma_start3A_219, %dma_start3A_220] : memref<40x64xi32, #tpu.memory_space<vmem>> -> memref<38x64xi32, #tpu.memory_space<vmem>>
      %dma_start3A_222 = arith.constant 120 : i32
      %dma_start3A_223 = arith.constant 0 : i32
      %dma_start3A_224 = tpu.memref_slice %arg4[%arg0, %arg1, %dma_start3A_222, %dma_start3A_223] : memref<2x16x158x64xi32, #tpu.memory_space<hbm>> -> memref<1x1x38x64xi32, #tpu.memory_space<hbm>>
      %dma_start3A_225 = tpu.memref_squeeze %dma_start3A_224 : memref<1x1x38x64xi32, #tpu.memory_space<hbm>> -> memref<38x64xi32, #tpu.memory_space<hbm>>
      %dma_start3A_226 = arith.constant 0 : i32
      %dma_start3A_227 = arith.constant 0 : i32
      %dma_start3A_228 = tpu.memref_slice %arg8[%dma_start3A_226, %dma_start3A_227] : memref<40x64xi32, #tpu.memory_space<vmem>> -> memref<38x64xi32, #tpu.memory_space<vmem>>
      %dma_start3A_229 = arith.constant 120 : i32
      %dma_start3A_230 = arith.constant 0 : i32
      %dma_start3A_231 = tpu.memref_slice %arg4[%arg0, %arg1, %dma_start3A_229, %dma_start3A_230] : memref<2x16x158x64xi32, #tpu.memory_space<hbm>> -> memref<1x1x38x64xi32, #tpu.memory_space<hbm>>
      %dma_start3A_232 = tpu.memref_squeeze %dma_start3A_231 : memref<1x1x38x64xi32, #tpu.memory_space<hbm>> -> memref<38x64xi32, #tpu.memory_space<hbm>>
      tpu.enqueue_dma source(%dma_start3A_232 : memref<38x64xi32, #tpu.memory_space<hbm>>) target(%dma_start3A_228 : memref<38x64xi32, #tpu.memory_space<vmem>>) target_semaphore(%run_scoped3A : memref<!tpu.dma_semaphore, #tpu.memory_space<semaphore_mem>>)
      %dma_wait3A_233 = arith.constant 0 : i32
      %dma_wait3A_234 = arith.constant 0 : i32
      %dma_wait3A_235 = tpu.memref_slice %arg8[%dma_wait3A_233, %dma_wait3A_234] : memref<40x64xi32, #tpu.memory_space<vmem>> -> memref<38x64xi32, #tpu.memory_space<vmem>>
      %dma_wait3A_236 = arith.constant 120 : i32
      %dma_wait3A_237 = arith.constant 0 : i32
      %dma_wait3A_238 = tpu.memref_slice %arg4[%arg0, %arg1, %dma_wait3A_236, %dma_wait3A_237] : memref<2x16x158x64xi32, #tpu.memory_space<hbm>> -> memref<1x1x38x64xi32, #tpu.memory_space<hbm>>
      %dma_wait3A_239 = tpu.memref_squeeze %dma_wait3A_238 : memref<1x1x38x64xi32, #tpu.memory_space<hbm>> -> memref<38x64xi32, #tpu.memory_space<hbm>>
      %dma_wait3A_240 = arith.constant 0 : i32
      %dma_wait3A_241 = arith.constant 0 : i32
      %dma_wait3A_242 = tpu.memref_slice %arg8[%dma_wait3A_240, %dma_wait3A_241] : memref<40x64xi32, #tpu.memory_space<vmem>> -> memref<38x64xi32, #tpu.memory_space<vmem>>
      %dma_wait3A_243 = arith.constant 120 : i32
      %dma_wait3A_244 = arith.constant 0 : i32
      %dma_wait3A_245 = tpu.memref_slice %arg4[%arg0, %arg1, %dma_wait3A_243, %dma_wait3A_244] : memref<2x16x158x64xi32, #tpu.memory_space<hbm>> -> memref<1x1x38x64xi32, #tpu.memory_space<hbm>>
      %dma_wait3A_246 = tpu.memref_squeeze %dma_wait3A_245 : memref<1x1x38x64xi32, #tpu.memory_space<hbm>> -> memref<38x64xi32, #tpu.memory_space<hbm>>
      tpu.wait_dma2 semaphore(%run_scoped3A : memref<!tpu.dma_semaphore, #tpu.memory_space<semaphore_mem>>) src(%dma_wait3A_246 : memref<38x64xi32, #tpu.memory_space<hbm>>) dst(%dma_wait3A_242 : memref<38x64xi32, #tpu.memory_space<vmem>>)
      tpu.yield
    }) : () -> ()
    %dma_start3A_160 = arith.constant 0 : i32
    %dma_start3A_161 = arith.constant 0 : i32
    %dma_start3A_162 = arith.constant 0 : i32
    %dma_start3A_163 = arith.constant 0 : i32
    %dma_start3A_164 = tpu.memref_slice %arg9[%dma_start3A_161, %dma_start3A_162, %dma_start3A_163] : memref<4x64x128xf32, #tpu.memory_space<vmem>> -> memref<1x64x128xf32, #tpu.memory_space<vmem>>
    %dma_start3A_165 = tpu.memref_squeeze %dma_start3A_164 : memref<1x64x128xf32, #tpu.memory_space<vmem>> -> memref<64x128xf32, #tpu.memory_space<vmem>>
    %dma_start3A_166 = arith.constant 0 : i32
    %dma_start3A_167 = tpu.memref_slice %arg7[%dma_start3A_160, %dma_start3A_166] : memref<40x64xi32, #tpu.memory_space<vmem>> -> memref<1x64xi32, #tpu.memory_space<vmem>>
    %dma_start3A_168 = tpu.memref_squeeze %dma_start3A_167 : memref<1x64xi32, #tpu.memory_space<vmem>> -> memref<64xi32, #tpu.memory_space<vmem>>
    %dma_start3A_169 = arith.constant 0 : i32
    %dma_start3A_170 = arith.constant 0 : i32
    %dma_start3A_171 = tpu.memref_slice %arg2[%dma_start3A_169, %dma_start3A_170] : memref<10000x128xf32, #tpu.memory_space<hbm>> -> memref<10000x128xf32, #tpu.memory_space<hbm>>
    tpu.enqueue_indirect_dma source(%dma_start3A_171 : memref<10000x128xf32, #tpu.memory_space<hbm>>) target(%dma_start3A_165 : memref<64x128xf32, #tpu.memory_space<vmem>>) offsets(%dma_start3A_168 : memref<64xi32, #tpu.memory_space<vmem>>) semaphore(%arg11 : memref<!tpu.dma_semaphore, #tpu.memory_space<semaphore_mem>>)
    %dma_start3A_172 = arith.constant 1 : i32
    %dma_start3A_173 = arith.constant 1 : i32
    %dma_start3A_174 = arith.constant 0 : i32
    %dma_start3A_175 = arith.constant 0 : i32
    %dma_start3A_176 = tpu.memref_slice %arg9[%dma_start3A_173, %dma_start3A_174, %dma_start3A_175] : memref<4x64x128xf32, #tpu.memory_space<vmem>> -> memref<1x64x128xf32, #tpu.memory_space<vmem>>
    %dma_start3A_177 = tpu.memref_squeeze %dma_start3A_176 : memref<1x64x128xf32, #tpu.memory_space<vmem>> -> memref<64x128xf32, #tpu.memory_space<vmem>>
    %dma_start3A_178 = arith.constant 0 : i32
    %dma_start3A_179 = tpu.memref_slice %arg7[%dma_start3A_172, %dma_start3A_178] : memref<40x64xi32, #tpu.memory_space<vmem>> -> memref<1x64xi32, #tpu.memory_space<vmem>>
    %dma_start3A_180 = tpu.memref_squeeze %dma_start3A_179 : memref<1x64xi32, #tpu.memory_space<vmem>> -> memref<64xi32, #tpu.memory_space<vmem>>
    %dma_start3A_181 = arith.constant 0 : i32
    %dma_start3A_182 = arith.constant 0 : i32
    %dma_start3A_183 = tpu.memref_slice %arg2[%dma_start3A_181, %dma_start3A_182] : memref<10000x128xf32, #tpu.memory_space<hbm>> -> memref<10000x128xf32, #tpu.memory_space<hbm>>
    tpu.enqueue_indirect_dma source(%dma_start3A_183 : memref<10000x128xf32, #tpu.memory_space<hbm>>) target(%dma_start3A_177 : memref<64x128xf32, #tpu.memory_space<vmem>>) offsets(%dma_start3A_180 : memref<64xi32, #tpu.memory_space<vmem>>) semaphore(%arg11 : memref<!tpu.dma_semaphore, #tpu.memory_space<semaphore_mem>>)
    %scan3A_184 = arith.constant 0 : i32
    %scan3A_185 = arith.constant 0 : i32
    %scan3A_186 = arith.constant 38 : i32
    %scan3A_187 = arith.addi %scan3A_185, %scan3A_186 : i32
    %scan3A_188 = arith.constant 1 : i32
    scf.for %scan3A_219 = %scan3A_185 to %scan3A_187 step %scan3A_188  : i32 {
      %rem3A = arith.constant 4 : i32
      %rem3A_220 = arith.remsi %scan3A_219, %rem3A : i32
      %dma_wait3A_221 = arith.constant 0 : i32
      %dma_wait3A_222 = arith.constant 0 : i32
      %dma_wait3A_223 = tpu.memref_slice %arg9[%rem3A_220, %dma_wait3A_221, %dma_wait3A_222] : memref<4x64x128xf32, #tpu.memory_space<vmem>> -> memref<1x64x128xf32, #tpu.memory_space<vmem>>
      %dma_wait3A_224 = tpu.memref_squeeze %dma_wait3A_223 : memref<1x64x128xf32, #tpu.memory_space<vmem>> -> memref<64x128xf32, #tpu.memory_space<vmem>>
      %dma_wait3A_225 = arith.constant 0 : i32
      %dma_wait3A_226 = tpu.memref_slice %arg7[%scan3A_219, %dma_wait3A_225] : memref<40x64xi32, #tpu.memory_space<vmem>> -> memref<1x64xi32, #tpu.memory_space<vmem>>
      %dma_wait3A_227 = tpu.memref_squeeze %dma_wait3A_226 : memref<1x64xi32, #tpu.memory_space<vmem>> -> memref<64xi32, #tpu.memory_space<vmem>>
      %dma_wait3A_228 = arith.constant 0 : i32
      %dma_wait3A_229 = arith.constant 0 : i32
      %dma_wait3A_230 = tpu.memref_slice %arg2[%dma_wait3A_228, %dma_wait3A_229] : memref<10000x128xf32, #tpu.memory_space<hbm>> -> memref<10000x128xf32, #tpu.memory_space<hbm>>
      tpu.wait_indirect_dma semaphore(%arg11 : memref<!tpu.dma_semaphore, #tpu.memory_space<semaphore_mem>>) src(%dma_wait3A_230 : memref<10000x128xf32, #tpu.memory_space<hbm>>) dst(%dma_wait3A_224 : memref<64x128xf32, #tpu.memory_space<vmem>>)
      %gt3A = arith.constant 1 : i32
      %gt3A_231 = arith.cmpi sgt, %scan3A_219, %gt3A : i32
      %convert_element_type3A = arith.extui %gt3A_231 : i1 to i32
      %cond3A = arith.constant 0 : i32
      %cond3A_232 = arith.cmpi ne, %convert_element_type3A, %cond3A : i32
      scf.if %cond3A_232 {
        %sub3A = arith.constant 2 : i32
        %sub3A_248 = arith.subi %scan3A_219, %sub3A : i32
        %rem3A_249 = arith.constant 4 : i32
        %rem3A_250 = arith.remsi %sub3A_248, %rem3A_249 : i32
        %sub3A_251 = arith.constant 2 : i32
        %sub3A_252 = arith.subi %scan3A_219, %sub3A_251 : i32
        %dma_wait3A_253 = arith.constant 0 : i32
        %dma_wait3A_254 = arith.constant 0 : i32
        %dma_wait3A_255 = tpu.memref_slice %arg9[%rem3A_250, %dma_wait3A_253, %dma_wait3A_254] : memref<4x64x128xf32, #tpu.memory_space<vmem>> -> memref<1x64x128xf32, #tpu.memory_space<vmem>>
        %dma_wait3A_256 = tpu.memref_squeeze %dma_wait3A_255 : memref<1x64x128xf32, #tpu.memory_space<vmem>> -> memref<64x128xf32, #tpu.memory_space<vmem>>
        %dma_wait3A_257 = arith.constant 0 : i32
        %dma_wait3A_258 = tpu.memref_slice %arg8[%sub3A_252, %dma_wait3A_257] : memref<40x64xi32, #tpu.memory_space<vmem>> -> memref<1x64xi32, #tpu.memory_space<vmem>>
        %dma_wait3A_259 = tpu.memref_squeeze %dma_wait3A_258 : memref<1x64xi32, #tpu.memory_space<vmem>> -> memref<64xi32, #tpu.memory_space<vmem>>
        %dma_wait3A_260 = arith.constant 0 : i32
        %dma_wait3A_261 = arith.constant 0 : i32
        %dma_wait3A_262 = tpu.memref_slice %arg10[%dma_wait3A_260, %dma_wait3A_261] : memref<10112x128xf32, #tpu.memory_space<vmem_shared>> -> memref<10112x128xf32, #tpu.memory_space<vmem_shared>>
        tpu.wait_indirect_dma semaphore(%arg12 : memref<!tpu.dma_semaphore, #tpu.memory_space<semaphore_mem>>) src(%dma_wait3A_256 : memref<64x128xf32, #tpu.memory_space<vmem>>) dst(%dma_wait3A_262 : memref<10112x128xf32, #tpu.memory_space<vmem_shared>>)
      } else {
      }
      %add3A = arith.constant 2 : i32
      %add3A_233 = arith.addi %scan3A_219, %add3A : i32
      %lt3A = arith.constant 38 : i32
      %lt3A_234 = arith.cmpi slt, %add3A_233, %lt3A : i32
      %convert_element_type3A_235 = arith.extui %lt3A_234 : i1 to i32
      %cond3A_236 = arith.constant 0 : i32
      %cond3A_237 = arith.cmpi ne, %convert_element_type3A_235, %cond3A_236 : i32
      scf.if %cond3A_237 {
        %add3A_248 = arith.constant 2 : i32
        %add3A_249 = arith.addi %scan3A_219, %add3A_248 : i32
        %add3A_250 = arith.constant 2 : i32
        %add3A_251 = arith.addi %scan3A_219, %add3A_250 : i32
        %rem3A_252 = arith.constant 4 : i32
        %rem3A_253 = arith.remsi %add3A_251, %rem3A_252 : i32
        %dma_start3A_254 = arith.constant 0 : i32
        %dma_start3A_255 = arith.constant 0 : i32
        %dma_start3A_256 = tpu.memref_slice %arg9[%rem3A_253, %dma_start3A_254, %dma_start3A_255] : memref<4x64x128xf32, #tpu.memory_space<vmem>> -> memref<1x64x128xf32, #tpu.memory_space<vmem>>
        %dma_start3A_257 = tpu.memref_squeeze %dma_start3A_256 : memref<1x64x128xf32, #tpu.memory_space<vmem>> -> memref<64x128xf32, #tpu.memory_space<vmem>>
        %dma_start3A_258 = arith.constant 0 : i32
        %dma_start3A_259 = tpu.memref_slice %arg7[%add3A_249, %dma_start3A_258] : memref<40x64xi32, #tpu.memory_space<vmem>> -> memref<1x64xi32, #tpu.memory_space<vmem>>
        %dma_start3A_260 = tpu.memref_squeeze %dma_start3A_259 : memref<1x64xi32, #tpu.memory_space<vmem>> -> memref<64xi32, #tpu.memory_space<vmem>>
        %dma_start3A_261 = arith.constant 0 : i32
        %dma_start3A_262 = arith.constant 0 : i32
        %dma_start3A_263 = tpu.memref_slice %arg2[%dma_start3A_261, %dma_start3A_262] : memref<10000x128xf32, #tpu.memory_space<hbm>> -> memref<10000x128xf32, #tpu.memory_space<hbm>>
        tpu.enqueue_indirect_dma source(%dma_start3A_263 : memref<10000x128xf32, #tpu.memory_space<hbm>>) target(%dma_start3A_257 : memref<64x128xf32, #tpu.memory_space<vmem>>) offsets(%dma_start3A_260 : memref<64xi32, #tpu.memory_space<vmem>>) semaphore(%arg11 : memref<!tpu.dma_semaphore, #tpu.memory_space<semaphore_mem>>)
      } else {
      }
      %dma_start3A_238 = arith.constant 0 : i32
      %dma_start3A_239 = arith.constant 0 : i32
      %dma_start3A_240 = tpu.memref_slice %arg9[%rem3A_220, %dma_start3A_238, %dma_start3A_239] : memref<4x64x128xf32, #tpu.memory_space<vmem>> -> memref<1x64x128xf32, #tpu.memory_space<vmem>>
      %dma_start3A_241 = tpu.memref_squeeze %dma_start3A_240 : memref<1x64x128xf32, #tpu.memory_space<vmem>> -> memref<64x128xf32, #tpu.memory_space<vmem>>
      %dma_start3A_242 = arith.constant 0 : i32
      %dma_start3A_243 = tpu.memref_slice %arg8[%scan3A_219, %dma_start3A_242] : memref<40x64xi32, #tpu.memory_space<vmem>> -> memref<1x64xi32, #tpu.memory_space<vmem>>
      %dma_start3A_244 = tpu.memref_squeeze %dma_start3A_243 : memref<1x64xi32, #tpu.memory_space<vmem>> -> memref<64xi32, #tpu.memory_space<vmem>>
      %dma_start3A_245 = arith.constant 0 : i32
      %dma_start3A_246 = arith.constant 0 : i32
      %dma_start3A_247 = tpu.memref_slice %arg10[%dma_start3A_245, %dma_start3A_246] : memref<10112x128xf32, #tpu.memory_space<vmem_shared>> -> memref<10112x128xf32, #tpu.memory_space<vmem_shared>>
      tpu.enqueue_indirect_dma source(%dma_start3A_241 : memref<64x128xf32, #tpu.memory_space<vmem>>) target(%dma_start3A_247 : memref<10112x128xf32, #tpu.memory_space<vmem_shared>>) offsets(%dma_start3A_244 : memref<64xi32, #tpu.memory_space<vmem>>) semaphore(%arg12 : memref<!tpu.dma_semaphore, #tpu.memory_space<semaphore_mem>>) {add = true}
    }
    %scan3A_189 = arith.constant 38 : i32
    %dma_wait3A_190 = arith.constant 0 : i32
    %dma_wait3A_191 = arith.constant 36 : i32
    %dma_wait3A_192 = arith.constant 0 : i32
    %dma_wait3A_193 = arith.constant 0 : i32
    %dma_wait3A_194 = tpu.memref_slice %arg9[%dma_wait3A_190, %dma_wait3A_192, %dma_wait3A_193] : memref<4x64x128xf32, #tpu.memory_space<vmem>> -> memref<1x64x128xf32, #tpu.memory_space<vmem>>
    %dma_wait3A_195 = tpu.memref_squeeze %dma_wait3A_194 : memref<1x64x128xf32, #tpu.memory_space<vmem>> -> memref<64x128xf32, #tpu.memory_space<vmem>>
    %dma_wait3A_196 = arith.constant 0 : i32
    %dma_wait3A_197 = tpu.memref_slice %arg8[%dma_wait3A_191, %dma_wait3A_196] : memref<40x64xi32, #tpu.memory_space<vmem>> -> memref<1x64xi32, #tpu.memory_space<vmem>>
    %dma_wait3A_198 = tpu.memref_squeeze %dma_wait3A_197 : memref<1x64xi32, #tpu.memory_space<vmem>> -> memref<64xi32, #tpu.memory_space<vmem>>
    %dma_wait3A_199 = arith.constant 0 : i32
    %dma_wait3A_200 = arith.constant 0 : i32
    %dma_wait3A_201 = tpu.memref_slice %arg10[%dma_wait3A_199, %dma_wait3A_200] : memref<10112x128xf32, #tpu.memory_space<vmem_shared>> -> memref<10112x128xf32, #tpu.memory_space<vmem_shared>>
    tpu.wait_indirect_dma semaphore(%arg12 : memref<!tpu.dma_semaphore, #tpu.memory_space<semaphore_mem>>) src(%dma_wait3A_195 : memref<64x128xf32, #tpu.memory_space<vmem>>) dst(%dma_wait3A_201 : memref<10112x128xf32, #tpu.memory_space<vmem_shared>>)
    %dma_wait3A_202 = arith.constant 1 : i32
    %dma_wait3A_203 = arith.constant 37 : i32
    %dma_wait3A_204 = arith.constant 0 : i32
    %dma_wait3A_205 = arith.constant 0 : i32
    %dma_wait3A_206 = tpu.memref_slice %arg9[%dma_wait3A_202, %dma_wait3A_204, %dma_wait3A_205] : memref<4x64x128xf32, #tpu.memory_space<vmem>> -> memref<1x64x128xf32, #tpu.memory_space<vmem>>
    %dma_wait3A_207 = tpu.memref_squeeze %dma_wait3A_206 : memref<1x64x128xf32, #tpu.memory_space<vmem>> -> memref<64x128xf32, #tpu.memory_space<vmem>>
    %dma_wait3A_208 = arith.constant 0 : i32
    %dma_wait3A_209 = tpu.memref_slice %arg8[%dma_wait3A_203, %dma_wait3A_208] : memref<40x64xi32, #tpu.memory_space<vmem>> -> memref<1x64xi32, #tpu.memory_space<vmem>>
    %dma_wait3A_210 = tpu.memref_squeeze %dma_wait3A_209 : memref<1x64xi32, #tpu.memory_space<vmem>> -> memref<64xi32, #tpu.memory_space<vmem>>
    %dma_wait3A_211 = arith.constant 0 : i32
    %dma_wait3A_212 = arith.constant 0 : i32
    %dma_wait3A_213 = tpu.memref_slice %arg10[%dma_wait3A_211, %dma_wait3A_212] : memref<10112x128xf32, #tpu.memory_space<vmem_shared>> -> memref<10112x128xf32, #tpu.memory_space<vmem_shared>>
    tpu.wait_indirect_dma semaphore(%arg12 : memref<!tpu.dma_semaphore, #tpu.memory_space<semaphore_mem>>) src(%dma_wait3A_207 : memref<64x128xf32, #tpu.memory_space<vmem>>) dst(%dma_wait3A_213 : memref<10112x128xf32, #tpu.memory_space<vmem_shared>>)
    %barrier3A_214 = arith.constant 0 : index
    tpu.barrier barrier_id(%barrier3A_214)
    %mul3A_215 = arith.constant 632 : i32
    %mul3A_216 = arith.muli %arg1, %mul3A_215 : i32
    %mul3A_217 = arith.constant 632 : i32
    %mul3A_218 = arith.muli %arg1, %mul3A_217 : i32
    "tpu.region"() ({
      %run_scoped3A = tpu.sem_alloc : memref<!tpu.dma_semaphore, #tpu.memory_space<semaphore_mem>>
      %dma_start3A_219 = arith.constant 0 : i32
      %dma_start3A_220 = tpu.memref_slice %arg6[%arg0, %mul3A_218, %dma_start3A_219] : memref<2x10112x128xf32, #tpu.memory_space<hbm>> -> memref<1x632x128xf32, #tpu.memory_space<hbm>>
      %dma_start3A_221 = tpu.memref_squeeze %dma_start3A_220 : memref<1x632x128xf32, #tpu.memory_space<hbm>> -> memref<632x128xf32, #tpu.memory_space<hbm>>
      %dma_start3A_222 = arith.constant 0 : i32
      %dma_start3A_223 = tpu.memref_slice %arg10[%mul3A_216, %dma_start3A_222] : memref<10112x128xf32, #tpu.memory_space<vmem_shared>> -> memref<632x128xf32, #tpu.memory_space<vmem_shared>>
      tpu.enqueue_dma source(%dma_start3A_223 : memref<632x128xf32, #tpu.memory_space<vmem_shared>>) target(%dma_start3A_221 : memref<632x128xf32, #tpu.memory_space<hbm>>) target_semaphore(%run_scoped3A : memref<!tpu.dma_semaphore, #tpu.memory_space<semaphore_mem>>)
      %dma_wait3A_224 = arith.constant 0 : i32
      %dma_wait3A_225 = tpu.memref_slice %arg6[%arg0, %mul3A_218, %dma_wait3A_224] : memref<2x10112x128xf32, #tpu.memory_space<hbm>> -> memref<1x632x128xf32, #tpu.memory_space<hbm>>
      %dma_wait3A_226 = tpu.memref_squeeze %dma_wait3A_225 : memref<1x632x128xf32, #tpu.memory_space<hbm>> -> memref<632x128xf32, #tpu.memory_space<hbm>>
      %dma_wait3A_227 = arith.constant 0 : i32
      %dma_wait3A_228 = tpu.memref_slice %arg10[%mul3A_216, %dma_wait3A_227] : memref<10112x128xf32, #tpu.memory_space<vmem_shared>> -> memref<632x128xf32, #tpu.memory_space<vmem_shared>>
      tpu.wait_dma2 semaphore(%run_scoped3A : memref<!tpu.dma_semaphore, #tpu.memory_space<semaphore_mem>>) src(%dma_wait3A_228 : memref<632x128xf32, #tpu.memory_space<vmem_shared>>) dst(%dma_wait3A_226 : memref<632x128xf32, #tpu.memory_space<hbm>>)
      tpu.yield
    }) : () -> ()
    return
  }
}

#map = affine_map<(d0, d1) -> (0, 0)>
#map1 = affine_map<(d0, d1) -> (0, 0, 0, 0)>
#map2 = affine_map<(d0, d1) -> (0, 0, 0)>
module attributes {stable_mosaic.version = 14 : i64} {
  func.func @agg_kernel(%arg0: i32, %arg1: i32, %arg2: memref<10000x128xf32, #tpu.memory_space<hbm>>, %arg3: memref<2x16x158x64xi32, #tpu.memory_space<hbm>>, %arg4: memref<2x16x158x64xi32, #tpu.memory_space<hbm>>, %arg5: memref<632x128xf32, #tpu.memory_space<hbm>>, %arg6: memref<2x10112x128xf32, #tpu.memory_space<hbm>>, %arg7: memref<40x64xi32, #tpu.memory_space<vmem>>, %arg8: memref<40x64xi32, #tpu.memory_space<vmem>>, %arg9: memref<4x64x128xf32, #tpu.memory_space<vmem>>, %arg10: memref<10112x128xf32, #tpu.memory_space<vmem_shared>>, %arg11: memref<!tpu.dma_semaphore, #tpu.memory_space<semaphore_mem>>, %arg12: memref<!tpu.dma_semaphore, #tpu.memory_space<semaphore_mem>>) attributes {dimension_semantics = [#tpu.dimension_semantics<core_parallel>, #tpu.dimension_semantics<subcore_parallel>], iteration_bounds = array<i64: 2, 16>, scalar_prefetch = 0 : i64, scratch_operands = 6 : i64, tpu.core_type = #tpu.core_type<sc_vector_subcore>, window_params = [{transform_indices = #map}, {transform_indices = #map1}, {transform_indices = #map1}, {transform_indices = #map}, {transform_indices = #map2}]} {
    %mul3A = arith.constant 632 : i32
    %mul3A_0 = arith.muli %arg1, %mul3A : i32
    "tpu.region"() ({
      %run_scoped3A = tpu.sem_alloc : memref<!tpu.dma_semaphore, #tpu.memory_space<semaphore_mem>>
      %dma_start3A_219 = arith.constant 0 : i32
      %dma_start3A_220 = tpu.memref_slice %arg10[%mul3A_0, %dma_start3A_219] : memref<10112x128xf32, #tpu.memory_space<vmem_shared>> -> memref<632x128xf32, #tpu.memory_space<vmem_shared>>
      tpu.enqueue_dma source(%arg5 : memref<632x128xf32, #tpu.memory_space<hbm>>) target(%dma_start3A_220 : memref<632x128xf32, #tpu.memory_space<vmem_shared>>) target_semaphore(%run_scoped3A : memref<!tpu.dma_semaphore, #tpu.memory_space<semaphore_mem>>)
      %dma_wait3A_221 = arith.constant 0 : i32
      %dma_wait3A_222 = tpu.memref_slice %arg10[%mul3A_0, %dma_wait3A_221] : memref<10112x128xf32, #tpu.memory_space<vmem_shared>> -> memref<632x128xf32, #tpu.memory_space<vmem_shared>>
      tpu.wait_dma2 semaphore(%run_scoped3A : memref<!tpu.dma_semaphore, #tpu.memory_space<semaphore_mem>>) src(%arg5 : memref<632x128xf32, #tpu.memory_space<hbm>>) dst(%dma_wait3A_222 : memref<632x128xf32, #tpu.memory_space<vmem_shared>>)
      tpu.yield
    }) : () -> ()
    %barrier3A = arith.constant 0 : index
    tpu.barrier barrier_id(%barrier3A)
    "tpu.region"() ({
      %run_scoped3A = tpu.sem_alloc : memref<!tpu.dma_semaphore, #tpu.memory_space<semaphore_mem>>
      %dma_start3A_219 = arith.constant 0 : i32
      %dma_start3A_220 = arith.constant 0 : i32
      %dma_start3A_221 = tpu.memref_slice %arg7[%dma_start3A_219, %dma_start3A_220] : memref<40x64xi32, #tpu.memory_space<vmem>> -> memref<40x64xi32, #tpu.memory_space<vmem>>
      %dma_start3A_222 = arith.constant 0 : i32
      %dma_start3A_223 = arith.constant 0 : i32
      %dma_start3A_224 = tpu.memref_slice %arg3[%arg0, %arg1, %dma_start3A_222, %dma_start3A_223] : memref<2x16x158x64xi32, #tpu.memory_space<hbm>> -> memref<1x1x40x64xi32, #tpu.memory_space<hbm>>
      %dma_start3A_225 = tpu.memref_squeeze %dma_start3A_224 : memref<1x1x40x64xi32, #tpu.memory_space<hbm>> -> memref<40x64xi32, #tpu.memory_space<hbm>>
      %dma_start3A_226 = arith.constant 0 : i32
      %dma_start3A_227 = arith.constant 0 : i32
      %dma_start3A_228 = tpu.memref_slice %arg7[%dma_start3A_226, %dma_start3A_227] : memref<40x64xi32, #tpu.memory_space<vmem>> -> memref<40x64xi32, #tpu.memory_space<vmem>>
      %dma_start3A_229 = arith.constant 0 : i32
      %dma_start3A_230 = arith.constant 0 : i32
      %dma_start3A_231 = tpu.memref_slice %arg3[%arg0, %arg1, %dma_start3A_229, %dma_start3A_230] : memref<2x16x158x64xi32, #tpu.memory_space<hbm>> -> memref<1x1x40x64xi32, #tpu.memory_space<hbm>>
      %dma_start3A_232 = tpu.memref_squeeze %dma_start3A_231 : memref<1x1x40x64xi32, #tpu.memory_space<hbm>> -> memref<40x64xi32, #tpu.memory_space<hbm>>
      tpu.enqueue_dma source(%dma_start3A_232 : memref<40x64xi32, #tpu.memory_space<hbm>>) target(%dma_start3A_228 : memref<40x64xi32, #tpu.memory_space<vmem>>) target_semaphore(%run_scoped3A : memref<!tpu.dma_semaphore, #tpu.memory_space<semaphore_mem>>)
      %dma_wait3A_233 = arith.constant 0 : i32
      %dma_wait3A_234 = arith.constant 0 : i32
      %dma_wait3A_235 = tpu.memref_slice %arg7[%dma_wait3A_233, %dma_wait3A_234] : memref<40x64xi32, #tpu.memory_space<vmem>> -> memref<40x64xi32, #tpu.memory_space<vmem>>
      %dma_wait3A_236 = arith.constant 0 : i32
      %dma_wait3A_237 = arith.constant 0 : i32
      %dma_wait3A_238 = tpu.memref_slice %arg3[%arg0, %arg1, %dma_wait3A_236, %dma_wait3A_237] : memref<2x16x158x64xi32, #tpu.memory_space<hbm>> -> memref<1x1x40x64xi32, #tpu.memory_space<hbm>>
      %dma_wait3A_239 = tpu.memref_squeeze %dma_wait3A_238 : memref<1x1x40x64xi32, #tpu.memory_space<hbm>> -> memref<40x64xi32, #tpu.memory_space<hbm>>
      %dma_wait3A_240 = arith.constant 0 : i32
      %dma_wait3A_241 = arith.constant 0 : i32
      %dma_wait3A_242 = tpu.memref_slice %arg7[%dma_wait3A_240, %dma_wait3A_241] : memref<40x64xi32, #tpu.memory_space<vmem>> -> memref<40x64xi32, #tpu.memory_space<vmem>>
      %dma_wait3A_243 = arith.constant 0 : i32
      %dma_wait3A_244 = arith.constant 0 : i32
      %dma_wait3A_245 = tpu.memref_slice %arg3[%arg0, %arg1, %dma_wait3A_243, %dma_wait3A_244] : memref<2x16x158x64xi32, #tpu.memory_space<hbm>> -> memref<1x1x40x64xi32, #tpu.memory_space<hbm>>
      %dma_wait3A_246 = tpu.memref_squeeze %dma_wait3A_245 : memref<1x1x40x64xi32, #tpu.memory_space<hbm>> -> memref<40x64xi32, #tpu.memory_space<hbm>>
      tpu.wait_dma2 semaphore(%run_scoped3A : memref<!tpu.dma_semaphore, #tpu.memory_space<semaphore_mem>>) src(%dma_wait3A_246 : memref<40x64xi32, #tpu.memory_space<hbm>>) dst(%dma_wait3A_242 : memref<40x64xi32, #tpu.memory_space<vmem>>)
      tpu.yield
    }) : () -> ()
    "tpu.region"() ({
      %run_scoped3A = tpu.sem_alloc : memref<!tpu.dma_semaphore, #tpu.memory_space<semaphore_mem>>
      %dma_start3A_219 = arith.constant 0 : i32
      %dma_start3A_220 = arith.constant 0 : i32
      %dma_start3A_221 = tpu.memref_slice %arg8[%dma_start3A_219, %dma_start3A_220] : memref<40x64xi32, #tpu.memory_space<vmem>> -> memref<40x64xi32, #tpu.memory_space<vmem>>
      %dma_start3A_222 = arith.constant 0 : i32
      %dma_start3A_223 = arith.constant 0 : i32
      %dma_start3A_224 = tpu.memref_slice %arg4[%arg0, %arg1, %dma_start3A_222, %dma_start3A_223] : memref<2x16x158x64xi32, #tpu.memory_space<hbm>> -> memref<1x1x40x64xi32, #tpu.memory_space<hbm>>
      %dma_start3A_225 = tpu.memref_squeeze %dma_start3A_224 : memref<1x1x40x64xi32, #tpu.memory_space<hbm>> -> memref<40x64xi32, #tpu.memory_space<hbm>>
      %dma_start3A_226 = arith.constant 0 : i32
      %dma_start3A_227 = arith.constant 0 : i32
      %dma_start3A_228 = tpu.memref_slice %arg8[%dma_start3A_226, %dma_start3A_227] : memref<40x64xi32, #tpu.memory_space<vmem>> -> memref<40x64xi32, #tpu.memory_space<vmem>>
      %dma_start3A_229 = arith.constant 0 : i32
      %dma_start3A_230 = arith.constant 0 : i32
      %dma_start3A_231 = tpu.memref_slice %arg4[%arg0, %arg1, %dma_start3A_229, %dma_start3A_230] : memref<2x16x158x64xi32, #tpu.memory_space<hbm>> -> memref<1x1x40x64xi32, #tpu.memory_space<hbm>>
      %dma_start3A_232 = tpu.memref_squeeze %dma_start3A_231 : memref<1x1x40x64xi32, #tpu.memory_space<hbm>> -> memref<40x64xi32, #tpu.memory_space<hbm>>
      tpu.enqueue_dma source(%dma_start3A_232 : memref<40x64xi32, #tpu.memory_space<hbm>>) target(%dma_start3A_228 : memref<40x64xi32, #tpu.memory_space<vmem>>) target_semaphore(%run_scoped3A : memref<!tpu.dma_semaphore, #tpu.memory_space<semaphore_mem>>)
      %dma_wait3A_233 = arith.constant 0 : i32
      %dma_wait3A_234 = arith.constant 0 : i32
      %dma_wait3A_235 = tpu.memref_slice %arg8[%dma_wait3A_233, %dma_wait3A_234] : memref<40x64xi32, #tpu.memory_space<vmem>> -> memref<40x64xi32, #tpu.memory_space<vmem>>
      %dma_wait3A_236 = arith.constant 0 : i32
      %dma_wait3A_237 = arith.constant 0 : i32
      %dma_wait3A_238 = tpu.memref_slice %arg4[%arg0, %arg1, %dma_wait3A_236, %dma_wait3A_237] : memref<2x16x158x64xi32, #tpu.memory_space<hbm>> -> memref<1x1x40x64xi32, #tpu.memory_space<hbm>>
      %dma_wait3A_239 = tpu.memref_squeeze %dma_wait3A_238 : memref<1x1x40x64xi32, #tpu.memory_space<hbm>> -> memref<40x64xi32, #tpu.memory_space<hbm>>
      %dma_wait3A_240 = arith.constant 0 : i32
      %dma_wait3A_241 = arith.constant 0 : i32
      %dma_wait3A_242 = tpu.memref_slice %arg8[%dma_wait3A_240, %dma_wait3A_241] : memref<40x64xi32, #tpu.memory_space<vmem>> -> memref<40x64xi32, #tpu.memory_space<vmem>>
      %dma_wait3A_243 = arith.constant 0 : i32
      %dma_wait3A_244 = arith.constant 0 : i32
      %dma_wait3A_245 = tpu.memref_slice %arg4[%arg0, %arg1, %dma_wait3A_243, %dma_wait3A_244] : memref<2x16x158x64xi32, #tpu.memory_space<hbm>> -> memref<1x1x40x64xi32, #tpu.memory_space<hbm>>
      %dma_wait3A_246 = tpu.memref_squeeze %dma_wait3A_245 : memref<1x1x40x64xi32, #tpu.memory_space<hbm>> -> memref<40x64xi32, #tpu.memory_space<hbm>>
      tpu.wait_dma2 semaphore(%run_scoped3A : memref<!tpu.dma_semaphore, #tpu.memory_space<semaphore_mem>>) src(%dma_wait3A_246 : memref<40x64xi32, #tpu.memory_space<hbm>>) dst(%dma_wait3A_242 : memref<40x64xi32, #tpu.memory_space<vmem>>)
      tpu.yield
    }) : () -> ()
    %dma_start3A = arith.constant 0 : i32
    %dma_start3A_1 = arith.constant 0 : i32
    %dma_start3A_2 = arith.constant 0 : i32
    %dma_start3A_3 = arith.constant 0 : i32
    %dma_start3A_4 = tpu.memref_slice %arg9[%dma_start3A_1, %dma_start3A_2, %dma_start3A_3] : memref<4x64x128xf32, #tpu.memory_space<vmem>> -> memref<1x64x128xf32, #tpu.memory_space<vmem>>
    %dma_start3A_5 = tpu.memref_squeeze %dma_start3A_4 : memref<1x64x128xf32, #tpu.memory_space<vmem>> -> memref<64x128xf32, #tpu.memory_space<vmem>>
    %dma_start3A_6 = arith.constant 0 : i32
    %dma_start3A_7 = tpu.memref_slice %arg7[%dma_start3A, %dma_start3A_6] : memref<40x64xi32, #tpu.memory_space<vmem>> -> memref<1x64xi32, #tpu.memory_space<vmem>>
    %dma_start3A_8 = tpu.memref_squeeze %dma_start3A_7 : memref<1x64xi32, #tpu.memory_space<vmem>> -> memref<64xi32, #tpu.memory_space<vmem>>
    %dma_start3A_9 = arith.constant 0 : i32
    %dma_start3A_10 = arith.constant 0 : i32
    %dma_start3A_11 = tpu.memref_slice %arg2[%dma_start3A_9, %dma_start3A_10] : memref<10000x128xf32, #tpu.memory_space<hbm>> -> memref<10000x128xf32, #tpu.memory_space<hbm>>
    tpu.enqueue_indirect_dma source(%dma_start3A_11 : memref<10000x128xf32, #tpu.memory_space<hbm>>) target(%dma_start3A_5 : memref<64x128xf32, #tpu.memory_space<vmem>>) offsets(%dma_start3A_8 : memref<64xi32, #tpu.memory_space<vmem>>) semaphore(%arg11 : memref<!tpu.dma_semaphore, #tpu.memory_space<semaphore_mem>>)
    %dma_start3A_12 = arith.constant 1 : i32
    %dma_start3A_13 = arith.constant 1 : i32
    %dma_start3A_14 = arith.constant 0 : i32
    %dma_start3A_15 = arith.constant 0 : i32
    %dma_start3A_16 = tpu.memref_slice %arg9[%dma_start3A_13, %dma_start3A_14, %dma_start3A_15] : memref<4x64x128xf32, #tpu.memory_space<vmem>> -> memref<1x64x128xf32, #tpu.memory_space<vmem>>
    %dma_start3A_17 = tpu.memref_squeeze %dma_start3A_16 : memref<1x64x128xf32, #tpu.memory_space<vmem>> -> memref<64x128xf32, #tpu.memory_space<vmem>>
    %dma_start3A_18 = arith.constant 0 : i32
    %dma_start3A_19 = tpu.memref_slice %arg7[%dma_start3A_12, %dma_start3A_18] : memref<40x64xi32, #tpu.memory_space<vmem>> -> memref<1x64xi32, #tpu.memory_space<vmem>>
    %dma_start3A_20 = tpu.memref_squeeze %dma_start3A_19 : memref<1x64xi32, #tpu.memory_space<vmem>> -> memref<64xi32, #tpu.memory_space<vmem>>
    %dma_start3A_21 = arith.constant 0 : i32
    %dma_start3A_22 = arith.constant 0 : i32
    %dma_start3A_23 = tpu.memref_slice %arg2[%dma_start3A_21, %dma_start3A_22] : memref<10000x128xf32, #tpu.memory_space<hbm>> -> memref<10000x128xf32, #tpu.memory_space<hbm>>
    tpu.enqueue_indirect_dma source(%dma_start3A_23 : memref<10000x128xf32, #tpu.memory_space<hbm>>) target(%dma_start3A_17 : memref<64x128xf32, #tpu.memory_space<vmem>>) offsets(%dma_start3A_20 : memref<64xi32, #tpu.memory_space<vmem>>) semaphore(%arg11 : memref<!tpu.dma_semaphore, #tpu.memory_space<semaphore_mem>>)
    %scan3A = arith.constant 0 : i32
    %scan3A_24 = arith.constant 0 : i32
    %scan3A_25 = arith.constant 40 : i32
    %scan3A_26 = arith.addi %scan3A_24, %scan3A_25 : i32
    %scan3A_27 = arith.constant 1 : i32
    scf.for %scan3A_219 = %scan3A_24 to %scan3A_26 step %scan3A_27  : i32 {
      %rem3A = arith.constant 4 : i32
      %rem3A_220 = arith.remsi %scan3A_219, %rem3A : i32
      %dma_wait3A_221 = arith.constant 0 : i32
      %dma_wait3A_222 = arith.constant 0 : i32
      %dma_wait3A_223 = tpu.memref_slice %arg9[%rem3A_220, %dma_wait3A_221, %dma_wait3A_222] : memref<4x64x128xf32, #tpu.memory_space<vmem>> -> memref<1x64x128xf32, #tpu.memory_space<vmem>>
      %dma_wait3A_224 = tpu.memref_squeeze %dma_wait3A_223 : memref<1x64x128xf32, #tpu.memory_space<vmem>> -> memref<64x128xf32, #tpu.memory_space<vmem>>
      %dma_wait3A_225 = arith.constant 0 : i32
      %dma_wait3A_226 = tpu.memref_slice %arg7[%scan3A_219, %dma_wait3A_225] : memref<40x64xi32, #tpu.memory_space<vmem>> -> memref<1x64xi32, #tpu.memory_space<vmem>>
      %dma_wait3A_227 = tpu.memref_squeeze %dma_wait3A_226 : memref<1x64xi32, #tpu.memory_space<vmem>> -> memref<64xi32, #tpu.memory_space<vmem>>
      %dma_wait3A_228 = arith.constant 0 : i32
      %dma_wait3A_229 = arith.constant 0 : i32
      %dma_wait3A_230 = tpu.memref_slice %arg2[%dma_wait3A_228, %dma_wait3A_229] : memref<10000x128xf32, #tpu.memory_space<hbm>> -> memref<10000x128xf32, #tpu.memory_space<hbm>>
      tpu.wait_indirect_dma semaphore(%arg11 : memref<!tpu.dma_semaphore, #tpu.memory_space<semaphore_mem>>) src(%dma_wait3A_230 : memref<10000x128xf32, #tpu.memory_space<hbm>>) dst(%dma_wait3A_224 : memref<64x128xf32, #tpu.memory_space<vmem>>)
      %gt3A = arith.constant 1 : i32
      %gt3A_231 = arith.cmpi sgt, %scan3A_219, %gt3A : i32
      %convert_element_type3A = arith.extui %gt3A_231 : i1 to i32
      %cond3A = arith.constant 0 : i32
      %cond3A_232 = arith.cmpi ne, %convert_element_type3A, %cond3A : i32
      scf.if %cond3A_232 {
        %sub3A = arith.constant 2 : i32
        %sub3A_248 = arith.subi %scan3A_219, %sub3A : i32
        %rem3A_249 = arith.constant 4 : i32
        %rem3A_250 = arith.remsi %sub3A_248, %rem3A_249 : i32
        %sub3A_251 = arith.constant 2 : i32
        %sub3A_252 = arith.subi %scan3A_219, %sub3A_251 : i32
        %dma_wait3A_253 = arith.constant 0 : i32
        %dma_wait3A_254 = arith.constant 0 : i32
        %dma_wait3A_255 = tpu.memref_slice %arg9[%rem3A_250, %dma_wait3A_253, %dma_wait3A_254] : memref<4x64x128xf32, #tpu.memory_space<vmem>> -> memref<1x64x128xf32, #tpu.memory_space<vmem>>
        %dma_wait3A_256 = tpu.memref_squeeze %dma_wait3A_255 : memref<1x64x128xf32, #tpu.memory_space<vmem>> -> memref<64x128xf32, #tpu.memory_space<vmem>>
        %dma_wait3A_257 = arith.constant 0 : i32
        %dma_wait3A_258 = tpu.memref_slice %arg8[%sub3A_252, %dma_wait3A_257] : memref<40x64xi32, #tpu.memory_space<vmem>> -> memref<1x64xi32, #tpu.memory_space<vmem>>
        %dma_wait3A_259 = tpu.memref_squeeze %dma_wait3A_258 : memref<1x64xi32, #tpu.memory_space<vmem>> -> memref<64xi32, #tpu.memory_space<vmem>>
        %dma_wait3A_260 = arith.constant 0 : i32
        %dma_wait3A_261 = arith.constant 0 : i32
        %dma_wait3A_262 = tpu.memref_slice %arg10[%dma_wait3A_260, %dma_wait3A_261] : memref<10112x128xf32, #tpu.memory_space<vmem_shared>> -> memref<10112x128xf32, #tpu.memory_space<vmem_shared>>
        tpu.wait_indirect_dma semaphore(%arg12 : memref<!tpu.dma_semaphore, #tpu.memory_space<semaphore_mem>>) src(%dma_wait3A_256 : memref<64x128xf32, #tpu.memory_space<vmem>>) dst(%dma_wait3A_262 : memref<10112x128xf32, #tpu.memory_space<vmem_shared>>)
      } else {
      }
      %add3A = arith.constant 2 : i32
      %add3A_233 = arith.addi %scan3A_219, %add3A : i32
      %lt3A = arith.constant 40 : i32
      %lt3A_234 = arith.cmpi slt, %add3A_233, %lt3A : i32
      %convert_element_type3A_235 = arith.extui %lt3A_234 : i1 to i32
      %cond3A_236 = arith.constant 0 : i32
      %cond3A_237 = arith.cmpi ne, %convert_element_type3A_235, %cond3A_236 : i32
      scf.if %cond3A_237 {
        %add3A_248 = arith.constant 2 : i32
        %add3A_249 = arith.addi %scan3A_219, %add3A_248 : i32
        %add3A_250 = arith.constant 2 : i32
        %add3A_251 = arith.addi %scan3A_219, %add3A_250 : i32
        %rem3A_252 = arith.constant 4 : i32
        %rem3A_253 = arith.remsi %add3A_251, %rem3A_252 : i32
        %dma_start3A_254 = arith.constant 0 : i32
        %dma_start3A_255 = arith.constant 0 : i32
        %dma_start3A_256 = tpu.memref_slice %arg9[%rem3A_253, %dma_start3A_254, %dma_start3A_255] : memref<4x64x128xf32, #tpu.memory_space<vmem>> -> memref<1x64x128xf32, #tpu.memory_space<vmem>>
        %dma_start3A_257 = tpu.memref_squeeze %dma_start3A_256 : memref<1x64x128xf32, #tpu.memory_space<vmem>> -> memref<64x128xf32, #tpu.memory_space<vmem>>
        %dma_start3A_258 = arith.constant 0 : i32
        %dma_start3A_259 = tpu.memref_slice %arg7[%add3A_249, %dma_start3A_258] : memref<40x64xi32, #tpu.memory_space<vmem>> -> memref<1x64xi32, #tpu.memory_space<vmem>>
        %dma_start3A_260 = tpu.memref_squeeze %dma_start3A_259 : memref<1x64xi32, #tpu.memory_space<vmem>> -> memref<64xi32, #tpu.memory_space<vmem>>
        %dma_start3A_261 = arith.constant 0 : i32
        %dma_start3A_262 = arith.constant 0 : i32
        %dma_start3A_263 = tpu.memref_slice %arg2[%dma_start3A_261, %dma_start3A_262] : memref<10000x128xf32, #tpu.memory_space<hbm>> -> memref<10000x128xf32, #tpu.memory_space<hbm>>
        tpu.enqueue_indirect_dma source(%dma_start3A_263 : memref<10000x128xf32, #tpu.memory_space<hbm>>) target(%dma_start3A_257 : memref<64x128xf32, #tpu.memory_space<vmem>>) offsets(%dma_start3A_260 : memref<64xi32, #tpu.memory_space<vmem>>) semaphore(%arg11 : memref<!tpu.dma_semaphore, #tpu.memory_space<semaphore_mem>>)
      } else {
      }
      %dma_start3A_238 = arith.constant 0 : i32
      %dma_start3A_239 = arith.constant 0 : i32
      %dma_start3A_240 = tpu.memref_slice %arg9[%rem3A_220, %dma_start3A_238, %dma_start3A_239] : memref<4x64x128xf32, #tpu.memory_space<vmem>> -> memref<1x64x128xf32, #tpu.memory_space<vmem>>
      %dma_start3A_241 = tpu.memref_squeeze %dma_start3A_240 : memref<1x64x128xf32, #tpu.memory_space<vmem>> -> memref<64x128xf32, #tpu.memory_space<vmem>>
      %dma_start3A_242 = arith.constant 0 : i32
      %dma_start3A_243 = tpu.memref_slice %arg8[%scan3A_219, %dma_start3A_242] : memref<40x64xi32, #tpu.memory_space<vmem>> -> memref<1x64xi32, #tpu.memory_space<vmem>>
      %dma_start3A_244 = tpu.memref_squeeze %dma_start3A_243 : memref<1x64xi32, #tpu.memory_space<vmem>> -> memref<64xi32, #tpu.memory_space<vmem>>
      %dma_start3A_245 = arith.constant 0 : i32
      %dma_start3A_246 = arith.constant 0 : i32
      %dma_start3A_247 = tpu.memref_slice %arg10[%dma_start3A_245, %dma_start3A_246] : memref<10112x128xf32, #tpu.memory_space<vmem_shared>> -> memref<10112x128xf32, #tpu.memory_space<vmem_shared>>
      tpu.enqueue_indirect_dma source(%dma_start3A_241 : memref<64x128xf32, #tpu.memory_space<vmem>>) target(%dma_start3A_247 : memref<10112x128xf32, #tpu.memory_space<vmem_shared>>) offsets(%dma_start3A_244 : memref<64xi32, #tpu.memory_space<vmem>>) semaphore(%arg12 : memref<!tpu.dma_semaphore, #tpu.memory_space<semaphore_mem>>) {add = true}
    }
    %scan3A_28 = arith.constant 40 : i32
    %dma_wait3A = arith.constant 2 : i32
    %dma_wait3A_29 = arith.constant 38 : i32
    %dma_wait3A_30 = arith.constant 0 : i32
    %dma_wait3A_31 = arith.constant 0 : i32
    %dma_wait3A_32 = tpu.memref_slice %arg9[%dma_wait3A, %dma_wait3A_30, %dma_wait3A_31] : memref<4x64x128xf32, #tpu.memory_space<vmem>> -> memref<1x64x128xf32, #tpu.memory_space<vmem>>
    %dma_wait3A_33 = tpu.memref_squeeze %dma_wait3A_32 : memref<1x64x128xf32, #tpu.memory_space<vmem>> -> memref<64x128xf32, #tpu.memory_space<vmem>>
    %dma_wait3A_34 = arith.constant 0 : i32
    %dma_wait3A_35 = tpu.memref_slice %arg8[%dma_wait3A_29, %dma_wait3A_34] : memref<40x64xi32, #tpu.memory_space<vmem>> -> memref<1x64xi32, #tpu.memory_space<vmem>>
    %dma_wait3A_36 = tpu.memref_squeeze %dma_wait3A_35 : memref<1x64xi32, #tpu.memory_space<vmem>> -> memref<64xi32, #tpu.memory_space<vmem>>
    %dma_wait3A_37 = arith.constant 0 : i32
    %dma_wait3A_38 = arith.constant 0 : i32
    %dma_wait3A_39 = tpu.memref_slice %arg10[%dma_wait3A_37, %dma_wait3A_38] : memref<10112x128xf32, #tpu.memory_space<vmem_shared>> -> memref<10112x128xf32, #tpu.memory_space<vmem_shared>>
    tpu.wait_indirect_dma semaphore(%arg12 : memref<!tpu.dma_semaphore, #tpu.memory_space<semaphore_mem>>) src(%dma_wait3A_33 : memref<64x128xf32, #tpu.memory_space<vmem>>) dst(%dma_wait3A_39 : memref<10112x128xf32, #tpu.memory_space<vmem_shared>>)
    %dma_wait3A_40 = arith.constant 3 : i32
    %dma_wait3A_41 = arith.constant 39 : i32
    %dma_wait3A_42 = arith.constant 0 : i32
    %dma_wait3A_43 = arith.constant 0 : i32
    %dma_wait3A_44 = tpu.memref_slice %arg9[%dma_wait3A_40, %dma_wait3A_42, %dma_wait3A_43] : memref<4x64x128xf32, #tpu.memory_space<vmem>> -> memref<1x64x128xf32, #tpu.memory_space<vmem>>
    %dma_wait3A_45 = tpu.memref_squeeze %dma_wait3A_44 : memref<1x64x128xf32, #tpu.memory_space<vmem>> -> memref<64x128xf32, #tpu.memory_space<vmem>>
    %dma_wait3A_46 = arith.constant 0 : i32
    %dma_wait3A_47 = tpu.memref_slice %arg8[%dma_wait3A_41, %dma_wait3A_46] : memref<40x64xi32, #tpu.memory_space<vmem>> -> memref<1x64xi32, #tpu.memory_space<vmem>>
    %dma_wait3A_48 = tpu.memref_squeeze %dma_wait3A_47 : memref<1x64xi32, #tpu.memory_space<vmem>> -> memref<64xi32, #tpu.memory_space<vmem>>
    %dma_wait3A_49 = arith.constant 0 : i32
    %dma_wait3A_50 = arith.constant 0 : i32
    %dma_wait3A_51 = tpu.memref_slice %arg10[%dma_wait3A_49, %dma_wait3A_50] : memref<10112x128xf32, #tpu.memory_space<vmem_shared>> -> memref<10112x128xf32, #tpu.memory_space<vmem_shared>>
    tpu.wait_indirect_dma semaphore(%arg12 : memref<!tpu.dma_semaphore, #tpu.memory_space<semaphore_mem>>) src(%dma_wait3A_45 : memref<64x128xf32, #tpu.memory_space<vmem>>) dst(%dma_wait3A_51 : memref<10112x128xf32, #tpu.memory_space<vmem_shared>>)
    "tpu.region"() ({
      %run_scoped3A = tpu.sem_alloc : memref<!tpu.dma_semaphore, #tpu.memory_space<semaphore_mem>>
      %dma_start3A_219 = arith.constant 0 : i32
      %dma_start3A_220 = arith.constant 0 : i32
      %dma_start3A_221 = tpu.memref_slice %arg7[%dma_start3A_219, %dma_start3A_220] : memref<40x64xi32, #tpu.memory_space<vmem>> -> memref<40x64xi32, #tpu.memory_space<vmem>>
      %dma_start3A_222 = arith.constant 40 : i32
      %dma_start3A_223 = arith.constant 0 : i32
      %dma_start3A_224 = tpu.memref_slice %arg3[%arg0, %arg1, %dma_start3A_222, %dma_start3A_223] : memref<2x16x158x64xi32, #tpu.memory_space<hbm>> -> memref<1x1x40x64xi32, #tpu.memory_space<hbm>>
      %dma_start3A_225 = tpu.memref_squeeze %dma_start3A_224 : memref<1x1x40x64xi32, #tpu.memory_space<hbm>> -> memref<40x64xi32, #tpu.memory_space<hbm>>
      %dma_start3A_226 = arith.constant 0 : i32
      %dma_start3A_227 = arith.constant 0 : i32
      %dma_start3A_228 = tpu.memref_slice %arg7[%dma_start3A_226, %dma_start3A_227] : memref<40x64xi32, #tpu.memory_space<vmem>> -> memref<40x64xi32, #tpu.memory_space<vmem>>
      %dma_start3A_229 = arith.constant 40 : i32
      %dma_start3A_230 = arith.constant 0 : i32
      %dma_start3A_231 = tpu.memref_slice %arg3[%arg0, %arg1, %dma_start3A_229, %dma_start3A_230] : memref<2x16x158x64xi32, #tpu.memory_space<hbm>> -> memref<1x1x40x64xi32, #tpu.memory_space<hbm>>
      %dma_start3A_232 = tpu.memref_squeeze %dma_start3A_231 : memref<1x1x40x64xi32, #tpu.memory_space<hbm>> -> memref<40x64xi32, #tpu.memory_space<hbm>>
      tpu.enqueue_dma source(%dma_start3A_232 : memref<40x64xi32, #tpu.memory_space<hbm>>) target(%dma_start3A_228 : memref<40x64xi32, #tpu.memory_space<vmem>>) target_semaphore(%run_scoped3A : memref<!tpu.dma_semaphore, #tpu.memory_space<semaphore_mem>>)
      %dma_wait3A_233 = arith.constant 0 : i32
      %dma_wait3A_234 = arith.constant 0 : i32
      %dma_wait3A_235 = tpu.memref_slice %arg7[%dma_wait3A_233, %dma_wait3A_234] : memref<40x64xi32, #tpu.memory_space<vmem>> -> memref<40x64xi32, #tpu.memory_space<vmem>>
      %dma_wait3A_236 = arith.constant 40 : i32
      %dma_wait3A_237 = arith.constant 0 : i32
      %dma_wait3A_238 = tpu.memref_slice %arg3[%arg0, %arg1, %dma_wait3A_236, %dma_wait3A_237] : memref<2x16x158x64xi32, #tpu.memory_space<hbm>> -> memref<1x1x40x64xi32, #tpu.memory_space<hbm>>
      %dma_wait3A_239 = tpu.memref_squeeze %dma_wait3A_238 : memref<1x1x40x64xi32, #tpu.memory_space<hbm>> -> memref<40x64xi32, #tpu.memory_space<hbm>>
      %dma_wait3A_240 = arith.constant 0 : i32
      %dma_wait3A_241 = arith.constant 0 : i32
      %dma_wait3A_242 = tpu.memref_slice %arg7[%dma_wait3A_240, %dma_wait3A_241] : memref<40x64xi32, #tpu.memory_space<vmem>> -> memref<40x64xi32, #tpu.memory_space<vmem>>
      %dma_wait3A_243 = arith.constant 40 : i32
      %dma_wait3A_244 = arith.constant 0 : i32
      %dma_wait3A_245 = tpu.memref_slice %arg3[%arg0, %arg1, %dma_wait3A_243, %dma_wait3A_244] : memref<2x16x158x64xi32, #tpu.memory_space<hbm>> -> memref<1x1x40x64xi32, #tpu.memory_space<hbm>>
      %dma_wait3A_246 = tpu.memref_squeeze %dma_wait3A_245 : memref<1x1x40x64xi32, #tpu.memory_space<hbm>> -> memref<40x64xi32, #tpu.memory_space<hbm>>
      tpu.wait_dma2 semaphore(%run_scoped3A : memref<!tpu.dma_semaphore, #tpu.memory_space<semaphore_mem>>) src(%dma_wait3A_246 : memref<40x64xi32, #tpu.memory_space<hbm>>) dst(%dma_wait3A_242 : memref<40x64xi32, #tpu.memory_space<vmem>>)
      tpu.yield
    }) : () -> ()
    "tpu.region"() ({
      %run_scoped3A = tpu.sem_alloc : memref<!tpu.dma_semaphore, #tpu.memory_space<semaphore_mem>>
      %dma_start3A_219 = arith.constant 0 : i32
      %dma_start3A_220 = arith.constant 0 : i32
      %dma_start3A_221 = tpu.memref_slice %arg8[%dma_start3A_219, %dma_start3A_220] : memref<40x64xi32, #tpu.memory_space<vmem>> -> memref<40x64xi32, #tpu.memory_space<vmem>>
      %dma_start3A_222 = arith.constant 40 : i32
      %dma_start3A_223 = arith.constant 0 : i32
      %dma_start3A_224 = tpu.memref_slice %arg4[%arg0, %arg1, %dma_start3A_222, %dma_start3A_223] : memref<2x16x158x64xi32, #tpu.memory_space<hbm>> -> memref<1x1x40x64xi32, #tpu.memory_space<hbm>>
      %dma_start3A_225 = tpu.memref_squeeze %dma_start3A_224 : memref<1x1x40x64xi32, #tpu.memory_space<hbm>> -> memref<40x64xi32, #tpu.memory_space<hbm>>
      %dma_start3A_226 = arith.constant 0 : i32
      %dma_start3A_227 = arith.constant 0 : i32
      %dma_start3A_228 = tpu.memref_slice %arg8[%dma_start3A_226, %dma_start3A_227] : memref<40x64xi32, #tpu.memory_space<vmem>> -> memref<40x64xi32, #tpu.memory_space<vmem>>
      %dma_start3A_229 = arith.constant 40 : i32
      %dma_start3A_230 = arith.constant 0 : i32
      %dma_start3A_231 = tpu.memref_slice %arg4[%arg0, %arg1, %dma_start3A_229, %dma_start3A_230] : memref<2x16x158x64xi32, #tpu.memory_space<hbm>> -> memref<1x1x40x64xi32, #tpu.memory_space<hbm>>
      %dma_start3A_232 = tpu.memref_squeeze %dma_start3A_231 : memref<1x1x40x64xi32, #tpu.memory_space<hbm>> -> memref<40x64xi32, #tpu.memory_space<hbm>>
      tpu.enqueue_dma source(%dma_start3A_232 : memref<40x64xi32, #tpu.memory_space<hbm>>) target(%dma_start3A_228 : memref<40x64xi32, #tpu.memory_space<vmem>>) target_semaphore(%run_scoped3A : memref<!tpu.dma_semaphore, #tpu.memory_space<semaphore_mem>>)
      %dma_wait3A_233 = arith.constant 0 : i32
      %dma_wait3A_234 = arith.constant 0 : i32
      %dma_wait3A_235 = tpu.memref_slice %arg8[%dma_wait3A_233, %dma_wait3A_234] : memref<40x64xi32, #tpu.memory_space<vmem>> -> memref<40x64xi32, #tpu.memory_space<vmem>>
      %dma_wait3A_236 = arith.constant 40 : i32
      %dma_wait3A_237 = arith.constant 0 : i32
      %dma_wait3A_238 = tpu.memref_slice %arg4[%arg0, %arg1, %dma_wait3A_236, %dma_wait3A_237] : memref<2x16x158x64xi32, #tpu.memory_space<hbm>> -> memref<1x1x40x64xi32, #tpu.memory_space<hbm>>
      %dma_wait3A_239 = tpu.memref_squeeze %dma_wait3A_238 : memref<1x1x40x64xi32, #tpu.memory_space<hbm>> -> memref<40x64xi32, #tpu.memory_space<hbm>>
      %dma_wait3A_240 = arith.constant 0 : i32
      %dma_wait3A_241 = arith.constant 0 : i32
      %dma_wait3A_242 = tpu.memref_slice %arg8[%dma_wait3A_240, %dma_wait3A_241] : memref<40x64xi32, #tpu.memory_space<vmem>> -> memref<40x64xi32, #tpu.memory_space<vmem>>
      %dma_wait3A_243 = arith.constant 40 : i32
      %dma_wait3A_244 = arith.constant 0 : i32
      %dma_wait3A_245 = tpu.memref_slice %arg4[%arg0, %arg1, %dma_wait3A_243, %dma_wait3A_244] : memref<2x16x158x64xi32, #tpu.memory_space<hbm>> -> memref<1x1x40x64xi32, #tpu.memory_space<hbm>>
      %dma_wait3A_246 = tpu.memref_squeeze %dma_wait3A_245 : memref<1x1x40x64xi32, #tpu.memory_space<hbm>> -> memref<40x64xi32, #tpu.memory_space<hbm>>
      tpu.wait_dma2 semaphore(%run_scoped3A : memref<!tpu.dma_semaphore, #tpu.memory_space<semaphore_mem>>) src(%dma_wait3A_246 : memref<40x64xi32, #tpu.memory_space<hbm>>) dst(%dma_wait3A_242 : memref<40x64xi32, #tpu.memory_space<vmem>>)
      tpu.yield
    }) : () -> ()
    %dma_start3A_52 = arith.constant 0 : i32
    %dma_start3A_53 = arith.constant 0 : i32
    %dma_start3A_54 = arith.constant 0 : i32
    %dma_start3A_55 = arith.constant 0 : i32
    %dma_start3A_56 = tpu.memref_slice %arg9[%dma_start3A_53, %dma_start3A_54, %dma_start3A_55] : memref<4x64x128xf32, #tpu.memory_space<vmem>> -> memref<1x64x128xf32, #tpu.memory_space<vmem>>
    %dma_start3A_57 = tpu.memref_squeeze %dma_start3A_56 : memref<1x64x128xf32, #tpu.memory_space<vmem>> -> memref<64x128xf32, #tpu.memory_space<vmem>>
    %dma_start3A_58 = arith.constant 0 : i32
    %dma_start3A_59 = tpu.memref_slice %arg7[%dma_start3A_52, %dma_start3A_58] : memref<40x64xi32, #tpu.memory_space<vmem>> -> memref<1x64xi32, #tpu.memory_space<vmem>>
    %dma_start3A_60 = tpu.memref_squeeze %dma_start3A_59 : memref<1x64xi32, #tpu.memory_space<vmem>> -> memref<64xi32, #tpu.memory_space<vmem>>
    %dma_start3A_61 = arith.constant 0 : i32
    %dma_start3A_62 = arith.constant 0 : i32
    %dma_start3A_63 = tpu.memref_slice %arg2[%dma_start3A_61, %dma_start3A_62] : memref<10000x128xf32, #tpu.memory_space<hbm>> -> memref<10000x128xf32, #tpu.memory_space<hbm>>
    tpu.enqueue_indirect_dma source(%dma_start3A_63 : memref<10000x128xf32, #tpu.memory_space<hbm>>) target(%dma_start3A_57 : memref<64x128xf32, #tpu.memory_space<vmem>>) offsets(%dma_start3A_60 : memref<64xi32, #tpu.memory_space<vmem>>) semaphore(%arg11 : memref<!tpu.dma_semaphore, #tpu.memory_space<semaphore_mem>>)
    %dma_start3A_64 = arith.constant 1 : i32
    %dma_start3A_65 = arith.constant 1 : i32
    %dma_start3A_66 = arith.constant 0 : i32
    %dma_start3A_67 = arith.constant 0 : i32
    %dma_start3A_68 = tpu.memref_slice %arg9[%dma_start3A_65, %dma_start3A_66, %dma_start3A_67] : memref<4x64x128xf32, #tpu.memory_space<vmem>> -> memref<1x64x128xf32, #tpu.memory_space<vmem>>
    %dma_start3A_69 = tpu.memref_squeeze %dma_start3A_68 : memref<1x64x128xf32, #tpu.memory_space<vmem>> -> memref<64x128xf32, #tpu.memory_space<vmem>>
    %dma_start3A_70 = arith.constant 0 : i32
    %dma_start3A_71 = tpu.memref_slice %arg7[%dma_start3A_64, %dma_start3A_70] : memref<40x64xi32, #tpu.memory_space<vmem>> -> memref<1x64xi32, #tpu.memory_space<vmem>>
    %dma_start3A_72 = tpu.memref_squeeze %dma_start3A_71 : memref<1x64xi32, #tpu.memory_space<vmem>> -> memref<64xi32, #tpu.memory_space<vmem>>
    %dma_start3A_73 = arith.constant 0 : i32
    %dma_start3A_74 = arith.constant 0 : i32
    %dma_start3A_75 = tpu.memref_slice %arg2[%dma_start3A_73, %dma_start3A_74] : memref<10000x128xf32, #tpu.memory_space<hbm>> -> memref<10000x128xf32, #tpu.memory_space<hbm>>
    tpu.enqueue_indirect_dma source(%dma_start3A_75 : memref<10000x128xf32, #tpu.memory_space<hbm>>) target(%dma_start3A_69 : memref<64x128xf32, #tpu.memory_space<vmem>>) offsets(%dma_start3A_72 : memref<64xi32, #tpu.memory_space<vmem>>) semaphore(%arg11 : memref<!tpu.dma_semaphore, #tpu.memory_space<semaphore_mem>>)
    %scan3A_76 = arith.constant 0 : i32
    %scan3A_77 = arith.constant 0 : i32
    %scan3A_78 = arith.constant 40 : i32
    %scan3A_79 = arith.addi %scan3A_77, %scan3A_78 : i32
    %scan3A_80 = arith.constant 1 : i32
    scf.for %scan3A_219 = %scan3A_77 to %scan3A_79 step %scan3A_80  : i32 {
      %rem3A = arith.constant 4 : i32
      %rem3A_220 = arith.remsi %scan3A_219, %rem3A : i32
      %dma_wait3A_221 = arith.constant 0 : i32
      %dma_wait3A_222 = arith.constant 0 : i32
      %dma_wait3A_223 = tpu.memref_slice %arg9[%rem3A_220, %dma_wait3A_221, %dma_wait3A_222] : memref<4x64x128xf32, #tpu.memory_space<vmem>> -> memref<1x64x128xf32, #tpu.memory_space<vmem>>
      %dma_wait3A_224 = tpu.memref_squeeze %dma_wait3A_223 : memref<1x64x128xf32, #tpu.memory_space<vmem>> -> memref<64x128xf32, #tpu.memory_space<vmem>>
      %dma_wait3A_225 = arith.constant 0 : i32
      %dma_wait3A_226 = tpu.memref_slice %arg7[%scan3A_219, %dma_wait3A_225] : memref<40x64xi32, #tpu.memory_space<vmem>> -> memref<1x64xi32, #tpu.memory_space<vmem>>
      %dma_wait3A_227 = tpu.memref_squeeze %dma_wait3A_226 : memref<1x64xi32, #tpu.memory_space<vmem>> -> memref<64xi32, #tpu.memory_space<vmem>>
      %dma_wait3A_228 = arith.constant 0 : i32
      %dma_wait3A_229 = arith.constant 0 : i32
      %dma_wait3A_230 = tpu.memref_slice %arg2[%dma_wait3A_228, %dma_wait3A_229] : memref<10000x128xf32, #tpu.memory_space<hbm>> -> memref<10000x128xf32, #tpu.memory_space<hbm>>
      tpu.wait_indirect_dma semaphore(%arg11 : memref<!tpu.dma_semaphore, #tpu.memory_space<semaphore_mem>>) src(%dma_wait3A_230 : memref<10000x128xf32, #tpu.memory_space<hbm>>) dst(%dma_wait3A_224 : memref<64x128xf32, #tpu.memory_space<vmem>>)
      %gt3A = arith.constant 1 : i32
      %gt3A_231 = arith.cmpi sgt, %scan3A_219, %gt3A : i32
      %convert_element_type3A = arith.extui %gt3A_231 : i1 to i32
      %cond3A = arith.constant 0 : i32
      %cond3A_232 = arith.cmpi ne, %convert_element_type3A, %cond3A : i32
      scf.if %cond3A_232 {
        %sub3A = arith.constant 2 : i32
        %sub3A_248 = arith.subi %scan3A_219, %sub3A : i32
        %rem3A_249 = arith.constant 4 : i32
        %rem3A_250 = arith.remsi %sub3A_248, %rem3A_249 : i32
        %sub3A_251 = arith.constant 2 : i32
        %sub3A_252 = arith.subi %scan3A_219, %sub3A_251 : i32
        %dma_wait3A_253 = arith.constant 0 : i32
        %dma_wait3A_254 = arith.constant 0 : i32
        %dma_wait3A_255 = tpu.memref_slice %arg9[%rem3A_250, %dma_wait3A_253, %dma_wait3A_254] : memref<4x64x128xf32, #tpu.memory_space<vmem>> -> memref<1x64x128xf32, #tpu.memory_space<vmem>>
        %dma_wait3A_256 = tpu.memref_squeeze %dma_wait3A_255 : memref<1x64x128xf32, #tpu.memory_space<vmem>> -> memref<64x128xf32, #tpu.memory_space<vmem>>
        %dma_wait3A_257 = arith.constant 0 : i32
        %dma_wait3A_258 = tpu.memref_slice %arg8[%sub3A_252, %dma_wait3A_257] : memref<40x64xi32, #tpu.memory_space<vmem>> -> memref<1x64xi32, #tpu.memory_space<vmem>>
        %dma_wait3A_259 = tpu.memref_squeeze %dma_wait3A_258 : memref<1x64xi32, #tpu.memory_space<vmem>> -> memref<64xi32, #tpu.memory_space<vmem>>
        %dma_wait3A_260 = arith.constant 0 : i32
        %dma_wait3A_261 = arith.constant 0 : i32
        %dma_wait3A_262 = tpu.memref_slice %arg10[%dma_wait3A_260, %dma_wait3A_261] : memref<10112x128xf32, #tpu.memory_space<vmem_shared>> -> memref<10112x128xf32, #tpu.memory_space<vmem_shared>>
        tpu.wait_indirect_dma semaphore(%arg12 : memref<!tpu.dma_semaphore, #tpu.memory_space<semaphore_mem>>) src(%dma_wait3A_256 : memref<64x128xf32, #tpu.memory_space<vmem>>) dst(%dma_wait3A_262 : memref<10112x128xf32, #tpu.memory_space<vmem_shared>>)
      } else {
      }
      %add3A = arith.constant 2 : i32
      %add3A_233 = arith.addi %scan3A_219, %add3A : i32
      %lt3A = arith.constant 40 : i32
      %lt3A_234 = arith.cmpi slt, %add3A_233, %lt3A : i32
      %convert_element_type3A_235 = arith.extui %lt3A_234 : i1 to i32
      %cond3A_236 = arith.constant 0 : i32
      %cond3A_237 = arith.cmpi ne, %convert_element_type3A_235, %cond3A_236 : i32
      scf.if %cond3A_237 {
        %add3A_248 = arith.constant 2 : i32
        %add3A_249 = arith.addi %scan3A_219, %add3A_248 : i32
        %add3A_250 = arith.constant 2 : i32
        %add3A_251 = arith.addi %scan3A_219, %add3A_250 : i32
        %rem3A_252 = arith.constant 4 : i32
        %rem3A_253 = arith.remsi %add3A_251, %rem3A_252 : i32
        %dma_start3A_254 = arith.constant 0 : i32
        %dma_start3A_255 = arith.constant 0 : i32
        %dma_start3A_256 = tpu.memref_slice %arg9[%rem3A_253, %dma_start3A_254, %dma_start3A_255] : memref<4x64x128xf32, #tpu.memory_space<vmem>> -> memref<1x64x128xf32, #tpu.memory_space<vmem>>
        %dma_start3A_257 = tpu.memref_squeeze %dma_start3A_256 : memref<1x64x128xf32, #tpu.memory_space<vmem>> -> memref<64x128xf32, #tpu.memory_space<vmem>>
        %dma_start3A_258 = arith.constant 0 : i32
        %dma_start3A_259 = tpu.memref_slice %arg7[%add3A_249, %dma_start3A_258] : memref<40x64xi32, #tpu.memory_space<vmem>> -> memref<1x64xi32, #tpu.memory_space<vmem>>
        %dma_start3A_260 = tpu.memref_squeeze %dma_start3A_259 : memref<1x64xi32, #tpu.memory_space<vmem>> -> memref<64xi32, #tpu.memory_space<vmem>>
        %dma_start3A_261 = arith.constant 0 : i32
        %dma_start3A_262 = arith.constant 0 : i32
        %dma_start3A_263 = tpu.memref_slice %arg2[%dma_start3A_261, %dma_start3A_262] : memref<10000x128xf32, #tpu.memory_space<hbm>> -> memref<10000x128xf32, #tpu.memory_space<hbm>>
        tpu.enqueue_indirect_dma source(%dma_start3A_263 : memref<10000x128xf32, #tpu.memory_space<hbm>>) target(%dma_start3A_257 : memref<64x128xf32, #tpu.memory_space<vmem>>) offsets(%dma_start3A_260 : memref<64xi32, #tpu.memory_space<vmem>>) semaphore(%arg11 : memref<!tpu.dma_semaphore, #tpu.memory_space<semaphore_mem>>)
      } else {
      }
      %dma_start3A_238 = arith.constant 0 : i32
      %dma_start3A_239 = arith.constant 0 : i32
      %dma_start3A_240 = tpu.memref_slice %arg9[%rem3A_220, %dma_start3A_238, %dma_start3A_239] : memref<4x64x128xf32, #tpu.memory_space<vmem>> -> memref<1x64x128xf32, #tpu.memory_space<vmem>>
      %dma_start3A_241 = tpu.memref_squeeze %dma_start3A_240 : memref<1x64x128xf32, #tpu.memory_space<vmem>> -> memref<64x128xf32, #tpu.memory_space<vmem>>
      %dma_start3A_242 = arith.constant 0 : i32
      %dma_start3A_243 = tpu.memref_slice %arg8[%scan3A_219, %dma_start3A_242] : memref<40x64xi32, #tpu.memory_space<vmem>> -> memref<1x64xi32, #tpu.memory_space<vmem>>
      %dma_start3A_244 = tpu.memref_squeeze %dma_start3A_243 : memref<1x64xi32, #tpu.memory_space<vmem>> -> memref<64xi32, #tpu.memory_space<vmem>>
      %dma_start3A_245 = arith.constant 0 : i32
      %dma_start3A_246 = arith.constant 0 : i32
      %dma_start3A_247 = tpu.memref_slice %arg10[%dma_start3A_245, %dma_start3A_246] : memref<10112x128xf32, #tpu.memory_space<vmem_shared>> -> memref<10112x128xf32, #tpu.memory_space<vmem_shared>>
      tpu.enqueue_indirect_dma source(%dma_start3A_241 : memref<64x128xf32, #tpu.memory_space<vmem>>) target(%dma_start3A_247 : memref<10112x128xf32, #tpu.memory_space<vmem_shared>>) offsets(%dma_start3A_244 : memref<64xi32, #tpu.memory_space<vmem>>) semaphore(%arg12 : memref<!tpu.dma_semaphore, #tpu.memory_space<semaphore_mem>>) {add = true}
    }
    %scan3A_81 = arith.constant 40 : i32
    %dma_wait3A_82 = arith.constant 2 : i32
    %dma_wait3A_83 = arith.constant 38 : i32
    %dma_wait3A_84 = arith.constant 0 : i32
    %dma_wait3A_85 = arith.constant 0 : i32
    %dma_wait3A_86 = tpu.memref_slice %arg9[%dma_wait3A_82, %dma_wait3A_84, %dma_wait3A_85] : memref<4x64x128xf32, #tpu.memory_space<vmem>> -> memref<1x64x128xf32, #tpu.memory_space<vmem>>
    %dma_wait3A_87 = tpu.memref_squeeze %dma_wait3A_86 : memref<1x64x128xf32, #tpu.memory_space<vmem>> -> memref<64x128xf32, #tpu.memory_space<vmem>>
    %dma_wait3A_88 = arith.constant 0 : i32
    %dma_wait3A_89 = tpu.memref_slice %arg8[%dma_wait3A_83, %dma_wait3A_88] : memref<40x64xi32, #tpu.memory_space<vmem>> -> memref<1x64xi32, #tpu.memory_space<vmem>>
    %dma_wait3A_90 = tpu.memref_squeeze %dma_wait3A_89 : memref<1x64xi32, #tpu.memory_space<vmem>> -> memref<64xi32, #tpu.memory_space<vmem>>
    %dma_wait3A_91 = arith.constant 0 : i32
    %dma_wait3A_92 = arith.constant 0 : i32
    %dma_wait3A_93 = tpu.memref_slice %arg10[%dma_wait3A_91, %dma_wait3A_92] : memref<10112x128xf32, #tpu.memory_space<vmem_shared>> -> memref<10112x128xf32, #tpu.memory_space<vmem_shared>>
    tpu.wait_indirect_dma semaphore(%arg12 : memref<!tpu.dma_semaphore, #tpu.memory_space<semaphore_mem>>) src(%dma_wait3A_87 : memref<64x128xf32, #tpu.memory_space<vmem>>) dst(%dma_wait3A_93 : memref<10112x128xf32, #tpu.memory_space<vmem_shared>>)
    %dma_wait3A_94 = arith.constant 3 : i32
    %dma_wait3A_95 = arith.constant 39 : i32
    %dma_wait3A_96 = arith.constant 0 : i32
    %dma_wait3A_97 = arith.constant 0 : i32
    %dma_wait3A_98 = tpu.memref_slice %arg9[%dma_wait3A_94, %dma_wait3A_96, %dma_wait3A_97] : memref<4x64x128xf32, #tpu.memory_space<vmem>> -> memref<1x64x128xf32, #tpu.memory_space<vmem>>
    %dma_wait3A_99 = tpu.memref_squeeze %dma_wait3A_98 : memref<1x64x128xf32, #tpu.memory_space<vmem>> -> memref<64x128xf32, #tpu.memory_space<vmem>>
    %dma_wait3A_100 = arith.constant 0 : i32
    %dma_wait3A_101 = tpu.memref_slice %arg8[%dma_wait3A_95, %dma_wait3A_100] : memref<40x64xi32, #tpu.memory_space<vmem>> -> memref<1x64xi32, #tpu.memory_space<vmem>>
    %dma_wait3A_102 = tpu.memref_squeeze %dma_wait3A_101 : memref<1x64xi32, #tpu.memory_space<vmem>> -> memref<64xi32, #tpu.memory_space<vmem>>
    %dma_wait3A_103 = arith.constant 0 : i32
    %dma_wait3A_104 = arith.constant 0 : i32
    %dma_wait3A_105 = tpu.memref_slice %arg10[%dma_wait3A_103, %dma_wait3A_104] : memref<10112x128xf32, #tpu.memory_space<vmem_shared>> -> memref<10112x128xf32, #tpu.memory_space<vmem_shared>>
    tpu.wait_indirect_dma semaphore(%arg12 : memref<!tpu.dma_semaphore, #tpu.memory_space<semaphore_mem>>) src(%dma_wait3A_99 : memref<64x128xf32, #tpu.memory_space<vmem>>) dst(%dma_wait3A_105 : memref<10112x128xf32, #tpu.memory_space<vmem_shared>>)
    "tpu.region"() ({
      %run_scoped3A = tpu.sem_alloc : memref<!tpu.dma_semaphore, #tpu.memory_space<semaphore_mem>>
      %dma_start3A_219 = arith.constant 0 : i32
      %dma_start3A_220 = arith.constant 0 : i32
      %dma_start3A_221 = tpu.memref_slice %arg7[%dma_start3A_219, %dma_start3A_220] : memref<40x64xi32, #tpu.memory_space<vmem>> -> memref<40x64xi32, #tpu.memory_space<vmem>>
      %dma_start3A_222 = arith.constant 80 : i32
      %dma_start3A_223 = arith.constant 0 : i32
      %dma_start3A_224 = tpu.memref_slice %arg3[%arg0, %arg1, %dma_start3A_222, %dma_start3A_223] : memref<2x16x158x64xi32, #tpu.memory_space<hbm>> -> memref<1x1x40x64xi32, #tpu.memory_space<hbm>>
      %dma_start3A_225 = tpu.memref_squeeze %dma_start3A_224 : memref<1x1x40x64xi32, #tpu.memory_space<hbm>> -> memref<40x64xi32, #tpu.memory_space<hbm>>
      %dma_start3A_226 = arith.constant 0 : i32
      %dma_start3A_227 = arith.constant 0 : i32
      %dma_start3A_228 = tpu.memref_slice %arg7[%dma_start3A_226, %dma_start3A_227] : memref<40x64xi32, #tpu.memory_space<vmem>> -> memref<40x64xi32, #tpu.memory_space<vmem>>
      %dma_start3A_229 = arith.constant 80 : i32
      %dma_start3A_230 = arith.constant 0 : i32
      %dma_start3A_231 = tpu.memref_slice %arg3[%arg0, %arg1, %dma_start3A_229, %dma_start3A_230] : memref<2x16x158x64xi32, #tpu.memory_space<hbm>> -> memref<1x1x40x64xi32, #tpu.memory_space<hbm>>
      %dma_start3A_232 = tpu.memref_squeeze %dma_start3A_231 : memref<1x1x40x64xi32, #tpu.memory_space<hbm>> -> memref<40x64xi32, #tpu.memory_space<hbm>>
      tpu.enqueue_dma source(%dma_start3A_232 : memref<40x64xi32, #tpu.memory_space<hbm>>) target(%dma_start3A_228 : memref<40x64xi32, #tpu.memory_space<vmem>>) target_semaphore(%run_scoped3A : memref<!tpu.dma_semaphore, #tpu.memory_space<semaphore_mem>>)
      %dma_wait3A_233 = arith.constant 0 : i32
      %dma_wait3A_234 = arith.constant 0 : i32
      %dma_wait3A_235 = tpu.memref_slice %arg7[%dma_wait3A_233, %dma_wait3A_234] : memref<40x64xi32, #tpu.memory_space<vmem>> -> memref<40x64xi32, #tpu.memory_space<vmem>>
      %dma_wait3A_236 = arith.constant 80 : i32
      %dma_wait3A_237 = arith.constant 0 : i32
      %dma_wait3A_238 = tpu.memref_slice %arg3[%arg0, %arg1, %dma_wait3A_236, %dma_wait3A_237] : memref<2x16x158x64xi32, #tpu.memory_space<hbm>> -> memref<1x1x40x64xi32, #tpu.memory_space<hbm>>
      %dma_wait3A_239 = tpu.memref_squeeze %dma_wait3A_238 : memref<1x1x40x64xi32, #tpu.memory_space<hbm>> -> memref<40x64xi32, #tpu.memory_space<hbm>>
      %dma_wait3A_240 = arith.constant 0 : i32
      %dma_wait3A_241 = arith.constant 0 : i32
      %dma_wait3A_242 = tpu.memref_slice %arg7[%dma_wait3A_240, %dma_wait3A_241] : memref<40x64xi32, #tpu.memory_space<vmem>> -> memref<40x64xi32, #tpu.memory_space<vmem>>
      %dma_wait3A_243 = arith.constant 80 : i32
      %dma_wait3A_244 = arith.constant 0 : i32
      %dma_wait3A_245 = tpu.memref_slice %arg3[%arg0, %arg1, %dma_wait3A_243, %dma_wait3A_244] : memref<2x16x158x64xi32, #tpu.memory_space<hbm>> -> memref<1x1x40x64xi32, #tpu.memory_space<hbm>>
      %dma_wait3A_246 = tpu.memref_squeeze %dma_wait3A_245 : memref<1x1x40x64xi32, #tpu.memory_space<hbm>> -> memref<40x64xi32, #tpu.memory_space<hbm>>
      tpu.wait_dma2 semaphore(%run_scoped3A : memref<!tpu.dma_semaphore, #tpu.memory_space<semaphore_mem>>) src(%dma_wait3A_246 : memref<40x64xi32, #tpu.memory_space<hbm>>) dst(%dma_wait3A_242 : memref<40x64xi32, #tpu.memory_space<vmem>>)
      tpu.yield
    }) : () -> ()
    "tpu.region"() ({
      %run_scoped3A = tpu.sem_alloc : memref<!tpu.dma_semaphore, #tpu.memory_space<semaphore_mem>>
      %dma_start3A_219 = arith.constant 0 : i32
      %dma_start3A_220 = arith.constant 0 : i32
      %dma_start3A_221 = tpu.memref_slice %arg8[%dma_start3A_219, %dma_start3A_220] : memref<40x64xi32, #tpu.memory_space<vmem>> -> memref<40x64xi32, #tpu.memory_space<vmem>>
      %dma_start3A_222 = arith.constant 80 : i32
      %dma_start3A_223 = arith.constant 0 : i32
      %dma_start3A_224 = tpu.memref_slice %arg4[%arg0, %arg1, %dma_start3A_222, %dma_start3A_223] : memref<2x16x158x64xi32, #tpu.memory_space<hbm>> -> memref<1x1x40x64xi32, #tpu.memory_space<hbm>>
      %dma_start3A_225 = tpu.memref_squeeze %dma_start3A_224 : memref<1x1x40x64xi32, #tpu.memory_space<hbm>> -> memref<40x64xi32, #tpu.memory_space<hbm>>
      %dma_start3A_226 = arith.constant 0 : i32
      %dma_start3A_227 = arith.constant 0 : i32
      %dma_start3A_228 = tpu.memref_slice %arg8[%dma_start3A_226, %dma_start3A_227] : memref<40x64xi32, #tpu.memory_space<vmem>> -> memref<40x64xi32, #tpu.memory_space<vmem>>
      %dma_start3A_229 = arith.constant 80 : i32
      %dma_start3A_230 = arith.constant 0 : i32
      %dma_start3A_231 = tpu.memref_slice %arg4[%arg0, %arg1, %dma_start3A_229, %dma_start3A_230] : memref<2x16x158x64xi32, #tpu.memory_space<hbm>> -> memref<1x1x40x64xi32, #tpu.memory_space<hbm>>
      %dma_start3A_232 = tpu.memref_squeeze %dma_start3A_231 : memref<1x1x40x64xi32, #tpu.memory_space<hbm>> -> memref<40x64xi32, #tpu.memory_space<hbm>>
      tpu.enqueue_dma source(%dma_start3A_232 : memref<40x64xi32, #tpu.memory_space<hbm>>) target(%dma_start3A_228 : memref<40x64xi32, #tpu.memory_space<vmem>>) target_semaphore(%run_scoped3A : memref<!tpu.dma_semaphore, #tpu.memory_space<semaphore_mem>>)
      %dma_wait3A_233 = arith.constant 0 : i32
      %dma_wait3A_234 = arith.constant 0 : i32
      %dma_wait3A_235 = tpu.memref_slice %arg8[%dma_wait3A_233, %dma_wait3A_234] : memref<40x64xi32, #tpu.memory_space<vmem>> -> memref<40x64xi32, #tpu.memory_space<vmem>>
      %dma_wait3A_236 = arith.constant 80 : i32
      %dma_wait3A_237 = arith.constant 0 : i32
      %dma_wait3A_238 = tpu.memref_slice %arg4[%arg0, %arg1, %dma_wait3A_236, %dma_wait3A_237] : memref<2x16x158x64xi32, #tpu.memory_space<hbm>> -> memref<1x1x40x64xi32, #tpu.memory_space<hbm>>
      %dma_wait3A_239 = tpu.memref_squeeze %dma_wait3A_238 : memref<1x1x40x64xi32, #tpu.memory_space<hbm>> -> memref<40x64xi32, #tpu.memory_space<hbm>>
      %dma_wait3A_240 = arith.constant 0 : i32
      %dma_wait3A_241 = arith.constant 0 : i32
      %dma_wait3A_242 = tpu.memref_slice %arg8[%dma_wait3A_240, %dma_wait3A_241] : memref<40x64xi32, #tpu.memory_space<vmem>> -> memref<40x64xi32, #tpu.memory_space<vmem>>
      %dma_wait3A_243 = arith.constant 80 : i32
      %dma_wait3A_244 = arith.constant 0 : i32
      %dma_wait3A_245 = tpu.memref_slice %arg4[%arg0, %arg1, %dma_wait3A_243, %dma_wait3A_244] : memref<2x16x158x64xi32, #tpu.memory_space<hbm>> -> memref<1x1x40x64xi32, #tpu.memory_space<hbm>>
      %dma_wait3A_246 = tpu.memref_squeeze %dma_wait3A_245 : memref<1x1x40x64xi32, #tpu.memory_space<hbm>> -> memref<40x64xi32, #tpu.memory_space<hbm>>
      tpu.wait_dma2 semaphore(%run_scoped3A : memref<!tpu.dma_semaphore, #tpu.memory_space<semaphore_mem>>) src(%dma_wait3A_246 : memref<40x64xi32, #tpu.memory_space<hbm>>) dst(%dma_wait3A_242 : memref<40x64xi32, #tpu.memory_space<vmem>>)
      tpu.yield
    }) : () -> ()
    %dma_start3A_106 = arith.constant 0 : i32
    %dma_start3A_107 = arith.constant 0 : i32
    %dma_start3A_108 = arith.constant 0 : i32
    %dma_start3A_109 = arith.constant 0 : i32
    %dma_start3A_110 = tpu.memref_slice %arg9[%dma_start3A_107, %dma_start3A_108, %dma_start3A_109] : memref<4x64x128xf32, #tpu.memory_space<vmem>> -> memref<1x64x128xf32, #tpu.memory_space<vmem>>
    %dma_start3A_111 = tpu.memref_squeeze %dma_start3A_110 : memref<1x64x128xf32, #tpu.memory_space<vmem>> -> memref<64x128xf32, #tpu.memory_space<vmem>>
    %dma_start3A_112 = arith.constant 0 : i32
    %dma_start3A_113 = tpu.memref_slice %arg7[%dma_start3A_106, %dma_start3A_112] : memref<40x64xi32, #tpu.memory_space<vmem>> -> memref<1x64xi32, #tpu.memory_space<vmem>>
    %dma_start3A_114 = tpu.memref_squeeze %dma_start3A_113 : memref<1x64xi32, #tpu.memory_space<vmem>> -> memref<64xi32, #tpu.memory_space<vmem>>
    %dma_start3A_115 = arith.constant 0 : i32
    %dma_start3A_116 = arith.constant 0 : i32
    %dma_start3A_117 = tpu.memref_slice %arg2[%dma_start3A_115, %dma_start3A_116] : memref<10000x128xf32, #tpu.memory_space<hbm>> -> memref<10000x128xf32, #tpu.memory_space<hbm>>
    tpu.enqueue_indirect_dma source(%dma_start3A_117 : memref<10000x128xf32, #tpu.memory_space<hbm>>) target(%dma_start3A_111 : memref<64x128xf32, #tpu.memory_space<vmem>>) offsets(%dma_start3A_114 : memref<64xi32, #tpu.memory_space<vmem>>) semaphore(%arg11 : memref<!tpu.dma_semaphore, #tpu.memory_space<semaphore_mem>>)
    %dma_start3A_118 = arith.constant 1 : i32
    %dma_start3A_119 = arith.constant 1 : i32
    %dma_start3A_120 = arith.constant 0 : i32
    %dma_start3A_121 = arith.constant 0 : i32
    %dma_start3A_122 = tpu.memref_slice %arg9[%dma_start3A_119, %dma_start3A_120, %dma_start3A_121] : memref<4x64x128xf32, #tpu.memory_space<vmem>> -> memref<1x64x128xf32, #tpu.memory_space<vmem>>
    %dma_start3A_123 = tpu.memref_squeeze %dma_start3A_122 : memref<1x64x128xf32, #tpu.memory_space<vmem>> -> memref<64x128xf32, #tpu.memory_space<vmem>>
    %dma_start3A_124 = arith.constant 0 : i32
    %dma_start3A_125 = tpu.memref_slice %arg7[%dma_start3A_118, %dma_start3A_124] : memref<40x64xi32, #tpu.memory_space<vmem>> -> memref<1x64xi32, #tpu.memory_space<vmem>>
    %dma_start3A_126 = tpu.memref_squeeze %dma_start3A_125 : memref<1x64xi32, #tpu.memory_space<vmem>> -> memref<64xi32, #tpu.memory_space<vmem>>
    %dma_start3A_127 = arith.constant 0 : i32
    %dma_start3A_128 = arith.constant 0 : i32
    %dma_start3A_129 = tpu.memref_slice %arg2[%dma_start3A_127, %dma_start3A_128] : memref<10000x128xf32, #tpu.memory_space<hbm>> -> memref<10000x128xf32, #tpu.memory_space<hbm>>
    tpu.enqueue_indirect_dma source(%dma_start3A_129 : memref<10000x128xf32, #tpu.memory_space<hbm>>) target(%dma_start3A_123 : memref<64x128xf32, #tpu.memory_space<vmem>>) offsets(%dma_start3A_126 : memref<64xi32, #tpu.memory_space<vmem>>) semaphore(%arg11 : memref<!tpu.dma_semaphore, #tpu.memory_space<semaphore_mem>>)
    %scan3A_130 = arith.constant 0 : i32
    %scan3A_131 = arith.constant 0 : i32
    %scan3A_132 = arith.constant 40 : i32
    %scan3A_133 = arith.addi %scan3A_131, %scan3A_132 : i32
    %scan3A_134 = arith.constant 1 : i32
    scf.for %scan3A_219 = %scan3A_131 to %scan3A_133 step %scan3A_134  : i32 {
      %rem3A = arith.constant 4 : i32
      %rem3A_220 = arith.remsi %scan3A_219, %rem3A : i32
      %dma_wait3A_221 = arith.constant 0 : i32
      %dma_wait3A_222 = arith.constant 0 : i32
      %dma_wait3A_223 = tpu.memref_slice %arg9[%rem3A_220, %dma_wait3A_221, %dma_wait3A_222] : memref<4x64x128xf32, #tpu.memory_space<vmem>> -> memref<1x64x128xf32, #tpu.memory_space<vmem>>
      %dma_wait3A_224 = tpu.memref_squeeze %dma_wait3A_223 : memref<1x64x128xf32, #tpu.memory_space<vmem>> -> memref<64x128xf32, #tpu.memory_space<vmem>>
      %dma_wait3A_225 = arith.constant 0 : i32
      %dma_wait3A_226 = tpu.memref_slice %arg7[%scan3A_219, %dma_wait3A_225] : memref<40x64xi32, #tpu.memory_space<vmem>> -> memref<1x64xi32, #tpu.memory_space<vmem>>
      %dma_wait3A_227 = tpu.memref_squeeze %dma_wait3A_226 : memref<1x64xi32, #tpu.memory_space<vmem>> -> memref<64xi32, #tpu.memory_space<vmem>>
      %dma_wait3A_228 = arith.constant 0 : i32
      %dma_wait3A_229 = arith.constant 0 : i32
      %dma_wait3A_230 = tpu.memref_slice %arg2[%dma_wait3A_228, %dma_wait3A_229] : memref<10000x128xf32, #tpu.memory_space<hbm>> -> memref<10000x128xf32, #tpu.memory_space<hbm>>
      tpu.wait_indirect_dma semaphore(%arg11 : memref<!tpu.dma_semaphore, #tpu.memory_space<semaphore_mem>>) src(%dma_wait3A_230 : memref<10000x128xf32, #tpu.memory_space<hbm>>) dst(%dma_wait3A_224 : memref<64x128xf32, #tpu.memory_space<vmem>>)
      %gt3A = arith.constant 1 : i32
      %gt3A_231 = arith.cmpi sgt, %scan3A_219, %gt3A : i32
      %convert_element_type3A = arith.extui %gt3A_231 : i1 to i32
      %cond3A = arith.constant 0 : i32
      %cond3A_232 = arith.cmpi ne, %convert_element_type3A, %cond3A : i32
      scf.if %cond3A_232 {
        %sub3A = arith.constant 2 : i32
        %sub3A_248 = arith.subi %scan3A_219, %sub3A : i32
        %rem3A_249 = arith.constant 4 : i32
        %rem3A_250 = arith.remsi %sub3A_248, %rem3A_249 : i32
        %sub3A_251 = arith.constant 2 : i32
        %sub3A_252 = arith.subi %scan3A_219, %sub3A_251 : i32
        %dma_wait3A_253 = arith.constant 0 : i32
        %dma_wait3A_254 = arith.constant 0 : i32
        %dma_wait3A_255 = tpu.memref_slice %arg9[%rem3A_250, %dma_wait3A_253, %dma_wait3A_254] : memref<4x64x128xf32, #tpu.memory_space<vmem>> -> memref<1x64x128xf32, #tpu.memory_space<vmem>>
        %dma_wait3A_256 = tpu.memref_squeeze %dma_wait3A_255 : memref<1x64x128xf32, #tpu.memory_space<vmem>> -> memref<64x128xf32, #tpu.memory_space<vmem>>
        %dma_wait3A_257 = arith.constant 0 : i32
        %dma_wait3A_258 = tpu.memref_slice %arg8[%sub3A_252, %dma_wait3A_257] : memref<40x64xi32, #tpu.memory_space<vmem>> -> memref<1x64xi32, #tpu.memory_space<vmem>>
        %dma_wait3A_259 = tpu.memref_squeeze %dma_wait3A_258 : memref<1x64xi32, #tpu.memory_space<vmem>> -> memref<64xi32, #tpu.memory_space<vmem>>
        %dma_wait3A_260 = arith.constant 0 : i32
        %dma_wait3A_261 = arith.constant 0 : i32
        %dma_wait3A_262 = tpu.memref_slice %arg10[%dma_wait3A_260, %dma_wait3A_261] : memref<10112x128xf32, #tpu.memory_space<vmem_shared>> -> memref<10112x128xf32, #tpu.memory_space<vmem_shared>>
        tpu.wait_indirect_dma semaphore(%arg12 : memref<!tpu.dma_semaphore, #tpu.memory_space<semaphore_mem>>) src(%dma_wait3A_256 : memref<64x128xf32, #tpu.memory_space<vmem>>) dst(%dma_wait3A_262 : memref<10112x128xf32, #tpu.memory_space<vmem_shared>>)
      } else {
      }
      %add3A = arith.constant 2 : i32
      %add3A_233 = arith.addi %scan3A_219, %add3A : i32
      %lt3A = arith.constant 40 : i32
      %lt3A_234 = arith.cmpi slt, %add3A_233, %lt3A : i32
      %convert_element_type3A_235 = arith.extui %lt3A_234 : i1 to i32
      %cond3A_236 = arith.constant 0 : i32
      %cond3A_237 = arith.cmpi ne, %convert_element_type3A_235, %cond3A_236 : i32
      scf.if %cond3A_237 {
        %add3A_248 = arith.constant 2 : i32
        %add3A_249 = arith.addi %scan3A_219, %add3A_248 : i32
        %add3A_250 = arith.constant 2 : i32
        %add3A_251 = arith.addi %scan3A_219, %add3A_250 : i32
        %rem3A_252 = arith.constant 4 : i32
        %rem3A_253 = arith.remsi %add3A_251, %rem3A_252 : i32
        %dma_start3A_254 = arith.constant 0 : i32
        %dma_start3A_255 = arith.constant 0 : i32
        %dma_start3A_256 = tpu.memref_slice %arg9[%rem3A_253, %dma_start3A_254, %dma_start3A_255] : memref<4x64x128xf32, #tpu.memory_space<vmem>> -> memref<1x64x128xf32, #tpu.memory_space<vmem>>
        %dma_start3A_257 = tpu.memref_squeeze %dma_start3A_256 : memref<1x64x128xf32, #tpu.memory_space<vmem>> -> memref<64x128xf32, #tpu.memory_space<vmem>>
        %dma_start3A_258 = arith.constant 0 : i32
        %dma_start3A_259 = tpu.memref_slice %arg7[%add3A_249, %dma_start3A_258] : memref<40x64xi32, #tpu.memory_space<vmem>> -> memref<1x64xi32, #tpu.memory_space<vmem>>
        %dma_start3A_260 = tpu.memref_squeeze %dma_start3A_259 : memref<1x64xi32, #tpu.memory_space<vmem>> -> memref<64xi32, #tpu.memory_space<vmem>>
        %dma_start3A_261 = arith.constant 0 : i32
        %dma_start3A_262 = arith.constant 0 : i32
        %dma_start3A_263 = tpu.memref_slice %arg2[%dma_start3A_261, %dma_start3A_262] : memref<10000x128xf32, #tpu.memory_space<hbm>> -> memref<10000x128xf32, #tpu.memory_space<hbm>>
        tpu.enqueue_indirect_dma source(%dma_start3A_263 : memref<10000x128xf32, #tpu.memory_space<hbm>>) target(%dma_start3A_257 : memref<64x128xf32, #tpu.memory_space<vmem>>) offsets(%dma_start3A_260 : memref<64xi32, #tpu.memory_space<vmem>>) semaphore(%arg11 : memref<!tpu.dma_semaphore, #tpu.memory_space<semaphore_mem>>)
      } else {
      }
      %dma_start3A_238 = arith.constant 0 : i32
      %dma_start3A_239 = arith.constant 0 : i32
      %dma_start3A_240 = tpu.memref_slice %arg9[%rem3A_220, %dma_start3A_238, %dma_start3A_239] : memref<4x64x128xf32, #tpu.memory_space<vmem>> -> memref<1x64x128xf32, #tpu.memory_space<vmem>>
      %dma_start3A_241 = tpu.memref_squeeze %dma_start3A_240 : memref<1x64x128xf32, #tpu.memory_space<vmem>> -> memref<64x128xf32, #tpu.memory_space<vmem>>
      %dma_start3A_242 = arith.constant 0 : i32
      %dma_start3A_243 = tpu.memref_slice %arg8[%scan3A_219, %dma_start3A_242] : memref<40x64xi32, #tpu.memory_space<vmem>> -> memref<1x64xi32, #tpu.memory_space<vmem>>
      %dma_start3A_244 = tpu.memref_squeeze %dma_start3A_243 : memref<1x64xi32, #tpu.memory_space<vmem>> -> memref<64xi32, #tpu.memory_space<vmem>>
      %dma_start3A_245 = arith.constant 0 : i32
      %dma_start3A_246 = arith.constant 0 : i32
      %dma_start3A_247 = tpu.memref_slice %arg10[%dma_start3A_245, %dma_start3A_246] : memref<10112x128xf32, #tpu.memory_space<vmem_shared>> -> memref<10112x128xf32, #tpu.memory_space<vmem_shared>>
      tpu.enqueue_indirect_dma source(%dma_start3A_241 : memref<64x128xf32, #tpu.memory_space<vmem>>) target(%dma_start3A_247 : memref<10112x128xf32, #tpu.memory_space<vmem_shared>>) offsets(%dma_start3A_244 : memref<64xi32, #tpu.memory_space<vmem>>) semaphore(%arg12 : memref<!tpu.dma_semaphore, #tpu.memory_space<semaphore_mem>>) {add = true}
    }
    %scan3A_135 = arith.constant 40 : i32
    %dma_wait3A_136 = arith.constant 2 : i32
    %dma_wait3A_137 = arith.constant 38 : i32
    %dma_wait3A_138 = arith.constant 0 : i32
    %dma_wait3A_139 = arith.constant 0 : i32
    %dma_wait3A_140 = tpu.memref_slice %arg9[%dma_wait3A_136, %dma_wait3A_138, %dma_wait3A_139] : memref<4x64x128xf32, #tpu.memory_space<vmem>> -> memref<1x64x128xf32, #tpu.memory_space<vmem>>
    %dma_wait3A_141 = tpu.memref_squeeze %dma_wait3A_140 : memref<1x64x128xf32, #tpu.memory_space<vmem>> -> memref<64x128xf32, #tpu.memory_space<vmem>>
    %dma_wait3A_142 = arith.constant 0 : i32
    %dma_wait3A_143 = tpu.memref_slice %arg8[%dma_wait3A_137, %dma_wait3A_142] : memref<40x64xi32, #tpu.memory_space<vmem>> -> memref<1x64xi32, #tpu.memory_space<vmem>>
    %dma_wait3A_144 = tpu.memref_squeeze %dma_wait3A_143 : memref<1x64xi32, #tpu.memory_space<vmem>> -> memref<64xi32, #tpu.memory_space<vmem>>
    %dma_wait3A_145 = arith.constant 0 : i32
    %dma_wait3A_146 = arith.constant 0 : i32
    %dma_wait3A_147 = tpu.memref_slice %arg10[%dma_wait3A_145, %dma_wait3A_146] : memref<10112x128xf32, #tpu.memory_space<vmem_shared>> -> memref<10112x128xf32, #tpu.memory_space<vmem_shared>>
    tpu.wait_indirect_dma semaphore(%arg12 : memref<!tpu.dma_semaphore, #tpu.memory_space<semaphore_mem>>) src(%dma_wait3A_141 : memref<64x128xf32, #tpu.memory_space<vmem>>) dst(%dma_wait3A_147 : memref<10112x128xf32, #tpu.memory_space<vmem_shared>>)
    %dma_wait3A_148 = arith.constant 3 : i32
    %dma_wait3A_149 = arith.constant 39 : i32
    %dma_wait3A_150 = arith.constant 0 : i32
    %dma_wait3A_151 = arith.constant 0 : i32
    %dma_wait3A_152 = tpu.memref_slice %arg9[%dma_wait3A_148, %dma_wait3A_150, %dma_wait3A_151] : memref<4x64x128xf32, #tpu.memory_space<vmem>> -> memref<1x64x128xf32, #tpu.memory_space<vmem>>
    %dma_wait3A_153 = tpu.memref_squeeze %dma_wait3A_152 : memref<1x64x128xf32, #tpu.memory_space<vmem>> -> memref<64x128xf32, #tpu.memory_space<vmem>>
    %dma_wait3A_154 = arith.constant 0 : i32
    %dma_wait3A_155 = tpu.memref_slice %arg8[%dma_wait3A_149, %dma_wait3A_154] : memref<40x64xi32, #tpu.memory_space<vmem>> -> memref<1x64xi32, #tpu.memory_space<vmem>>
    %dma_wait3A_156 = tpu.memref_squeeze %dma_wait3A_155 : memref<1x64xi32, #tpu.memory_space<vmem>> -> memref<64xi32, #tpu.memory_space<vmem>>
    %dma_wait3A_157 = arith.constant 0 : i32
    %dma_wait3A_158 = arith.constant 0 : i32
    %dma_wait3A_159 = tpu.memref_slice %arg10[%dma_wait3A_157, %dma_wait3A_158] : memref<10112x128xf32, #tpu.memory_space<vmem_shared>> -> memref<10112x128xf32, #tpu.memory_space<vmem_shared>>
    tpu.wait_indirect_dma semaphore(%arg12 : memref<!tpu.dma_semaphore, #tpu.memory_space<semaphore_mem>>) src(%dma_wait3A_153 : memref<64x128xf32, #tpu.memory_space<vmem>>) dst(%dma_wait3A_159 : memref<10112x128xf32, #tpu.memory_space<vmem_shared>>)
    "tpu.region"() ({
      %run_scoped3A = tpu.sem_alloc : memref<!tpu.dma_semaphore, #tpu.memory_space<semaphore_mem>>
      %dma_start3A_219 = arith.constant 0 : i32
      %dma_start3A_220 = arith.constant 0 : i32
      %dma_start3A_221 = tpu.memref_slice %arg7[%dma_start3A_219, %dma_start3A_220] : memref<40x64xi32, #tpu.memory_space<vmem>> -> memref<38x64xi32, #tpu.memory_space<vmem>>
      %dma_start3A_222 = arith.constant 120 : i32
      %dma_start3A_223 = arith.constant 0 : i32
      %dma_start3A_224 = tpu.memref_slice %arg3[%arg0, %arg1, %dma_start3A_222, %dma_start3A_223] : memref<2x16x158x64xi32, #tpu.memory_space<hbm>> -> memref<1x1x38x64xi32, #tpu.memory_space<hbm>>
      %dma_start3A_225 = tpu.memref_squeeze %dma_start3A_224 : memref<1x1x38x64xi32, #tpu.memory_space<hbm>> -> memref<38x64xi32, #tpu.memory_space<hbm>>
      %dma_start3A_226 = arith.constant 0 : i32
      %dma_start3A_227 = arith.constant 0 : i32
      %dma_start3A_228 = tpu.memref_slice %arg7[%dma_start3A_226, %dma_start3A_227] : memref<40x64xi32, #tpu.memory_space<vmem>> -> memref<38x64xi32, #tpu.memory_space<vmem>>
      %dma_start3A_229 = arith.constant 120 : i32
      %dma_start3A_230 = arith.constant 0 : i32
      %dma_start3A_231 = tpu.memref_slice %arg3[%arg0, %arg1, %dma_start3A_229, %dma_start3A_230] : memref<2x16x158x64xi32, #tpu.memory_space<hbm>> -> memref<1x1x38x64xi32, #tpu.memory_space<hbm>>
      %dma_start3A_232 = tpu.memref_squeeze %dma_start3A_231 : memref<1x1x38x64xi32, #tpu.memory_space<hbm>> -> memref<38x64xi32, #tpu.memory_space<hbm>>
      tpu.enqueue_dma source(%dma_start3A_232 : memref<38x64xi32, #tpu.memory_space<hbm>>) target(%dma_start3A_228 : memref<38x64xi32, #tpu.memory_space<vmem>>) target_semaphore(%run_scoped3A : memref<!tpu.dma_semaphore, #tpu.memory_space<semaphore_mem>>)
      %dma_wait3A_233 = arith.constant 0 : i32
      %dma_wait3A_234 = arith.constant 0 : i32
      %dma_wait3A_235 = tpu.memref_slice %arg7[%dma_wait3A_233, %dma_wait3A_234] : memref<40x64xi32, #tpu.memory_space<vmem>> -> memref<38x64xi32, #tpu.memory_space<vmem>>
      %dma_wait3A_236 = arith.constant 120 : i32
      %dma_wait3A_237 = arith.constant 0 : i32
      %dma_wait3A_238 = tpu.memref_slice %arg3[%arg0, %arg1, %dma_wait3A_236, %dma_wait3A_237] : memref<2x16x158x64xi32, #tpu.memory_space<hbm>> -> memref<1x1x38x64xi32, #tpu.memory_space<hbm>>
      %dma_wait3A_239 = tpu.memref_squeeze %dma_wait3A_238 : memref<1x1x38x64xi32, #tpu.memory_space<hbm>> -> memref<38x64xi32, #tpu.memory_space<hbm>>
      %dma_wait3A_240 = arith.constant 0 : i32
      %dma_wait3A_241 = arith.constant 0 : i32
      %dma_wait3A_242 = tpu.memref_slice %arg7[%dma_wait3A_240, %dma_wait3A_241] : memref<40x64xi32, #tpu.memory_space<vmem>> -> memref<38x64xi32, #tpu.memory_space<vmem>>
      %dma_wait3A_243 = arith.constant 120 : i32
      %dma_wait3A_244 = arith.constant 0 : i32
      %dma_wait3A_245 = tpu.memref_slice %arg3[%arg0, %arg1, %dma_wait3A_243, %dma_wait3A_244] : memref<2x16x158x64xi32, #tpu.memory_space<hbm>> -> memref<1x1x38x64xi32, #tpu.memory_space<hbm>>
      %dma_wait3A_246 = tpu.memref_squeeze %dma_wait3A_245 : memref<1x1x38x64xi32, #tpu.memory_space<hbm>> -> memref<38x64xi32, #tpu.memory_space<hbm>>
      tpu.wait_dma2 semaphore(%run_scoped3A : memref<!tpu.dma_semaphore, #tpu.memory_space<semaphore_mem>>) src(%dma_wait3A_246 : memref<38x64xi32, #tpu.memory_space<hbm>>) dst(%dma_wait3A_242 : memref<38x64xi32, #tpu.memory_space<vmem>>)
      tpu.yield
    }) : () -> ()
    "tpu.region"() ({
      %run_scoped3A = tpu.sem_alloc : memref<!tpu.dma_semaphore, #tpu.memory_space<semaphore_mem>>
      %dma_start3A_219 = arith.constant 0 : i32
      %dma_start3A_220 = arith.constant 0 : i32
      %dma_start3A_221 = tpu.memref_slice %arg8[%dma_start3A_219, %dma_start3A_220] : memref<40x64xi32, #tpu.memory_space<vmem>> -> memref<38x64xi32, #tpu.memory_space<vmem>>
      %dma_start3A_222 = arith.constant 120 : i32
      %dma_start3A_223 = arith.constant 0 : i32
      %dma_start3A_224 = tpu.memref_slice %arg4[%arg0, %arg1, %dma_start3A_222, %dma_start3A_223] : memref<2x16x158x64xi32, #tpu.memory_space<hbm>> -> memref<1x1x38x64xi32, #tpu.memory_space<hbm>>
      %dma_start3A_225 = tpu.memref_squeeze %dma_start3A_224 : memref<1x1x38x64xi32, #tpu.memory_space<hbm>> -> memref<38x64xi32, #tpu.memory_space<hbm>>
      %dma_start3A_226 = arith.constant 0 : i32
      %dma_start3A_227 = arith.constant 0 : i32
      %dma_start3A_228 = tpu.memref_slice %arg8[%dma_start3A_226, %dma_start3A_227] : memref<40x64xi32, #tpu.memory_space<vmem>> -> memref<38x64xi32, #tpu.memory_space<vmem>>
      %dma_start3A_229 = arith.constant 120 : i32
      %dma_start3A_230 = arith.constant 0 : i32
      %dma_start3A_231 = tpu.memref_slice %arg4[%arg0, %arg1, %dma_start3A_229, %dma_start3A_230] : memref<2x16x158x64xi32, #tpu.memory_space<hbm>> -> memref<1x1x38x64xi32, #tpu.memory_space<hbm>>
      %dma_start3A_232 = tpu.memref_squeeze %dma_start3A_231 : memref<1x1x38x64xi32, #tpu.memory_space<hbm>> -> memref<38x64xi32, #tpu.memory_space<hbm>>
      tpu.enqueue_dma source(%dma_start3A_232 : memref<38x64xi32, #tpu.memory_space<hbm>>) target(%dma_start3A_228 : memref<38x64xi32, #tpu.memory_space<vmem>>) target_semaphore(%run_scoped3A : memref<!tpu.dma_semaphore, #tpu.memory_space<semaphore_mem>>)
      %dma_wait3A_233 = arith.constant 0 : i32
      %dma_wait3A_234 = arith.constant 0 : i32
      %dma_wait3A_235 = tpu.memref_slice %arg8[%dma_wait3A_233, %dma_wait3A_234] : memref<40x64xi32, #tpu.memory_space<vmem>> -> memref<38x64xi32, #tpu.memory_space<vmem>>
      %dma_wait3A_236 = arith.constant 120 : i32
      %dma_wait3A_237 = arith.constant 0 : i32
      %dma_wait3A_238 = tpu.memref_slice %arg4[%arg0, %arg1, %dma_wait3A_236, %dma_wait3A_237] : memref<2x16x158x64xi32, #tpu.memory_space<hbm>> -> memref<1x1x38x64xi32, #tpu.memory_space<hbm>>
      %dma_wait3A_239 = tpu.memref_squeeze %dma_wait3A_238 : memref<1x1x38x64xi32, #tpu.memory_space<hbm>> -> memref<38x64xi32, #tpu.memory_space<hbm>>
      %dma_wait3A_240 = arith.constant 0 : i32
      %dma_wait3A_241 = arith.constant 0 : i32
      %dma_wait3A_242 = tpu.memref_slice %arg8[%dma_wait3A_240, %dma_wait3A_241] : memref<40x64xi32, #tpu.memory_space<vmem>> -> memref<38x64xi32, #tpu.memory_space<vmem>>
      %dma_wait3A_243 = arith.constant 120 : i32
      %dma_wait3A_244 = arith.constant 0 : i32
      %dma_wait3A_245 = tpu.memref_slice %arg4[%arg0, %arg1, %dma_wait3A_243, %dma_wait3A_244] : memref<2x16x158x64xi32, #tpu.memory_space<hbm>> -> memref<1x1x38x64xi32, #tpu.memory_space<hbm>>
      %dma_wait3A_246 = tpu.memref_squeeze %dma_wait3A_245 : memref<1x1x38x64xi32, #tpu.memory_space<hbm>> -> memref<38x64xi32, #tpu.memory_space<hbm>>
      tpu.wait_dma2 semaphore(%run_scoped3A : memref<!tpu.dma_semaphore, #tpu.memory_space<semaphore_mem>>) src(%dma_wait3A_246 : memref<38x64xi32, #tpu.memory_space<hbm>>) dst(%dma_wait3A_242 : memref<38x64xi32, #tpu.memory_space<vmem>>)
      tpu.yield
    }) : () -> ()
    %dma_start3A_160 = arith.constant 0 : i32
    %dma_start3A_161 = arith.constant 0 : i32
    %dma_start3A_162 = arith.constant 0 : i32
    %dma_start3A_163 = arith.constant 0 : i32
    %dma_start3A_164 = tpu.memref_slice %arg9[%dma_start3A_161, %dma_start3A_162, %dma_start3A_163] : memref<4x64x128xf32, #tpu.memory_space<vmem>> -> memref<1x64x128xf32, #tpu.memory_space<vmem>>
    %dma_start3A_165 = tpu.memref_squeeze %dma_start3A_164 : memref<1x64x128xf32, #tpu.memory_space<vmem>> -> memref<64x128xf32, #tpu.memory_space<vmem>>
    %dma_start3A_166 = arith.constant 0 : i32
    %dma_start3A_167 = tpu.memref_slice %arg7[%dma_start3A_160, %dma_start3A_166] : memref<40x64xi32, #tpu.memory_space<vmem>> -> memref<1x64xi32, #tpu.memory_space<vmem>>
    %dma_start3A_168 = tpu.memref_squeeze %dma_start3A_167 : memref<1x64xi32, #tpu.memory_space<vmem>> -> memref<64xi32, #tpu.memory_space<vmem>>
    %dma_start3A_169 = arith.constant 0 : i32
    %dma_start3A_170 = arith.constant 0 : i32
    %dma_start3A_171 = tpu.memref_slice %arg2[%dma_start3A_169, %dma_start3A_170] : memref<10000x128xf32, #tpu.memory_space<hbm>> -> memref<10000x128xf32, #tpu.memory_space<hbm>>
    tpu.enqueue_indirect_dma source(%dma_start3A_171 : memref<10000x128xf32, #tpu.memory_space<hbm>>) target(%dma_start3A_165 : memref<64x128xf32, #tpu.memory_space<vmem>>) offsets(%dma_start3A_168 : memref<64xi32, #tpu.memory_space<vmem>>) semaphore(%arg11 : memref<!tpu.dma_semaphore, #tpu.memory_space<semaphore_mem>>)
    %dma_start3A_172 = arith.constant 1 : i32
    %dma_start3A_173 = arith.constant 1 : i32
    %dma_start3A_174 = arith.constant 0 : i32
    %dma_start3A_175 = arith.constant 0 : i32
    %dma_start3A_176 = tpu.memref_slice %arg9[%dma_start3A_173, %dma_start3A_174, %dma_start3A_175] : memref<4x64x128xf32, #tpu.memory_space<vmem>> -> memref<1x64x128xf32, #tpu.memory_space<vmem>>
    %dma_start3A_177 = tpu.memref_squeeze %dma_start3A_176 : memref<1x64x128xf32, #tpu.memory_space<vmem>> -> memref<64x128xf32, #tpu.memory_space<vmem>>
    %dma_start3A_178 = arith.constant 0 : i32
    %dma_start3A_179 = tpu.memref_slice %arg7[%dma_start3A_172, %dma_start3A_178] : memref<40x64xi32, #tpu.memory_space<vmem>> -> memref<1x64xi32, #tpu.memory_space<vmem>>
    %dma_start3A_180 = tpu.memref_squeeze %dma_start3A_179 : memref<1x64xi32, #tpu.memory_space<vmem>> -> memref<64xi32, #tpu.memory_space<vmem>>
    %dma_start3A_181 = arith.constant 0 : i32
    %dma_start3A_182 = arith.constant 0 : i32
    %dma_start3A_183 = tpu.memref_slice %arg2[%dma_start3A_181, %dma_start3A_182] : memref<10000x128xf32, #tpu.memory_space<hbm>> -> memref<10000x128xf32, #tpu.memory_space<hbm>>
    tpu.enqueue_indirect_dma source(%dma_start3A_183 : memref<10000x128xf32, #tpu.memory_space<hbm>>) target(%dma_start3A_177 : memref<64x128xf32, #tpu.memory_space<vmem>>) offsets(%dma_start3A_180 : memref<64xi32, #tpu.memory_space<vmem>>) semaphore(%arg11 : memref<!tpu.dma_semaphore, #tpu.memory_space<semaphore_mem>>)
    %scan3A_184 = arith.constant 0 : i32
    %scan3A_185 = arith.constant 0 : i32
    %scan3A_186 = arith.constant 38 : i32
    %scan3A_187 = arith.addi %scan3A_185, %scan3A_186 : i32
    %scan3A_188 = arith.constant 1 : i32
    scf.for %scan3A_219 = %scan3A_185 to %scan3A_187 step %scan3A_188  : i32 {
      %rem3A = arith.constant 4 : i32
      %rem3A_220 = arith.remsi %scan3A_219, %rem3A : i32
      %dma_wait3A_221 = arith.constant 0 : i32
      %dma_wait3A_222 = arith.constant 0 : i32
      %dma_wait3A_223 = tpu.memref_slice %arg9[%rem3A_220, %dma_wait3A_221, %dma_wait3A_222] : memref<4x64x128xf32, #tpu.memory_space<vmem>> -> memref<1x64x128xf32, #tpu.memory_space<vmem>>
      %dma_wait3A_224 = tpu.memref_squeeze %dma_wait3A_223 : memref<1x64x128xf32, #tpu.memory_space<vmem>> -> memref<64x128xf32, #tpu.memory_space<vmem>>
      %dma_wait3A_225 = arith.constant 0 : i32
      %dma_wait3A_226 = tpu.memref_slice %arg7[%scan3A_219, %dma_wait3A_225] : memref<40x64xi32, #tpu.memory_space<vmem>> -> memref<1x64xi32, #tpu.memory_space<vmem>>
      %dma_wait3A_227 = tpu.memref_squeeze %dma_wait3A_226 : memref<1x64xi32, #tpu.memory_space<vmem>> -> memref<64xi32, #tpu.memory_space<vmem>>
      %dma_wait3A_228 = arith.constant 0 : i32
      %dma_wait3A_229 = arith.constant 0 : i32
      %dma_wait3A_230 = tpu.memref_slice %arg2[%dma_wait3A_228, %dma_wait3A_229] : memref<10000x128xf32, #tpu.memory_space<hbm>> -> memref<10000x128xf32, #tpu.memory_space<hbm>>
      tpu.wait_indirect_dma semaphore(%arg11 : memref<!tpu.dma_semaphore, #tpu.memory_space<semaphore_mem>>) src(%dma_wait3A_230 : memref<10000x128xf32, #tpu.memory_space<hbm>>) dst(%dma_wait3A_224 : memref<64x128xf32, #tpu.memory_space<vmem>>)
      %gt3A = arith.constant 1 : i32
      %gt3A_231 = arith.cmpi sgt, %scan3A_219, %gt3A : i32
      %convert_element_type3A = arith.extui %gt3A_231 : i1 to i32
      %cond3A = arith.constant 0 : i32
      %cond3A_232 = arith.cmpi ne, %convert_element_type3A, %cond3A : i32
      scf.if %cond3A_232 {
        %sub3A = arith.constant 2 : i32
        %sub3A_248 = arith.subi %scan3A_219, %sub3A : i32
        %rem3A_249 = arith.constant 4 : i32
        %rem3A_250 = arith.remsi %sub3A_248, %rem3A_249 : i32
        %sub3A_251 = arith.constant 2 : i32
        %sub3A_252 = arith.subi %scan3A_219, %sub3A_251 : i32
        %dma_wait3A_253 = arith.constant 0 : i32
        %dma_wait3A_254 = arith.constant 0 : i32
        %dma_wait3A_255 = tpu.memref_slice %arg9[%rem3A_250, %dma_wait3A_253, %dma_wait3A_254] : memref<4x64x128xf32, #tpu.memory_space<vmem>> -> memref<1x64x128xf32, #tpu.memory_space<vmem>>
        %dma_wait3A_256 = tpu.memref_squeeze %dma_wait3A_255 : memref<1x64x128xf32, #tpu.memory_space<vmem>> -> memref<64x128xf32, #tpu.memory_space<vmem>>
        %dma_wait3A_257 = arith.constant 0 : i32
        %dma_wait3A_258 = tpu.memref_slice %arg8[%sub3A_252, %dma_wait3A_257] : memref<40x64xi32, #tpu.memory_space<vmem>> -> memref<1x64xi32, #tpu.memory_space<vmem>>
        %dma_wait3A_259 = tpu.memref_squeeze %dma_wait3A_258 : memref<1x64xi32, #tpu.memory_space<vmem>> -> memref<64xi32, #tpu.memory_space<vmem>>
        %dma_wait3A_260 = arith.constant 0 : i32
        %dma_wait3A_261 = arith.constant 0 : i32
        %dma_wait3A_262 = tpu.memref_slice %arg10[%dma_wait3A_260, %dma_wait3A_261] : memref<10112x128xf32, #tpu.memory_space<vmem_shared>> -> memref<10112x128xf32, #tpu.memory_space<vmem_shared>>
        tpu.wait_indirect_dma semaphore(%arg12 : memref<!tpu.dma_semaphore, #tpu.memory_space<semaphore_mem>>) src(%dma_wait3A_256 : memref<64x128xf32, #tpu.memory_space<vmem>>) dst(%dma_wait3A_262 : memref<10112x128xf32, #tpu.memory_space<vmem_shared>>)
      } else {
      }
      %add3A = arith.constant 2 : i32
      %add3A_233 = arith.addi %scan3A_219, %add3A : i32
      %lt3A = arith.constant 38 : i32
      %lt3A_234 = arith.cmpi slt, %add3A_233, %lt3A : i32
      %convert_element_type3A_235 = arith.extui %lt3A_234 : i1 to i32
      %cond3A_236 = arith.constant 0 : i32
      %cond3A_237 = arith.cmpi ne, %convert_element_type3A_235, %cond3A_236 : i32
      scf.if %cond3A_237 {
        %add3A_248 = arith.constant 2 : i32
        %add3A_249 = arith.addi %scan3A_219, %add3A_248 : i32
        %add3A_250 = arith.constant 2 : i32
        %add3A_251 = arith.addi %scan3A_219, %add3A_250 : i32
        %rem3A_252 = arith.constant 4 : i32
        %rem3A_253 = arith.remsi %add3A_251, %rem3A_252 : i32
        %dma_start3A_254 = arith.constant 0 : i32
        %dma_start3A_255 = arith.constant 0 : i32
        %dma_start3A_256 = tpu.memref_slice %arg9[%rem3A_253, %dma_start3A_254, %dma_start3A_255] : memref<4x64x128xf32, #tpu.memory_space<vmem>> -> memref<1x64x128xf32, #tpu.memory_space<vmem>>
        %dma_start3A_257 = tpu.memref_squeeze %dma_start3A_256 : memref<1x64x128xf32, #tpu.memory_space<vmem>> -> memref<64x128xf32, #tpu.memory_space<vmem>>
        %dma_start3A_258 = arith.constant 0 : i32
        %dma_start3A_259 = tpu.memref_slice %arg7[%add3A_249, %dma_start3A_258] : memref<40x64xi32, #tpu.memory_space<vmem>> -> memref<1x64xi32, #tpu.memory_space<vmem>>
        %dma_start3A_260 = tpu.memref_squeeze %dma_start3A_259 : memref<1x64xi32, #tpu.memory_space<vmem>> -> memref<64xi32, #tpu.memory_space<vmem>>
        %dma_start3A_261 = arith.constant 0 : i32
        %dma_start3A_262 = arith.constant 0 : i32
        %dma_start3A_263 = tpu.memref_slice %arg2[%dma_start3A_261, %dma_start3A_262] : memref<10000x128xf32, #tpu.memory_space<hbm>> -> memref<10000x128xf32, #tpu.memory_space<hbm>>
        tpu.enqueue_indirect_dma source(%dma_start3A_263 : memref<10000x128xf32, #tpu.memory_space<hbm>>) target(%dma_start3A_257 : memref<64x128xf32, #tpu.memory_space<vmem>>) offsets(%dma_start3A_260 : memref<64xi32, #tpu.memory_space<vmem>>) semaphore(%arg11 : memref<!tpu.dma_semaphore, #tpu.memory_space<semaphore_mem>>)
      } else {
      }
      %dma_start3A_238 = arith.constant 0 : i32
      %dma_start3A_239 = arith.constant 0 : i32
      %dma_start3A_240 = tpu.memref_slice %arg9[%rem3A_220, %dma_start3A_238, %dma_start3A_239] : memref<4x64x128xf32, #tpu.memory_space<vmem>> -> memref<1x64x128xf32, #tpu.memory_space<vmem>>
      %dma_start3A_241 = tpu.memref_squeeze %dma_start3A_240 : memref<1x64x128xf32, #tpu.memory_space<vmem>> -> memref<64x128xf32, #tpu.memory_space<vmem>>
      %dma_start3A_242 = arith.constant 0 : i32
      %dma_start3A_243 = tpu.memref_slice %arg8[%scan3A_219, %dma_start3A_242] : memref<40x64xi32, #tpu.memory_space<vmem>> -> memref<1x64xi32, #tpu.memory_space<vmem>>
      %dma_start3A_244 = tpu.memref_squeeze %dma_start3A_243 : memref<1x64xi32, #tpu.memory_space<vmem>> -> memref<64xi32, #tpu.memory_space<vmem>>
      %dma_start3A_245 = arith.constant 0 : i32
      %dma_start3A_246 = arith.constant 0 : i32
      %dma_start3A_247 = tpu.memref_slice %arg10[%dma_start3A_245, %dma_start3A_246] : memref<10112x128xf32, #tpu.memory_space<vmem_shared>> -> memref<10112x128xf32, #tpu.memory_space<vmem_shared>>
      tpu.enqueue_indirect_dma source(%dma_start3A_241 : memref<64x128xf32, #tpu.memory_space<vmem>>) target(%dma_start3A_247 : memref<10112x128xf32, #tpu.memory_space<vmem_shared>>) offsets(%dma_start3A_244 : memref<64xi32, #tpu.memory_space<vmem>>) semaphore(%arg12 : memref<!tpu.dma_semaphore, #tpu.memory_space<semaphore_mem>>) {add = true}
    }
    %scan3A_189 = arith.constant 38 : i32
    %dma_wait3A_190 = arith.constant 0 : i32
    %dma_wait3A_191 = arith.constant 36 : i32
    %dma_wait3A_192 = arith.constant 0 : i32
    %dma_wait3A_193 = arith.constant 0 : i32
    %dma_wait3A_194 = tpu.memref_slice %arg9[%dma_wait3A_190, %dma_wait3A_192, %dma_wait3A_193] : memref<4x64x128xf32, #tpu.memory_space<vmem>> -> memref<1x64x128xf32, #tpu.memory_space<vmem>>
    %dma_wait3A_195 = tpu.memref_squeeze %dma_wait3A_194 : memref<1x64x128xf32, #tpu.memory_space<vmem>> -> memref<64x128xf32, #tpu.memory_space<vmem>>
    %dma_wait3A_196 = arith.constant 0 : i32
    %dma_wait3A_197 = tpu.memref_slice %arg8[%dma_wait3A_191, %dma_wait3A_196] : memref<40x64xi32, #tpu.memory_space<vmem>> -> memref<1x64xi32, #tpu.memory_space<vmem>>
    %dma_wait3A_198 = tpu.memref_squeeze %dma_wait3A_197 : memref<1x64xi32, #tpu.memory_space<vmem>> -> memref<64xi32, #tpu.memory_space<vmem>>
    %dma_wait3A_199 = arith.constant 0 : i32
    %dma_wait3A_200 = arith.constant 0 : i32
    %dma_wait3A_201 = tpu.memref_slice %arg10[%dma_wait3A_199, %dma_wait3A_200] : memref<10112x128xf32, #tpu.memory_space<vmem_shared>> -> memref<10112x128xf32, #tpu.memory_space<vmem_shared>>
    tpu.wait_indirect_dma semaphore(%arg12 : memref<!tpu.dma_semaphore, #tpu.memory_space<semaphore_mem>>) src(%dma_wait3A_195 : memref<64x128xf32, #tpu.memory_space<vmem>>) dst(%dma_wait3A_201 : memref<10112x128xf32, #tpu.memory_space<vmem_shared>>)
    %dma_wait3A_202 = arith.constant 1 : i32
    %dma_wait3A_203 = arith.constant 37 : i32
    %dma_wait3A_204 = arith.constant 0 : i32
    %dma_wait3A_205 = arith.constant 0 : i32
    %dma_wait3A_206 = tpu.memref_slice %arg9[%dma_wait3A_202, %dma_wait3A_204, %dma_wait3A_205] : memref<4x64x128xf32, #tpu.memory_space<vmem>> -> memref<1x64x128xf32, #tpu.memory_space<vmem>>
    %dma_wait3A_207 = tpu.memref_squeeze %dma_wait3A_206 : memref<1x64x128xf32, #tpu.memory_space<vmem>> -> memref<64x128xf32, #tpu.memory_space<vmem>>
    %dma_wait3A_208 = arith.constant 0 : i32
    %dma_wait3A_209 = tpu.memref_slice %arg8[%dma_wait3A_203, %dma_wait3A_208] : memref<40x64xi32, #tpu.memory_space<vmem>> -> memref<1x64xi32, #tpu.memory_space<vmem>>
    %dma_wait3A_210 = tpu.memref_squeeze %dma_wait3A_209 : memref<1x64xi32, #tpu.memory_space<vmem>> -> memref<64xi32, #tpu.memory_space<vmem>>
    %dma_wait3A_211 = arith.constant 0 : i32
    %dma_wait3A_212 = arith.constant 0 : i32
    %dma_wait3A_213 = tpu.memref_slice %arg10[%dma_wait3A_211, %dma_wait3A_212] : memref<10112x128xf32, #tpu.memory_space<vmem_shared>> -> memref<10112x128xf32, #tpu.memory_space<vmem_shared>>
    tpu.wait_indirect_dma semaphore(%arg12 : memref<!tpu.dma_semaphore, #tpu.memory_space<semaphore_mem>>) src(%dma_wait3A_207 : memref<64x128xf32, #tpu.memory_space<vmem>>) dst(%dma_wait3A_213 : memref<10112x128xf32, #tpu.memory_space<vmem_shared>>)
    %barrier3A_214 = arith.constant 0 : index
    tpu.barrier barrier_id(%barrier3A_214)
    %mul3A_215 = arith.constant 632 : i32
    %mul3A_216 = arith.muli %arg1, %mul3A_215 : i32
    %mul3A_217 = arith.constant 632 : i32
    %mul3A_218 = arith.muli %arg1, %mul3A_217 : i32
    "tpu.region"() ({
      %run_scoped3A = tpu.sem_alloc : memref<!tpu.dma_semaphore, #tpu.memory_space<semaphore_mem>>
      %dma_start3A_219 = arith.constant 0 : i32
      %dma_start3A_220 = tpu.memref_slice %arg6[%arg0, %mul3A_218, %dma_start3A_219] : memref<2x10112x128xf32, #tpu.memory_space<hbm>> -> memref<1x632x128xf32, #tpu.memory_space<hbm>>
      %dma_start3A_221 = tpu.memref_squeeze %dma_start3A_220 : memref<1x632x128xf32, #tpu.memory_space<hbm>> -> memref<632x128xf32, #tpu.memory_space<hbm>>
      %dma_start3A_222 = arith.constant 0 : i32
      %dma_start3A_223 = tpu.memref_slice %arg10[%mul3A_216, %dma_start3A_222] : memref<10112x128xf32, #tpu.memory_space<vmem_shared>> -> memref<632x128xf32, #tpu.memory_space<vmem_shared>>
      tpu.enqueue_dma source(%dma_start3A_223 : memref<632x128xf32, #tpu.memory_space<vmem_shared>>) target(%dma_start3A_221 : memref<632x128xf32, #tpu.memory_space<hbm>>) target_semaphore(%run_scoped3A : memref<!tpu.dma_semaphore, #tpu.memory_space<semaphore_mem>>)
      %dma_wait3A_224 = arith.constant 0 : i32
      %dma_wait3A_225 = tpu.memref_slice %arg6[%arg0, %mul3A_218, %dma_wait3A_224] : memref<2x10112x128xf32, #tpu.memory_space<hbm>> -> memref<1x632x128xf32, #tpu.memory_space<hbm>>
      %dma_wait3A_226 = tpu.memref_squeeze %dma_wait3A_225 : memref<1x632x128xf32, #tpu.memory_space<hbm>> -> memref<632x128xf32, #tpu.memory_space<hbm>>
      %dma_wait3A_227 = arith.constant 0 : i32
      %dma_wait3A_228 = tpu.memref_slice %arg10[%mul3A_216, %dma_wait3A_227] : memref<10112x128xf32, #tpu.memory_space<vmem_shared>> -> memref<632x128xf32, #tpu.memory_space<vmem_shared>>
      tpu.wait_dma2 semaphore(%run_scoped3A : memref<!tpu.dma_semaphore, #tpu.memory_space<semaphore_mem>>) src(%dma_wait3A_228 : memref<632x128xf32, #tpu.memory_space<vmem_shared>>) dst(%dma_wait3A_226 : memref<632x128xf32, #tpu.memory_space<hbm>>)
      tpu.yield
    }) : () -> ()
    return
  }
}

#map = affine_map<(d0, d1) -> (0, 0)>
#map1 = affine_map<(d0, d1) -> (0, 0, 0, 0)>
#map2 = affine_map<(d0, d1) -> (0, 0, 0)>
module attributes {stable_mosaic.version = 14 : i64} {
  func.func @agg_kernel(%arg0: i32, %arg1: i32, %arg2: memref<10000x128xf32, #tpu.memory_space<hbm>>, %arg3: memref<2x16x158x64xi32, #tpu.memory_space<hbm>>, %arg4: memref<2x16x158x64xi32, #tpu.memory_space<hbm>>, %arg5: memref<632x128xf32, #tpu.memory_space<hbm>>, %arg6: memref<2x10112x128xf32, #tpu.memory_space<hbm>>, %arg7: memref<40x64xi32, #tpu.memory_space<vmem>>, %arg8: memref<40x64xi32, #tpu.memory_space<vmem>>, %arg9: memref<4x64x128xf32, #tpu.memory_space<vmem>>, %arg10: memref<10112x128xf32, #tpu.memory_space<vmem_shared>>, %arg11: memref<!tpu.dma_semaphore, #tpu.memory_space<semaphore_mem>>, %arg12: memref<!tpu.dma_semaphore, #tpu.memory_space<semaphore_mem>>) attributes {dimension_semantics = [#tpu.dimension_semantics<core_parallel>, #tpu.dimension_semantics<subcore_parallel>], iteration_bounds = array<i64: 2, 16>, scalar_prefetch = 0 : i64, scratch_operands = 6 : i64, tpu.core_type = #tpu.core_type<sc_vector_subcore>, window_params = [{transform_indices = #map}, {transform_indices = #map1}, {transform_indices = #map1}, {transform_indices = #map}, {transform_indices = #map2}]} {
    %mul3A = arith.constant 632 : i32
    %mul3A_0 = arith.muli %arg1, %mul3A : i32
    "tpu.region"() ({
      %run_scoped3A = tpu.sem_alloc : memref<!tpu.dma_semaphore, #tpu.memory_space<semaphore_mem>>
      %dma_start3A_219 = arith.constant 0 : i32
      %dma_start3A_220 = tpu.memref_slice %arg10[%mul3A_0, %dma_start3A_219] : memref<10112x128xf32, #tpu.memory_space<vmem_shared>> -> memref<632x128xf32, #tpu.memory_space<vmem_shared>>
      tpu.enqueue_dma source(%arg5 : memref<632x128xf32, #tpu.memory_space<hbm>>) target(%dma_start3A_220 : memref<632x128xf32, #tpu.memory_space<vmem_shared>>) target_semaphore(%run_scoped3A : memref<!tpu.dma_semaphore, #tpu.memory_space<semaphore_mem>>)
      %dma_wait3A_221 = arith.constant 0 : i32
      %dma_wait3A_222 = tpu.memref_slice %arg10[%mul3A_0, %dma_wait3A_221] : memref<10112x128xf32, #tpu.memory_space<vmem_shared>> -> memref<632x128xf32, #tpu.memory_space<vmem_shared>>
      tpu.wait_dma2 semaphore(%run_scoped3A : memref<!tpu.dma_semaphore, #tpu.memory_space<semaphore_mem>>) src(%arg5 : memref<632x128xf32, #tpu.memory_space<hbm>>) dst(%dma_wait3A_222 : memref<632x128xf32, #tpu.memory_space<vmem_shared>>)
      tpu.yield
    }) : () -> ()
    %barrier3A = arith.constant 0 : index
    tpu.barrier barrier_id(%barrier3A)
    "tpu.region"() ({
      %run_scoped3A = tpu.sem_alloc : memref<!tpu.dma_semaphore, #tpu.memory_space<semaphore_mem>>
      %dma_start3A_219 = arith.constant 0 : i32
      %dma_start3A_220 = arith.constant 0 : i32
      %dma_start3A_221 = tpu.memref_slice %arg7[%dma_start3A_219, %dma_start3A_220] : memref<40x64xi32, #tpu.memory_space<vmem>> -> memref<40x64xi32, #tpu.memory_space<vmem>>
      %dma_start3A_222 = arith.constant 0 : i32
      %dma_start3A_223 = arith.constant 0 : i32
      %dma_start3A_224 = tpu.memref_slice %arg3[%arg0, %arg1, %dma_start3A_222, %dma_start3A_223] : memref<2x16x158x64xi32, #tpu.memory_space<hbm>> -> memref<1x1x40x64xi32, #tpu.memory_space<hbm>>
      %dma_start3A_225 = tpu.memref_squeeze %dma_start3A_224 : memref<1x1x40x64xi32, #tpu.memory_space<hbm>> -> memref<40x64xi32, #tpu.memory_space<hbm>>
      %dma_start3A_226 = arith.constant 0 : i32
      %dma_start3A_227 = arith.constant 0 : i32
      %dma_start3A_228 = tpu.memref_slice %arg7[%dma_start3A_226, %dma_start3A_227] : memref<40x64xi32, #tpu.memory_space<vmem>> -> memref<40x64xi32, #tpu.memory_space<vmem>>
      %dma_start3A_229 = arith.constant 0 : i32
      %dma_start3A_230 = arith.constant 0 : i32
      %dma_start3A_231 = tpu.memref_slice %arg3[%arg0, %arg1, %dma_start3A_229, %dma_start3A_230] : memref<2x16x158x64xi32, #tpu.memory_space<hbm>> -> memref<1x1x40x64xi32, #tpu.memory_space<hbm>>
      %dma_start3A_232 = tpu.memref_squeeze %dma_start3A_231 : memref<1x1x40x64xi32, #tpu.memory_space<hbm>> -> memref<40x64xi32, #tpu.memory_space<hbm>>
      tpu.enqueue_dma source(%dma_start3A_232 : memref<40x64xi32, #tpu.memory_space<hbm>>) target(%dma_start3A_228 : memref<40x64xi32, #tpu.memory_space<vmem>>) target_semaphore(%run_scoped3A : memref<!tpu.dma_semaphore, #tpu.memory_space<semaphore_mem>>)
      %dma_wait3A_233 = arith.constant 0 : i32
      %dma_wait3A_234 = arith.constant 0 : i32
      %dma_wait3A_235 = tpu.memref_slice %arg7[%dma_wait3A_233, %dma_wait3A_234] : memref<40x64xi32, #tpu.memory_space<vmem>> -> memref<40x64xi32, #tpu.memory_space<vmem>>
      %dma_wait3A_236 = arith.constant 0 : i32
      %dma_wait3A_237 = arith.constant 0 : i32
      %dma_wait3A_238 = tpu.memref_slice %arg3[%arg0, %arg1, %dma_wait3A_236, %dma_wait3A_237] : memref<2x16x158x64xi32, #tpu.memory_space<hbm>> -> memref<1x1x40x64xi32, #tpu.memory_space<hbm>>
      %dma_wait3A_239 = tpu.memref_squeeze %dma_wait3A_238 : memref<1x1x40x64xi32, #tpu.memory_space<hbm>> -> memref<40x64xi32, #tpu.memory_space<hbm>>
      %dma_wait3A_240 = arith.constant 0 : i32
      %dma_wait3A_241 = arith.constant 0 : i32
      %dma_wait3A_242 = tpu.memref_slice %arg7[%dma_wait3A_240, %dma_wait3A_241] : memref<40x64xi32, #tpu.memory_space<vmem>> -> memref<40x64xi32, #tpu.memory_space<vmem>>
      %dma_wait3A_243 = arith.constant 0 : i32
      %dma_wait3A_244 = arith.constant 0 : i32
      %dma_wait3A_245 = tpu.memref_slice %arg3[%arg0, %arg1, %dma_wait3A_243, %dma_wait3A_244] : memref<2x16x158x64xi32, #tpu.memory_space<hbm>> -> memref<1x1x40x64xi32, #tpu.memory_space<hbm>>
      %dma_wait3A_246 = tpu.memref_squeeze %dma_wait3A_245 : memref<1x1x40x64xi32, #tpu.memory_space<hbm>> -> memref<40x64xi32, #tpu.memory_space<hbm>>
      tpu.wait_dma2 semaphore(%run_scoped3A : memref<!tpu.dma_semaphore, #tpu.memory_space<semaphore_mem>>) src(%dma_wait3A_246 : memref<40x64xi32, #tpu.memory_space<hbm>>) dst(%dma_wait3A_242 : memref<40x64xi32, #tpu.memory_space<vmem>>)
      tpu.yield
    }) : () -> ()
    "tpu.region"() ({
      %run_scoped3A = tpu.sem_alloc : memref<!tpu.dma_semaphore, #tpu.memory_space<semaphore_mem>>
      %dma_start3A_219 = arith.constant 0 : i32
      %dma_start3A_220 = arith.constant 0 : i32
      %dma_start3A_221 = tpu.memref_slice %arg8[%dma_start3A_219, %dma_start3A_220] : memref<40x64xi32, #tpu.memory_space<vmem>> -> memref<40x64xi32, #tpu.memory_space<vmem>>
      %dma_start3A_222 = arith.constant 0 : i32
      %dma_start3A_223 = arith.constant 0 : i32
      %dma_start3A_224 = tpu.memref_slice %arg4[%arg0, %arg1, %dma_start3A_222, %dma_start3A_223] : memref<2x16x158x64xi32, #tpu.memory_space<hbm>> -> memref<1x1x40x64xi32, #tpu.memory_space<hbm>>
      %dma_start3A_225 = tpu.memref_squeeze %dma_start3A_224 : memref<1x1x40x64xi32, #tpu.memory_space<hbm>> -> memref<40x64xi32, #tpu.memory_space<hbm>>
      %dma_start3A_226 = arith.constant 0 : i32
      %dma_start3A_227 = arith.constant 0 : i32
      %dma_start3A_228 = tpu.memref_slice %arg8[%dma_start3A_226, %dma_start3A_227] : memref<40x64xi32, #tpu.memory_space<vmem>> -> memref<40x64xi32, #tpu.memory_space<vmem>>
      %dma_start3A_229 = arith.constant 0 : i32
      %dma_start3A_230 = arith.constant 0 : i32
      %dma_start3A_231 = tpu.memref_slice %arg4[%arg0, %arg1, %dma_start3A_229, %dma_start3A_230] : memref<2x16x158x64xi32, #tpu.memory_space<hbm>> -> memref<1x1x40x64xi32, #tpu.memory_space<hbm>>
      %dma_start3A_232 = tpu.memref_squeeze %dma_start3A_231 : memref<1x1x40x64xi32, #tpu.memory_space<hbm>> -> memref<40x64xi32, #tpu.memory_space<hbm>>
      tpu.enqueue_dma source(%dma_start3A_232 : memref<40x64xi32, #tpu.memory_space<hbm>>) target(%dma_start3A_228 : memref<40x64xi32, #tpu.memory_space<vmem>>) target_semaphore(%run_scoped3A : memref<!tpu.dma_semaphore, #tpu.memory_space<semaphore_mem>>)
      %dma_wait3A_233 = arith.constant 0 : i32
      %dma_wait3A_234 = arith.constant 0 : i32
      %dma_wait3A_235 = tpu.memref_slice %arg8[%dma_wait3A_233, %dma_wait3A_234] : memref<40x64xi32, #tpu.memory_space<vmem>> -> memref<40x64xi32, #tpu.memory_space<vmem>>
      %dma_wait3A_236 = arith.constant 0 : i32
      %dma_wait3A_237 = arith.constant 0 : i32
      %dma_wait3A_238 = tpu.memref_slice %arg4[%arg0, %arg1, %dma_wait3A_236, %dma_wait3A_237] : memref<2x16x158x64xi32, #tpu.memory_space<hbm>> -> memref<1x1x40x64xi32, #tpu.memory_space<hbm>>
      %dma_wait3A_239 = tpu.memref_squeeze %dma_wait3A_238 : memref<1x1x40x64xi32, #tpu.memory_space<hbm>> -> memref<40x64xi32, #tpu.memory_space<hbm>>
      %dma_wait3A_240 = arith.constant 0 : i32
      %dma_wait3A_241 = arith.constant 0 : i32
      %dma_wait3A_242 = tpu.memref_slice %arg8[%dma_wait3A_240, %dma_wait3A_241] : memref<40x64xi32, #tpu.memory_space<vmem>> -> memref<40x64xi32, #tpu.memory_space<vmem>>
      %dma_wait3A_243 = arith.constant 0 : i32
      %dma_wait3A_244 = arith.constant 0 : i32
      %dma_wait3A_245 = tpu.memref_slice %arg4[%arg0, %arg1, %dma_wait3A_243, %dma_wait3A_244] : memref<2x16x158x64xi32, #tpu.memory_space<hbm>> -> memref<1x1x40x64xi32, #tpu.memory_space<hbm>>
      %dma_wait3A_246 = tpu.memref_squeeze %dma_wait3A_245 : memref<1x1x40x64xi32, #tpu.memory_space<hbm>> -> memref<40x64xi32, #tpu.memory_space<hbm>>
      tpu.wait_dma2 semaphore(%run_scoped3A : memref<!tpu.dma_semaphore, #tpu.memory_space<semaphore_mem>>) src(%dma_wait3A_246 : memref<40x64xi32, #tpu.memory_space<hbm>>) dst(%dma_wait3A_242 : memref<40x64xi32, #tpu.memory_space<vmem>>)
      tpu.yield
    }) : () -> ()
    %dma_start3A = arith.constant 0 : i32
    %dma_start3A_1 = arith.constant 0 : i32
    %dma_start3A_2 = arith.constant 0 : i32
    %dma_start3A_3 = arith.constant 0 : i32
    %dma_start3A_4 = tpu.memref_slice %arg9[%dma_start3A_1, %dma_start3A_2, %dma_start3A_3] : memref<4x64x128xf32, #tpu.memory_space<vmem>> -> memref<1x64x128xf32, #tpu.memory_space<vmem>>
    %dma_start3A_5 = tpu.memref_squeeze %dma_start3A_4 : memref<1x64x128xf32, #tpu.memory_space<vmem>> -> memref<64x128xf32, #tpu.memory_space<vmem>>
    %dma_start3A_6 = arith.constant 0 : i32
    %dma_start3A_7 = tpu.memref_slice %arg7[%dma_start3A, %dma_start3A_6] : memref<40x64xi32, #tpu.memory_space<vmem>> -> memref<1x64xi32, #tpu.memory_space<vmem>>
    %dma_start3A_8 = tpu.memref_squeeze %dma_start3A_7 : memref<1x64xi32, #tpu.memory_space<vmem>> -> memref<64xi32, #tpu.memory_space<vmem>>
    %dma_start3A_9 = arith.constant 0 : i32
    %dma_start3A_10 = arith.constant 0 : i32
    %dma_start3A_11 = tpu.memref_slice %arg2[%dma_start3A_9, %dma_start3A_10] : memref<10000x128xf32, #tpu.memory_space<hbm>> -> memref<10000x128xf32, #tpu.memory_space<hbm>>
    tpu.enqueue_indirect_dma source(%dma_start3A_11 : memref<10000x128xf32, #tpu.memory_space<hbm>>) target(%dma_start3A_5 : memref<64x128xf32, #tpu.memory_space<vmem>>) offsets(%dma_start3A_8 : memref<64xi32, #tpu.memory_space<vmem>>) semaphore(%arg11 : memref<!tpu.dma_semaphore, #tpu.memory_space<semaphore_mem>>)
    %dma_start3A_12 = arith.constant 1 : i32
    %dma_start3A_13 = arith.constant 1 : i32
    %dma_start3A_14 = arith.constant 0 : i32
    %dma_start3A_15 = arith.constant 0 : i32
    %dma_start3A_16 = tpu.memref_slice %arg9[%dma_start3A_13, %dma_start3A_14, %dma_start3A_15] : memref<4x64x128xf32, #tpu.memory_space<vmem>> -> memref<1x64x128xf32, #tpu.memory_space<vmem>>
    %dma_start3A_17 = tpu.memref_squeeze %dma_start3A_16 : memref<1x64x128xf32, #tpu.memory_space<vmem>> -> memref<64x128xf32, #tpu.memory_space<vmem>>
    %dma_start3A_18 = arith.constant 0 : i32
    %dma_start3A_19 = tpu.memref_slice %arg7[%dma_start3A_12, %dma_start3A_18] : memref<40x64xi32, #tpu.memory_space<vmem>> -> memref<1x64xi32, #tpu.memory_space<vmem>>
    %dma_start3A_20 = tpu.memref_squeeze %dma_start3A_19 : memref<1x64xi32, #tpu.memory_space<vmem>> -> memref<64xi32, #tpu.memory_space<vmem>>
    %dma_start3A_21 = arith.constant 0 : i32
    %dma_start3A_22 = arith.constant 0 : i32
    %dma_start3A_23 = tpu.memref_slice %arg2[%dma_start3A_21, %dma_start3A_22] : memref<10000x128xf32, #tpu.memory_space<hbm>> -> memref<10000x128xf32, #tpu.memory_space<hbm>>
    tpu.enqueue_indirect_dma source(%dma_start3A_23 : memref<10000x128xf32, #tpu.memory_space<hbm>>) target(%dma_start3A_17 : memref<64x128xf32, #tpu.memory_space<vmem>>) offsets(%dma_start3A_20 : memref<64xi32, #tpu.memory_space<vmem>>) semaphore(%arg11 : memref<!tpu.dma_semaphore, #tpu.memory_space<semaphore_mem>>)
    %scan3A = arith.constant 0 : i32
    %scan3A_24 = arith.constant 0 : i32
    %scan3A_25 = arith.constant 40 : i32
    %scan3A_26 = arith.addi %scan3A_24, %scan3A_25 : i32
    %scan3A_27 = arith.constant 1 : i32
    scf.for %scan3A_219 = %scan3A_24 to %scan3A_26 step %scan3A_27  : i32 {
      %rem3A = arith.constant 4 : i32
      %rem3A_220 = arith.remsi %scan3A_219, %rem3A : i32
      %dma_wait3A_221 = arith.constant 0 : i32
      %dma_wait3A_222 = arith.constant 0 : i32
      %dma_wait3A_223 = tpu.memref_slice %arg9[%rem3A_220, %dma_wait3A_221, %dma_wait3A_222] : memref<4x64x128xf32, #tpu.memory_space<vmem>> -> memref<1x64x128xf32, #tpu.memory_space<vmem>>
      %dma_wait3A_224 = tpu.memref_squeeze %dma_wait3A_223 : memref<1x64x128xf32, #tpu.memory_space<vmem>> -> memref<64x128xf32, #tpu.memory_space<vmem>>
      %dma_wait3A_225 = arith.constant 0 : i32
      %dma_wait3A_226 = tpu.memref_slice %arg7[%scan3A_219, %dma_wait3A_225] : memref<40x64xi32, #tpu.memory_space<vmem>> -> memref<1x64xi32, #tpu.memory_space<vmem>>
      %dma_wait3A_227 = tpu.memref_squeeze %dma_wait3A_226 : memref<1x64xi32, #tpu.memory_space<vmem>> -> memref<64xi32, #tpu.memory_space<vmem>>
      %dma_wait3A_228 = arith.constant 0 : i32
      %dma_wait3A_229 = arith.constant 0 : i32
      %dma_wait3A_230 = tpu.memref_slice %arg2[%dma_wait3A_228, %dma_wait3A_229] : memref<10000x128xf32, #tpu.memory_space<hbm>> -> memref<10000x128xf32, #tpu.memory_space<hbm>>
      tpu.wait_indirect_dma semaphore(%arg11 : memref<!tpu.dma_semaphore, #tpu.memory_space<semaphore_mem>>) src(%dma_wait3A_230 : memref<10000x128xf32, #tpu.memory_space<hbm>>) dst(%dma_wait3A_224 : memref<64x128xf32, #tpu.memory_space<vmem>>)
      %gt3A = arith.constant 1 : i32
      %gt3A_231 = arith.cmpi sgt, %scan3A_219, %gt3A : i32
      %convert_element_type3A = arith.extui %gt3A_231 : i1 to i32
      %cond3A = arith.constant 0 : i32
      %cond3A_232 = arith.cmpi ne, %convert_element_type3A, %cond3A : i32
      scf.if %cond3A_232 {
        %sub3A = arith.constant 2 : i32
        %sub3A_248 = arith.subi %scan3A_219, %sub3A : i32
        %rem3A_249 = arith.constant 4 : i32
        %rem3A_250 = arith.remsi %sub3A_248, %rem3A_249 : i32
        %sub3A_251 = arith.constant 2 : i32
        %sub3A_252 = arith.subi %scan3A_219, %sub3A_251 : i32
        %dma_wait3A_253 = arith.constant 0 : i32
        %dma_wait3A_254 = arith.constant 0 : i32
        %dma_wait3A_255 = tpu.memref_slice %arg9[%rem3A_250, %dma_wait3A_253, %dma_wait3A_254] : memref<4x64x128xf32, #tpu.memory_space<vmem>> -> memref<1x64x128xf32, #tpu.memory_space<vmem>>
        %dma_wait3A_256 = tpu.memref_squeeze %dma_wait3A_255 : memref<1x64x128xf32, #tpu.memory_space<vmem>> -> memref<64x128xf32, #tpu.memory_space<vmem>>
        %dma_wait3A_257 = arith.constant 0 : i32
        %dma_wait3A_258 = tpu.memref_slice %arg8[%sub3A_252, %dma_wait3A_257] : memref<40x64xi32, #tpu.memory_space<vmem>> -> memref<1x64xi32, #tpu.memory_space<vmem>>
        %dma_wait3A_259 = tpu.memref_squeeze %dma_wait3A_258 : memref<1x64xi32, #tpu.memory_space<vmem>> -> memref<64xi32, #tpu.memory_space<vmem>>
        %dma_wait3A_260 = arith.constant 0 : i32
        %dma_wait3A_261 = arith.constant 0 : i32
        %dma_wait3A_262 = tpu.memref_slice %arg10[%dma_wait3A_260, %dma_wait3A_261] : memref<10112x128xf32, #tpu.memory_space<vmem_shared>> -> memref<10112x128xf32, #tpu.memory_space<vmem_shared>>
        tpu.wait_indirect_dma semaphore(%arg12 : memref<!tpu.dma_semaphore, #tpu.memory_space<semaphore_mem>>) src(%dma_wait3A_256 : memref<64x128xf32, #tpu.memory_space<vmem>>) dst(%dma_wait3A_262 : memref<10112x128xf32, #tpu.memory_space<vmem_shared>>)
      } else {
      }
      %add3A = arith.constant 2 : i32
      %add3A_233 = arith.addi %scan3A_219, %add3A : i32
      %lt3A = arith.constant 40 : i32
      %lt3A_234 = arith.cmpi slt, %add3A_233, %lt3A : i32
      %convert_element_type3A_235 = arith.extui %lt3A_234 : i1 to i32
      %cond3A_236 = arith.constant 0 : i32
      %cond3A_237 = arith.cmpi ne, %convert_element_type3A_235, %cond3A_236 : i32
      scf.if %cond3A_237 {
        %add3A_248 = arith.constant 2 : i32
        %add3A_249 = arith.addi %scan3A_219, %add3A_248 : i32
        %add3A_250 = arith.constant 2 : i32
        %add3A_251 = arith.addi %scan3A_219, %add3A_250 : i32
        %rem3A_252 = arith.constant 4 : i32
        %rem3A_253 = arith.remsi %add3A_251, %rem3A_252 : i32
        %dma_start3A_254 = arith.constant 0 : i32
        %dma_start3A_255 = arith.constant 0 : i32
        %dma_start3A_256 = tpu.memref_slice %arg9[%rem3A_253, %dma_start3A_254, %dma_start3A_255] : memref<4x64x128xf32, #tpu.memory_space<vmem>> -> memref<1x64x128xf32, #tpu.memory_space<vmem>>
        %dma_start3A_257 = tpu.memref_squeeze %dma_start3A_256 : memref<1x64x128xf32, #tpu.memory_space<vmem>> -> memref<64x128xf32, #tpu.memory_space<vmem>>
        %dma_start3A_258 = arith.constant 0 : i32
        %dma_start3A_259 = tpu.memref_slice %arg7[%add3A_249, %dma_start3A_258] : memref<40x64xi32, #tpu.memory_space<vmem>> -> memref<1x64xi32, #tpu.memory_space<vmem>>
        %dma_start3A_260 = tpu.memref_squeeze %dma_start3A_259 : memref<1x64xi32, #tpu.memory_space<vmem>> -> memref<64xi32, #tpu.memory_space<vmem>>
        %dma_start3A_261 = arith.constant 0 : i32
        %dma_start3A_262 = arith.constant 0 : i32
        %dma_start3A_263 = tpu.memref_slice %arg2[%dma_start3A_261, %dma_start3A_262] : memref<10000x128xf32, #tpu.memory_space<hbm>> -> memref<10000x128xf32, #tpu.memory_space<hbm>>
        tpu.enqueue_indirect_dma source(%dma_start3A_263 : memref<10000x128xf32, #tpu.memory_space<hbm>>) target(%dma_start3A_257 : memref<64x128xf32, #tpu.memory_space<vmem>>) offsets(%dma_start3A_260 : memref<64xi32, #tpu.memory_space<vmem>>) semaphore(%arg11 : memref<!tpu.dma_semaphore, #tpu.memory_space<semaphore_mem>>)
      } else {
      }
      %dma_start3A_238 = arith.constant 0 : i32
      %dma_start3A_239 = arith.constant 0 : i32
      %dma_start3A_240 = tpu.memref_slice %arg9[%rem3A_220, %dma_start3A_238, %dma_start3A_239] : memref<4x64x128xf32, #tpu.memory_space<vmem>> -> memref<1x64x128xf32, #tpu.memory_space<vmem>>
      %dma_start3A_241 = tpu.memref_squeeze %dma_start3A_240 : memref<1x64x128xf32, #tpu.memory_space<vmem>> -> memref<64x128xf32, #tpu.memory_space<vmem>>
      %dma_start3A_242 = arith.constant 0 : i32
      %dma_start3A_243 = tpu.memref_slice %arg8[%scan3A_219, %dma_start3A_242] : memref<40x64xi32, #tpu.memory_space<vmem>> -> memref<1x64xi32, #tpu.memory_space<vmem>>
      %dma_start3A_244 = tpu.memref_squeeze %dma_start3A_243 : memref<1x64xi32, #tpu.memory_space<vmem>> -> memref<64xi32, #tpu.memory_space<vmem>>
      %dma_start3A_245 = arith.constant 0 : i32
      %dma_start3A_246 = arith.constant 0 : i32
      %dma_start3A_247 = tpu.memref_slice %arg10[%dma_start3A_245, %dma_start3A_246] : memref<10112x128xf32, #tpu.memory_space<vmem_shared>> -> memref<10112x128xf32, #tpu.memory_space<vmem_shared>>
      tpu.enqueue_indirect_dma source(%dma_start3A_241 : memref<64x128xf32, #tpu.memory_space<vmem>>) target(%dma_start3A_247 : memref<10112x128xf32, #tpu.memory_space<vmem_shared>>) offsets(%dma_start3A_244 : memref<64xi32, #tpu.memory_space<vmem>>) semaphore(%arg12 : memref<!tpu.dma_semaphore, #tpu.memory_space<semaphore_mem>>) {add = true}
    }
    %scan3A_28 = arith.constant 40 : i32
    %dma_wait3A = arith.constant 2 : i32
    %dma_wait3A_29 = arith.constant 38 : i32
    %dma_wait3A_30 = arith.constant 0 : i32
    %dma_wait3A_31 = arith.constant 0 : i32
    %dma_wait3A_32 = tpu.memref_slice %arg9[%dma_wait3A, %dma_wait3A_30, %dma_wait3A_31] : memref<4x64x128xf32, #tpu.memory_space<vmem>> -> memref<1x64x128xf32, #tpu.memory_space<vmem>>
    %dma_wait3A_33 = tpu.memref_squeeze %dma_wait3A_32 : memref<1x64x128xf32, #tpu.memory_space<vmem>> -> memref<64x128xf32, #tpu.memory_space<vmem>>
    %dma_wait3A_34 = arith.constant 0 : i32
    %dma_wait3A_35 = tpu.memref_slice %arg8[%dma_wait3A_29, %dma_wait3A_34] : memref<40x64xi32, #tpu.memory_space<vmem>> -> memref<1x64xi32, #tpu.memory_space<vmem>>
    %dma_wait3A_36 = tpu.memref_squeeze %dma_wait3A_35 : memref<1x64xi32, #tpu.memory_space<vmem>> -> memref<64xi32, #tpu.memory_space<vmem>>
    %dma_wait3A_37 = arith.constant 0 : i32
    %dma_wait3A_38 = arith.constant 0 : i32
    %dma_wait3A_39 = tpu.memref_slice %arg10[%dma_wait3A_37, %dma_wait3A_38] : memref<10112x128xf32, #tpu.memory_space<vmem_shared>> -> memref<10112x128xf32, #tpu.memory_space<vmem_shared>>
    tpu.wait_indirect_dma semaphore(%arg12 : memref<!tpu.dma_semaphore, #tpu.memory_space<semaphore_mem>>) src(%dma_wait3A_33 : memref<64x128xf32, #tpu.memory_space<vmem>>) dst(%dma_wait3A_39 : memref<10112x128xf32, #tpu.memory_space<vmem_shared>>)
    %dma_wait3A_40 = arith.constant 3 : i32
    %dma_wait3A_41 = arith.constant 39 : i32
    %dma_wait3A_42 = arith.constant 0 : i32
    %dma_wait3A_43 = arith.constant 0 : i32
    %dma_wait3A_44 = tpu.memref_slice %arg9[%dma_wait3A_40, %dma_wait3A_42, %dma_wait3A_43] : memref<4x64x128xf32, #tpu.memory_space<vmem>> -> memref<1x64x128xf32, #tpu.memory_space<vmem>>
    %dma_wait3A_45 = tpu.memref_squeeze %dma_wait3A_44 : memref<1x64x128xf32, #tpu.memory_space<vmem>> -> memref<64x128xf32, #tpu.memory_space<vmem>>
    %dma_wait3A_46 = arith.constant 0 : i32
    %dma_wait3A_47 = tpu.memref_slice %arg8[%dma_wait3A_41, %dma_wait3A_46] : memref<40x64xi32, #tpu.memory_space<vmem>> -> memref<1x64xi32, #tpu.memory_space<vmem>>
    %dma_wait3A_48 = tpu.memref_squeeze %dma_wait3A_47 : memref<1x64xi32, #tpu.memory_space<vmem>> -> memref<64xi32, #tpu.memory_space<vmem>>
    %dma_wait3A_49 = arith.constant 0 : i32
    %dma_wait3A_50 = arith.constant 0 : i32
    %dma_wait3A_51 = tpu.memref_slice %arg10[%dma_wait3A_49, %dma_wait3A_50] : memref<10112x128xf32, #tpu.memory_space<vmem_shared>> -> memref<10112x128xf32, #tpu.memory_space<vmem_shared>>
    tpu.wait_indirect_dma semaphore(%arg12 : memref<!tpu.dma_semaphore, #tpu.memory_space<semaphore_mem>>) src(%dma_wait3A_45 : memref<64x128xf32, #tpu.memory_space<vmem>>) dst(%dma_wait3A_51 : memref<10112x128xf32, #tpu.memory_space<vmem_shared>>)
    "tpu.region"() ({
      %run_scoped3A = tpu.sem_alloc : memref<!tpu.dma_semaphore, #tpu.memory_space<semaphore_mem>>
      %dma_start3A_219 = arith.constant 0 : i32
      %dma_start3A_220 = arith.constant 0 : i32
      %dma_start3A_221 = tpu.memref_slice %arg7[%dma_start3A_219, %dma_start3A_220] : memref<40x64xi32, #tpu.memory_space<vmem>> -> memref<40x64xi32, #tpu.memory_space<vmem>>
      %dma_start3A_222 = arith.constant 40 : i32
      %dma_start3A_223 = arith.constant 0 : i32
      %dma_start3A_224 = tpu.memref_slice %arg3[%arg0, %arg1, %dma_start3A_222, %dma_start3A_223] : memref<2x16x158x64xi32, #tpu.memory_space<hbm>> -> memref<1x1x40x64xi32, #tpu.memory_space<hbm>>
      %dma_start3A_225 = tpu.memref_squeeze %dma_start3A_224 : memref<1x1x40x64xi32, #tpu.memory_space<hbm>> -> memref<40x64xi32, #tpu.memory_space<hbm>>
      %dma_start3A_226 = arith.constant 0 : i32
      %dma_start3A_227 = arith.constant 0 : i32
      %dma_start3A_228 = tpu.memref_slice %arg7[%dma_start3A_226, %dma_start3A_227] : memref<40x64xi32, #tpu.memory_space<vmem>> -> memref<40x64xi32, #tpu.memory_space<vmem>>
      %dma_start3A_229 = arith.constant 40 : i32
      %dma_start3A_230 = arith.constant 0 : i32
      %dma_start3A_231 = tpu.memref_slice %arg3[%arg0, %arg1, %dma_start3A_229, %dma_start3A_230] : memref<2x16x158x64xi32, #tpu.memory_space<hbm>> -> memref<1x1x40x64xi32, #tpu.memory_space<hbm>>
      %dma_start3A_232 = tpu.memref_squeeze %dma_start3A_231 : memref<1x1x40x64xi32, #tpu.memory_space<hbm>> -> memref<40x64xi32, #tpu.memory_space<hbm>>
      tpu.enqueue_dma source(%dma_start3A_232 : memref<40x64xi32, #tpu.memory_space<hbm>>) target(%dma_start3A_228 : memref<40x64xi32, #tpu.memory_space<vmem>>) target_semaphore(%run_scoped3A : memref<!tpu.dma_semaphore, #tpu.memory_space<semaphore_mem>>)
      %dma_wait3A_233 = arith.constant 0 : i32
      %dma_wait3A_234 = arith.constant 0 : i32
      %dma_wait3A_235 = tpu.memref_slice %arg7[%dma_wait3A_233, %dma_wait3A_234] : memref<40x64xi32, #tpu.memory_space<vmem>> -> memref<40x64xi32, #tpu.memory_space<vmem>>
      %dma_wait3A_236 = arith.constant 40 : i32
      %dma_wait3A_237 = arith.constant 0 : i32
      %dma_wait3A_238 = tpu.memref_slice %arg3[%arg0, %arg1, %dma_wait3A_236, %dma_wait3A_237] : memref<2x16x158x64xi32, #tpu.memory_space<hbm>> -> memref<1x1x40x64xi32, #tpu.memory_space<hbm>>
      %dma_wait3A_239 = tpu.memref_squeeze %dma_wait3A_238 : memref<1x1x40x64xi32, #tpu.memory_space<hbm>> -> memref<40x64xi32, #tpu.memory_space<hbm>>
      %dma_wait3A_240 = arith.constant 0 : i32
      %dma_wait3A_241 = arith.constant 0 : i32
      %dma_wait3A_242 = tpu.memref_slice %arg7[%dma_wait3A_240, %dma_wait3A_241] : memref<40x64xi32, #tpu.memory_space<vmem>> -> memref<40x64xi32, #tpu.memory_space<vmem>>
      %dma_wait3A_243 = arith.constant 40 : i32
      %dma_wait3A_244 = arith.constant 0 : i32
      %dma_wait3A_245 = tpu.memref_slice %arg3[%arg0, %arg1, %dma_wait3A_243, %dma_wait3A_244] : memref<2x16x158x64xi32, #tpu.memory_space<hbm>> -> memref<1x1x40x64xi32, #tpu.memory_space<hbm>>
      %dma_wait3A_246 = tpu.memref_squeeze %dma_wait3A_245 : memref<1x1x40x64xi32, #tpu.memory_space<hbm>> -> memref<40x64xi32, #tpu.memory_space<hbm>>
      tpu.wait_dma2 semaphore(%run_scoped3A : memref<!tpu.dma_semaphore, #tpu.memory_space<semaphore_mem>>) src(%dma_wait3A_246 : memref<40x64xi32, #tpu.memory_space<hbm>>) dst(%dma_wait3A_242 : memref<40x64xi32, #tpu.memory_space<vmem>>)
      tpu.yield
    }) : () -> ()
    "tpu.region"() ({
      %run_scoped3A = tpu.sem_alloc : memref<!tpu.dma_semaphore, #tpu.memory_space<semaphore_mem>>
      %dma_start3A_219 = arith.constant 0 : i32
      %dma_start3A_220 = arith.constant 0 : i32
      %dma_start3A_221 = tpu.memref_slice %arg8[%dma_start3A_219, %dma_start3A_220] : memref<40x64xi32, #tpu.memory_space<vmem>> -> memref<40x64xi32, #tpu.memory_space<vmem>>
      %dma_start3A_222 = arith.constant 40 : i32
      %dma_start3A_223 = arith.constant 0 : i32
      %dma_start3A_224 = tpu.memref_slice %arg4[%arg0, %arg1, %dma_start3A_222, %dma_start3A_223] : memref<2x16x158x64xi32, #tpu.memory_space<hbm>> -> memref<1x1x40x64xi32, #tpu.memory_space<hbm>>
      %dma_start3A_225 = tpu.memref_squeeze %dma_start3A_224 : memref<1x1x40x64xi32, #tpu.memory_space<hbm>> -> memref<40x64xi32, #tpu.memory_space<hbm>>
      %dma_start3A_226 = arith.constant 0 : i32
      %dma_start3A_227 = arith.constant 0 : i32
      %dma_start3A_228 = tpu.memref_slice %arg8[%dma_start3A_226, %dma_start3A_227] : memref<40x64xi32, #tpu.memory_space<vmem>> -> memref<40x64xi32, #tpu.memory_space<vmem>>
      %dma_start3A_229 = arith.constant 40 : i32
      %dma_start3A_230 = arith.constant 0 : i32
      %dma_start3A_231 = tpu.memref_slice %arg4[%arg0, %arg1, %dma_start3A_229, %dma_start3A_230] : memref<2x16x158x64xi32, #tpu.memory_space<hbm>> -> memref<1x1x40x64xi32, #tpu.memory_space<hbm>>
      %dma_start3A_232 = tpu.memref_squeeze %dma_start3A_231 : memref<1x1x40x64xi32, #tpu.memory_space<hbm>> -> memref<40x64xi32, #tpu.memory_space<hbm>>
      tpu.enqueue_dma source(%dma_start3A_232 : memref<40x64xi32, #tpu.memory_space<hbm>>) target(%dma_start3A_228 : memref<40x64xi32, #tpu.memory_space<vmem>>) target_semaphore(%run_scoped3A : memref<!tpu.dma_semaphore, #tpu.memory_space<semaphore_mem>>)
      %dma_wait3A_233 = arith.constant 0 : i32
      %dma_wait3A_234 = arith.constant 0 : i32
      %dma_wait3A_235 = tpu.memref_slice %arg8[%dma_wait3A_233, %dma_wait3A_234] : memref<40x64xi32, #tpu.memory_space<vmem>> -> memref<40x64xi32, #tpu.memory_space<vmem>>
      %dma_wait3A_236 = arith.constant 40 : i32
      %dma_wait3A_237 = arith.constant 0 : i32
      %dma_wait3A_238 = tpu.memref_slice %arg4[%arg0, %arg1, %dma_wait3A_236, %dma_wait3A_237] : memref<2x16x158x64xi32, #tpu.memory_space<hbm>> -> memref<1x1x40x64xi32, #tpu.memory_space<hbm>>
      %dma_wait3A_239 = tpu.memref_squeeze %dma_wait3A_238 : memref<1x1x40x64xi32, #tpu.memory_space<hbm>> -> memref<40x64xi32, #tpu.memory_space<hbm>>
      %dma_wait3A_240 = arith.constant 0 : i32
      %dma_wait3A_241 = arith.constant 0 : i32
      %dma_wait3A_242 = tpu.memref_slice %arg8[%dma_wait3A_240, %dma_wait3A_241] : memref<40x64xi32, #tpu.memory_space<vmem>> -> memref<40x64xi32, #tpu.memory_space<vmem>>
      %dma_wait3A_243 = arith.constant 40 : i32
      %dma_wait3A_244 = arith.constant 0 : i32
      %dma_wait3A_245 = tpu.memref_slice %arg4[%arg0, %arg1, %dma_wait3A_243, %dma_wait3A_244] : memref<2x16x158x64xi32, #tpu.memory_space<hbm>> -> memref<1x1x40x64xi32, #tpu.memory_space<hbm>>
      %dma_wait3A_246 = tpu.memref_squeeze %dma_wait3A_245 : memref<1x1x40x64xi32, #tpu.memory_space<hbm>> -> memref<40x64xi32, #tpu.memory_space<hbm>>
      tpu.wait_dma2 semaphore(%run_scoped3A : memref<!tpu.dma_semaphore, #tpu.memory_space<semaphore_mem>>) src(%dma_wait3A_246 : memref<40x64xi32, #tpu.memory_space<hbm>>) dst(%dma_wait3A_242 : memref<40x64xi32, #tpu.memory_space<vmem>>)
      tpu.yield
    }) : () -> ()
    %dma_start3A_52 = arith.constant 0 : i32
    %dma_start3A_53 = arith.constant 0 : i32
    %dma_start3A_54 = arith.constant 0 : i32
    %dma_start3A_55 = arith.constant 0 : i32
    %dma_start3A_56 = tpu.memref_slice %arg9[%dma_start3A_53, %dma_start3A_54, %dma_start3A_55] : memref<4x64x128xf32, #tpu.memory_space<vmem>> -> memref<1x64x128xf32, #tpu.memory_space<vmem>>
    %dma_start3A_57 = tpu.memref_squeeze %dma_start3A_56 : memref<1x64x128xf32, #tpu.memory_space<vmem>> -> memref<64x128xf32, #tpu.memory_space<vmem>>
    %dma_start3A_58 = arith.constant 0 : i32
    %dma_start3A_59 = tpu.memref_slice %arg7[%dma_start3A_52, %dma_start3A_58] : memref<40x64xi32, #tpu.memory_space<vmem>> -> memref<1x64xi32, #tpu.memory_space<vmem>>
    %dma_start3A_60 = tpu.memref_squeeze %dma_start3A_59 : memref<1x64xi32, #tpu.memory_space<vmem>> -> memref<64xi32, #tpu.memory_space<vmem>>
    %dma_start3A_61 = arith.constant 0 : i32
    %dma_start3A_62 = arith.constant 0 : i32
    %dma_start3A_63 = tpu.memref_slice %arg2[%dma_start3A_61, %dma_start3A_62] : memref<10000x128xf32, #tpu.memory_space<hbm>> -> memref<10000x128xf32, #tpu.memory_space<hbm>>
    tpu.enqueue_indirect_dma source(%dma_start3A_63 : memref<10000x128xf32, #tpu.memory_space<hbm>>) target(%dma_start3A_57 : memref<64x128xf32, #tpu.memory_space<vmem>>) offsets(%dma_start3A_60 : memref<64xi32, #tpu.memory_space<vmem>>) semaphore(%arg11 : memref<!tpu.dma_semaphore, #tpu.memory_space<semaphore_mem>>)
    %dma_start3A_64 = arith.constant 1 : i32
    %dma_start3A_65 = arith.constant 1 : i32
    %dma_start3A_66 = arith.constant 0 : i32
    %dma_start3A_67 = arith.constant 0 : i32
    %dma_start3A_68 = tpu.memref_slice %arg9[%dma_start3A_65, %dma_start3A_66, %dma_start3A_67] : memref<4x64x128xf32, #tpu.memory_space<vmem>> -> memref<1x64x128xf32, #tpu.memory_space<vmem>>
    %dma_start3A_69 = tpu.memref_squeeze %dma_start3A_68 : memref<1x64x128xf32, #tpu.memory_space<vmem>> -> memref<64x128xf32, #tpu.memory_space<vmem>>
    %dma_start3A_70 = arith.constant 0 : i32
    %dma_start3A_71 = tpu.memref_slice %arg7[%dma_start3A_64, %dma_start3A_70] : memref<40x64xi32, #tpu.memory_space<vmem>> -> memref<1x64xi32, #tpu.memory_space<vmem>>
    %dma_start3A_72 = tpu.memref_squeeze %dma_start3A_71 : memref<1x64xi32, #tpu.memory_space<vmem>> -> memref<64xi32, #tpu.memory_space<vmem>>
    %dma_start3A_73 = arith.constant 0 : i32
    %dma_start3A_74 = arith.constant 0 : i32
    %dma_start3A_75 = tpu.memref_slice %arg2[%dma_start3A_73, %dma_start3A_74] : memref<10000x128xf32, #tpu.memory_space<hbm>> -> memref<10000x128xf32, #tpu.memory_space<hbm>>
    tpu.enqueue_indirect_dma source(%dma_start3A_75 : memref<10000x128xf32, #tpu.memory_space<hbm>>) target(%dma_start3A_69 : memref<64x128xf32, #tpu.memory_space<vmem>>) offsets(%dma_start3A_72 : memref<64xi32, #tpu.memory_space<vmem>>) semaphore(%arg11 : memref<!tpu.dma_semaphore, #tpu.memory_space<semaphore_mem>>)
    %scan3A_76 = arith.constant 0 : i32
    %scan3A_77 = arith.constant 0 : i32
    %scan3A_78 = arith.constant 40 : i32
    %scan3A_79 = arith.addi %scan3A_77, %scan3A_78 : i32
    %scan3A_80 = arith.constant 1 : i32
    scf.for %scan3A_219 = %scan3A_77 to %scan3A_79 step %scan3A_80  : i32 {
      %rem3A = arith.constant 4 : i32
      %rem3A_220 = arith.remsi %scan3A_219, %rem3A : i32
      %dma_wait3A_221 = arith.constant 0 : i32
      %dma_wait3A_222 = arith.constant 0 : i32
      %dma_wait3A_223 = tpu.memref_slice %arg9[%rem3A_220, %dma_wait3A_221, %dma_wait3A_222] : memref<4x64x128xf32, #tpu.memory_space<vmem>> -> memref<1x64x128xf32, #tpu.memory_space<vmem>>
      %dma_wait3A_224 = tpu.memref_squeeze %dma_wait3A_223 : memref<1x64x128xf32, #tpu.memory_space<vmem>> -> memref<64x128xf32, #tpu.memory_space<vmem>>
      %dma_wait3A_225 = arith.constant 0 : i32
      %dma_wait3A_226 = tpu.memref_slice %arg7[%scan3A_219, %dma_wait3A_225] : memref<40x64xi32, #tpu.memory_space<vmem>> -> memref<1x64xi32, #tpu.memory_space<vmem>>
      %dma_wait3A_227 = tpu.memref_squeeze %dma_wait3A_226 : memref<1x64xi32, #tpu.memory_space<vmem>> -> memref<64xi32, #tpu.memory_space<vmem>>
      %dma_wait3A_228 = arith.constant 0 : i32
      %dma_wait3A_229 = arith.constant 0 : i32
      %dma_wait3A_230 = tpu.memref_slice %arg2[%dma_wait3A_228, %dma_wait3A_229] : memref<10000x128xf32, #tpu.memory_space<hbm>> -> memref<10000x128xf32, #tpu.memory_space<hbm>>
      tpu.wait_indirect_dma semaphore(%arg11 : memref<!tpu.dma_semaphore, #tpu.memory_space<semaphore_mem>>) src(%dma_wait3A_230 : memref<10000x128xf32, #tpu.memory_space<hbm>>) dst(%dma_wait3A_224 : memref<64x128xf32, #tpu.memory_space<vmem>>)
      %gt3A = arith.constant 1 : i32
      %gt3A_231 = arith.cmpi sgt, %scan3A_219, %gt3A : i32
      %convert_element_type3A = arith.extui %gt3A_231 : i1 to i32
      %cond3A = arith.constant 0 : i32
      %cond3A_232 = arith.cmpi ne, %convert_element_type3A, %cond3A : i32
      scf.if %cond3A_232 {
        %sub3A = arith.constant 2 : i32
        %sub3A_248 = arith.subi %scan3A_219, %sub3A : i32
        %rem3A_249 = arith.constant 4 : i32
        %rem3A_250 = arith.remsi %sub3A_248, %rem3A_249 : i32
        %sub3A_251 = arith.constant 2 : i32
        %sub3A_252 = arith.subi %scan3A_219, %sub3A_251 : i32
        %dma_wait3A_253 = arith.constant 0 : i32
        %dma_wait3A_254 = arith.constant 0 : i32
        %dma_wait3A_255 = tpu.memref_slice %arg9[%rem3A_250, %dma_wait3A_253, %dma_wait3A_254] : memref<4x64x128xf32, #tpu.memory_space<vmem>> -> memref<1x64x128xf32, #tpu.memory_space<vmem>>
        %dma_wait3A_256 = tpu.memref_squeeze %dma_wait3A_255 : memref<1x64x128xf32, #tpu.memory_space<vmem>> -> memref<64x128xf32, #tpu.memory_space<vmem>>
        %dma_wait3A_257 = arith.constant 0 : i32
        %dma_wait3A_258 = tpu.memref_slice %arg8[%sub3A_252, %dma_wait3A_257] : memref<40x64xi32, #tpu.memory_space<vmem>> -> memref<1x64xi32, #tpu.memory_space<vmem>>
        %dma_wait3A_259 = tpu.memref_squeeze %dma_wait3A_258 : memref<1x64xi32, #tpu.memory_space<vmem>> -> memref<64xi32, #tpu.memory_space<vmem>>
        %dma_wait3A_260 = arith.constant 0 : i32
        %dma_wait3A_261 = arith.constant 0 : i32
        %dma_wait3A_262 = tpu.memref_slice %arg10[%dma_wait3A_260, %dma_wait3A_261] : memref<10112x128xf32, #tpu.memory_space<vmem_shared>> -> memref<10112x128xf32, #tpu.memory_space<vmem_shared>>
        tpu.wait_indirect_dma semaphore(%arg12 : memref<!tpu.dma_semaphore, #tpu.memory_space<semaphore_mem>>) src(%dma_wait3A_256 : memref<64x128xf32, #tpu.memory_space<vmem>>) dst(%dma_wait3A_262 : memref<10112x128xf32, #tpu.memory_space<vmem_shared>>)
      } else {
      }
      %add3A = arith.constant 2 : i32
      %add3A_233 = arith.addi %scan3A_219, %add3A : i32
      %lt3A = arith.constant 40 : i32
      %lt3A_234 = arith.cmpi slt, %add3A_233, %lt3A : i32
      %convert_element_type3A_235 = arith.extui %lt3A_234 : i1 to i32
      %cond3A_236 = arith.constant 0 : i32
      %cond3A_237 = arith.cmpi ne, %convert_element_type3A_235, %cond3A_236 : i32
      scf.if %cond3A_237 {
        %add3A_248 = arith.constant 2 : i32
        %add3A_249 = arith.addi %scan3A_219, %add3A_248 : i32
        %add3A_250 = arith.constant 2 : i32
        %add3A_251 = arith.addi %scan3A_219, %add3A_250 : i32
        %rem3A_252 = arith.constant 4 : i32
        %rem3A_253 = arith.remsi %add3A_251, %rem3A_252 : i32
        %dma_start3A_254 = arith.constant 0 : i32
        %dma_start3A_255 = arith.constant 0 : i32
        %dma_start3A_256 = tpu.memref_slice %arg9[%rem3A_253, %dma_start3A_254, %dma_start3A_255] : memref<4x64x128xf32, #tpu.memory_space<vmem>> -> memref<1x64x128xf32, #tpu.memory_space<vmem>>
        %dma_start3A_257 = tpu.memref_squeeze %dma_start3A_256 : memref<1x64x128xf32, #tpu.memory_space<vmem>> -> memref<64x128xf32, #tpu.memory_space<vmem>>
        %dma_start3A_258 = arith.constant 0 : i32
        %dma_start3A_259 = tpu.memref_slice %arg7[%add3A_249, %dma_start3A_258] : memref<40x64xi32, #tpu.memory_space<vmem>> -> memref<1x64xi32, #tpu.memory_space<vmem>>
        %dma_start3A_260 = tpu.memref_squeeze %dma_start3A_259 : memref<1x64xi32, #tpu.memory_space<vmem>> -> memref<64xi32, #tpu.memory_space<vmem>>
        %dma_start3A_261 = arith.constant 0 : i32
        %dma_start3A_262 = arith.constant 0 : i32
        %dma_start3A_263 = tpu.memref_slice %arg2[%dma_start3A_261, %dma_start3A_262] : memref<10000x128xf32, #tpu.memory_space<hbm>> -> memref<10000x128xf32, #tpu.memory_space<hbm>>
        tpu.enqueue_indirect_dma source(%dma_start3A_263 : memref<10000x128xf32, #tpu.memory_space<hbm>>) target(%dma_start3A_257 : memref<64x128xf32, #tpu.memory_space<vmem>>) offsets(%dma_start3A_260 : memref<64xi32, #tpu.memory_space<vmem>>) semaphore(%arg11 : memref<!tpu.dma_semaphore, #tpu.memory_space<semaphore_mem>>)
      } else {
      }
      %dma_start3A_238 = arith.constant 0 : i32
      %dma_start3A_239 = arith.constant 0 : i32
      %dma_start3A_240 = tpu.memref_slice %arg9[%rem3A_220, %dma_start3A_238, %dma_start3A_239] : memref<4x64x128xf32, #tpu.memory_space<vmem>> -> memref<1x64x128xf32, #tpu.memory_space<vmem>>
      %dma_start3A_241 = tpu.memref_squeeze %dma_start3A_240 : memref<1x64x128xf32, #tpu.memory_space<vmem>> -> memref<64x128xf32, #tpu.memory_space<vmem>>
      %dma_start3A_242 = arith.constant 0 : i32
      %dma_start3A_243 = tpu.memref_slice %arg8[%scan3A_219, %dma_start3A_242] : memref<40x64xi32, #tpu.memory_space<vmem>> -> memref<1x64xi32, #tpu.memory_space<vmem>>
      %dma_start3A_244 = tpu.memref_squeeze %dma_start3A_243 : memref<1x64xi32, #tpu.memory_space<vmem>> -> memref<64xi32, #tpu.memory_space<vmem>>
      %dma_start3A_245 = arith.constant 0 : i32
      %dma_start3A_246 = arith.constant 0 : i32
      %dma_start3A_247 = tpu.memref_slice %arg10[%dma_start3A_245, %dma_start3A_246] : memref<10112x128xf32, #tpu.memory_space<vmem_shared>> -> memref<10112x128xf32, #tpu.memory_space<vmem_shared>>
      tpu.enqueue_indirect_dma source(%dma_start3A_241 : memref<64x128xf32, #tpu.memory_space<vmem>>) target(%dma_start3A_247 : memref<10112x128xf32, #tpu.memory_space<vmem_shared>>) offsets(%dma_start3A_244 : memref<64xi32, #tpu.memory_space<vmem>>) semaphore(%arg12 : memref<!tpu.dma_semaphore, #tpu.memory_space<semaphore_mem>>) {add = true}
    }
    %scan3A_81 = arith.constant 40 : i32
    %dma_wait3A_82 = arith.constant 2 : i32
    %dma_wait3A_83 = arith.constant 38 : i32
    %dma_wait3A_84 = arith.constant 0 : i32
    %dma_wait3A_85 = arith.constant 0 : i32
    %dma_wait3A_86 = tpu.memref_slice %arg9[%dma_wait3A_82, %dma_wait3A_84, %dma_wait3A_85] : memref<4x64x128xf32, #tpu.memory_space<vmem>> -> memref<1x64x128xf32, #tpu.memory_space<vmem>>
    %dma_wait3A_87 = tpu.memref_squeeze %dma_wait3A_86 : memref<1x64x128xf32, #tpu.memory_space<vmem>> -> memref<64x128xf32, #tpu.memory_space<vmem>>
    %dma_wait3A_88 = arith.constant 0 : i32
    %dma_wait3A_89 = tpu.memref_slice %arg8[%dma_wait3A_83, %dma_wait3A_88] : memref<40x64xi32, #tpu.memory_space<vmem>> -> memref<1x64xi32, #tpu.memory_space<vmem>>
    %dma_wait3A_90 = tpu.memref_squeeze %dma_wait3A_89 : memref<1x64xi32, #tpu.memory_space<vmem>> -> memref<64xi32, #tpu.memory_space<vmem>>
    %dma_wait3A_91 = arith.constant 0 : i32
    %dma_wait3A_92 = arith.constant 0 : i32
    %dma_wait3A_93 = tpu.memref_slice %arg10[%dma_wait3A_91, %dma_wait3A_92] : memref<10112x128xf32, #tpu.memory_space<vmem_shared>> -> memref<10112x128xf32, #tpu.memory_space<vmem_shared>>
    tpu.wait_indirect_dma semaphore(%arg12 : memref<!tpu.dma_semaphore, #tpu.memory_space<semaphore_mem>>) src(%dma_wait3A_87 : memref<64x128xf32, #tpu.memory_space<vmem>>) dst(%dma_wait3A_93 : memref<10112x128xf32, #tpu.memory_space<vmem_shared>>)
    %dma_wait3A_94 = arith.constant 3 : i32
    %dma_wait3A_95 = arith.constant 39 : i32
    %dma_wait3A_96 = arith.constant 0 : i32
    %dma_wait3A_97 = arith.constant 0 : i32
    %dma_wait3A_98 = tpu.memref_slice %arg9[%dma_wait3A_94, %dma_wait3A_96, %dma_wait3A_97] : memref<4x64x128xf32, #tpu.memory_space<vmem>> -> memref<1x64x128xf32, #tpu.memory_space<vmem>>
    %dma_wait3A_99 = tpu.memref_squeeze %dma_wait3A_98 : memref<1x64x128xf32, #tpu.memory_space<vmem>> -> memref<64x128xf32, #tpu.memory_space<vmem>>
    %dma_wait3A_100 = arith.constant 0 : i32
    %dma_wait3A_101 = tpu.memref_slice %arg8[%dma_wait3A_95, %dma_wait3A_100] : memref<40x64xi32, #tpu.memory_space<vmem>> -> memref<1x64xi32, #tpu.memory_space<vmem>>
    %dma_wait3A_102 = tpu.memref_squeeze %dma_wait3A_101 : memref<1x64xi32, #tpu.memory_space<vmem>> -> memref<64xi32, #tpu.memory_space<vmem>>
    %dma_wait3A_103 = arith.constant 0 : i32
    %dma_wait3A_104 = arith.constant 0 : i32
    %dma_wait3A_105 = tpu.memref_slice %arg10[%dma_wait3A_103, %dma_wait3A_104] : memref<10112x128xf32, #tpu.memory_space<vmem_shared>> -> memref<10112x128xf32, #tpu.memory_space<vmem_shared>>
    tpu.wait_indirect_dma semaphore(%arg12 : memref<!tpu.dma_semaphore, #tpu.memory_space<semaphore_mem>>) src(%dma_wait3A_99 : memref<64x128xf32, #tpu.memory_space<vmem>>) dst(%dma_wait3A_105 : memref<10112x128xf32, #tpu.memory_space<vmem_shared>>)
    "tpu.region"() ({
      %run_scoped3A = tpu.sem_alloc : memref<!tpu.dma_semaphore, #tpu.memory_space<semaphore_mem>>
      %dma_start3A_219 = arith.constant 0 : i32
      %dma_start3A_220 = arith.constant 0 : i32
      %dma_start3A_221 = tpu.memref_slice %arg7[%dma_start3A_219, %dma_start3A_220] : memref<40x64xi32, #tpu.memory_space<vmem>> -> memref<40x64xi32, #tpu.memory_space<vmem>>
      %dma_start3A_222 = arith.constant 80 : i32
      %dma_start3A_223 = arith.constant 0 : i32
      %dma_start3A_224 = tpu.memref_slice %arg3[%arg0, %arg1, %dma_start3A_222, %dma_start3A_223] : memref<2x16x158x64xi32, #tpu.memory_space<hbm>> -> memref<1x1x40x64xi32, #tpu.memory_space<hbm>>
      %dma_start3A_225 = tpu.memref_squeeze %dma_start3A_224 : memref<1x1x40x64xi32, #tpu.memory_space<hbm>> -> memref<40x64xi32, #tpu.memory_space<hbm>>
      %dma_start3A_226 = arith.constant 0 : i32
      %dma_start3A_227 = arith.constant 0 : i32
      %dma_start3A_228 = tpu.memref_slice %arg7[%dma_start3A_226, %dma_start3A_227] : memref<40x64xi32, #tpu.memory_space<vmem>> -> memref<40x64xi32, #tpu.memory_space<vmem>>
      %dma_start3A_229 = arith.constant 80 : i32
      %dma_start3A_230 = arith.constant 0 : i32
      %dma_start3A_231 = tpu.memref_slice %arg3[%arg0, %arg1, %dma_start3A_229, %dma_start3A_230] : memref<2x16x158x64xi32, #tpu.memory_space<hbm>> -> memref<1x1x40x64xi32, #tpu.memory_space<hbm>>
      %dma_start3A_232 = tpu.memref_squeeze %dma_start3A_231 : memref<1x1x40x64xi32, #tpu.memory_space<hbm>> -> memref<40x64xi32, #tpu.memory_space<hbm>>
      tpu.enqueue_dma source(%dma_start3A_232 : memref<40x64xi32, #tpu.memory_space<hbm>>) target(%dma_start3A_228 : memref<40x64xi32, #tpu.memory_space<vmem>>) target_semaphore(%run_scoped3A : memref<!tpu.dma_semaphore, #tpu.memory_space<semaphore_mem>>)
      %dma_wait3A_233 = arith.constant 0 : i32
      %dma_wait3A_234 = arith.constant 0 : i32
      %dma_wait3A_235 = tpu.memref_slice %arg7[%dma_wait3A_233, %dma_wait3A_234] : memref<40x64xi32, #tpu.memory_space<vmem>> -> memref<40x64xi32, #tpu.memory_space<vmem>>
      %dma_wait3A_236 = arith.constant 80 : i32
      %dma_wait3A_237 = arith.constant 0 : i32
      %dma_wait3A_238 = tpu.memref_slice %arg3[%arg0, %arg1, %dma_wait3A_236, %dma_wait3A_237] : memref<2x16x158x64xi32, #tpu.memory_space<hbm>> -> memref<1x1x40x64xi32, #tpu.memory_space<hbm>>
      %dma_wait3A_239 = tpu.memref_squeeze %dma_wait3A_238 : memref<1x1x40x64xi32, #tpu.memory_space<hbm>> -> memref<40x64xi32, #tpu.memory_space<hbm>>
      %dma_wait3A_240 = arith.constant 0 : i32
      %dma_wait3A_241 = arith.constant 0 : i32
      %dma_wait3A_242 = tpu.memref_slice %arg7[%dma_wait3A_240, %dma_wait3A_241] : memref<40x64xi32, #tpu.memory_space<vmem>> -> memref<40x64xi32, #tpu.memory_space<vmem>>
      %dma_wait3A_243 = arith.constant 80 : i32
      %dma_wait3A_244 = arith.constant 0 : i32
      %dma_wait3A_245 = tpu.memref_slice %arg3[%arg0, %arg1, %dma_wait3A_243, %dma_wait3A_244] : memref<2x16x158x64xi32, #tpu.memory_space<hbm>> -> memref<1x1x40x64xi32, #tpu.memory_space<hbm>>
      %dma_wait3A_246 = tpu.memref_squeeze %dma_wait3A_245 : memref<1x1x40x64xi32, #tpu.memory_space<hbm>> -> memref<40x64xi32, #tpu.memory_space<hbm>>
      tpu.wait_dma2 semaphore(%run_scoped3A : memref<!tpu.dma_semaphore, #tpu.memory_space<semaphore_mem>>) src(%dma_wait3A_246 : memref<40x64xi32, #tpu.memory_space<hbm>>) dst(%dma_wait3A_242 : memref<40x64xi32, #tpu.memory_space<vmem>>)
      tpu.yield
    }) : () -> ()
    "tpu.region"() ({
      %run_scoped3A = tpu.sem_alloc : memref<!tpu.dma_semaphore, #tpu.memory_space<semaphore_mem>>
      %dma_start3A_219 = arith.constant 0 : i32
      %dma_start3A_220 = arith.constant 0 : i32
      %dma_start3A_221 = tpu.memref_slice %arg8[%dma_start3A_219, %dma_start3A_220] : memref<40x64xi32, #tpu.memory_space<vmem>> -> memref<40x64xi32, #tpu.memory_space<vmem>>
      %dma_start3A_222 = arith.constant 80 : i32
      %dma_start3A_223 = arith.constant 0 : i32
      %dma_start3A_224 = tpu.memref_slice %arg4[%arg0, %arg1, %dma_start3A_222, %dma_start3A_223] : memref<2x16x158x64xi32, #tpu.memory_space<hbm>> -> memref<1x1x40x64xi32, #tpu.memory_space<hbm>>
      %dma_start3A_225 = tpu.memref_squeeze %dma_start3A_224 : memref<1x1x40x64xi32, #tpu.memory_space<hbm>> -> memref<40x64xi32, #tpu.memory_space<hbm>>
      %dma_start3A_226 = arith.constant 0 : i32
      %dma_start3A_227 = arith.constant 0 : i32
      %dma_start3A_228 = tpu.memref_slice %arg8[%dma_start3A_226, %dma_start3A_227] : memref<40x64xi32, #tpu.memory_space<vmem>> -> memref<40x64xi32, #tpu.memory_space<vmem>>
      %dma_start3A_229 = arith.constant 80 : i32
      %dma_start3A_230 = arith.constant 0 : i32
      %dma_start3A_231 = tpu.memref_slice %arg4[%arg0, %arg1, %dma_start3A_229, %dma_start3A_230] : memref<2x16x158x64xi32, #tpu.memory_space<hbm>> -> memref<1x1x40x64xi32, #tpu.memory_space<hbm>>
      %dma_start3A_232 = tpu.memref_squeeze %dma_start3A_231 : memref<1x1x40x64xi32, #tpu.memory_space<hbm>> -> memref<40x64xi32, #tpu.memory_space<hbm>>
      tpu.enqueue_dma source(%dma_start3A_232 : memref<40x64xi32, #tpu.memory_space<hbm>>) target(%dma_start3A_228 : memref<40x64xi32, #tpu.memory_space<vmem>>) target_semaphore(%run_scoped3A : memref<!tpu.dma_semaphore, #tpu.memory_space<semaphore_mem>>)
      %dma_wait3A_233 = arith.constant 0 : i32
      %dma_wait3A_234 = arith.constant 0 : i32
      %dma_wait3A_235 = tpu.memref_slice %arg8[%dma_wait3A_233, %dma_wait3A_234] : memref<40x64xi32, #tpu.memory_space<vmem>> -> memref<40x64xi32, #tpu.memory_space<vmem>>
      %dma_wait3A_236 = arith.constant 80 : i32
      %dma_wait3A_237 = arith.constant 0 : i32
      %dma_wait3A_238 = tpu.memref_slice %arg4[%arg0, %arg1, %dma_wait3A_236, %dma_wait3A_237] : memref<2x16x158x64xi32, #tpu.memory_space<hbm>> -> memref<1x1x40x64xi32, #tpu.memory_space<hbm>>
      %dma_wait3A_239 = tpu.memref_squeeze %dma_wait3A_238 : memref<1x1x40x64xi32, #tpu.memory_space<hbm>> -> memref<40x64xi32, #tpu.memory_space<hbm>>
      %dma_wait3A_240 = arith.constant 0 : i32
      %dma_wait3A_241 = arith.constant 0 : i32
      %dma_wait3A_242 = tpu.memref_slice %arg8[%dma_wait3A_240, %dma_wait3A_241] : memref<40x64xi32, #tpu.memory_space<vmem>> -> memref<40x64xi32, #tpu.memory_space<vmem>>
      %dma_wait3A_243 = arith.constant 80 : i32
      %dma_wait3A_244 = arith.constant 0 : i32
      %dma_wait3A_245 = tpu.memref_slice %arg4[%arg0, %arg1, %dma_wait3A_243, %dma_wait3A_244] : memref<2x16x158x64xi32, #tpu.memory_space<hbm>> -> memref<1x1x40x64xi32, #tpu.memory_space<hbm>>
      %dma_wait3A_246 = tpu.memref_squeeze %dma_wait3A_245 : memref<1x1x40x64xi32, #tpu.memory_space<hbm>> -> memref<40x64xi32, #tpu.memory_space<hbm>>
      tpu.wait_dma2 semaphore(%run_scoped3A : memref<!tpu.dma_semaphore, #tpu.memory_space<semaphore_mem>>) src(%dma_wait3A_246 : memref<40x64xi32, #tpu.memory_space<hbm>>) dst(%dma_wait3A_242 : memref<40x64xi32, #tpu.memory_space<vmem>>)
      tpu.yield
    }) : () -> ()
    %dma_start3A_106 = arith.constant 0 : i32
    %dma_start3A_107 = arith.constant 0 : i32
    %dma_start3A_108 = arith.constant 0 : i32
    %dma_start3A_109 = arith.constant 0 : i32
    %dma_start3A_110 = tpu.memref_slice %arg9[%dma_start3A_107, %dma_start3A_108, %dma_start3A_109] : memref<4x64x128xf32, #tpu.memory_space<vmem>> -> memref<1x64x128xf32, #tpu.memory_space<vmem>>
    %dma_start3A_111 = tpu.memref_squeeze %dma_start3A_110 : memref<1x64x128xf32, #tpu.memory_space<vmem>> -> memref<64x128xf32, #tpu.memory_space<vmem>>
    %dma_start3A_112 = arith.constant 0 : i32
    %dma_start3A_113 = tpu.memref_slice %arg7[%dma_start3A_106, %dma_start3A_112] : memref<40x64xi32, #tpu.memory_space<vmem>> -> memref<1x64xi32, #tpu.memory_space<vmem>>
    %dma_start3A_114 = tpu.memref_squeeze %dma_start3A_113 : memref<1x64xi32, #tpu.memory_space<vmem>> -> memref<64xi32, #tpu.memory_space<vmem>>
    %dma_start3A_115 = arith.constant 0 : i32
    %dma_start3A_116 = arith.constant 0 : i32
    %dma_start3A_117 = tpu.memref_slice %arg2[%dma_start3A_115, %dma_start3A_116] : memref<10000x128xf32, #tpu.memory_space<hbm>> -> memref<10000x128xf32, #tpu.memory_space<hbm>>
    tpu.enqueue_indirect_dma source(%dma_start3A_117 : memref<10000x128xf32, #tpu.memory_space<hbm>>) target(%dma_start3A_111 : memref<64x128xf32, #tpu.memory_space<vmem>>) offsets(%dma_start3A_114 : memref<64xi32, #tpu.memory_space<vmem>>) semaphore(%arg11 : memref<!tpu.dma_semaphore, #tpu.memory_space<semaphore_mem>>)
    %dma_start3A_118 = arith.constant 1 : i32
    %dma_start3A_119 = arith.constant 1 : i32
    %dma_start3A_120 = arith.constant 0 : i32
    %dma_start3A_121 = arith.constant 0 : i32
    %dma_start3A_122 = tpu.memref_slice %arg9[%dma_start3A_119, %dma_start3A_120, %dma_start3A_121] : memref<4x64x128xf32, #tpu.memory_space<vmem>> -> memref<1x64x128xf32, #tpu.memory_space<vmem>>
    %dma_start3A_123 = tpu.memref_squeeze %dma_start3A_122 : memref<1x64x128xf32, #tpu.memory_space<vmem>> -> memref<64x128xf32, #tpu.memory_space<vmem>>
    %dma_start3A_124 = arith.constant 0 : i32
    %dma_start3A_125 = tpu.memref_slice %arg7[%dma_start3A_118, %dma_start3A_124] : memref<40x64xi32, #tpu.memory_space<vmem>> -> memref<1x64xi32, #tpu.memory_space<vmem>>
    %dma_start3A_126 = tpu.memref_squeeze %dma_start3A_125 : memref<1x64xi32, #tpu.memory_space<vmem>> -> memref<64xi32, #tpu.memory_space<vmem>>
    %dma_start3A_127 = arith.constant 0 : i32
    %dma_start3A_128 = arith.constant 0 : i32
    %dma_start3A_129 = tpu.memref_slice %arg2[%dma_start3A_127, %dma_start3A_128] : memref<10000x128xf32, #tpu.memory_space<hbm>> -> memref<10000x128xf32, #tpu.memory_space<hbm>>
    tpu.enqueue_indirect_dma source(%dma_start3A_129 : memref<10000x128xf32, #tpu.memory_space<hbm>>) target(%dma_start3A_123 : memref<64x128xf32, #tpu.memory_space<vmem>>) offsets(%dma_start3A_126 : memref<64xi32, #tpu.memory_space<vmem>>) semaphore(%arg11 : memref<!tpu.dma_semaphore, #tpu.memory_space<semaphore_mem>>)
    %scan3A_130 = arith.constant 0 : i32
    %scan3A_131 = arith.constant 0 : i32
    %scan3A_132 = arith.constant 40 : i32
    %scan3A_133 = arith.addi %scan3A_131, %scan3A_132 : i32
    %scan3A_134 = arith.constant 1 : i32
    scf.for %scan3A_219 = %scan3A_131 to %scan3A_133 step %scan3A_134  : i32 {
      %rem3A = arith.constant 4 : i32
      %rem3A_220 = arith.remsi %scan3A_219, %rem3A : i32
      %dma_wait3A_221 = arith.constant 0 : i32
      %dma_wait3A_222 = arith.constant 0 : i32
      %dma_wait3A_223 = tpu.memref_slice %arg9[%rem3A_220, %dma_wait3A_221, %dma_wait3A_222] : memref<4x64x128xf32, #tpu.memory_space<vmem>> -> memref<1x64x128xf32, #tpu.memory_space<vmem>>
      %dma_wait3A_224 = tpu.memref_squeeze %dma_wait3A_223 : memref<1x64x128xf32, #tpu.memory_space<vmem>> -> memref<64x128xf32, #tpu.memory_space<vmem>>
      %dma_wait3A_225 = arith.constant 0 : i32
      %dma_wait3A_226 = tpu.memref_slice %arg7[%scan3A_219, %dma_wait3A_225] : memref<40x64xi32, #tpu.memory_space<vmem>> -> memref<1x64xi32, #tpu.memory_space<vmem>>
      %dma_wait3A_227 = tpu.memref_squeeze %dma_wait3A_226 : memref<1x64xi32, #tpu.memory_space<vmem>> -> memref<64xi32, #tpu.memory_space<vmem>>
      %dma_wait3A_228 = arith.constant 0 : i32
      %dma_wait3A_229 = arith.constant 0 : i32
      %dma_wait3A_230 = tpu.memref_slice %arg2[%dma_wait3A_228, %dma_wait3A_229] : memref<10000x128xf32, #tpu.memory_space<hbm>> -> memref<10000x128xf32, #tpu.memory_space<hbm>>
      tpu.wait_indirect_dma semaphore(%arg11 : memref<!tpu.dma_semaphore, #tpu.memory_space<semaphore_mem>>) src(%dma_wait3A_230 : memref<10000x128xf32, #tpu.memory_space<hbm>>) dst(%dma_wait3A_224 : memref<64x128xf32, #tpu.memory_space<vmem>>)
      %gt3A = arith.constant 1 : i32
      %gt3A_231 = arith.cmpi sgt, %scan3A_219, %gt3A : i32
      %convert_element_type3A = arith.extui %gt3A_231 : i1 to i32
      %cond3A = arith.constant 0 : i32
      %cond3A_232 = arith.cmpi ne, %convert_element_type3A, %cond3A : i32
      scf.if %cond3A_232 {
        %sub3A = arith.constant 2 : i32
        %sub3A_248 = arith.subi %scan3A_219, %sub3A : i32
        %rem3A_249 = arith.constant 4 : i32
        %rem3A_250 = arith.remsi %sub3A_248, %rem3A_249 : i32
        %sub3A_251 = arith.constant 2 : i32
        %sub3A_252 = arith.subi %scan3A_219, %sub3A_251 : i32
        %dma_wait3A_253 = arith.constant 0 : i32
        %dma_wait3A_254 = arith.constant 0 : i32
        %dma_wait3A_255 = tpu.memref_slice %arg9[%rem3A_250, %dma_wait3A_253, %dma_wait3A_254] : memref<4x64x128xf32, #tpu.memory_space<vmem>> -> memref<1x64x128xf32, #tpu.memory_space<vmem>>
        %dma_wait3A_256 = tpu.memref_squeeze %dma_wait3A_255 : memref<1x64x128xf32, #tpu.memory_space<vmem>> -> memref<64x128xf32, #tpu.memory_space<vmem>>
        %dma_wait3A_257 = arith.constant 0 : i32
        %dma_wait3A_258 = tpu.memref_slice %arg8[%sub3A_252, %dma_wait3A_257] : memref<40x64xi32, #tpu.memory_space<vmem>> -> memref<1x64xi32, #tpu.memory_space<vmem>>
        %dma_wait3A_259 = tpu.memref_squeeze %dma_wait3A_258 : memref<1x64xi32, #tpu.memory_space<vmem>> -> memref<64xi32, #tpu.memory_space<vmem>>
        %dma_wait3A_260 = arith.constant 0 : i32
        %dma_wait3A_261 = arith.constant 0 : i32
        %dma_wait3A_262 = tpu.memref_slice %arg10[%dma_wait3A_260, %dma_wait3A_261] : memref<10112x128xf32, #tpu.memory_space<vmem_shared>> -> memref<10112x128xf32, #tpu.memory_space<vmem_shared>>
        tpu.wait_indirect_dma semaphore(%arg12 : memref<!tpu.dma_semaphore, #tpu.memory_space<semaphore_mem>>) src(%dma_wait3A_256 : memref<64x128xf32, #tpu.memory_space<vmem>>) dst(%dma_wait3A_262 : memref<10112x128xf32, #tpu.memory_space<vmem_shared>>)
      } else {
      }
      %add3A = arith.constant 2 : i32
      %add3A_233 = arith.addi %scan3A_219, %add3A : i32
      %lt3A = arith.constant 40 : i32
      %lt3A_234 = arith.cmpi slt, %add3A_233, %lt3A : i32
      %convert_element_type3A_235 = arith.extui %lt3A_234 : i1 to i32
      %cond3A_236 = arith.constant 0 : i32
      %cond3A_237 = arith.cmpi ne, %convert_element_type3A_235, %cond3A_236 : i32
      scf.if %cond3A_237 {
        %add3A_248 = arith.constant 2 : i32
        %add3A_249 = arith.addi %scan3A_219, %add3A_248 : i32
        %add3A_250 = arith.constant 2 : i32
        %add3A_251 = arith.addi %scan3A_219, %add3A_250 : i32
        %rem3A_252 = arith.constant 4 : i32
        %rem3A_253 = arith.remsi %add3A_251, %rem3A_252 : i32
        %dma_start3A_254 = arith.constant 0 : i32
        %dma_start3A_255 = arith.constant 0 : i32
        %dma_start3A_256 = tpu.memref_slice %arg9[%rem3A_253, %dma_start3A_254, %dma_start3A_255] : memref<4x64x128xf32, #tpu.memory_space<vmem>> -> memref<1x64x128xf32, #tpu.memory_space<vmem>>
        %dma_start3A_257 = tpu.memref_squeeze %dma_start3A_256 : memref<1x64x128xf32, #tpu.memory_space<vmem>> -> memref<64x128xf32, #tpu.memory_space<vmem>>
        %dma_start3A_258 = arith.constant 0 : i32
        %dma_start3A_259 = tpu.memref_slice %arg7[%add3A_249, %dma_start3A_258] : memref<40x64xi32, #tpu.memory_space<vmem>> -> memref<1x64xi32, #tpu.memory_space<vmem>>
        %dma_start3A_260 = tpu.memref_squeeze %dma_start3A_259 : memref<1x64xi32, #tpu.memory_space<vmem>> -> memref<64xi32, #tpu.memory_space<vmem>>
        %dma_start3A_261 = arith.constant 0 : i32
        %dma_start3A_262 = arith.constant 0 : i32
        %dma_start3A_263 = tpu.memref_slice %arg2[%dma_start3A_261, %dma_start3A_262] : memref<10000x128xf32, #tpu.memory_space<hbm>> -> memref<10000x128xf32, #tpu.memory_space<hbm>>
        tpu.enqueue_indirect_dma source(%dma_start3A_263 : memref<10000x128xf32, #tpu.memory_space<hbm>>) target(%dma_start3A_257 : memref<64x128xf32, #tpu.memory_space<vmem>>) offsets(%dma_start3A_260 : memref<64xi32, #tpu.memory_space<vmem>>) semaphore(%arg11 : memref<!tpu.dma_semaphore, #tpu.memory_space<semaphore_mem>>)
      } else {
      }
      %dma_start3A_238 = arith.constant 0 : i32
      %dma_start3A_239 = arith.constant 0 : i32
      %dma_start3A_240 = tpu.memref_slice %arg9[%rem3A_220, %dma_start3A_238, %dma_start3A_239] : memref<4x64x128xf32, #tpu.memory_space<vmem>> -> memref<1x64x128xf32, #tpu.memory_space<vmem>>
      %dma_start3A_241 = tpu.memref_squeeze %dma_start3A_240 : memref<1x64x128xf32, #tpu.memory_space<vmem>> -> memref<64x128xf32, #tpu.memory_space<vmem>>
      %dma_start3A_242 = arith.constant 0 : i32
      %dma_start3A_243 = tpu.memref_slice %arg8[%scan3A_219, %dma_start3A_242] : memref<40x64xi32, #tpu.memory_space<vmem>> -> memref<1x64xi32, #tpu.memory_space<vmem>>
      %dma_start3A_244 = tpu.memref_squeeze %dma_start3A_243 : memref<1x64xi32, #tpu.memory_space<vmem>> -> memref<64xi32, #tpu.memory_space<vmem>>
      %dma_start3A_245 = arith.constant 0 : i32
      %dma_start3A_246 = arith.constant 0 : i32
      %dma_start3A_247 = tpu.memref_slice %arg10[%dma_start3A_245, %dma_start3A_246] : memref<10112x128xf32, #tpu.memory_space<vmem_shared>> -> memref<10112x128xf32, #tpu.memory_space<vmem_shared>>
      tpu.enqueue_indirect_dma source(%dma_start3A_241 : memref<64x128xf32, #tpu.memory_space<vmem>>) target(%dma_start3A_247 : memref<10112x128xf32, #tpu.memory_space<vmem_shared>>) offsets(%dma_start3A_244 : memref<64xi32, #tpu.memory_space<vmem>>) semaphore(%arg12 : memref<!tpu.dma_semaphore, #tpu.memory_space<semaphore_mem>>) {add = true}
    }
    %scan3A_135 = arith.constant 40 : i32
    %dma_wait3A_136 = arith.constant 2 : i32
    %dma_wait3A_137 = arith.constant 38 : i32
    %dma_wait3A_138 = arith.constant 0 : i32
    %dma_wait3A_139 = arith.constant 0 : i32
    %dma_wait3A_140 = tpu.memref_slice %arg9[%dma_wait3A_136, %dma_wait3A_138, %dma_wait3A_139] : memref<4x64x128xf32, #tpu.memory_space<vmem>> -> memref<1x64x128xf32, #tpu.memory_space<vmem>>
    %dma_wait3A_141 = tpu.memref_squeeze %dma_wait3A_140 : memref<1x64x128xf32, #tpu.memory_space<vmem>> -> memref<64x128xf32, #tpu.memory_space<vmem>>
    %dma_wait3A_142 = arith.constant 0 : i32
    %dma_wait3A_143 = tpu.memref_slice %arg8[%dma_wait3A_137, %dma_wait3A_142] : memref<40x64xi32, #tpu.memory_space<vmem>> -> memref<1x64xi32, #tpu.memory_space<vmem>>
    %dma_wait3A_144 = tpu.memref_squeeze %dma_wait3A_143 : memref<1x64xi32, #tpu.memory_space<vmem>> -> memref<64xi32, #tpu.memory_space<vmem>>
    %dma_wait3A_145 = arith.constant 0 : i32
    %dma_wait3A_146 = arith.constant 0 : i32
    %dma_wait3A_147 = tpu.memref_slice %arg10[%dma_wait3A_145, %dma_wait3A_146] : memref<10112x128xf32, #tpu.memory_space<vmem_shared>> -> memref<10112x128xf32, #tpu.memory_space<vmem_shared>>
    tpu.wait_indirect_dma semaphore(%arg12 : memref<!tpu.dma_semaphore, #tpu.memory_space<semaphore_mem>>) src(%dma_wait3A_141 : memref<64x128xf32, #tpu.memory_space<vmem>>) dst(%dma_wait3A_147 : memref<10112x128xf32, #tpu.memory_space<vmem_shared>>)
    %dma_wait3A_148 = arith.constant 3 : i32
    %dma_wait3A_149 = arith.constant 39 : i32
    %dma_wait3A_150 = arith.constant 0 : i32
    %dma_wait3A_151 = arith.constant 0 : i32
    %dma_wait3A_152 = tpu.memref_slice %arg9[%dma_wait3A_148, %dma_wait3A_150, %dma_wait3A_151] : memref<4x64x128xf32, #tpu.memory_space<vmem>> -> memref<1x64x128xf32, #tpu.memory_space<vmem>>
    %dma_wait3A_153 = tpu.memref_squeeze %dma_wait3A_152 : memref<1x64x128xf32, #tpu.memory_space<vmem>> -> memref<64x128xf32, #tpu.memory_space<vmem>>
    %dma_wait3A_154 = arith.constant 0 : i32
    %dma_wait3A_155 = tpu.memref_slice %arg8[%dma_wait3A_149, %dma_wait3A_154] : memref<40x64xi32, #tpu.memory_space<vmem>> -> memref<1x64xi32, #tpu.memory_space<vmem>>
    %dma_wait3A_156 = tpu.memref_squeeze %dma_wait3A_155 : memref<1x64xi32, #tpu.memory_space<vmem>> -> memref<64xi32, #tpu.memory_space<vmem>>
    %dma_wait3A_157 = arith.constant 0 : i32
    %dma_wait3A_158 = arith.constant 0 : i32
    %dma_wait3A_159 = tpu.memref_slice %arg10[%dma_wait3A_157, %dma_wait3A_158] : memref<10112x128xf32, #tpu.memory_space<vmem_shared>> -> memref<10112x128xf32, #tpu.memory_space<vmem_shared>>
    tpu.wait_indirect_dma semaphore(%arg12 : memref<!tpu.dma_semaphore, #tpu.memory_space<semaphore_mem>>) src(%dma_wait3A_153 : memref<64x128xf32, #tpu.memory_space<vmem>>) dst(%dma_wait3A_159 : memref<10112x128xf32, #tpu.memory_space<vmem_shared>>)
    "tpu.region"() ({
      %run_scoped3A = tpu.sem_alloc : memref<!tpu.dma_semaphore, #tpu.memory_space<semaphore_mem>>
      %dma_start3A_219 = arith.constant 0 : i32
      %dma_start3A_220 = arith.constant 0 : i32
      %dma_start3A_221 = tpu.memref_slice %arg7[%dma_start3A_219, %dma_start3A_220] : memref<40x64xi32, #tpu.memory_space<vmem>> -> memref<38x64xi32, #tpu.memory_space<vmem>>
      %dma_start3A_222 = arith.constant 120 : i32
      %dma_start3A_223 = arith.constant 0 : i32
      %dma_start3A_224 = tpu.memref_slice %arg3[%arg0, %arg1, %dma_start3A_222, %dma_start3A_223] : memref<2x16x158x64xi32, #tpu.memory_space<hbm>> -> memref<1x1x38x64xi32, #tpu.memory_space<hbm>>
      %dma_start3A_225 = tpu.memref_squeeze %dma_start3A_224 : memref<1x1x38x64xi32, #tpu.memory_space<hbm>> -> memref<38x64xi32, #tpu.memory_space<hbm>>
      %dma_start3A_226 = arith.constant 0 : i32
      %dma_start3A_227 = arith.constant 0 : i32
      %dma_start3A_228 = tpu.memref_slice %arg7[%dma_start3A_226, %dma_start3A_227] : memref<40x64xi32, #tpu.memory_space<vmem>> -> memref<38x64xi32, #tpu.memory_space<vmem>>
      %dma_start3A_229 = arith.constant 120 : i32
      %dma_start3A_230 = arith.constant 0 : i32
      %dma_start3A_231 = tpu.memref_slice %arg3[%arg0, %arg1, %dma_start3A_229, %dma_start3A_230] : memref<2x16x158x64xi32, #tpu.memory_space<hbm>> -> memref<1x1x38x64xi32, #tpu.memory_space<hbm>>
      %dma_start3A_232 = tpu.memref_squeeze %dma_start3A_231 : memref<1x1x38x64xi32, #tpu.memory_space<hbm>> -> memref<38x64xi32, #tpu.memory_space<hbm>>
      tpu.enqueue_dma source(%dma_start3A_232 : memref<38x64xi32, #tpu.memory_space<hbm>>) target(%dma_start3A_228 : memref<38x64xi32, #tpu.memory_space<vmem>>) target_semaphore(%run_scoped3A : memref<!tpu.dma_semaphore, #tpu.memory_space<semaphore_mem>>)
      %dma_wait3A_233 = arith.constant 0 : i32
      %dma_wait3A_234 = arith.constant 0 : i32
      %dma_wait3A_235 = tpu.memref_slice %arg7[%dma_wait3A_233, %dma_wait3A_234] : memref<40x64xi32, #tpu.memory_space<vmem>> -> memref<38x64xi32, #tpu.memory_space<vmem>>
      %dma_wait3A_236 = arith.constant 120 : i32
      %dma_wait3A_237 = arith.constant 0 : i32
      %dma_wait3A_238 = tpu.memref_slice %arg3[%arg0, %arg1, %dma_wait3A_236, %dma_wait3A_237] : memref<2x16x158x64xi32, #tpu.memory_space<hbm>> -> memref<1x1x38x64xi32, #tpu.memory_space<hbm>>
      %dma_wait3A_239 = tpu.memref_squeeze %dma_wait3A_238 : memref<1x1x38x64xi32, #tpu.memory_space<hbm>> -> memref<38x64xi32, #tpu.memory_space<hbm>>
      %dma_wait3A_240 = arith.constant 0 : i32
      %dma_wait3A_241 = arith.constant 0 : i32
      %dma_wait3A_242 = tpu.memref_slice %arg7[%dma_wait3A_240, %dma_wait3A_241] : memref<40x64xi32, #tpu.memory_space<vmem>> -> memref<38x64xi32, #tpu.memory_space<vmem>>
      %dma_wait3A_243 = arith.constant 120 : i32
      %dma_wait3A_244 = arith.constant 0 : i32
      %dma_wait3A_245 = tpu.memref_slice %arg3[%arg0, %arg1, %dma_wait3A_243, %dma_wait3A_244] : memref<2x16x158x64xi32, #tpu.memory_space<hbm>> -> memref<1x1x38x64xi32, #tpu.memory_space<hbm>>
      %dma_wait3A_246 = tpu.memref_squeeze %dma_wait3A_245 : memref<1x1x38x64xi32, #tpu.memory_space<hbm>> -> memref<38x64xi32, #tpu.memory_space<hbm>>
      tpu.wait_dma2 semaphore(%run_scoped3A : memref<!tpu.dma_semaphore, #tpu.memory_space<semaphore_mem>>) src(%dma_wait3A_246 : memref<38x64xi32, #tpu.memory_space<hbm>>) dst(%dma_wait3A_242 : memref<38x64xi32, #tpu.memory_space<vmem>>)
      tpu.yield
    }) : () -> ()
    "tpu.region"() ({
      %run_scoped3A = tpu.sem_alloc : memref<!tpu.dma_semaphore, #tpu.memory_space<semaphore_mem>>
      %dma_start3A_219 = arith.constant 0 : i32
      %dma_start3A_220 = arith.constant 0 : i32
      %dma_start3A_221 = tpu.memref_slice %arg8[%dma_start3A_219, %dma_start3A_220] : memref<40x64xi32, #tpu.memory_space<vmem>> -> memref<38x64xi32, #tpu.memory_space<vmem>>
      %dma_start3A_222 = arith.constant 120 : i32
      %dma_start3A_223 = arith.constant 0 : i32
      %dma_start3A_224 = tpu.memref_slice %arg4[%arg0, %arg1, %dma_start3A_222, %dma_start3A_223] : memref<2x16x158x64xi32, #tpu.memory_space<hbm>> -> memref<1x1x38x64xi32, #tpu.memory_space<hbm>>
      %dma_start3A_225 = tpu.memref_squeeze %dma_start3A_224 : memref<1x1x38x64xi32, #tpu.memory_space<hbm>> -> memref<38x64xi32, #tpu.memory_space<hbm>>
      %dma_start3A_226 = arith.constant 0 : i32
      %dma_start3A_227 = arith.constant 0 : i32
      %dma_start3A_228 = tpu.memref_slice %arg8[%dma_start3A_226, %dma_start3A_227] : memref<40x64xi32, #tpu.memory_space<vmem>> -> memref<38x64xi32, #tpu.memory_space<vmem>>
      %dma_start3A_229 = arith.constant 120 : i32
      %dma_start3A_230 = arith.constant 0 : i32
      %dma_start3A_231 = tpu.memref_slice %arg4[%arg0, %arg1, %dma_start3A_229, %dma_start3A_230] : memref<2x16x158x64xi32, #tpu.memory_space<hbm>> -> memref<1x1x38x64xi32, #tpu.memory_space<hbm>>
      %dma_start3A_232 = tpu.memref_squeeze %dma_start3A_231 : memref<1x1x38x64xi32, #tpu.memory_space<hbm>> -> memref<38x64xi32, #tpu.memory_space<hbm>>
      tpu.enqueue_dma source(%dma_start3A_232 : memref<38x64xi32, #tpu.memory_space<hbm>>) target(%dma_start3A_228 : memref<38x64xi32, #tpu.memory_space<vmem>>) target_semaphore(%run_scoped3A : memref<!tpu.dma_semaphore, #tpu.memory_space<semaphore_mem>>)
      %dma_wait3A_233 = arith.constant 0 : i32
      %dma_wait3A_234 = arith.constant 0 : i32
      %dma_wait3A_235 = tpu.memref_slice %arg8[%dma_wait3A_233, %dma_wait3A_234] : memref<40x64xi32, #tpu.memory_space<vmem>> -> memref<38x64xi32, #tpu.memory_space<vmem>>
      %dma_wait3A_236 = arith.constant 120 : i32
      %dma_wait3A_237 = arith.constant 0 : i32
      %dma_wait3A_238 = tpu.memref_slice %arg4[%arg0, %arg1, %dma_wait3A_236, %dma_wait3A_237] : memref<2x16x158x64xi32, #tpu.memory_space<hbm>> -> memref<1x1x38x64xi32, #tpu.memory_space<hbm>>
      %dma_wait3A_239 = tpu.memref_squeeze %dma_wait3A_238 : memref<1x1x38x64xi32, #tpu.memory_space<hbm>> -> memref<38x64xi32, #tpu.memory_space<hbm>>
      %dma_wait3A_240 = arith.constant 0 : i32
      %dma_wait3A_241 = arith.constant 0 : i32
      %dma_wait3A_242 = tpu.memref_slice %arg8[%dma_wait3A_240, %dma_wait3A_241] : memref<40x64xi32, #tpu.memory_space<vmem>> -> memref<38x64xi32, #tpu.memory_space<vmem>>
      %dma_wait3A_243 = arith.constant 120 : i32
      %dma_wait3A_244 = arith.constant 0 : i32
      %dma_wait3A_245 = tpu.memref_slice %arg4[%arg0, %arg1, %dma_wait3A_243, %dma_wait3A_244] : memref<2x16x158x64xi32, #tpu.memory_space<hbm>> -> memref<1x1x38x64xi32, #tpu.memory_space<hbm>>
      %dma_wait3A_246 = tpu.memref_squeeze %dma_wait3A_245 : memref<1x1x38x64xi32, #tpu.memory_space<hbm>> -> memref<38x64xi32, #tpu.memory_space<hbm>>
      tpu.wait_dma2 semaphore(%run_scoped3A : memref<!tpu.dma_semaphore, #tpu.memory_space<semaphore_mem>>) src(%dma_wait3A_246 : memref<38x64xi32, #tpu.memory_space<hbm>>) dst(%dma_wait3A_242 : memref<38x64xi32, #tpu.memory_space<vmem>>)
      tpu.yield
    }) : () -> ()
    %dma_start3A_160 = arith.constant 0 : i32
    %dma_start3A_161 = arith.constant 0 : i32
    %dma_start3A_162 = arith.constant 0 : i32
    %dma_start3A_163 = arith.constant 0 : i32
    %dma_start3A_164 = tpu.memref_slice %arg9[%dma_start3A_161, %dma_start3A_162, %dma_start3A_163] : memref<4x64x128xf32, #tpu.memory_space<vmem>> -> memref<1x64x128xf32, #tpu.memory_space<vmem>>
    %dma_start3A_165 = tpu.memref_squeeze %dma_start3A_164 : memref<1x64x128xf32, #tpu.memory_space<vmem>> -> memref<64x128xf32, #tpu.memory_space<vmem>>
    %dma_start3A_166 = arith.constant 0 : i32
    %dma_start3A_167 = tpu.memref_slice %arg7[%dma_start3A_160, %dma_start3A_166] : memref<40x64xi32, #tpu.memory_space<vmem>> -> memref<1x64xi32, #tpu.memory_space<vmem>>
    %dma_start3A_168 = tpu.memref_squeeze %dma_start3A_167 : memref<1x64xi32, #tpu.memory_space<vmem>> -> memref<64xi32, #tpu.memory_space<vmem>>
    %dma_start3A_169 = arith.constant 0 : i32
    %dma_start3A_170 = arith.constant 0 : i32
    %dma_start3A_171 = tpu.memref_slice %arg2[%dma_start3A_169, %dma_start3A_170] : memref<10000x128xf32, #tpu.memory_space<hbm>> -> memref<10000x128xf32, #tpu.memory_space<hbm>>
    tpu.enqueue_indirect_dma source(%dma_start3A_171 : memref<10000x128xf32, #tpu.memory_space<hbm>>) target(%dma_start3A_165 : memref<64x128xf32, #tpu.memory_space<vmem>>) offsets(%dma_start3A_168 : memref<64xi32, #tpu.memory_space<vmem>>) semaphore(%arg11 : memref<!tpu.dma_semaphore, #tpu.memory_space<semaphore_mem>>)
    %dma_start3A_172 = arith.constant 1 : i32
    %dma_start3A_173 = arith.constant 1 : i32
    %dma_start3A_174 = arith.constant 0 : i32
    %dma_start3A_175 = arith.constant 0 : i32
    %dma_start3A_176 = tpu.memref_slice %arg9[%dma_start3A_173, %dma_start3A_174, %dma_start3A_175] : memref<4x64x128xf32, #tpu.memory_space<vmem>> -> memref<1x64x128xf32, #tpu.memory_space<vmem>>
    %dma_start3A_177 = tpu.memref_squeeze %dma_start3A_176 : memref<1x64x128xf32, #tpu.memory_space<vmem>> -> memref<64x128xf32, #tpu.memory_space<vmem>>
    %dma_start3A_178 = arith.constant 0 : i32
    %dma_start3A_179 = tpu.memref_slice %arg7[%dma_start3A_172, %dma_start3A_178] : memref<40x64xi32, #tpu.memory_space<vmem>> -> memref<1x64xi32, #tpu.memory_space<vmem>>
    %dma_start3A_180 = tpu.memref_squeeze %dma_start3A_179 : memref<1x64xi32, #tpu.memory_space<vmem>> -> memref<64xi32, #tpu.memory_space<vmem>>
    %dma_start3A_181 = arith.constant 0 : i32
    %dma_start3A_182 = arith.constant 0 : i32
    %dma_start3A_183 = tpu.memref_slice %arg2[%dma_start3A_181, %dma_start3A_182] : memref<10000x128xf32, #tpu.memory_space<hbm>> -> memref<10000x128xf32, #tpu.memory_space<hbm>>
    tpu.enqueue_indirect_dma source(%dma_start3A_183 : memref<10000x128xf32, #tpu.memory_space<hbm>>) target(%dma_start3A_177 : memref<64x128xf32, #tpu.memory_space<vmem>>) offsets(%dma_start3A_180 : memref<64xi32, #tpu.memory_space<vmem>>) semaphore(%arg11 : memref<!tpu.dma_semaphore, #tpu.memory_space<semaphore_mem>>)
    %scan3A_184 = arith.constant 0 : i32
    %scan3A_185 = arith.constant 0 : i32
    %scan3A_186 = arith.constant 38 : i32
    %scan3A_187 = arith.addi %scan3A_185, %scan3A_186 : i32
    %scan3A_188 = arith.constant 1 : i32
    scf.for %scan3A_219 = %scan3A_185 to %scan3A_187 step %scan3A_188  : i32 {
      %rem3A = arith.constant 4 : i32
      %rem3A_220 = arith.remsi %scan3A_219, %rem3A : i32
      %dma_wait3A_221 = arith.constant 0 : i32
      %dma_wait3A_222 = arith.constant 0 : i32
      %dma_wait3A_223 = tpu.memref_slice %arg9[%rem3A_220, %dma_wait3A_221, %dma_wait3A_222] : memref<4x64x128xf32, #tpu.memory_space<vmem>> -> memref<1x64x128xf32, #tpu.memory_space<vmem>>
      %dma_wait3A_224 = tpu.memref_squeeze %dma_wait3A_223 : memref<1x64x128xf32, #tpu.memory_space<vmem>> -> memref<64x128xf32, #tpu.memory_space<vmem>>
      %dma_wait3A_225 = arith.constant 0 : i32
      %dma_wait3A_226 = tpu.memref_slice %arg7[%scan3A_219, %dma_wait3A_225] : memref<40x64xi32, #tpu.memory_space<vmem>> -> memref<1x64xi32, #tpu.memory_space<vmem>>
      %dma_wait3A_227 = tpu.memref_squeeze %dma_wait3A_226 : memref<1x64xi32, #tpu.memory_space<vmem>> -> memref<64xi32, #tpu.memory_space<vmem>>
      %dma_wait3A_228 = arith.constant 0 : i32
      %dma_wait3A_229 = arith.constant 0 : i32
      %dma_wait3A_230 = tpu.memref_slice %arg2[%dma_wait3A_228, %dma_wait3A_229] : memref<10000x128xf32, #tpu.memory_space<hbm>> -> memref<10000x128xf32, #tpu.memory_space<hbm>>
      tpu.wait_indirect_dma semaphore(%arg11 : memref<!tpu.dma_semaphore, #tpu.memory_space<semaphore_mem>>) src(%dma_wait3A_230 : memref<10000x128xf32, #tpu.memory_space<hbm>>) dst(%dma_wait3A_224 : memref<64x128xf32, #tpu.memory_space<vmem>>)
      %gt3A = arith.constant 1 : i32
      %gt3A_231 = arith.cmpi sgt, %scan3A_219, %gt3A : i32
      %convert_element_type3A = arith.extui %gt3A_231 : i1 to i32
      %cond3A = arith.constant 0 : i32
      %cond3A_232 = arith.cmpi ne, %convert_element_type3A, %cond3A : i32
      scf.if %cond3A_232 {
        %sub3A = arith.constant 2 : i32
        %sub3A_248 = arith.subi %scan3A_219, %sub3A : i32
        %rem3A_249 = arith.constant 4 : i32
        %rem3A_250 = arith.remsi %sub3A_248, %rem3A_249 : i32
        %sub3A_251 = arith.constant 2 : i32
        %sub3A_252 = arith.subi %scan3A_219, %sub3A_251 : i32
        %dma_wait3A_253 = arith.constant 0 : i32
        %dma_wait3A_254 = arith.constant 0 : i32
        %dma_wait3A_255 = tpu.memref_slice %arg9[%rem3A_250, %dma_wait3A_253, %dma_wait3A_254] : memref<4x64x128xf32, #tpu.memory_space<vmem>> -> memref<1x64x128xf32, #tpu.memory_space<vmem>>
        %dma_wait3A_256 = tpu.memref_squeeze %dma_wait3A_255 : memref<1x64x128xf32, #tpu.memory_space<vmem>> -> memref<64x128xf32, #tpu.memory_space<vmem>>
        %dma_wait3A_257 = arith.constant 0 : i32
        %dma_wait3A_258 = tpu.memref_slice %arg8[%sub3A_252, %dma_wait3A_257] : memref<40x64xi32, #tpu.memory_space<vmem>> -> memref<1x64xi32, #tpu.memory_space<vmem>>
        %dma_wait3A_259 = tpu.memref_squeeze %dma_wait3A_258 : memref<1x64xi32, #tpu.memory_space<vmem>> -> memref<64xi32, #tpu.memory_space<vmem>>
        %dma_wait3A_260 = arith.constant 0 : i32
        %dma_wait3A_261 = arith.constant 0 : i32
        %dma_wait3A_262 = tpu.memref_slice %arg10[%dma_wait3A_260, %dma_wait3A_261] : memref<10112x128xf32, #tpu.memory_space<vmem_shared>> -> memref<10112x128xf32, #tpu.memory_space<vmem_shared>>
        tpu.wait_indirect_dma semaphore(%arg12 : memref<!tpu.dma_semaphore, #tpu.memory_space<semaphore_mem>>) src(%dma_wait3A_256 : memref<64x128xf32, #tpu.memory_space<vmem>>) dst(%dma_wait3A_262 : memref<10112x128xf32, #tpu.memory_space<vmem_shared>>)
      } else {
      }
      %add3A = arith.constant 2 : i32
      %add3A_233 = arith.addi %scan3A_219, %add3A : i32
      %lt3A = arith.constant 38 : i32
      %lt3A_234 = arith.cmpi slt, %add3A_233, %lt3A : i32
      %convert_element_type3A_235 = arith.extui %lt3A_234 : i1 to i32
      %cond3A_236 = arith.constant 0 : i32
      %cond3A_237 = arith.cmpi ne, %convert_element_type3A_235, %cond3A_236 : i32
      scf.if %cond3A_237 {
        %add3A_248 = arith.constant 2 : i32
        %add3A_249 = arith.addi %scan3A_219, %add3A_248 : i32
        %add3A_250 = arith.constant 2 : i32
        %add3A_251 = arith.addi %scan3A_219, %add3A_250 : i32
        %rem3A_252 = arith.constant 4 : i32
        %rem3A_253 = arith.remsi %add3A_251, %rem3A_252 : i32
        %dma_start3A_254 = arith.constant 0 : i32
        %dma_start3A_255 = arith.constant 0 : i32
        %dma_start3A_256 = tpu.memref_slice %arg9[%rem3A_253, %dma_start3A_254, %dma_start3A_255] : memref<4x64x128xf32, #tpu.memory_space<vmem>> -> memref<1x64x128xf32, #tpu.memory_space<vmem>>
        %dma_start3A_257 = tpu.memref_squeeze %dma_start3A_256 : memref<1x64x128xf32, #tpu.memory_space<vmem>> -> memref<64x128xf32, #tpu.memory_space<vmem>>
        %dma_start3A_258 = arith.constant 0 : i32
        %dma_start3A_259 = tpu.memref_slice %arg7[%add3A_249, %dma_start3A_258] : memref<40x64xi32, #tpu.memory_space<vmem>> -> memref<1x64xi32, #tpu.memory_space<vmem>>
        %dma_start3A_260 = tpu.memref_squeeze %dma_start3A_259 : memref<1x64xi32, #tpu.memory_space<vmem>> -> memref<64xi32, #tpu.memory_space<vmem>>
        %dma_start3A_261 = arith.constant 0 : i32
        %dma_start3A_262 = arith.constant 0 : i32
        %dma_start3A_263 = tpu.memref_slice %arg2[%dma_start3A_261, %dma_start3A_262] : memref<10000x128xf32, #tpu.memory_space<hbm>> -> memref<10000x128xf32, #tpu.memory_space<hbm>>
        tpu.enqueue_indirect_dma source(%dma_start3A_263 : memref<10000x128xf32, #tpu.memory_space<hbm>>) target(%dma_start3A_257 : memref<64x128xf32, #tpu.memory_space<vmem>>) offsets(%dma_start3A_260 : memref<64xi32, #tpu.memory_space<vmem>>) semaphore(%arg11 : memref<!tpu.dma_semaphore, #tpu.memory_space<semaphore_mem>>)
      } else {
      }
      %dma_start3A_238 = arith.constant 0 : i32
      %dma_start3A_239 = arith.constant 0 : i32
      %dma_start3A_240 = tpu.memref_slice %arg9[%rem3A_220, %dma_start3A_238, %dma_start3A_239] : memref<4x64x128xf32, #tpu.memory_space<vmem>> -> memref<1x64x128xf32, #tpu.memory_space<vmem>>
      %dma_start3A_241 = tpu.memref_squeeze %dma_start3A_240 : memref<1x64x128xf32, #tpu.memory_space<vmem>> -> memref<64x128xf32, #tpu.memory_space<vmem>>
      %dma_start3A_242 = arith.constant 0 : i32
      %dma_start3A_243 = tpu.memref_slice %arg8[%scan3A_219, %dma_start3A_242] : memref<40x64xi32, #tpu.memory_space<vmem>> -> memref<1x64xi32, #tpu.memory_space<vmem>>
      %dma_start3A_244 = tpu.memref_squeeze %dma_start3A_243 : memref<1x64xi32, #tpu.memory_space<vmem>> -> memref<64xi32, #tpu.memory_space<vmem>>
      %dma_start3A_245 = arith.constant 0 : i32
      %dma_start3A_246 = arith.constant 0 : i32
      %dma_start3A_247 = tpu.memref_slice %arg10[%dma_start3A_245, %dma_start3A_246] : memref<10112x128xf32, #tpu.memory_space<vmem_shared>> -> memref<10112x128xf32, #tpu.memory_space<vmem_shared>>
      tpu.enqueue_indirect_dma source(%dma_start3A_241 : memref<64x128xf32, #tpu.memory_space<vmem>>) target(%dma_start3A_247 : memref<10112x128xf32, #tpu.memory_space<vmem_shared>>) offsets(%dma_start3A_244 : memref<64xi32, #tpu.memory_space<vmem>>) semaphore(%arg12 : memref<!tpu.dma_semaphore, #tpu.memory_space<semaphore_mem>>) {add = true}
    }
    %scan3A_189 = arith.constant 38 : i32
    %dma_wait3A_190 = arith.constant 0 : i32
    %dma_wait3A_191 = arith.constant 36 : i32
    %dma_wait3A_192 = arith.constant 0 : i32
    %dma_wait3A_193 = arith.constant 0 : i32
    %dma_wait3A_194 = tpu.memref_slice %arg9[%dma_wait3A_190, %dma_wait3A_192, %dma_wait3A_193] : memref<4x64x128xf32, #tpu.memory_space<vmem>> -> memref<1x64x128xf32, #tpu.memory_space<vmem>>
    %dma_wait3A_195 = tpu.memref_squeeze %dma_wait3A_194 : memref<1x64x128xf32, #tpu.memory_space<vmem>> -> memref<64x128xf32, #tpu.memory_space<vmem>>
    %dma_wait3A_196 = arith.constant 0 : i32
    %dma_wait3A_197 = tpu.memref_slice %arg8[%dma_wait3A_191, %dma_wait3A_196] : memref<40x64xi32, #tpu.memory_space<vmem>> -> memref<1x64xi32, #tpu.memory_space<vmem>>
    %dma_wait3A_198 = tpu.memref_squeeze %dma_wait3A_197 : memref<1x64xi32, #tpu.memory_space<vmem>> -> memref<64xi32, #tpu.memory_space<vmem>>
    %dma_wait3A_199 = arith.constant 0 : i32
    %dma_wait3A_200 = arith.constant 0 : i32
    %dma_wait3A_201 = tpu.memref_slice %arg10[%dma_wait3A_199, %dma_wait3A_200] : memref<10112x128xf32, #tpu.memory_space<vmem_shared>> -> memref<10112x128xf32, #tpu.memory_space<vmem_shared>>
    tpu.wait_indirect_dma semaphore(%arg12 : memref<!tpu.dma_semaphore, #tpu.memory_space<semaphore_mem>>) src(%dma_wait3A_195 : memref<64x128xf32, #tpu.memory_space<vmem>>) dst(%dma_wait3A_201 : memref<10112x128xf32, #tpu.memory_space<vmem_shared>>)
    %dma_wait3A_202 = arith.constant 1 : i32
    %dma_wait3A_203 = arith.constant 37 : i32
    %dma_wait3A_204 = arith.constant 0 : i32
    %dma_wait3A_205 = arith.constant 0 : i32
    %dma_wait3A_206 = tpu.memref_slice %arg9[%dma_wait3A_202, %dma_wait3A_204, %dma_wait3A_205] : memref<4x64x128xf32, #tpu.memory_space<vmem>> -> memref<1x64x128xf32, #tpu.memory_space<vmem>>
    %dma_wait3A_207 = tpu.memref_squeeze %dma_wait3A_206 : memref<1x64x128xf32, #tpu.memory_space<vmem>> -> memref<64x128xf32, #tpu.memory_space<vmem>>
    %dma_wait3A_208 = arith.constant 0 : i32
    %dma_wait3A_209 = tpu.memref_slice %arg8[%dma_wait3A_203, %dma_wait3A_208] : memref<40x64xi32, #tpu.memory_space<vmem>> -> memref<1x64xi32, #tpu.memory_space<vmem>>
    %dma_wait3A_210 = tpu.memref_squeeze %dma_wait3A_209 : memref<1x64xi32, #tpu.memory_space<vmem>> -> memref<64xi32, #tpu.memory_space<vmem>>
    %dma_wait3A_211 = arith.constant 0 : i32
    %dma_wait3A_212 = arith.constant 0 : i32
    %dma_wait3A_213 = tpu.memref_slice %arg10[%dma_wait3A_211, %dma_wait3A_212] : memref<10112x128xf32, #tpu.memory_space<vmem_shared>> -> memref<10112x128xf32, #tpu.memory_space<vmem_shared>>
    tpu.wait_indirect_dma semaphore(%arg12 : memref<!tpu.dma_semaphore, #tpu.memory_space<semaphore_mem>>) src(%dma_wait3A_207 : memref<64x128xf32, #tpu.memory_space<vmem>>) dst(%dma_wait3A_213 : memref<10112x128xf32, #tpu.memory_space<vmem_shared>>)
    %barrier3A_214 = arith.constant 0 : index
    tpu.barrier barrier_id(%barrier3A_214)
    %mul3A_215 = arith.constant 632 : i32
    %mul3A_216 = arith.muli %arg1, %mul3A_215 : i32
    %mul3A_217 = arith.constant 632 : i32
    %mul3A_218 = arith.muli %arg1, %mul3A_217 : i32
    "tpu.region"() ({
      %run_scoped3A = tpu.sem_alloc : memref<!tpu.dma_semaphore, #tpu.memory_space<semaphore_mem>>
      %dma_start3A_219 = arith.constant 0 : i32
      %dma_start3A_220 = tpu.memref_slice %arg6[%arg0, %mul3A_218, %dma_start3A_219] : memref<2x10112x128xf32, #tpu.memory_space<hbm>> -> memref<1x632x128xf32, #tpu.memory_space<hbm>>
      %dma_start3A_221 = tpu.memref_squeeze %dma_start3A_220 : memref<1x632x128xf32, #tpu.memory_space<hbm>> -> memref<632x128xf32, #tpu.memory_space<hbm>>
      %dma_start3A_222 = arith.constant 0 : i32
      %dma_start3A_223 = tpu.memref_slice %arg10[%mul3A_216, %dma_start3A_222] : memref<10112x128xf32, #tpu.memory_space<vmem_shared>> -> memref<632x128xf32, #tpu.memory_space<vmem_shared>>
      tpu.enqueue_dma source(%dma_start3A_223 : memref<632x128xf32, #tpu.memory_space<vmem_shared>>) target(%dma_start3A_221 : memref<632x128xf32, #tpu.memory_space<hbm>>) target_semaphore(%run_scoped3A : memref<!tpu.dma_semaphore, #tpu.memory_space<semaphore_mem>>)
      %dma_wait3A_224 = arith.constant 0 : i32
      %dma_wait3A_225 = tpu.memref_slice %arg6[%arg0, %mul3A_218, %dma_wait3A_224] : memref<2x10112x128xf32, #tpu.memory_space<hbm>> -> memref<1x632x128xf32, #tpu.memory_space<hbm>>
      %dma_wait3A_226 = tpu.memref_squeeze %dma_wait3A_225 : memref<1x632x128xf32, #tpu.memory_space<hbm>> -> memref<632x128xf32, #tpu.memory_space<hbm>>
      %dma_wait3A_227 = arith.constant 0 : i32
      %dma_wait3A_228 = tpu.memref_slice %arg10[%mul3A_216, %dma_wait3A_227] : memref<10112x128xf32, #tpu.memory_space<vmem_shared>> -> memref<632x128xf32, #tpu.memory_space<vmem_shared>>
      tpu.wait_dma2 semaphore(%run_scoped3A : memref<!tpu.dma_semaphore, #tpu.memory_space<semaphore_mem>>) src(%dma_wait3A_228 : memref<632x128xf32, #tpu.memory_space<vmem_shared>>) dst(%dma_wait3A_226 : memref<632x128xf32, #tpu.memory_space<hbm>>)
      tpu.yield
    }) : () -> ()
    return
  }
}

module attributes {stable_mosaic.version = 14 : i64} {
  func.func @_mlp_body(%arg0: i32, %arg1: memref<1000x128xf32, #tpu.memory_space<vmem>>, %arg2: memref<1x1000x128xf32, #tpu.memory_space<vmem>>, %arg3: memref<1x1000x128xf32, #tpu.memory_space<vmem>>, %arg4: memref<128x128xf32, #tpu.memory_space<vmem>>, %arg5: memref<128x128xf32, #tpu.memory_space<vmem>>, %arg6: memref<1000x128xf32, #tpu.memory_space<vmem>>) attributes {dimension_semantics = [#tpu.dimension_semantics<arbitrary>], iteration_bounds = array<i64: 10>, scalar_prefetch = 0 : i64, scratch_operands = 0 : i64, tpu.core_type = #tpu.core_type<tc>, window_params = [{transform_indices = @transform_0, window_bounds = array<i64: 1000, 128>}, {transform_indices = @transform_1, window_bounds = array<i64: 1, 1000, 128>}, {transform_indices = @transform_2, window_bounds = array<i64: 1, 1000, 128>}, {pipeline_mode = #tpu.pipeline_mode<synchronous>, transform_indices = @transform_3, window_bounds = array<i64: 128, 128>}, {pipeline_mode = #tpu.pipeline_mode<synchronous>, transform_indices = @transform_4, window_bounds = array<i64: 128, 128>}, {transform_indices = @transform_5, window_bounds = array<i64: 1000, 128>}]} {
    %get3A = arith.constant 0 : index
    %get3A_0 = arith.constant 0 : index
    %get3A_1 = vector.load %arg1[%get3A, %get3A_0] : memref<1000x128xf32, #tpu.memory_space<vmem>>, vector<1000x128xf32>
    %get3A_2 = arith.constant 0 : index
    %get3A_3 = arith.constant 0 : index
    %get3A_4 = arith.constant 0 : index
    %get3A_5 = vector.load %arg2[%get3A_2, %get3A_3, %get3A_4] : memref<1x1000x128xf32, #tpu.memory_space<vmem>>, vector<1x1000x128xf32>
    %get3A_6 = vector.shape_cast %get3A_5 : vector<1x1000x128xf32> to vector<1000x128xf32>
    %add3A = arith.addf %get3A_1, %get3A_6 : vector<1000x128xf32>
    %get3A_7 = arith.constant 0 : index
    %get3A_8 = arith.constant 0 : index
    %get3A_9 = arith.constant 0 : index
    %get3A_10 = vector.load %arg3[%get3A_7, %get3A_8, %get3A_9] : memref<1x1000x128xf32, #tpu.memory_space<vmem>>, vector<1x1000x128xf32>
    %get3A_11 = vector.shape_cast %get3A_10 : vector<1x1000x128xf32> to vector<1000x128xf32>
    %add3A_12 = arith.addf %add3A, %get3A_11 : vector<1000x128xf32>
    %get3A_13 = arith.constant 0 : index
    %get3A_14 = arith.constant 0 : index
    %get3A_15 = vector.load %arg4[%get3A_13, %get3A_14] : memref<128x128xf32, #tpu.memory_space<vmem>>, vector<128x128xf32>
    %convert_element_type3A = arith.truncf %add3A_12 : vector<1000x128xf32> to vector<1000x128xbf16>
    %convert_element_type3A_16 = arith.extf %convert_element_type3A : vector<1000x128xbf16> to vector<1000x128xf32>
    %sub3A = arith.subf %add3A_12, %convert_element_type3A_16 : vector<1000x128xf32>
    %convert_element_type3A_17 = arith.truncf %sub3A : vector<1000x128xf32> to vector<1000x128xbf16>
    %convert_element_type3A_18 = arith.truncf %get3A_15 : vector<128x128xf32> to vector<128x128xbf16>
    %convert_element_type3A_19 = arith.extf %convert_element_type3A_18 : vector<128x128xbf16> to vector<128x128xf32>
    %sub3A_20 = arith.subf %get3A_15, %convert_element_type3A_19 : vector<128x128xf32>
    %convert_element_type3A_21 = arith.truncf %sub3A_20 : vector<128x128xf32> to vector<128x128xbf16>
    %dot_general3A = arith.constant dense<0.000000e+00> : vector<1000x128xf32>
    %dot_general3A_22 = tpu.matmul %convert_element_type3A, %convert_element_type3A_18, %dot_general3A {dimension_numbers = #tpu.dot_dimension_numbers<[1], [0], [0], [1], [0, 0, 1, 1], [], []>, transpose_lhs_hint = false} : vector<1000x128xbf16>, vector<128x128xbf16>, vector<1000x128xf32> -> vector<1000x128xf32>
    %dot_general3A_23 = arith.constant dense<0.000000e+00> : vector<1000x128xf32>
    %dot_general3A_24 = tpu.matmul %convert_element_type3A, %convert_element_type3A_21, %dot_general3A_23 {dimension_numbers = #tpu.dot_dimension_numbers<[1], [0], [0], [1], [0, 0, 1, 1], [], []>, transpose_lhs_hint = false} : vector<1000x128xbf16>, vector<128x128xbf16>, vector<1000x128xf32> -> vector<1000x128xf32>
    %dot_general3A_25 = arith.constant dense<0.000000e+00> : vector<1000x128xf32>
    %dot_general3A_26 = tpu.matmul %convert_element_type3A_17, %convert_element_type3A_18, %dot_general3A_25 {dimension_numbers = #tpu.dot_dimension_numbers<[1], [0], [0], [1], [0, 0, 1, 1], [], []>, transpose_lhs_hint = false} : vector<1000x128xbf16>, vector<128x128xbf16>, vector<1000x128xf32> -> vector<1000x128xf32>
    %add3A_27 = arith.addf %dot_general3A_24, %dot_general3A_26 : vector<1000x128xf32>
    %add3A_28 = arith.addf %dot_general3A_22, %add3A_27 : vector<1000x128xf32>
    %max3A = arith.constant 0.000000e+00 : f32
    %max3A_29 = vector.broadcast %max3A : f32 to vector<1000x128xf32>
    %max3A_30 = arith.maximumf %add3A_28, %max3A_29 : vector<1000x128xf32>
    %get3A_31 = arith.constant 0 : index
    %get3A_32 = arith.constant 0 : index
    %get3A_33 = vector.load %arg5[%get3A_31, %get3A_32] : memref<128x128xf32, #tpu.memory_space<vmem>>, vector<128x128xf32>
    %convert_element_type3A_34 = arith.truncf %max3A_30 : vector<1000x128xf32> to vector<1000x128xbf16>
    %convert_element_type3A_35 = arith.extf %convert_element_type3A_34 : vector<1000x128xbf16> to vector<1000x128xf32>
    %sub3A_36 = arith.subf %max3A_30, %convert_element_type3A_35 : vector<1000x128xf32>
    %convert_element_type3A_37 = arith.truncf %sub3A_36 : vector<1000x128xf32> to vector<1000x128xbf16>
    %convert_element_type3A_38 = arith.truncf %get3A_33 : vector<128x128xf32> to vector<128x128xbf16>
    %convert_element_type3A_39 = arith.extf %convert_element_type3A_38 : vector<128x128xbf16> to vector<128x128xf32>
    %sub3A_40 = arith.subf %get3A_33, %convert_element_type3A_39 : vector<128x128xf32>
    %convert_element_type3A_41 = arith.truncf %sub3A_40 : vector<128x128xf32> to vector<128x128xbf16>
    %dot_general3A_42 = arith.constant dense<0.000000e+00> : vector<1000x128xf32>
    %dot_general3A_43 = tpu.matmul %convert_element_type3A_34, %convert_element_type3A_38, %dot_general3A_42 {dimension_numbers = #tpu.dot_dimension_numbers<[1], [0], [0], [1], [0, 0, 1, 1], [], []>, transpose_lhs_hint = false} : vector<1000x128xbf16>, vector<128x128xbf16>, vector<1000x128xf32> -> vector<1000x128xf32>
    %dot_general3A_44 = arith.constant dense<0.000000e+00> : vector<1000x128xf32>
    %dot_general3A_45 = tpu.matmul %convert_element_type3A_34, %convert_element_type3A_41, %dot_general3A_44 {dimension_numbers = #tpu.dot_dimension_numbers<[1], [0], [0], [1], [0, 0, 1, 1], [], []>, transpose_lhs_hint = false} : vector<1000x128xbf16>, vector<128x128xbf16>, vector<1000x128xf32> -> vector<1000x128xf32>
    %dot_general3A_46 = arith.constant dense<0.000000e+00> : vector<1000x128xf32>
    %dot_general3A_47 = tpu.matmul %convert_element_type3A_37, %convert_element_type3A_38, %dot_general3A_46 {dimension_numbers = #tpu.dot_dimension_numbers<[1], [0], [0], [1], [0, 0, 1, 1], [], []>, transpose_lhs_hint = false} : vector<1000x128xbf16>, vector<128x128xbf16>, vector<1000x128xf32> -> vector<1000x128xf32>
    %add3A_48 = arith.addf %dot_general3A_45, %dot_general3A_47 : vector<1000x128xf32>
    %add3A_49 = arith.addf %dot_general3A_43, %add3A_48 : vector<1000x128xf32>
    %max3A_50 = arith.constant 0.000000e+00 : f32
    %max3A_51 = vector.broadcast %max3A_50 : f32 to vector<1000x128xf32>
    %max3A_52 = arith.maximumf %add3A_49, %max3A_51 : vector<1000x128xf32>
    %swap3A = arith.constant 0 : index
    %swap3A_53 = arith.constant 0 : index
    %swap3A_54 = vector.load %arg6[%swap3A, %swap3A_53] : memref<1000x128xf32, #tpu.memory_space<vmem>>, vector<1000x128xf32>
    tpu.vector_store %arg6[%swap3A, %swap3A_53], %max3A_52 {strides = array<i32>} : memref<1000x128xf32, #tpu.memory_space<vmem>>, vector<1000x128xf32>,
    return
  }
  func.func @transform_0(%arg0: i32) -> (i32, i32) {
    %c0_i32 = arith.constant 0 : i32
    %c0_i32_0 = arith.constant 0 : i32
    return %arg0, %c0_i32 : i32, i32
  }
  func.func @transform_1(%arg0: i32) -> (i32, i32, i32) {
    %c0_i32 = arith.constant 0 : i32
    %c0_i32_0 = arith.constant 0 : i32
    %c0_i32_1 = arith.constant 0 : i32
    return %c0_i32, %arg0, %c0_i32_0 : i32, i32, i32
  }
  func.func @transform_2(%arg0: i32) -> (i32, i32, i32) {
    %c1_i32 = arith.constant 1 : i32
    %c0_i32 = arith.constant 0 : i32
    %c0_i32_0 = arith.constant 0 : i32
    return %c1_i32, %arg0, %c0_i32 : i32, i32, i32
  }
  func.func @transform_3(%arg0: i32) -> (i32, i32) {
    %c0_i32 = arith.constant 0 : i32
    %c0_i32_0 = arith.constant 0 : i32
    %c0_i32_1 = arith.constant 0 : i32
    return %c0_i32, %c0_i32_0 : i32, i32
  }
  func.func @transform_4(%arg0: i32) -> (i32, i32) {
    %c0_i32 = arith.constant 0 : i32
    %c0_i32_0 = arith.constant 0 : i32
    %c0_i32_1 = arith.constant 0 : i32
    return %c0_i32, %c0_i32_0 : i32, i32
  }
  func.func @transform_5(%arg0: i32) -> (i32, i32) {
    %c0_i32 = arith.constant 0 : i32
    %c0_i32_0 = arith.constant 0 : i32
    return %arg0, %c0_i32 : i32, i32
  }
}

module attributes {stable_mosaic.version = 14 : i64} {
  func.func @_pool_body(%arg0: memref<10000x128xf32, #tpu.memory_space<vmem>>, %arg1: memref<1x10000xi32, #tpu.memory_space<vmem>>, %arg2: memref<384x128xf32, #tpu.memory_space<vmem>>, %arg3: memref<1x128xf32, #tpu.memory_space<vmem>>, %arg4: memref<64x128xf32, #tpu.memory_space<vmem>>, %arg5: memref<65xi32, #tpu.memory_space<smem>>, %arg6: memref<64x128xf32, #tpu.memory_space<vmem>>) attributes {dimension_semantics = [], scalar_prefetch = 0 : i64, scratch_operands = 2 : i64, tpu.core_type = #tpu.core_type<tc>} {
    %get3A = arith.constant 0 : index
    %get3A_0 = arith.constant 0 : index
    %get3A_1 = vector.load %arg1[%get3A, %get3A_0] : memref<1x10000xi32, #tpu.memory_space<vmem>>, vector<1x10000xi32>
    %scan3A = arith.constant 0 : i32
    %scan3A_2 = arith.constant 65 : i32
    %scan3A_3 = arith.addi %scan3A, %scan3A_2 : i32
    %scan3A_4 = arith.constant 1 : i32
    scf.for %scan3A_67 = %scan3A to %scan3A_3 step %scan3A_4  : i32 {
      %lt3A = vector.broadcast %scan3A_67 : i32 to vector<1x10000xi32>
      %lt3A_68 = arith.cmpi slt, %get3A_1, %lt3A : vector<1x10000xi32>
      %convert_element_type3A_69 = arith.extui %lt3A_68 : vector<1x10000xi1> to vector<1x10000xi32>
      %reduce_sum3A_70 = vector.shape_cast %convert_element_type3A_69 : vector<1x10000xi32> to vector<1x1x10000xi32>
      %reduce_sum3A_71 = arith.constant dense<0> : vector<1xi32>
      %reduce_sum3A_72 = vector.multi_reduction <add>, %reduce_sum3A_70, %reduce_sum3A_71 [1, 2] : vector<1x1x10000xi32> to vector<1xi32>
      %reduce_sum3A_73 = vector.shape_cast %reduce_sum3A_72 : vector<1xi32> to vector<1x1x1xi32>
      %reduce_sum3A_74 = vector.extract %reduce_sum3A_73[0, 0, 0] : i32 from vector<1x1x1xi32>
      %swap3A_75 = arith.index_cast %scan3A_67 : i32 to index
      %swap3A_76 = memref.load %arg5[%swap3A_75] : memref<65xi32, #tpu.memory_space<smem>>
      memref.store %reduce_sum3A_74, %arg5[%swap3A_75] : memref<65xi32, #tpu.memory_space<smem>>
    }
    %scan3A_5 = arith.constant 65 : i32
    %iota3A = tpu.iota {dimensions = array<i32: 0>} : vector<64x10000xi32>
    %eq3A = vector.broadcast %get3A_1 : vector<1x10000xi32> to vector<64x10000xi32>
    %eq3A_6 = arith.cmpi eq, %iota3A, %eq3A : vector<64x10000xi32>
    %convert_element_type3A = arith.extui %eq3A_6 : vector<64x10000xi1> to vector<64x10000xi32>
    %convert_element_type3A_7 = arith.sitofp %convert_element_type3A : vector<64x10000xi32> to vector<64x10000xf32>
    %get3A_8 = arith.constant 0 : index
    %get3A_9 = arith.constant 0 : index
    %get3A_10 = vector.load %arg0[%get3A_8, %get3A_9] : memref<10000x128xf32, #tpu.memory_space<vmem>>, vector<10000x128xf32>
    %convert_element_type3A_11 = arith.truncf %convert_element_type3A_7 : vector<64x10000xf32> to vector<64x10000xbf16>
    %convert_element_type3A_12 = arith.extf %convert_element_type3A_11 : vector<64x10000xbf16> to vector<64x10000xf32>
    %sub3A = arith.subf %convert_element_type3A_7, %convert_element_type3A_12 : vector<64x10000xf32>
    %convert_element_type3A_13 = arith.truncf %sub3A : vector<64x10000xf32> to vector<64x10000xbf16>
    %convert_element_type3A_14 = arith.truncf %get3A_10 : vector<10000x128xf32> to vector<10000x128xbf16>
    %convert_element_type3A_15 = arith.extf %convert_element_type3A_14 : vector<10000x128xbf16> to vector<10000x128xf32>
    %sub3A_16 = arith.subf %get3A_10, %convert_element_type3A_15 : vector<10000x128xf32>
    %convert_element_type3A_17 = arith.truncf %sub3A_16 : vector<10000x128xf32> to vector<10000x128xbf16>
    %dot_general3A = arith.constant dense<0.000000e+00> : vector<64x128xf32>
    %dot_general3A_18 = tpu.matmul %convert_element_type3A_11, %convert_element_type3A_14, %dot_general3A {dimension_numbers = #tpu.dot_dimension_numbers<[1], [0], [0], [1], [0, 0, 1, 1], [], []>, transpose_lhs_hint = false} : vector<64x10000xbf16>, vector<10000x128xbf16>, vector<64x128xf32> -> vector<64x128xf32>
    %dot_general3A_19 = arith.constant dense<0.000000e+00> : vector<64x128xf32>
    %dot_general3A_20 = tpu.matmul %convert_element_type3A_11, %convert_element_type3A_17, %dot_general3A_19 {dimension_numbers = #tpu.dot_dimension_numbers<[1], [0], [0], [1], [0, 0, 1, 1], [], []>, transpose_lhs_hint = false} : vector<64x10000xbf16>, vector<10000x128xbf16>, vector<64x128xf32> -> vector<64x128xf32>
    %dot_general3A_21 = arith.constant dense<0.000000e+00> : vector<64x128xf32>
    %dot_general3A_22 = tpu.matmul %convert_element_type3A_13, %convert_element_type3A_14, %dot_general3A_21 {dimension_numbers = #tpu.dot_dimension_numbers<[1], [0], [0], [1], [0, 0, 1, 1], [], []>, transpose_lhs_hint = false} : vector<64x10000xbf16>, vector<10000x128xbf16>, vector<64x128xf32> -> vector<64x128xf32>
    %add3A = arith.addf %dot_general3A_20, %dot_general3A_22 : vector<64x128xf32>
    %add3A_23 = arith.addf %dot_general3A_18, %add3A : vector<64x128xf32>
    %reduce_sum3A = arith.constant dense<0.000000e+00> : vector<64xf32>
    %reduce_sum3A_24 = vector.multi_reduction <add>, %convert_element_type3A_7, %reduce_sum3A [1] : vector<64x10000xf32> to vector<64xf32>
    %broadcast_in_dim3A = vector.shape_cast %reduce_sum3A_24 : vector<64xf32> to vector<64x1xf32>
    %scan3A_25 = arith.constant 0 : i32
    %scan3A_26 = arith.constant 64 : i32
    %scan3A_27 = arith.addi %scan3A_25, %scan3A_26 : i32
    %scan3A_28 = arith.constant 1 : i32
    scf.for %scan3A_67 = %scan3A_25 to %scan3A_27 step %scan3A_28  : i32 {
      %get3A_68 = arith.index_cast %scan3A_67 : i32 to index
      %get3A_69 = memref.load %arg5[%get3A_68] : memref<65xi32, #tpu.memory_space<smem>>
      %add3A_70 = arith.constant 1 : i32
      %add3A_71 = arith.addi %scan3A_67, %add3A_70 : i32
      %get3A_72 = arith.index_cast %add3A_71 : i32 to index
      %get3A_73 = memref.load %arg5[%get3A_72] : memref<65xi32, #tpu.memory_space<smem>>
      %sub3A_74 = arith.subi %get3A_73, %get3A_69 : i32
      %add3A_75 = arith.constant 256 : i32
      %add3A_76 = arith.addi %sub3A_74, %add3A_75 : i32
      %sub3A_77 = arith.constant 1 : i32
      %sub3A_78 = arith.subi %add3A_76, %sub3A_77 : i32
      %jit3A_79 = arith.constant 256 : i32
      %div3A_80 = arith.divsi %sub3A_78, %jit3A_79 : i32
      %sign3A = arith.constant 0 : i32
      %sign3A_81 = arith.cmpi sgt, %sub3A_78, %sign3A : i32
      %sign3A_82 = arith.extui %sign3A_81 : i1 to i32
      %sign3A_83 = arith.constant 0 : i32
      %sign3A_84 = arith.cmpi slt, %sub3A_78, %sign3A_83 : i32
      %sign3A_85 = arith.extui %sign3A_84 : i1 to i32
      %sign3A_86 = arith.subi %sign3A_82, %sign3A_85 : i32
      %sign3A_87 = arith.constant 0 : i32
      %sign3A_88 = arith.cmpi sgt, %jit3A_79, %sign3A_87 : i32
      %sign3A_89 = arith.extui %sign3A_88 : i1 to i32
      %sign3A_90 = arith.constant 0 : i32
      %sign3A_91 = arith.cmpi slt, %jit3A_79, %sign3A_90 : i32
      %sign3A_92 = arith.extui %sign3A_91 : i1 to i32
      %sign3A_93 = arith.subi %sign3A_89, %sign3A_92 : i32
      %ne3A = arith.cmpi ne, %sign3A_86, %sign3A_93 : i32
      %rem3A = arith.remsi %sub3A_78, %jit3A_79 : i32
      %ne3A_94 = arith.constant 0 : i32
      %ne3A_95 = arith.cmpi ne, %rem3A, %ne3A_94 : i32
      %and3A = arith.andi %ne3A, %ne3A_95 : i1
      %sub3A_96 = arith.constant 1 : i32
      %sub3A_97 = arith.subi %div3A_80, %sub3A_96 : i32
      %select_n3A_98 = arith.select %and3A, %sub3A_97, %div3A_80 : i32
      %broadcast_in_dim3A_99 = arith.constant 0xFF800000 : f32
      %broadcast_in_dim3A_100 = vector.broadcast %broadcast_in_dim3A_99 : f32 to vector<1x128xf32>
      %while3A = arith.constant 0 : i32
      %while3A_101 = arith.subi %select_n3A_98, %while3A : i32
      %while3A_102 = arith.addi %while3A, %while3A_101 : i32
      %while3A_103 = arith.constant 1 : i32
      %while3A_104 = arith.divsi %while3A_101, %while3A_103 : i32
      %while3A_105 = arith.muli %while3A_104, %while3A_103 : i32
      %while3A_106 = arith.addi %while3A, %while3A_105 : i32
      %while3A_107 = arith.constant 1 : i32
      %while3A_108 = scf.for %while3A_114 = %while3A to %while3A_106 step %while3A_107 iter_args(%while3A_115 = %broadcast_in_dim3A_100) -> (vector<1x128xf32>)  : i32 {
        %mul3A = arith.constant 256 : i32
        %mul3A_116 = arith.muli %while3A_114, %mul3A : i32
        %add3A_117 = arith.addi %get3A_69, %mul3A_116 : i32
        %min3A = arith.constant 9744 : i32
        %min3A_118 = arith.minsi %add3A_117, %min3A : i32
        %get3A_119 = arith.index_cast %min3A_118 : i32 to index
        %get3A_120 = arith.constant 0 : index
        %get3A_121 = vector.load %arg0[%get3A_119, %get3A_120] : memref<10000x128xf32, #tpu.memory_space<vmem>>, vector<256x128xf32>
        %iota3A_122 = tpu.iota {dimensions = array<i32: 0>} : vector<256x1xi32>
        %add3A_123 = vector.broadcast %min3A_118 : i32 to vector<256x1xi32>
        %add3A_124 = arith.addi %add3A_123, %iota3A_122 : vector<256x1xi32>
        %ge3A = vector.broadcast %get3A_69 : i32 to vector<256x1xi32>
        %ge3A_125 = arith.cmpi sge, %add3A_124, %ge3A : vector<256x1xi32>
        %lt3A = vector.broadcast %get3A_73 : i32 to vector<256x1xi32>
        %lt3A_126 = arith.cmpi slt, %add3A_124, %lt3A : vector<256x1xi32>
        %and3A_127 = arith.andi %ge3A_125, %lt3A_126 : vector<256x1xi1>
        %jit3A_128 = arith.constant 0xFF800000 : f32
        %broadcast_in_dim3A_129 = vector.shape_cast %and3A_127 : vector<256x1xi1> to vector<256x1xi1>
        %broadcast_in_dim3A_130 = vector.broadcast %broadcast_in_dim3A_129 : vector<256x1xi1> to vector<256x128xi1>
        %broadcast_in_dim3A_131 = vector.broadcast %jit3A_128 : f32 to vector<256x128xf32>
        %select_n3A_132 = arith.select %broadcast_in_dim3A_130, %get3A_121, %broadcast_in_dim3A_131 : vector<256x128xi1>, vector<256x128xf32>
        %reduce_max3A = arith.constant dense<0xFF800000> : vector<128xf32>
        %reduce_max3A_133 = vector.multi_reduction <maximumf>, %select_n3A_132, %reduce_max3A [0] : vector<256x128xf32> to vector<128xf32>
        %broadcast_in_dim3A_134 = vector.shape_cast %reduce_max3A_133 : vector<128xf32> to vector<1x128xf32>
        %max3A_135 = arith.maximumf %while3A_115, %broadcast_in_dim3A_134 : vector<1x128xf32>
        scf.yield %max3A_135 : vector<1x128xf32>
      }
      %while3A_109 = arith.constant 1 : i32
      %while3A_110 = scf.for %while3A_114 = %while3A_106 to %while3A_102 step %while3A_109 iter_args(%while3A_115 = %while3A_108) -> (vector<1x128xf32>)  : i32 {
        %mul3A = arith.constant 256 : i32
        %mul3A_116 = arith.muli %while3A_114, %mul3A : i32
        %add3A_117 = arith.addi %get3A_69, %mul3A_116 : i32
        %min3A = arith.constant 9744 : i32
        %min3A_118 = arith.minsi %add3A_117, %min3A : i32
        %get3A_119 = arith.index_cast %min3A_118 : i32 to index
        %get3A_120 = arith.constant 0 : index
        %get3A_121 = vector.load %arg0[%get3A_119, %get3A_120] : memref<10000x128xf32, #tpu.memory_space<vmem>>, vector<256x128xf32>
        %iota3A_122 = tpu.iota {dimensions = array<i32: 0>} : vector<256x1xi32>
        %add3A_123 = vector.broadcast %min3A_118 : i32 to vector<256x1xi32>
        %add3A_124 = arith.addi %add3A_123, %iota3A_122 : vector<256x1xi32>
        %ge3A = vector.broadcast %get3A_69 : i32 to vector<256x1xi32>
        %ge3A_125 = arith.cmpi sge, %add3A_124, %ge3A : vector<256x1xi32>
        %lt3A = vector.broadcast %get3A_73 : i32 to vector<256x1xi32>
        %lt3A_126 = arith.cmpi slt, %add3A_124, %lt3A : vector<256x1xi32>
        %and3A_127 = arith.andi %ge3A_125, %lt3A_126 : vector<256x1xi1>
        %jit3A_128 = arith.constant 0xFF800000 : f32
        %broadcast_in_dim3A_129 = vector.shape_cast %and3A_127 : vector<256x1xi1> to vector<256x1xi1>
        %broadcast_in_dim3A_130 = vector.broadcast %broadcast_in_dim3A_129 : vector<256x1xi1> to vector<256x128xi1>
        %broadcast_in_dim3A_131 = vector.broadcast %jit3A_128 : f32 to vector<256x128xf32>
        %select_n3A_132 = arith.select %broadcast_in_dim3A_130, %get3A_121, %broadcast_in_dim3A_131 : vector<256x128xi1>, vector<256x128xf32>
        %reduce_max3A = arith.constant dense<0xFF800000> : vector<128xf32>
        %reduce_max3A_133 = vector.multi_reduction <maximumf>, %select_n3A_132, %reduce_max3A [0] : vector<256x128xf32> to vector<128xf32>
        %broadcast_in_dim3A_134 = vector.shape_cast %reduce_max3A_133 : vector<128xf32> to vector<1x128xf32>
        %max3A_135 = arith.maximumf %while3A_115, %broadcast_in_dim3A_134 : vector<1x128xf32>
        scf.yield %max3A_135 : vector<1x128xf32>
      }
      %swap3A_111 = arith.index_cast %scan3A_67 : i32 to index
      %swap3A_112 = arith.constant 0 : index
      %swap3A_113 = vector.load %arg6[%swap3A_111, %swap3A_112] : memref<64x128xf32, #tpu.memory_space<vmem>>, vector<1x128xf32>
      tpu.vector_store %arg6[%swap3A_111, %swap3A_112], %while3A_110 {strides = array<i32>} : memref<64x128xf32, #tpu.memory_space<vmem>>, vector<1x128xf32>,
    }
    %scan3A_29 = arith.constant 64 : i32
    %gt3A = arith.constant 0.000000e+00 : f32
    %gt3A_30 = vector.broadcast %gt3A : f32 to vector<64x1xf32>
    %gt3A_31 = arith.cmpf ogt, %broadcast_in_dim3A, %gt3A_30 : vector<64x1xf32>
    %get3A_32 = arith.constant 0 : index
    %get3A_33 = arith.constant 0 : index
    %get3A_34 = vector.load %arg6[%get3A_32, %get3A_33] : memref<64x128xf32, #tpu.memory_space<vmem>>, vector<64x128xf32>
    %jit3A = arith.constant 0.000000e+00 : f32
    %broadcast_in_dim3A_35 = vector.shape_cast %gt3A_31 : vector<64x1xi1> to vector<64x1xi1>
    %broadcast_in_dim3A_36 = vector.broadcast %broadcast_in_dim3A_35 : vector<64x1xi1> to vector<64x128xi1>
    %broadcast_in_dim3A_37 = vector.broadcast %jit3A : f32 to vector<64x128xf32>
    %select_n3A = arith.select %broadcast_in_dim3A_36, %get3A_34, %broadcast_in_dim3A_37 : vector<64x128xi1>, vector<64x128xf32>
    %max3A = arith.constant 1.000000e+00 : f32
    %max3A_38 = vector.broadcast %max3A : f32 to vector<64x1xf32>
    %max3A_39 = arith.maximumf %broadcast_in_dim3A, %max3A_38 : vector<64x1xf32>
    %div3A = vector.broadcast %max3A_39 : vector<64x1xf32> to vector<64x128xf32>
    %div3A_40 = arith.divf %add3A_23, %div3A : vector<64x128xf32>
    %concatenate3A = tpu.concatenate %select_n3A, %div3A_40, %add3A_23 in 1 : vector<64x128xf32>, vector<64x128xf32>, vector<64x128xf32> -> vector<64x384xf32>
    %get3A_41 = arith.constant 0 : index
    %get3A_42 = arith.constant 0 : index
    %get3A_43 = vector.load %arg2[%get3A_41, %get3A_42] : memref<384x128xf32, #tpu.memory_space<vmem>>, vector<384x128xf32>
    %convert_element_type3A_44 = arith.truncf %concatenate3A : vector<64x384xf32> to vector<64x384xbf16>
    %convert_element_type3A_45 = arith.extf %convert_element_type3A_44 : vector<64x384xbf16> to vector<64x384xf32>
    %sub3A_46 = arith.subf %concatenate3A, %convert_element_type3A_45 : vector<64x384xf32>
    %convert_element_type3A_47 = arith.truncf %sub3A_46 : vector<64x384xf32> to vector<64x384xbf16>
    %convert_element_type3A_48 = arith.truncf %get3A_43 : vector<384x128xf32> to vector<384x128xbf16>
    %convert_element_type3A_49 = arith.extf %convert_element_type3A_48 : vector<384x128xbf16> to vector<384x128xf32>
    %sub3A_50 = arith.subf %get3A_43, %convert_element_type3A_49 : vector<384x128xf32>
    %convert_element_type3A_51 = arith.truncf %sub3A_50 : vector<384x128xf32> to vector<384x128xbf16>
    %dot_general3A_52 = arith.constant dense<0.000000e+00> : vector<64x128xf32>
    %dot_general3A_53 = tpu.matmul %convert_element_type3A_44, %convert_element_type3A_48, %dot_general3A_52 {dimension_numbers = #tpu.dot_dimension_numbers<[1], [0], [0], [1], [0, 0, 1, 1], [], []>, transpose_lhs_hint = false} : vector<64x384xbf16>, vector<384x128xbf16>, vector<64x128xf32> -> vector<64x128xf32>
    %dot_general3A_54 = arith.constant dense<0.000000e+00> : vector<64x128xf32>
    %dot_general3A_55 = tpu.matmul %convert_element_type3A_44, %convert_element_type3A_51, %dot_general3A_54 {dimension_numbers = #tpu.dot_dimension_numbers<[1], [0], [0], [1], [0, 0, 1, 1], [], []>, transpose_lhs_hint = false} : vector<64x384xbf16>, vector<384x128xbf16>, vector<64x128xf32> -> vector<64x128xf32>
    %dot_general3A_56 = arith.constant dense<0.000000e+00> : vector<64x128xf32>
    %dot_general3A_57 = tpu.matmul %convert_element_type3A_47, %convert_element_type3A_48, %dot_general3A_56 {dimension_numbers = #tpu.dot_dimension_numbers<[1], [0], [0], [1], [0, 0, 1, 1], [], []>, transpose_lhs_hint = false} : vector<64x384xbf16>, vector<384x128xbf16>, vector<64x128xf32> -> vector<64x128xf32>
    %add3A_58 = arith.addf %dot_general3A_55, %dot_general3A_57 : vector<64x128xf32>
    %add3A_59 = arith.addf %dot_general3A_53, %add3A_58 : vector<64x128xf32>
    %get3A_60 = arith.constant 0 : index
    %get3A_61 = arith.constant 0 : index
    %get3A_62 = vector.load %arg3[%get3A_60, %get3A_61] : memref<1x128xf32, #tpu.memory_space<vmem>>, vector<1x128xf32>
    %add3A_63 = vector.broadcast %get3A_62 : vector<1x128xf32> to vector<64x128xf32>
    %add3A_64 = arith.addf %add3A_59, %add3A_63 : vector<64x128xf32>
    %swap3A = arith.constant 0 : index
    %swap3A_65 = arith.constant 0 : index
    %swap3A_66 = vector.load %arg4[%swap3A, %swap3A_65] : memref<64x128xf32, #tpu.memory_space<vmem>>, vector<64x128xf32>
    tpu.vector_store %arg4[%swap3A, %swap3A_65], %add3A_64 {strides = array<i32>} : memref<64x128xf32, #tpu.memory_space<vmem>>, vector<64x128xf32>,
    return
  }
}

</mosaic_0001>

<sc_bundles>
// kernel: kernel.12.cloned.1.call-start
scs
__scs_entry_jumppad:
0x0: {  	(pc) =	sbr.rel $0x88, $3  }
0x1: {  	(tag) =	ssettag $0x0;
	lr =	simm.s32 $0x1  }
0x2: {  	[smem:$0x3F96] =	sst lr;
	_ =	strace $0xD0000000  }
0x3: {  	_ = 	snop  }
0x4: {  	_ = 	snop  }
0x5: {  	_ = 	snop  }
0x6: {  	_ = 	snop  }
0x7: {  	_ = 	snop  }
__scs_overlays_trampoline_lowered:
0x8: {  	[smem:$0x3FA5] =	sst s0  }
0x9: {  	[smem:$0x3FA6] =	sst s1  }
0xa: {  	[smem:$0x3FA7] =	sst s2  }
0xb: {  	[smem:$0x3FA8] =	sst s3  }
0xc: {  	[smem:$0x3FA9] =	sst s4  }
0xd: {  	[smem:$0x3FAA] =	sst s5  }
0xe: {  	[smem:$0x3FAB] =	sst s6  }
0xf: {  	[smem:$0x3FAC] =	sst s7  }
0x10: {  	[smem:$0x3FAD] =	sst s8  }
0x11: {  	[smem:$0x3FAE] =	sst s9;
	s0 =	simm.s32 @!p0 $0x0  }
0x12: {  	s1 =	sld [smem:$0x3F94];
	s0 =	simm.s32 @p0 $0x1  }
0x13: {  	[smem:$0x3FAF] =	sst s0;
	s0 =	simm.s32 @!p1 $0x0  }
0x14: {  	s2 =	sld [smem:$0x3F93];
	s0 =	simm.s32 @p1 $0x1  }
0x15: {  	[smem:$0x3FB0] =	sst s0;
	s0 =	simm.s32 @!p2 $0x0  }
0x16: {  	s3 =	sld [smem:$0x3FDB];
	s0 =	simm.s32 @p2 $0x1  }
0x17: {  	s4 =	simm.s32 $0x1BF5;
	[smem:$0x3FB2] =	sst s0  }
0x18: {  	s0 =	sld [smem:$0x3F95];
	_ =	swait.ge [sflag:s4], $0x0  }
0x19: {  	s7 =	sld [smem:$0x3F96]  }
0x1a: {  	s8 =	sadd.s32 $0xFFFFE003, lr  }
0x1b: {  	s9 =	sadd.s32 $0xFFFFFEF7, lr;
	s5 =	simm.s32 $0xFFFFFFFF;
	p2 =	slt.u32 s8, $0xFFFFF086  }
0x1c: {  	p1 =	slt.u32 s9, $0xF7A;
	s5 =	simm.s32 @!p2 $0x0  }
0x1d: {  	s5 =	simm.s32 @p1 $0x1;
	p0 =	seq.s32 s7, s2  }
0x1e: {  	s7 =	smul.u32 @!p0 $0xF7A, s2;
	p2 =	seq.s32 @!p0 s5, $0x0  }
0x1f: {  	s9 =	smul.u32 $0xF7A, s1;
	s8 =	simm.s32 @!p0 $0x1BF5;
	p2 =	por !p2, p0  }
0x20: {  	[sflag:s8] =	ssyncset.s32 @!p0 $0xFFFFF086;
	s6 =	sadd.s32 @!p0 s3, s7;
	s7 =	simm.s32 @!p0 $0x108  }
0x21: {  	s3 =	sadd.s32 s3, s9;
	s6 =	sadd.s32 @!p0 $0x88, s6;
	s7 =	simm.s32 @p2 $0x1082  }
0x22: {  	[simem:s7], [sflag:s8] =	dma.local @!p0 [hbm:s6], $0xF7A  }
0x23: {  	s9 =	sor.u32 $0xD0000000, s2;
	s6 =	simm.s32 $0x108;
	_ =	swait.ge @!p0 [sflag:s8], $0x0  }
0x24: {  	s3 =	sadd.s32 $0x88, s3;
	s6 =	simm.s32 @!p1 $0x1082;
	[sflag:s4] =	ssyncset.s32 $0xFFFFF086  }
0x25: {  	[simem:s6], [sflag:s4] =	dma.local [hbm:s3], $0xF7A  }
0x26: {  	[smem:$0x3F96] =	sst s1;
	(tag) =	ssettag s2;
	_ =	strace s9  }
0x27: {  	s1 =	sld [smem:$0x3FA6]  }
0x28: {  	s2 =	sld [smem:$0x3FA7]  }
0x29: {  	s4 =	sld [smem:$0x3FA9]  }
0x2a: {  	p0 =	seq.s32 s5, $0x0;
	s5 =	sld [smem:$0x3FAA]  }
0x2b: {  	s6 =	sld [smem:$0x3FAB]  }
0x2c: {  	s7 =	sld [smem:$0x3FAC]  }
0x2d: {  	s3 =	simm.s32 $0x108;
	s8 =	sld [smem:$0x3FAD]  }
0x2e: {  	s3 =	simm.s32 @!p0 $0x1082;
	s9 =	sld [smem:$0x3FAE]  }
0x2f: {  	lr =	sadd.s32 s0, s3;
	s0 =	sld [smem:$0x3FA5]  }
0x30: {  	s3 =	sld [smem:$0x3FA8]  }
0x31: {  	[smem:$0x3FB1] =	sst s10  }
0x32: {  	s10 =	sld [smem:$0x3FAF];
	_ =	sdelay $0x3  }
0x33: {  	p0 =	seq.s32 s10, $0x1;
	s10 =	sld [smem:$0x3FB1];
	_ =	sdelay $0x3  }
0x34: {  	[smem:$0x3FB1] =	sst s10  }
0x35: {  	s10 =	sld [smem:$0x3FB0];
	_ =	sdelay $0x3  }
0x36: {  	p1 =	seq.s32 s10, $0x1;
	s10 =	sld [smem:$0x3FB1];
	_ =	sdelay $0x3  }
0x37: {  	[smem:$0x3FB1] =	sst s10  }
0x38: {  	s10 =	sld [smem:$0x3FB2]  }
0x39: {  	_ = 	snop;
	(pc) =	sbr.ind lr, $3  }
0x3a: {  	_ = 	snop  }
0x3b: {  	_ = 	snop  }
0x3c: {  	p2 =	seq.s32 s10, $0x1;
	s10 =	sld [smem:$0x3FB1]  }
0x3d: {  	_ =	shalt  }
0x3e: {  	_ =	shalt  }
0x3f: {  	_ =	shalt  }
0x40: {  	_ =	shalt  }
0x41: {  	_ =	shalt  }
0x42: {  	_ =	shalt  }
0x43: {  	_ =	shalt  }
0x44: {  	_ =	shalt  }
0x45: {  	_ =	shalt  }
0x46: {  	_ =	shalt  }
0x47: {  	_ =	shalt  }
0x48: {  	_ =	shalt  }
0x49: {  	_ =	shalt  }
0x4a: {  	_ =	shalt  }
0x4b: {  	_ =	shalt  }
0x4c: {  	_ =	shalt  }
0x4d: {  	_ =	shalt  }
0x4e: {  	_ =	shalt  }
0x4f: {  	_ =	shalt  }
0x50: {  	_ =	shalt  }
0x51: {  	_ =	shalt  }
0x52: {  	_ =	shalt  }
0x53: {  	_ =	shalt  }
0x54: {  	_ =	shalt  }
0x55: {  	_ =	shalt  }
0x56: {  	_ =	shalt  }
0x57: {  	_ =	shalt  }
0x58: {  	_ =	shalt  }
0x59: {  	_ =	shalt  }
0x5a: {  	_ =	shalt  }
0x5b: {  	_ =	shalt  }
0x5c: {  	_ =	shalt  }
0x5d: {  	_ =	shalt  }
0x5e: {  	_ =	shalt  }
0x5f: {  	_ =	shalt  }
0x60: {  	_ =	shalt  }
0x61: {  	_ =	shalt  }
0x62: {  	_ =	shalt  }
0x63: {  	_ =	shalt  }
0x64: {  	_ =	shalt  }
0x65: {  	_ =	shalt  }
0x66: {  	_ =	shalt  }
0x67: {  	_ =	shalt  }
0x68: {  	_ =	shalt  }
0x69: {  	_ =	shalt  }
0x6a: {  	_ =	shalt  }
0x6b: {  	_ =	shalt  }
0x6c: {  	_ =	shalt  }
0x6d: {  	_ =	shalt  }
0x6e: {  	_ =	shalt  }
0x6f: {  	_ =	shalt  }
0x70: {  	_ =	shalt  }
0x71: {  	_ =	shalt  }
0x72: {  	_ =	shalt  }
0x73: {  	_ =	shalt  }
0x74: {  	_ =	shalt  }
0x75: {  	_ =	shalt  }
0x76: {  	_ =	shalt  }
0x77: {  	_ =	shalt  }
0x78: {  	_ =	shalt  }
0x79: {  	_ =	shalt  }
0x7a: {  	_ =	shalt  }
0x7b: {  	_ =	shalt  }
0x7c: {  	_ =	shalt  }
0x7d: {  	_ =	shalt  }
0x7e: {  	_ =	shalt  }
0x7f: {  	_ =	shalt  }
0x80: {  	_ =	shalt  }
0x81: {  	_ =	shalt  }
0x82: {  	_ =	shalt  }
0x83: {  	_ =	shalt  }
0x84: {  	_ =	shalt  }
0x85: {  	_ =	shalt  }
0x86: {  	_ =	shalt  }
0x87: {  	_ =	shalt  }
.Lfunc_end0:
.L_simem_size_0:
called_computation.1_lowered:
.L_overlay_start_0:
0x88: {  	s2 =	sld [smem:$0x3FD9]  }
0x89: {  	s3 =	sld [smem:$0x3FFE];
	_ =	sdelay $0x1  }
0x8a: {  	s1 =	srdreg.scid  }
0x8b: {  	s0 =	sand.u32 $0x1, s1  }
0x8c: {  	s16 =	sshll.u32 s0, $0xA;
	s2 =	sadd.s32 s3, s2  }
0x8d: {  	s2 =	sadd.s32 s2, s16  }
0x8e: {  	[smem:$0x3FBD] =	sst s2  }
0x8f: {  	_ = 	snop  }
0x90: {  	(tm) =	ssettm $0x1  }
0x91: {  	s17 =	sld [smem:$0x3FFB];
	_ =	sdelay $0x3  }
0x92: {  	_ =	strace s17  }
0x93: {  	s2 =	sld [smem:$0x3FFC];
	_ =	sdelay $0x3  }
0x94: {  	_ =	strace s2  }
0x95: {  	s2 =	sld [smem:$0x3FFD];
	_ =	sdelay $0x3  }
0x96: {  	_ =	strace s2  }
0x97: {  	_ =	strace $0x8FFFFFFF  }
0x98: {  	s18 =	sld [smem:$0x3FDB];
	_ =	sdelay $0x1  }
0x99: {  	s19 =	simm.s32 $_scs_section_size  }
0x9a: {  	s4 =	simm.s32 $_size__tile_overlayer_lowered;
	s5 =	simm.s32 $_tile_overlayer_lowered  }
0x9b: {  	s22 =	simm.s32 $0x1BFF;
	s21 =	sshll.u32 s5, $0x1;
	s2 =	sadd.s32 s19, s18  }
0x9c: {  	s6 =	simm.s32 $0x0;
	s20 =	sshll.u32 s4, $0x1;
	s4 =	sadd.s32 s21, s2  }
0x9d: {  	[timem:s6], [sflag:s22] =	dma.local [hbm:s4], s20  }
0x9e: {  	_ =	swait.ge [sflag:s22], s20  }
0x9f: {  	s3 =	ssub.s32 $0x0, s20;
	[sflag:s22] =	ssyncset.done $0x0  }
0xa0: {  	[sflag:s22] =	ssyncadd.s32 s3;
	_ =	sdelay $0x1  }
0xa1: {  	s23 =	simm.s32 $0x1B8B  }
0xa2: {  	_ =	swait.ge [sflag:s23], $0x1  }
0xa3: {  	[sflag:s23] =	ssyncset.done $0x0  }
0xa4: {  	s25 =	simm.s32 $0x1B8E;
	s24 =	sld [smem:$0x3FFE];
	[sflag:s23] =	ssyncadd.s32 $0xFFFFFFFF  }
0xa5: {  	s26 =	simm.s32 $execute0_lowered;
	[smem:$0x3FD2] =	sst s25  }
0xa6: {  	s4 =	sshll.u32 s26, $0x1;
	_ =	strace $0x80000049;
	[dreg:$0x1] =	wrdreg $0xFFFFFFFF  }
0xa7: {  	s28 =	simm.s32 $_size_execute0_lowered;
	s2 =	sadd.s32 s2, s4;
	[dreg:$0x0] =	wrdreg $0x0  }
0xa8: {  	s4 =	sshll.u32 s28, $0x1;
	[dreg:$0x2] =	wrdreg s2  }
0xa9: {  	[dreg:$0x3] =	wrdreg s4  }
0xaa: {  	[dreg:$0x4] =	wrdreg $0xC0  }
0xab: {  	_ =	task [dreg:s6], $0x5FFFF  }
0xac: {  	[dreg:$0x1] =	wrdreg $0xFFFFFFFF  }
0xad: {  	[dreg:$0x0] =	wrdreg $0x60  }
0xae: {  	[dreg:$0x2] =	wrdreg s24  }
0xaf: {  	[dreg:$0x3] =	wrdreg $0xA8000  }
0xb0: {  	[dreg:$0x4] =	wrdreg $0x9  }
0xb1: {  	_ =	task.clear_ibuf [dreg:s6], $0x5FFFF;
	_ =	strace $0x90000049  }
0xb2: {  	s29 =	simm.s32 $0x9;
	_ =	strace $0x8000004B  }
0xb3: {  	_ =	swait.ge [sflag:s29], $0x1  }
0xb4: {  	[sflag:s29] =	ssyncadd.s32 $0xFFFFFFFF  }
0xb5: {  	_ =	strace $0x9000004B  }
0xb6: {  	_ =	sfence  }
0xb7: {  	s30 =	sld [smem:$0x0];
	_ =	sdelay $0x2  }
0xb8: {  	s31 =	sshll.u32 s1, $0xD;
	s1 =	sshrl.u32 s1, $0x2  }
0xb9: {  	s3 =	sand.u32 $0x4000, s31;
	s1 =	sadd.s32 s1, s30  }
0xba: {  	s0 =	sor.u32 s3, s0;
	s1 =	sshll.u32 s1, $0x11  }
0xbb: {  	s0 =	sor.u32 s1, s0  }
0xbc: {  	s0 =	sadd.s32 $0x8F2B, s0  }
0xbd: {  	[sflag:s0] =	ssyncadd.remote.s32 $0x1  }
0xbe: {  	_ =	sfence.sel $0xFFFF  }
0xbf: {  	[dreg:$0x0] =	wrdreg $0xFFFFFFFF;
	(pc) =	sbr.abs _section_cstart, $3  }
0xc0: {  	[dreg:$0x1] =	wrdreg $0xFFFFFFFF  }
0xc1: {  	_ =	task.clear_ibuf [dreg:s6], $0x2FFFF;
	_ =	strace $0x9FFFFFFF  }
0xc2: {  	(tm) =	ssettm $0x7FFFFFFF  }
0xc3: {  	_ =	shalt  }
tec
execute0_lowered:
.L_overlay_start_1:
0x0: {  	(tag) =	ssettag $0x1  }
0x1: {  	s0 =	rddreg [dreg:$0x0]  }
0x2: {  	s1 =	rddreg [dreg:$0x1];
	s2 =	simm.s32 $0x0;
	s3 =	srdreg.scid  }
0x3: {  	s12 =	stileid.u32;
	s28 =	simm.s32 $0x180;
	s29 =	simm.s32 $0x8800  }
0x4: {  	s30 =	simm.s32 $0x1480;
	s31 =	simm.s32 $0x2;
	s6 =	smul.u32 $0x13C00, s12  }
0x5: {  	[smem:$0x7FF] =	sst s2;
	s3 =	sand.u32 $0x1, s3;
	s16 =	smul.u32 $0x5000, s12  }
0x6: {  	s4 =	sadd.s32 $0x2D600, s0;
	s7 =	sadd.s32 $0x2E00, s0;
	s11 =	smul.u32 $0x4F000, s12  }
0x7: {  	s8 =	sadd.s32 $0x16E00, s0;
	s9 =	sadd.s32 $0x2AE00, s0;
	s5 =	smul.u32 $0x13C000, s3  }
0x8: {  	s19 =	sshll.u32 s12, $0x6;
	s15 =	smul.u32 $0x50000, s3;
	s3 =	ssub.s32 $0x2, s3  }
0x9: {  	_ =	strace $0x8000004A;
	[dreg:$0x3] =	wrdreg s9;
	s10 =	sshrl.u32 s3, $0x1  }
0xa: {  	s18 =	sshrl.u32 s11, $0x2;
	s5 =	sadd.s32 s6, s5;
	s3 =	ssub.s32 s3, s10  }
0xb: {  	s17 =	sadd.s32 s16, s15;
	s20 =	sadd.s32 s18, s1;
	s6 =	sor.u32 $0x1C03, s19  }
0xc: {  	s18 =	simm.s32 $0x3;
	s19 =	simm.s32 $0x1400;
	s5 =	sshrl.u32 s5, $0x3  }
0xd: {  	s16 =	smax.u32 s3, $0x1;
	s0 =	sadd.s32 s5, s0;
	s5 =	sshrl.u32 s17, $0x3  }
0xe: {  	s17 =	sshrl.u32 s20, $0x3;
	s20 =	simm.s32 $0x40;
	s21 =	sadd.s32 $0x280, s5  }
0xf: {  	s22 =	sadd.s32 s7, s5;
	s23 =	sadd.s32 s8, s5;
	s25 =	sadd.s32 $0x500, s5  }
0x10: {  	s5 =	sadd.s32 $0x780, s5;
	s15 =	sadd.s32 $0x54800, s0;
	[dreg:$0x4] =	wrdreg s22  }
0x11: {  	s0 =	simm.s32 $0x0;
	[dreg:$0x5] =	wrdreg s23;
	s24 =	sadd.s32 s7, s21  }
0x12: {  	s9 =	sadd.s32 s8, s21;
	s26 =	sadd.s32 s7, s25;
	s13 =	sadd.s32 s7, s5  }
0x13: {  	s14 =	sadd.s32 s8, s5;
	s21 =	simm.s32 $0x2800;
	[dreg:$0x6] =	wrdreg s24  }
0x14: {  	s22 =	simm.s32 $0x80;
	s23 =	simm.s32 $0x4800;
	[dreg:$0x7] =	wrdreg s9  }
0x15: {  	[dreg:$0x8] =	wrdreg s26;
	s9 =	sadd.s32 s8, s25;
	s24 =	simm.s32 $0x1  }
0x16: {  	s25 =	simm.s32 $0x100;
	s26 =	simm.s32 $0x6800;
	[dreg:$0x9] =	wrdreg s9  }
.LBB2_1:
0x17: {  	s3 =	rddreg [dreg:$0x3]  }
0x18: {  	[spmem:s17], [sflag:s6] =	dma.local [hbm:s3], $0x2780  }
0x19: {  	_ =	swait.ge [sflag:s18], $0x2780  }
0x1a: {  	[sflag:s18] =	ssyncset.done $0x0  }
0x1b: {  	[sflag:s18] =	ssyncadd.s32 $0xFFFFD880  }
0x1c: {  	[bflag:$0x0] =	sbarrier.arrive $0xFFFF  }
0x1d: {  	s11 =	rddreg [dreg:$0x4]  }
0x1e: {  	[tilespmem:s2], [sflag:$0x3] =	stream.linear.gather [hbm4b:s11+s2], $0x1400, $0x38;
	[tilespmem:$0x1E400] =	vst v63  }
0x1f: {  	_ =	swait.ge [sflag:s18], $0x1400  }
0x20: {  	[sflag:s18] =	ssyncset.done $0x0  }
0x21: {  	s12 =	rddreg [dreg:$0x5];
	[sflag:s18] =	ssyncadd.s32 $0xFFFFEC00  }
0x22: {  	[tilespmem:s19], [sflag:$0x3] =	stream.linear.gather [hbm4b:s12+s2], $0x1400, $0x38;
	[tilespmem:$0x1E400] =	vst v63  }
0x23: {  	_ =	swait.ge [sflag:s18], $0x1400  }
0x24: {  	[sflag:s18] =	ssyncset.done $0x0  }
0x25: {  	[sflag:s18] =	ssyncadd.s32 $0xFFFFEC00  }
0x26: {  	[tilespmem:s21], [sflag:$0x1] =	stream.indirect.gather [hbm4b:s4+s20], $0x80, s2, s20, $0xb8;
	[tilespmem:$0x1E400] =	vst v63  }
0x27: {  	_ = 	snop  }
0x28: {  	[tilespmem:s23], [sflag:$0x1] =	stream.indirect.gather [hbm4b:s4+s20], $0x80, s22, s20, $0xb8;
	[tilespmem:$0x1E400] =	vst v63  }
0x29: {  	_ =	swait.ge [sflag:s24], $0x2000  }
0x2a: {  	[sflag:s24] =	ssyncset.done $0x0  }
0x2b: {  	[sflag:s24] =	ssyncadd.s32 $0xFFFFE000  }
0x2c: {  	[tilespmem:s26], [sflag:$0x1] =	stream.indirect.gather [hbm4b:s4+s20], $0x80, s25, s20, $0xb8;
	[tilespmem:$0x1E400] =	vst v63  }
0x2d: {  	_ = 	snop  }
0x2e: {  	[spmem:s1] =	stream.indirect.scatter.add.f32 [tilespmem:s21], [sflag:$0x2], $0x80, s19, s20, $0xb8;
	[tilespmem:$0x1E400] =	vst v63  }
0x2f: {  	_ =	swait.ge [sflag:s24], $0x2000  }
0x30: {  	[sflag:s24] =	ssyncset.done $0x0  }
0x31: {  	[sflag:s24] =	ssyncadd.s32 $0xFFFFE000  }
0x32: {  	[tilespmem:s29], [sflag:$0x1] =	stream.indirect.gather [hbm4b:s4+s20], $0x80, s28, s20, $0xb8;
	[tilespmem:$0x1E400] =	vst v63  }
0x33: {  	_ = 	snop  }
0x34: {  	[spmem:s1] =	stream.indirect.scatter.add.f32 [tilespmem:s23], [sflag:$0x2], $0x80, s30, s20, $0xb8;
	[tilespmem:$0x1E400] =	vst v63  }
0x35: {  	s5 =	simm.s32 $0x200;
	p0 =	por $0x0, $0x0;
	_ =	swait.ge [sflag:s24], $0x2000  }
0x36: {  	s8 =	simm.s32 $0x10000;
	s9 =	simm.s32 $0x1500;
	[sflag:s24] =	ssyncset.done $0x0  }
0x37: {  	s3 =	simm.s32 $0x20000;
	s7 =	simm.s32 @!p0 $0x40;
	[sflag:s24] =	ssyncadd.s32 $0xFFFFE000  }
0x38: {  	s8 =	sand.u32 $0x18000, s8;
	s3 =	sand.u32 @!p0 $0x18000, s3;
	_ =	swait.ge [sflag:s31], $0x2000  }
0x39: {  	s10 =	sshrl.u32 s8, $0x2;
	s3 =	sshrl.u32 @!p0 s3, $0x2;
	[sflag:s31] =	ssyncset.done $0x0  }
0x3a: {  	s8 =	simm.s32 $0x280;
	s3 =	sadd.s32 @!p0 $0x2800, s3;
	[sflag:s31] =	ssyncadd.s32 $0xFFFFE000  }
0x3b: {  	[tilespmem:s3], [sflag:$0x1] =	stream.indirect.gather @!p0 [hbm4b:s4+s7], $0x80, s5, s7, $0xb8;
	[tilespmem:$0x1E400] =	vst v63  }
0x3c: {  	s3 =	simm.s32 $0x1500;
	s5 =	simm.s32 $0x3;
	s7 =	simm.s32 $0x28000  }
.LBB2_2:
0x3d: {  	s10 =	sadd.s32 $0x2800, s10  }
0x3e: {  	s3 =	sadd.s32 $0x80, s3;
	s11 =	smov.u32 s5;
	s5 =	sadd.s32 $0x1, s5  }
0x3f: {  	[spmem:s1] =	stream.indirect.scatter.add.f32 [tilespmem:s10], [sflag:$0x2], $0x80, s9, s20, $0xb8;
	[tilespmem:$0x1E400] =	vst v63  }
0x40: {  	p0 =	sne.s32 s5, $0x28;
	s9 =	smov.u32 s3;
	_ =	swait.ge [sflag:s24], $0x2000  }
0x41: {  	p1 =	sgt.u32 s11, $0x25;
	[sflag:s24] =	ssyncset.done $0x0  }
0x42: {  	s10 =	sand.u32 @!p1 $0x18000, s7;
	[sflag:s24] =	ssyncadd.s32 $0xFFFFE000  }
.Ltmp0:
0x43: {  	s11 =	simm.s32 @!p1 $0x40;
	_ =	swait.ge [sflag:s31], $0x2000;
	(pc) =	sbr.rel @p0 .LBB2_2-.Ltmp0, $4  }
0x44: {  	s12 =	sadd.s32 $0xFFFF0000, s7;
	s10 =	sshrl.u32 @!p1 s10, $0x2;
	[sflag:s31] =	ssyncset.done $0x0  }
0x45: {  	s12 =	sand.u32 $0x18000, s12;
	s10 =	sadd.s32 @!p1 $0x2800, s10;
	[sflag:s31] =	ssyncadd.s32 $0xFFFFE000  }
0x46: {  	[tilespmem:s10], [sflag:$0x1] =	stream.indirect.gather @!p1 [hbm4b:s4+s11], $0x80, s8, s11, $0xb8;
	[tilespmem:$0x1E400] =	vst v63  }
0x47: {  	s7 =	sadd.s32 $0x8000, s7;
	s10 =	sshrl.u32 s12, $0x2;
	s8 =	sadd.s32 $0x80, s8  }
0x48: {  	s3 =	sadd.s32 $0x2800, s10;
	s10 =	simm.s32 $0x2  }
0x49: {  	[spmem:s1] =	stream.indirect.scatter.add.f32 [tilespmem:s3], [sflag:$0x2], $0x80, s9, s20, $0xb8;
	[tilespmem:$0x1E400] =	vst v63  }
0x4a: {  	_ =	swait.ge [sflag:s10], $0x2000  }
0x4b: {  	[sflag:s10] =	ssyncset.done $0x0  }
0x4c: {  	[sflag:s10] =	ssyncadd.s32 $0xFFFFE000  }
0x4d: {  	_ =	swait.ge [sflag:s10], $0x2000  }
0x4e: {  	[sflag:s10] =	ssyncset.done $0x0  }
0x4f: {  	s11 =	rddreg [dreg:$0x6];
	[sflag:s10] =	ssyncadd.s32 $0xFFFFE000  }
0x50: {  	[tilespmem:s2], [sflag:$0x3] =	stream.linear.gather [hbm4b:s11+s2], $0x1400, $0x38;
	[tilespmem:$0x1E400] =	vst v63  }
0x51: {  	_ =	swait.ge [sflag:s18], $0x1400  }
0x52: {  	[sflag:s18] =	ssyncset.done $0x0  }
0x53: {  	s12 =	rddreg [dreg:$0x7];
	[sflag:s18] =	ssyncadd.s32 $0xFFFFEC00  }
0x54: {  	[tilespmem:s19], [sflag:$0x3] =	stream.linear.gather [hbm4b:s12+s2], $0x1400, $0x38;
	[tilespmem:$0x1E400] =	vst v63  }
0x55: {  	_ =	swait.ge [sflag:s18], $0x1400  }
0x56: {  	[sflag:s18] =	ssyncset.done $0x0  }
0x57: {  	[sflag:s18] =	ssyncadd.s32 $0xFFFFEC00  }
0x58: {  	[tilespmem:s21], [sflag:$0x1] =	stream.indirect.gather [hbm4b:s4+s20], $0x80, s2, s20, $0xb8;
	[tilespmem:$0x1E400] =	vst v63  }
0x59: {  	_ = 	snop  }
0x5a: {  	[tilespmem:s23], [sflag:$0x1] =	stream.indirect.gather [hbm4b:s4+s20], $0x80, s22, s20, $0xb8;
	[tilespmem:$0x1E400] =	vst v63  }
0x5b: {  	_ =	swait.ge [sflag:s24], $0x2000  }
0x5c: {  	[sflag:s24] =	ssyncset.done $0x0  }
0x5d: {  	[sflag:s24] =	ssyncadd.s32 $0xFFFFE000  }
0x5e: {  	[tilespmem:s26], [sflag:$0x1] =	stream.indirect.gather [hbm4b:s4+s20], $0x80, s25, s20, $0xb8;
	[tilespmem:$0x1E400] =	vst v63  }
0x5f: {  	_ = 	snop  }
0x60: {  	[spmem:s1] =	stream.indirect.scatter.add.f32 [tilespmem:s21], [sflag:$0x2], $0x80, s19, s20, $0xb8;
	[tilespmem:$0x1E400] =	vst v63  }
0x61: {  	_ =	swait.ge [sflag:s24], $0x2000  }
0x62: {  	[sflag:s24] =	ssyncset.done $0x0  }
0x63: {  	[sflag:s24] =	ssyncadd.s32 $0xFFFFE000  }
0x64: {  	[tilespmem:s29], [sflag:$0x1] =	stream.indirect.gather [hbm4b:s4+s20], $0x80, s28, s20, $0xb8;
	[tilespmem:$0x1E400] =	vst v63  }
0x65: {  	_ = 	snop  }
0x66: {  	[spmem:s1] =	stream.indirect.scatter.add.f32 [tilespmem:s23], [sflag:$0x2], $0x80, s30, s20, $0xb8;
	[tilespmem:$0x1E400] =	vst v63  }
0x67: {  	s5 =	simm.s32 $0x200;
	p0 =	por $0x0, $0x0;
	_ =	swait.ge [sflag:s24], $0x2000  }
0x68: {  	s8 =	simm.s32 $0x10000;
	s3 =	simm.s32 $0x20000;
	[sflag:s24] =	ssyncset.done $0x0  }
0x69: {  	s7 =	simm.s32 @!p0 $0x40;
	s3 =	sand.u32 @!p0 $0x18000, s3;
	[sflag:s24] =	ssyncadd.s32 $0xFFFFE000  }
0x6a: {  	s8 =	sand.u32 $0x18000, s8;
	s3 =	sshrl.u32 @!p0 s3, $0x2;
	_ =	swait.ge [sflag:s31], $0x2000  }
0x6b: {  	s9 =	simm.s32 $0x1500;
	s3 =	sadd.s32 @!p0 $0x2800, s3;
	[sflag:s31] =	ssyncset.done $0x0  }
0x6c: {  	s10 =	sshrl.u32 s8, $0x2;
	s8 =	simm.s32 $0x280;
	[sflag:s31] =	ssyncadd.s32 $0xFFFFE000  }
0x6d: {  	[tilespmem:s3], [sflag:$0x1] =	stream.indirect.gather @!p0 [hbm4b:s4+s7], $0x80, s5, s7, $0xb8;
	[tilespmem:$0x1E400] =	vst v63  }
0x6e: {  	s3 =	simm.s32 $0x1500;
	s5 =	simm.s32 $0x3;
	s7 =	simm.s32 $0x28000  }
.LBB2_4:
0x6f: {  	s10 =	sadd.s32 $0x2800, s10  }
0x70: {  	s3 =	sadd.s32 $0x80, s3;
	s11 =	smov.u32 s5;
	s5 =	sadd.s32 $0x1, s5  }
0x71: {  	[spmem:s1] =	stream.indirect.scatter.add.f32 [tilespmem:s10], [sflag:$0x2], $0x80, s9, s20, $0xb8;
	[tilespmem:$0x1E400] =	vst v63  }
0x72: {  	p0 =	sne.s32 s5, $0x28;
	s9 =	smov.u32 s3;
	_ =	swait.ge [sflag:s24], $0x2000  }
0x73: {  	p1 =	sgt.u32 s11, $0x25;
	[sflag:s24] =	ssyncset.done $0x0  }
0x74: {  	s10 =	sand.u32 @!p1 $0x18000, s7;
	[sflag:s24] =	ssyncadd.s32 $0xFFFFE000  }
.Ltmp1:
0x75: {  	s11 =	simm.s32 @!p1 $0x40;
	_ =	swait.ge [sflag:s31], $0x2000;
	(pc) =	sbr.rel @p0 .LBB2_4-.Ltmp1, $4  }
0x76: {  	s12 =	sadd.s32 $0xFFFF0000, s7;
	s10 =	sshrl.u32 @!p1 s10, $0x2;
	[sflag:s31] =	ssyncset.done $0x0  }
0x77: {  	s12 =	sand.u32 $0x18000, s12;
	s10 =	sadd.s32 @!p1 $0x2800, s10;
	[sflag:s31] =	ssyncadd.s32 $0xFFFFE000  }
0x78: {  	[tilespmem:s10], [sflag:$0x1] =	stream.indirect.gather @!p1 [hbm4b:s4+s11], $0x80, s8, s11, $0xb8;
	[tilespmem:$0x1E400] =	vst v63  }
0x79: {  	s7 =	sadd.s32 $0x8000, s7;
	s10 =	sshrl.u32 s12, $0x2;
	s8 =	sadd.s32 $0x80, s8  }
0x7a: {  	s3 =	sadd.s32 $0x2800, s10;
	s10 =	simm.s32 $0x2  }
0x7b: {  	[spmem:s1] =	stream.indirect.scatter.add.f32 [tilespmem:s3], [sflag:$0x2], $0x80, s9, s20, $0xb8;
	[tilespmem:$0x1E400] =	vst v63  }
0x7c: {  	_ =	swait.ge [sflag:s10], $0x2000  }
0x7d: {  	[sflag:s10] =	ssyncset.done $0x0  }
0x7e: {  	[sflag:s10] =	ssyncadd.s32 $0xFFFFE000  }
0x7f: {  	_ =	swait.ge [sflag:s10], $0x2000  }
0x80: {  	[sflag:s10] =	ssyncset.done $0x0  }
0x81: {  	s11 =	rddreg [dreg:$0x8];
	[sflag:s10] =	ssyncadd.s32 $0xFFFFE000  }
0x82: {  	[tilespmem:s2], [sflag:$0x3] =	stream.linear.gather [hbm4b:s11+s2], $0x1400, $0x38;
	[tilespmem:$0x1E400] =	vst v63  }
0x83: {  	_ =	swait.ge [sflag:s18], $0x1400  }
0x84: {  	[sflag:s18] =	ssyncset.done $0x0  }
0x85: {  	s12 =	rddreg [dreg:$0x9];
	[sflag:s18] =	ssyncadd.s32 $0xFFFFEC00  }
0x86: {  	[tilespmem:s19], [sflag:$0x3] =	stream.linear.gather [hbm4b:s12+s2], $0x1400, $0x38;
	[tilespmem:$0x1E400] =	vst v63  }
0x87: {  	_ =	swait.ge [sflag:s18], $0x1400  }
0x88: {  	[sflag:s18] =	ssyncset.done $0x0  }
0x89: {  	[sflag:s18] =	ssyncadd.s32 $0xFFFFEC00  }
0x8a: {  	[tilespmem:s21], [sflag:$0x1] =	stream.indirect.gather [hbm4b:s4+s20], $0x80, s2, s20, $0xb8;
	[tilespmem:$0x1E400] =	vst v63  }
0x8b: {  	_ = 	snop  }
0x8c: {  	[tilespmem:s23], [sflag:$0x1] =	stream.indirect.gather [hbm4b:s4+s20], $0x80, s22, s20, $0xb8;
	[tilespmem:$0x1E400] =	vst v63  }
0x8d: {  	_ =	swait.ge [sflag:s24], $0x2000  }
0x8e: {  	[sflag:s24] =	ssyncset.done $0x0  }
0x8f: {  	[sflag:s24] =	ssyncadd.s32 $0xFFFFE000  }
0x90: {  	[tilespmem:s26], [sflag:$0x1] =	stream.indirect.gather [hbm4b:s4+s20], $0x80, s25, s20, $0xb8;
	[tilespmem:$0x1E400] =	vst v63  }
0x91: {  	_ = 	snop  }
0x92: {  	[spmem:s1] =	stream.indirect.scatter.add.f32 [tilespmem:s21], [sflag:$0x2], $0x80, s19, s20, $0xb8;
	[tilespmem:$0x1E400] =	vst v63  }
0x93: {  	_ =	swait.ge [sflag:s24], $0x2000  }
0x94: {  	[sflag:s24] =	ssyncset.done $0x0  }
0x95: {  	[sflag:s24] =	ssyncadd.s32 $0xFFFFE000  }
0x96: {  	[tilespmem:s29], [sflag:$0x1] =	stream.indirect.gather [hbm4b:s4+s20], $0x80, s28, s20, $0xb8;
	[tilespmem:$0x1E400] =	vst v63  }
0x97: {  	_ = 	snop  }
0x98: {  	[spmem:s1] =	stream.indirect.scatter.add.f32 [tilespmem:s23], [sflag:$0x2], $0x80, s30, s20, $0xb8;
	[tilespmem:$0x1E400] =	vst v63  }
0x99: {  	s5 =	simm.s32 $0x200;
	p0 =	por $0x0, $0x0;
	_ =	swait.ge [sflag:s24], $0x2000  }
0x9a: {  	s8 =	simm.s32 $0x10000;
	s3 =	simm.s32 $0x20000;
	[sflag:s24] =	ssyncset.done $0x0  }
0x9b: {  	s7 =	simm.s32 @!p0 $0x40;
	s3 =	sand.u32 @!p0 $0x18000, s3;
	[sflag:s24] =	ssyncadd.s32 $0xFFFFE000  }
0x9c: {  	s8 =	sand.u32 $0x18000, s8;
	s3 =	sshrl.u32 @!p0 s3, $0x2;
	_ =	swait.ge [sflag:s31], $0x2000  }
0x9d: {  	s9 =	simm.s32 $0x1500;
	s3 =	sadd.s32 @!p0 $0x2800, s3;
	[sflag:s31] =	ssyncset.done $0x0  }
0x9e: {  	s10 =	sshrl.u32 s8, $0x2;
	s8 =	simm.s32 $0x280;
	[sflag:s31] =	ssyncadd.s32 $0xFFFFE000  }
0x9f: {  	[tilespmem:s3], [sflag:$0x1] =	stream.indirect.gather @!p0 [hbm4b:s4+s7], $0x80, s5, s7, $0xb8;
	[tilespmem:$0x1E400] =	vst v63  }
0xa0: {  	s3 =	simm.s32 $0x1500;
	s5 =	simm.s32 $0x3;
	s7 =	simm.s32 $0x28000  }
.LBB2_6:
0xa1: {  	s10 =	sadd.s32 $0x2800, s10  }
0xa2: {  	s3 =	sadd.s32 $0x80, s3;
	s11 =	smov.u32 s5;
	s5 =	sadd.s32 $0x1, s5  }
0xa3: {  	[spmem:s1] =	stream.indirect.scatter.add.f32 [tilespmem:s10], [sflag:$0x2], $0x80, s9, s20, $0xb8;
	[tilespmem:$0x1E400] =	vst v63  }
0xa4: {  	p0 =	sne.s32 s5, $0x28;
	s9 =	smov.u32 s3;
	_ =	swait.ge [sflag:s24], $0x2000  }
0xa5: {  	p1 =	sgt.u32 s11, $0x25;
	[sflag:s24] =	ssyncset.done $0x0  }
0xa6: {  	s10 =	sand.u32 @!p1 $0x18000, s7;
	[sflag:s24] =	ssyncadd.s32 $0xFFFFE000  }
.Ltmp2:
0xa7: {  	s11 =	simm.s32 @!p1 $0x40;
	_ =	swait.ge [sflag:s31], $0x2000;
	(pc) =	sbr.rel @p0 .LBB2_6-.Ltmp2, $4  }
0xa8: {  	s12 =	sadd.s32 $0xFFFF0000, s7;
	s10 =	sshrl.u32 @!p1 s10, $0x2;
	[sflag:s31] =	ssyncset.done $0x0  }
0xa9: {  	s12 =	sand.u32 $0x18000, s12;
	s10 =	sadd.s32 @!p1 $0x2800, s10;
	[sflag:s31] =	ssyncadd.s32 $0xFFFFE000  }
0xaa: {  	[tilespmem:s10], [sflag:$0x1] =	stream.indirect.gather @!p1 [hbm4b:s4+s11], $0x80, s8, s11, $0xb8;
	[tilespmem:$0x1E400] =	vst v63  }
0xab: {  	s7 =	sadd.s32 $0x8000, s7;
	s10 =	sshrl.u32 s12, $0x2;
	s8 =	sadd.s32 $0x80, s8  }
0xac: {  	s3 =	sadd.s32 $0x2800, s10;
	s12 =	simm.s32 $0x2  }
0xad: {  	[spmem:s1] =	stream.indirect.scatter.add.f32 [tilespmem:s3], [sflag:$0x2], $0x80, s9, s20, $0xb8;
	[tilespmem:$0x1E400] =	vst v63  }
0xae: {  	_ =	swait.ge [sflag:s12], $0x2000  }
0xaf: {  	[sflag:s12] =	ssyncset.done $0x0  }
0xb0: {  	[sflag:s12] =	ssyncadd.s32 $0xFFFFE000  }
0xb1: {  	_ =	swait.ge [sflag:s12], $0x2000  }
0xb2: {  	[sflag:s12] =	ssyncset.done $0x0  }
0xb3: {  	[sflag:s12] =	ssyncadd.s32 $0xFFFFE000  }
0xb4: {  	[tilespmem:s2], [sflag:$0x3] =	stream.linear.gather [hbm4b:s13+s2], $0x1300, $0x38;
	[tilespmem:$0x1E400] =	vst v63  }
0xb5: {  	_ =	swait.ge [sflag:s18], $0x1300  }
0xb6: {  	[sflag:s18] =	ssyncset.done $0x0  }
0xb7: {  	[sflag:s18] =	ssyncadd.s32 $0xFFFFED00  }
0xb8: {  	[tilespmem:s19], [sflag:$0x3] =	stream.linear.gather [hbm4b:s14+s2], $0x1300, $0x38;
	[tilespmem:$0x1E400] =	vst v63  }
0xb9: {  	_ =	swait.ge [sflag:s18], $0x1300  }
0xba: {  	[sflag:s18] =	ssyncset.done $0x0  }
0xbb: {  	[sflag:s18] =	ssyncadd.s32 $0xFFFFED00  }
0xbc: {  	[tilespmem:s21], [sflag:$0x1] =	stream.indirect.gather [hbm4b:s4+s20], $0x80, s2, s20, $0xb8;
	[tilespmem:$0x1E400] =	vst v63  }
0xbd: {  	_ = 	snop  }
0xbe: {  	[tilespmem:s23], [sflag:$0x1] =	stream.indirect.gather [hbm4b:s4+s20], $0x80, s22, s20, $0xb8;
	[tilespmem:$0x1E400] =	vst v63  }
0xbf: {  	_ =	swait.ge [sflag:s24], $0x2000  }
0xc0: {  	[sflag:s24] =	ssyncset.done $0x0  }
0xc1: {  	[sflag:s24] =	ssyncadd.s32 $0xFFFFE000  }
0xc2: {  	[tilespmem:s26], [sflag:$0x1] =	stream.indirect.gather [hbm4b:s4+s20], $0x80, s25, s20, $0xb8;
	[tilespmem:$0x1E400] =	vst v63  }
0xc3: {  	_ = 	snop  }
0xc4: {  	[spmem:s1] =	stream.indirect.scatter.add.f32 [tilespmem:s21], [sflag:$0x2], $0x80, s19, s20, $0xb8;
	[tilespmem:$0x1E400] =	vst v63  }
0xc5: {  	_ =	swait.ge [sflag:s24], $0x2000  }
0xc6: {  	[sflag:s24] =	ssyncset.done $0x0  }
0xc7: {  	[sflag:s24] =	ssyncadd.s32 $0xFFFFE000  }
0xc8: {  	[tilespmem:s29], [sflag:$0x1] =	stream.indirect.gather [hbm4b:s4+s20], $0x80, s28, s20, $0xb8;
	[tilespmem:$0x1E400] =	vst v63  }
0xc9: {  	_ = 	snop  }
0xca: {  	[spmem:s1] =	stream.indirect.scatter.add.f32 [tilespmem:s23], [sflag:$0x2], $0x80, s30, s20, $0xb8;
	[tilespmem:$0x1E400] =	vst v63  }
0xcb: {  	s5 =	simm.s32 $0x200;
	p0 =	por $0x0, $0x0;
	_ =	swait.ge [sflag:s24], $0x2000  }
0xcc: {  	s8 =	simm.s32 $0x10000;
	s3 =	simm.s32 $0x20000;
	[sflag:s24] =	ssyncset.done $0x0  }
0xcd: {  	s7 =	simm.s32 @!p0 $0x40;
	s8 =	sand.u32 $0x18000, s8;
	[sflag:s24] =	ssyncadd.s32 $0xFFFFE000  }
0xce: {  	s9 =	simm.s32 $0x1500;
	s3 =	sand.u32 @!p0 $0x18000, s3;
	_ =	swait.ge [sflag:s31], $0x2000  }
0xcf: {  	s10 =	sshrl.u32 s8, $0x2;
	s3 =	sshrl.u32 @!p0 s3, $0x2;
	[sflag:s31] =	ssyncset.done $0x0  }
0xd0: {  	s8 =	simm.s32 $0x280;
	s3 =	sadd.s32 @!p0 $0x2800, s3;
	[sflag:s31] =	ssyncadd.s32 $0xFFFFE000  }
0xd1: {  	[tilespmem:s3], [sflag:$0x1] =	stream.indirect.gather @!p0 [hbm4b:s4+s7], $0x80, s5, s7, $0xb8;
	[tilespmem:$0x1E400] =	vst v63  }
0xd2: {  	s3 =	simm.s32 $0x1500;
	s5 =	simm.s32 $0x3;
	s7 =	simm.s32 $0x28000  }
.LBB2_8:
0xd3: {  	s10 =	sadd.s32 $0x2800, s10  }
0xd4: {  	s3 =	sadd.s32 $0x80, s3;
	s11 =	smov.u32 s5;
	s5 =	sadd.s32 $0x1, s5  }
0xd5: {  	[spmem:s1] =	stream.indirect.scatter.add.f32 [tilespmem:s10], [sflag:$0x2], $0x80, s9, s20, $0xb8;
	[tilespmem:$0x1E400] =	vst v63  }
0xd6: {  	p0 =	sne.s32 s5, $0x26;
	s9 =	smov.u32 s3;
	_ =	swait.ge [sflag:s24], $0x2000  }
0xd7: {  	p1 =	sgt.u32 s11, $0x23;
	[sflag:s24] =	ssyncset.done $0x0  }
0xd8: {  	s10 =	sand.u32 @!p1 $0x18000, s7;
	[sflag:s24] =	ssyncadd.s32 $0xFFFFE000  }
.Ltmp3:
0xd9: {  	s11 =	simm.s32 @!p1 $0x40;
	_ =	swait.ge [sflag:s31], $0x2000;
	(pc) =	sbr.rel @p0 .LBB2_8-.Ltmp3, $4  }
0xda: {  	s12 =	sadd.s32 $0xFFFF0000, s7;
	s10 =	sshrl.u32 @!p1 s10, $0x2;
	[sflag:s31] =	ssyncset.done $0x0  }
0xdb: {  	s12 =	sand.u32 $0x18000, s12;
	s10 =	sadd.s32 @!p1 $0x2800, s10;
	[sflag:s31] =	ssyncadd.s32 $0xFFFFE000  }
0xdc: {  	[tilespmem:s10], [sflag:$0x1] =	stream.indirect.gather @!p1 [hbm4b:s4+s11], $0x80, s8, s11, $0xb8;
	[tilespmem:$0x1E400] =	vst v63  }
0xdd: {  	s7 =	sadd.s32 $0x8000, s7;
	s10 =	sshrl.u32 s12, $0x2;
	s8 =	sadd.s32 $0x80, s8  }
0xde: {  	s3 =	sadd.s32 $0x2800, s10  }
0xdf: {  	[spmem:s1] =	stream.indirect.scatter.add.f32 [tilespmem:s3], [sflag:$0x2], $0x80, s9, s20, $0xb8;
	[tilespmem:$0x1E400] =	vst v63  }
0xe0: {  	_ =	swait.ge [sflag:s31], $0x2000  }
0xe1: {  	[sflag:s31] =	ssyncset.done $0x0  }
0xe2: {  	[sflag:s31] =	ssyncadd.s32 $0xFFFFE000  }
0xe3: {  	_ =	swait.ge [sflag:s31], $0x2000  }
0xe4: {  	s0 =	sadd.s32 $0x1, s0;
	[sflag:s31] =	ssyncset.done $0x0  }
0xe5: {  	p0 =	sne.s32 s0, s16;
	[sflag:s31] =	ssyncadd.s32 $0xFFFFE000  }
.Ltmp4:
0xe6: {  	[bflag:$0x0] =	sbarrier.arrive $0xFFFF;
	(pc) =	sbr.rel @p0 .LBB2_1-.Ltmp4, $4  }
0xe7: {  	[hbm:s15], [sflag:s6] =	dma.local [spmem:s17], $0x2780  }
0xe8: {  	_ =	swait.ge [sflag:s18], $0x2780  }
0xe9: {  	[sflag:s18] =	ssyncset.done $0x0  }
0xea: {  	[sflag:s18] =	ssyncadd.s32 $0xFFFFD880  }
0xeb: {  	_ =	sfence.sel $0x180000  }
0xec: {  	[bflag:$0x0] =	sbarrier.arrive $0xFFFF  }
0xed: {  	_ =	strace $0x9000004A  }
0xee: {  	s0 =	stileid.u32;
	[bflag:$0x2] =	sbarrier.arrive $0xFFFF  }
0xef: {  	p0 =	sne.s32 s0, $0x0;
	s0 =	rddreg [dreg:$0x2]  }
0xf0: {  	s0 =	sadd.s32 @!p0 $0x100000, s0  }
0xf1: {  	[sflag:s0] =	ssyncadd.tile.s32 @!p0 $0x1;
	_ =	shalt  }
.Lfunc_end2:
_tile_overlayer_lowered:
.L_overlay_start_2:
0xf2: {  	(tag) =	ssettag $0x2  }
0xf3: {  	s0 =	rddreg [dreg:$0x0];
	s2 =	stileid.u32  }
0xf4: {  	s1 =	rddreg [dreg:$0x1];
	p0 =	sne.s32 s2, $0x0  }
0xf5: {  	s3 =	rddreg [dreg:$0x2];
	[bflag:$0x3] =	sbarrier.arrive $0xFFFF;
	s2 =	simm.s32 @!p0 $0x1C03  }
0xf6: {  	[timem:s3], [sflag:s2] =	dma.local @!p0 [hbm:s0], s1  }
0xf7: {  	s0 =	simm.s32 @!p0 $0x3  }
0xf8: {  	_ =	swait.ge @!p0 [sflag:s0], s1  }
0xf9: {  	s1 =	ssub.s32 @!p0 $0x0, s1;
	[sflag:s0] =	ssyncset.done @!p0 $0x0  }
0xfa: {  	[sflag:s0] =	ssyncadd.s32 @!p0 s1  }
0xfb: {  	[bflag:$0x3] =	sbarrier.arrive $0xFFFF  }
0xfc: {  	_ =	shalt  }

// kernel: kernel.15.cloned.1.call-start
scs
__scs_entry_jumppad:
0x0: {  	(pc) =	sbr.rel $0x88, $3  }
0x1: {  	(tag) =	ssettag $0x0;
	lr =	simm.s32 $0x1  }
0x2: {  	[smem:$0x3F96] =	sst lr;
	_ =	strace $0xD0000000  }
0x3: {  	_ = 	snop  }
0x4: {  	_ = 	snop  }
0x5: {  	_ = 	snop  }
0x6: {  	_ = 	snop  }
0x7: {  	_ = 	snop  }
__scs_overlays_trampoline_lowered:
0x8: {  	[smem:$0x3FA5] =	sst s0  }
0x9: {  	[smem:$0x3FA6] =	sst s1  }
0xa: {  	[smem:$0x3FA7] =	sst s2  }
0xb: {  	[smem:$0x3FA8] =	sst s3  }
0xc: {  	[smem:$0x3FA9] =	sst s4  }
0xd: {  	[smem:$0x3FAA] =	sst s5  }
0xe: {  	[smem:$0x3FAB] =	sst s6  }
0xf: {  	[smem:$0x3FAC] =	sst s7  }
0x10: {  	[smem:$0x3FAD] =	sst s8  }
0x11: {  	[smem:$0x3FAE] =	sst s9;
	s0 =	simm.s32 @!p0 $0x0  }
0x12: {  	s1 =	sld [smem:$0x3F94];
	s0 =	simm.s32 @p0 $0x1  }
0x13: {  	[smem:$0x3FAF] =	sst s0;
	s0 =	simm.s32 @!p1 $0x0  }
0x14: {  	s2 =	sld [smem:$0x3F93];
	s0 =	simm.s32 @p1 $0x1  }
0x15: {  	[smem:$0x3FB0] =	sst s0;
	s0 =	simm.s32 @!p2 $0x0  }
0x16: {  	s3 =	sld [smem:$0x3FDB];
	s0 =	simm.s32 @p2 $0x1  }
0x17: {  	s4 =	simm.s32 $0x1BF5;
	[smem:$0x3FB2] =	sst s0  }
0x18: {  	s0 =	sld [smem:$0x3F95];
	_ =	swait.ge [sflag:s4], $0x0  }
0x19: {  	s7 =	sld [smem:$0x3F96]  }
0x1a: {  	s8 =	sadd.s32 $0xFFFFE003, lr  }
0x1b: {  	s9 =	sadd.s32 $0xFFFFFEF7, lr;
	s5 =	simm.s32 $0xFFFFFFFF;
	p2 =	slt.u32 s8, $0xFFFFF086  }
0x1c: {  	p1 =	slt.u32 s9, $0xF7A;
	s5 =	simm.s32 @!p2 $0x0  }
0x1d: {  	s5 =	simm.s32 @p1 $0x1;
	p0 =	seq.s32 s7, s2  }
0x1e: {  	s7 =	smul.u32 @!p0 $0xF7A, s2;
	p2 =	seq.s32 @!p0 s5, $0x0  }
0x1f: {  	s9 =	smul.u32 $0xF7A, s1;
	s8 =	simm.s32 @!p0 $0x1BF5;
	p2 =	por !p2, p0  }
0x20: {  	[sflag:s8] =	ssyncset.s32 @!p0 $0xFFFFF086;
	s6 =	sadd.s32 @!p0 s3, s7;
	s7 =	simm.s32 @!p0 $0x108  }
0x21: {  	s3 =	sadd.s32 s3, s9;
	s6 =	sadd.s32 @!p0 $0x88, s6;
	s7 =	simm.s32 @p2 $0x1082  }
0x22: {  	[simem:s7], [sflag:s8] =	dma.local @!p0 [hbm:s6], $0xF7A  }
0x23: {  	s9 =	sor.u32 $0xD0000000, s2;
	s6 =	simm.s32 $0x108;
	_ =	swait.ge @!p0 [sflag:s8], $0x0  }
0x24: {  	s3 =	sadd.s32 $0x88, s3;
	s6 =	simm.s32 @!p1 $0x1082;
	[sflag:s4] =	ssyncset.s32 $0xFFFFF086  }
0x25: {  	[simem:s6], [sflag:s4] =	dma.local [hbm:s3], $0xF7A  }
0x26: {  	[smem:$0x3F96] =	sst s1;
	(tag) =	ssettag s2;
	_ =	strace s9  }
0x27: {  	s1 =	sld [smem:$0x3FA6]  }
0x28: {  	s2 =	sld [smem:$0x3FA7]  }
0x29: {  	s4 =	sld [smem:$0x3FA9]  }
0x2a: {  	p0 =	seq.s32 s5, $0x0;
	s5 =	sld [smem:$0x3FAA]  }
0x2b: {  	s6 =	sld [smem:$0x3FAB]  }
0x2c: {  	s7 =	sld [smem:$0x3FAC]  }
0x2d: {  	s3 =	simm.s32 $0x108;
	s8 =	sld [smem:$0x3FAD]  }
0x2e: {  	s3 =	simm.s32 @!p0 $0x1082;
	s9 =	sld [smem:$0x3FAE]  }
0x2f: {  	lr =	sadd.s32 s0, s3;
	s0 =	sld [smem:$0x3FA5]  }
0x30: {  	s3 =	sld [smem:$0x3FA8]  }
0x31: {  	[smem:$0x3FB1] =	sst s10  }
0x32: {  	s10 =	sld [smem:$0x3FAF];
	_ =	sdelay $0x3  }
0x33: {  	p0 =	seq.s32 s10, $0x1;
	s10 =	sld [smem:$0x3FB1];
	_ =	sdelay $0x3  }
0x34: {  	[smem:$0x3FB1] =	sst s10  }
0x35: {  	s10 =	sld [smem:$0x3FB0];
	_ =	sdelay $0x3  }
0x36: {  	p1 =	seq.s32 s10, $0x1;
	s10 =	sld [smem:$0x3FB1];
	_ =	sdelay $0x3  }
0x37: {  	[smem:$0x3FB1] =	sst s10  }
0x38: {  	s10 =	sld [smem:$0x3FB2]  }
0x39: {  	_ = 	snop;
	(pc) =	sbr.ind lr, $3  }
0x3a: {  	_ = 	snop  }
0x3b: {  	_ = 	snop  }
0x3c: {  	p2 =	seq.s32 s10, $0x1;
	s10 =	sld [smem:$0x3FB1]  }
0x3d: {  	_ =	shalt  }
0x3e: {  	_ =	shalt  }
0x3f: {  	_ =	shalt  }
0x40: {  	_ =	shalt  }
0x41: {  	_ =	shalt  }
0x42: {  	_ =	shalt  }
0x43: {  	_ =	shalt  }
0x44: {  	_ =	shalt  }
0x45: {  	_ =	shalt  }
0x46: {  	_ =	shalt  }
0x47: {  	_ =	shalt  }
0x48: {  	_ =	shalt  }
0x49: {  	_ =	shalt  }
0x4a: {  	_ =	shalt  }
0x4b: {  	_ =	shalt  }
0x4c: {  	_ =	shalt  }
0x4d: {  	_ =	shalt  }
0x4e: {  	_ =	shalt  }
0x4f: {  	_ =	shalt  }
0x50: {  	_ =	shalt  }
0x51: {  	_ =	shalt  }
0x52: {  	_ =	shalt  }
0x53: {  	_ =	shalt  }
0x54: {  	_ =	shalt  }
0x55: {  	_ =	shalt  }
0x56: {  	_ =	shalt  }
0x57: {  	_ =	shalt  }
0x58: {  	_ =	shalt  }
0x59: {  	_ =	shalt  }
0x5a: {  	_ =	shalt  }
0x5b: {  	_ =	shalt  }
0x5c: {  	_ =	shalt  }
0x5d: {  	_ =	shalt  }
0x5e: {  	_ =	shalt  }
0x5f: {  	_ =	shalt  }
0x60: {  	_ =	shalt  }
0x61: {  	_ =	shalt  }
0x62: {  	_ =	shalt  }
0x63: {  	_ =	shalt  }
0x64: {  	_ =	shalt  }
0x65: {  	_ =	shalt  }
0x66: {  	_ =	shalt  }
0x67: {  	_ =	shalt  }
0x68: {  	_ =	shalt  }
0x69: {  	_ =	shalt  }
0x6a: {  	_ =	shalt  }
0x6b: {  	_ =	shalt  }
0x6c: {  	_ =	shalt  }
0x6d: {  	_ =	shalt  }
0x6e: {  	_ =	shalt  }
0x6f: {  	_ =	shalt  }
0x70: {  	_ =	shalt  }
0x71: {  	_ =	shalt  }
0x72: {  	_ =	shalt  }
0x73: {  	_ =	shalt  }
0x74: {  	_ =	shalt  }
0x75: {  	_ =	shalt  }
0x76: {  	_ =	shalt  }
0x77: {  	_ =	shalt  }
0x78: {  	_ =	shalt  }
0x79: {  	_ =	shalt  }
0x7a: {  	_ =	shalt  }
0x7b: {  	_ =	shalt  }
0x7c: {  	_ =	shalt  }
0x7d: {  	_ =	shalt  }
0x7e: {  	_ =	shalt  }
0x7f: {  	_ =	shalt  }
0x80: {  	_ =	shalt  }
0x81: {  	_ =	shalt  }
0x82: {  	_ =	shalt  }
0x83: {  	_ =	shalt  }
0x84: {  	_ =	shalt  }
0x85: {  	_ =	shalt  }
0x86: {  	_ =	shalt  }
0x87: {  	_ =	shalt  }
.Lfunc_end0:
.L_simem_size_0:
called_computation.2_lowered:
.L_overlay_start_0:
0x88: {  	s2 =	sld [smem:$0x3FD9]  }
0x89: {  	s3 =	sld [smem:$0x3FFE];
	_ =	sdelay $0x1  }
0x8a: {  	s1 =	srdreg.scid  }
0x8b: {  	s0 =	sand.u32 $0x1, s1  }
0x8c: {  	s16 =	sshll.u32 s0, $0xA;
	s2 =	sadd.s32 s3, s2  }
0x8d: {  	s2 =	sadd.s32 s2, s16  }
0x8e: {  	[smem:$0x3FBD] =	sst s2  }
0x8f: {  	_ = 	snop  }
0x90: {  	(tm) =	ssettm $0x1  }
0x91: {  	s17 =	sld [smem:$0x3FFB];
	_ =	sdelay $0x3  }
0x92: {  	_ =	strace s17  }
0x93: {  	s2 =	sld [smem:$0x3FFC];
	_ =	sdelay $0x3  }
0x94: {  	_ =	strace s2  }
0x95: {  	s2 =	sld [smem:$0x3FFD];
	_ =	sdelay $0x3  }
0x96: {  	_ =	strace s2  }
0x97: {  	_ =	strace $0x8FFFFFFF  }
0x98: {  	s18 =	sld [smem:$0x3FDB];
	_ =	sdelay $0x1  }
0x99: {  	s19 =	simm.s32 $_scs_section_size  }
0x9a: {  	s4 =	simm.s32 $_size__tile_overlayer_lowered;
	s5 =	simm.s32 $_tile_overlayer_lowered  }
0x9b: {  	s22 =	simm.s32 $0x1BFF;
	s21 =	sshll.u32 s5, $0x1;
	s2 =	sadd.s32 s19, s18  }
0x9c: {  	s6 =	simm.s32 $0x0;
	s20 =	sshll.u32 s4, $0x1;
	s4 =	sadd.s32 s21, s2  }
0x9d: {  	[timem:s6], [sflag:s22] =	dma.local [hbm:s4], s20  }
0x9e: {  	_ =	swait.ge [sflag:s22], s20  }
0x9f: {  	s3 =	ssub.s32 $0x0, s20;
	[sflag:s22] =	ssyncset.done $0x0  }
0xa0: {  	[sflag:s22] =	ssyncadd.s32 s3;
	_ =	sdelay $0x1  }
0xa1: {  	s23 =	simm.s32 $0x1B8B  }
0xa2: {  	_ =	swait.ge [sflag:s23], $0x1  }
0xa3: {  	[sflag:s23] =	ssyncset.done $0x0  }
0xa4: {  	s25 =	simm.s32 $0x1B8E;
	s24 =	sld [smem:$0x3FFE];
	[sflag:s23] =	ssyncadd.s32 $0xFFFFFFFF  }
0xa5: {  	s26 =	simm.s32 $execute0_lowered;
	[smem:$0x3FD2] =	sst s25  }
0xa6: {  	s4 =	sshll.u32 s26, $0x1;
	_ =	strace $0x8000004C;
	[dreg:$0x1] =	wrdreg $0xFFFFFFFF  }
0xa7: {  	s28 =	simm.s32 $_size_execute0_lowered;
	s2 =	sadd.s32 s2, s4;
	[dreg:$0x0] =	wrdreg $0x0  }
0xa8: {  	s4 =	sshll.u32 s28, $0x1;
	[dreg:$0x2] =	wrdreg s2  }
0xa9: {  	[dreg:$0x3] =	wrdreg s4  }
0xaa: {  	[dreg:$0x4] =	wrdreg $0xC0  }
0xab: {  	_ =	task [dreg:s6], $0x5FFFF  }
0xac: {  	[dreg:$0x1] =	wrdreg $0xFFFFFFFF  }
0xad: {  	[dreg:$0x0] =	wrdreg $0x60  }
0xae: {  	[dreg:$0x2] =	wrdreg s24  }
0xaf: {  	[dreg:$0x3] =	wrdreg $0xA8000  }
0xb0: {  	[dreg:$0x4] =	wrdreg $0x9  }
0xb1: {  	_ =	task.clear_ibuf [dreg:s6], $0x5FFFF;
	_ =	strace $0x9000004C  }
0xb2: {  	s29 =	simm.s32 $0x9;
	_ =	strace $0x8000004E  }
0xb3: {  	_ =	swait.ge [sflag:s29], $0x1  }
0xb4: {  	[sflag:s29] =	ssyncadd.s32 $0xFFFFFFFF  }
0xb5: {  	_ =	strace $0x9000004E  }
0xb6: {  	_ =	sfence  }
0xb7: {  	s30 =	sld [smem:$0x0];
	_ =	sdelay $0x2  }
0xb8: {  	s31 =	sshll.u32 s1, $0xD;
	s1 =	sshrl.u32 s1, $0x2  }
0xb9: {  	s3 =	sand.u32 $0x4000, s31;
	s1 =	sadd.s32 s1, s30  }
0xba: {  	s0 =	sor.u32 s3, s0;
	s1 =	sshll.u32 s1, $0x11  }
0xbb: {  	s0 =	sor.u32 s1, s0  }
0xbc: {  	s0 =	sadd.s32 $0x8F2B, s0  }
0xbd: {  	[sflag:s0] =	ssyncadd.remote.s32 $0x1  }
0xbe: {  	_ =	sfence.sel $0xFFFF  }
0xbf: {  	[dreg:$0x0] =	wrdreg $0xFFFFFFFF;
	(pc) =	sbr.abs _section_cstart, $3  }
0xc0: {  	[dreg:$0x1] =	wrdreg $0xFFFFFFFF  }
0xc1: {  	_ =	task.clear_ibuf [dreg:s6], $0x2FFFF;
	_ =	strace $0x9FFFFFFF  }
0xc2: {  	(tm) =	ssettm $0x7FFFFFFF  }
0xc3: {  	_ =	shalt  }
tec
execute0_lowered:
.L_overlay_start_1:
0x0: {  	(tag) =	ssettag $0x1  }
0x1: {  	s0 =	rddreg [dreg:$0x0]  }
0x2: {  	s1 =	rddreg [dreg:$0x1];
	s2 =	simm.s32 $0x0;
	s3 =	srdreg.scid  }
0x3: {  	s12 =	stileid.u32;
	s28 =	simm.s32 $0x180;
	s29 =	simm.s32 $0x8800  }
0x4: {  	s30 =	simm.s32 $0x1480;
	s31 =	simm.s32 $0x2;
	s6 =	smul.u32 $0x13C00, s12  }
0x5: {  	[smem:$0x7FF] =	sst s2;
	s3 =	sand.u32 $0x1, s3;
	s16 =	smul.u32 $0x5000, s12  }
0x6: {  	s4 =	sadd.s32 $0x2D600, s0;
	s7 =	sadd.s32 $0x2E00, s0;
	s11 =	smul.u32 $0x4F000, s12  }
0x7: {  	s8 =	sadd.s32 $0x16E00, s0;
	s9 =	sadd.s32 $0x2AE00, s0;
	s5 =	smul.u32 $0x13C000, s3  }
0x8: {  	s19 =	sshll.u32 s12, $0x6;
	s15 =	smul.u32 $0x50000, s3;
	s3 =	ssub.s32 $0x2, s3  }
0x9: {  	_ =	strace $0x8000004D;
	[dreg:$0x3] =	wrdreg s9;
	s10 =	sshrl.u32 s3, $0x1  }
0xa: {  	s18 =	sshrl.u32 s11, $0x2;
	s5 =	sadd.s32 s6, s5;
	s3 =	ssub.s32 s3, s10  }
0xb: {  	s17 =	sadd.s32 s16, s15;
	s20 =	sadd.s32 s18, s1;
	s6 =	sor.u32 $0x1C03, s19  }
0xc: {  	s18 =	simm.s32 $0x3;
	s19 =	simm.s32 $0x1400;
	s5 =	sshrl.u32 s5, $0x3  }
0xd: {  	s16 =	smax.u32 s3, $0x1;
	s0 =	sadd.s32 s5, s0;
	s5 =	sshrl.u32 s17, $0x3  }
0xe: {  	s17 =	sshrl.u32 s20, $0x3;
	s20 =	simm.s32 $0x40;
	s21 =	sadd.s32 $0x280, s5  }
0xf: {  	s22 =	sadd.s32 s7, s5;
	s23 =	sadd.s32 s8, s5;
	s25 =	sadd.s32 $0x500, s5  }
0x10: {  	s5 =	sadd.s32 $0x780, s5;
	s15 =	sadd.s32 $0x54800, s0;
	[dreg:$0x4] =	wrdreg s22  }
0x11: {  	s0 =	simm.s32 $0x0;
	[dreg:$0x5] =	wrdreg s23;
	s24 =	sadd.s32 s7, s21  }
0x12: {  	s9 =	sadd.s32 s8, s21;
	s26 =	sadd.s32 s7, s25;
	s13 =	sadd.s32 s7, s5  }
0x13: {  	s14 =	sadd.s32 s8, s5;
	s21 =	simm.s32 $0x2800;
	[dreg:$0x6] =	wrdreg s24  }
0x14: {  	s22 =	simm.s32 $0x80;
	s23 =	simm.s32 $0x4800;
	[dreg:$0x7] =	wrdreg s9  }
0x15: {  	[dreg:$0x8] =	wrdreg s26;
	s9 =	sadd.s32 s8, s25;
	s24 =	simm.s32 $0x1  }
0x16: {  	s25 =	simm.s32 $0x100;
	s26 =	simm.s32 $0x6800;
	[dreg:$0x9] =	wrdreg s9  }
.LBB2_1:
0x17: {  	s3 =	rddreg [dreg:$0x3]  }
0x18: {  	[spmem:s17], [sflag:s6] =	dma.local [hbm:s3], $0x2780  }
0x19: {  	_ =	swait.ge [sflag:s18], $0x2780  }
0x1a: {  	[sflag:s18] =	ssyncset.done $0x0  }
0x1b: {  	[sflag:s18] =	ssyncadd.s32 $0xFFFFD880  }
0x1c: {  	[bflag:$0x0] =	sbarrier.arrive $0xFFFF  }
0x1d: {  	s11 =	rddreg [dreg:$0x4]  }
0x1e: {  	[tilespmem:s2], [sflag:$0x3] =	stream.linear.gather [hbm4b:s11+s2], $0x1400, $0x38;
	[tilespmem:$0x1E400] =	vst v63  }
0x1f: {  	_ =	swait.ge [sflag:s18], $0x1400  }
0x20: {  	[sflag:s18] =	ssyncset.done $0x0  }
0x21: {  	s12 =	rddreg [dreg:$0x5];
	[sflag:s18] =	ssyncadd.s32 $0xFFFFEC00  }
0x22: {  	[tilespmem:s19], [sflag:$0x3] =	stream.linear.gather [hbm4b:s12+s2], $0x1400, $0x38;
	[tilespmem:$0x1E400] =	vst v63  }
0x23: {  	_ =	swait.ge [sflag:s18], $0x1400  }
0x24: {  	[sflag:s18] =	ssyncset.done $0x0  }
0x25: {  	[sflag:s18] =	ssyncadd.s32 $0xFFFFEC00  }
0x26: {  	[tilespmem:s21], [sflag:$0x1] =	stream.indirect.gather [hbm4b:s4+s20], $0x80, s2, s20, $0xb8;
	[tilespmem:$0x1E400] =	vst v63  }
0x27: {  	_ = 	snop  }
0x28: {  	[tilespmem:s23], [sflag:$0x1] =	stream.indirect.gather [hbm4b:s4+s20], $0x80, s22, s20, $0xb8;
	[tilespmem:$0x1E400] =	vst v63  }
0x29: {  	_ =	swait.ge [sflag:s24], $0x2000  }
0x2a: {  	[sflag:s24] =	ssyncset.done $0x0  }
0x2b: {  	[sflag:s24] =	ssyncadd.s32 $0xFFFFE000  }
0x2c: {  	[tilespmem:s26], [sflag:$0x1] =	stream.indirect.gather [hbm4b:s4+s20], $0x80, s25, s20, $0xb8;
	[tilespmem:$0x1E400] =	vst v63  }
0x2d: {  	_ = 	snop  }
0x2e: {  	[spmem:s1] =	stream.indirect.scatter.add.f32 [tilespmem:s21], [sflag:$0x2], $0x80, s19, s20, $0xb8;
	[tilespmem:$0x1E400] =	vst v63  }
0x2f: {  	_ =	swait.ge [sflag:s24], $0x2000  }
0x30: {  	[sflag:s24] =	ssyncset.done $0x0  }
0x31: {  	[sflag:s24] =	ssyncadd.s32 $0xFFFFE000  }
0x32: {  	[tilespmem:s29], [sflag:$0x1] =	stream.indirect.gather [hbm4b:s4+s20], $0x80, s28, s20, $0xb8;
	[tilespmem:$0x1E400] =	vst v63  }
0x33: {  	_ = 	snop  }
0x34: {  	[spmem:s1] =	stream.indirect.scatter.add.f32 [tilespmem:s23], [sflag:$0x2], $0x80, s30, s20, $0xb8;
	[tilespmem:$0x1E400] =	vst v63  }
0x35: {  	s5 =	simm.s32 $0x200;
	p0 =	por $0x0, $0x0;
	_ =	swait.ge [sflag:s24], $0x2000  }
0x36: {  	s8 =	simm.s32 $0x10000;
	s9 =	simm.s32 $0x1500;
	[sflag:s24] =	ssyncset.done $0x0  }
0x37: {  	s3 =	simm.s32 $0x20000;
	s7 =	simm.s32 @!p0 $0x40;
	[sflag:s24] =	ssyncadd.s32 $0xFFFFE000  }
0x38: {  	s8 =	sand.u32 $0x18000, s8;
	s3 =	sand.u32 @!p0 $0x18000, s3;
	_ =	swait.ge [sflag:s31], $0x2000  }
0x39: {  	s10 =	sshrl.u32 s8, $0x2;
	s3 =	sshrl.u32 @!p0 s3, $0x2;
	[sflag:s31] =	ssyncset.done $0x0  }
0x3a: {  	s8 =	simm.s32 $0x280;
	s3 =	sadd.s32 @!p0 $0x2800, s3;
	[sflag:s31] =	ssyncadd.s32 $0xFFFFE000  }
0x3b: {  	[tilespmem:s3], [sflag:$0x1] =	stream.indirect.gather @!p0 [hbm4b:s4+s7], $0x80, s5, s7, $0xb8;
	[tilespmem:$0x1E400] =	vst v63  }
0x3c: {  	s3 =	simm.s32 $0x1500;
	s5 =	simm.s32 $0x3;
	s7 =	simm.s32 $0x28000  }
.LBB2_2:
0x3d: {  	s10 =	sadd.s32 $0x2800, s10  }
0x3e: {  	s3 =	sadd.s32 $0x80, s3;
	s11 =	smov.u32 s5;
	s5 =	sadd.s32 $0x1, s5  }
0x3f: {  	[spmem:s1] =	stream.indirect.scatter.add.f32 [tilespmem:s10], [sflag:$0x2], $0x80, s9, s20, $0xb8;
	[tilespmem:$0x1E400] =	vst v63  }
0x40: {  	p0 =	sne.s32 s5, $0x28;
	s9 =	smov.u32 s3;
	_ =	swait.ge [sflag:s24], $0x2000  }
0x41: {  	p1 =	sgt.u32 s11, $0x25;
	[sflag:s24] =	ssyncset.done $0x0  }
0x42: {  	s10 =	sand.u32 @!p1 $0x18000, s7;
	[sflag:s24] =	ssyncadd.s32 $0xFFFFE000  }
.Ltmp0:
0x43: {  	s11 =	simm.s32 @!p1 $0x40;
	_ =	swait.ge [sflag:s31], $0x2000;
	(pc) =	sbr.rel @p0 .LBB2_2-.Ltmp0, $4  }
0x44: {  	s12 =	sadd.s32 $0xFFFF0000, s7;
	s10 =	sshrl.u32 @!p1 s10, $0x2;
	[sflag:s31] =	ssyncset.done $0x0  }
0x45: {  	s12 =	sand.u32 $0x18000, s12;
	s10 =	sadd.s32 @!p1 $0x2800, s10;
	[sflag:s31] =	ssyncadd.s32 $0xFFFFE000  }
0x46: {  	[tilespmem:s10], [sflag:$0x1] =	stream.indirect.gather @!p1 [hbm4b:s4+s11], $0x80, s8, s11, $0xb8;
	[tilespmem:$0x1E400] =	vst v63  }
0x47: {  	s7 =	sadd.s32 $0x8000, s7;
	s10 =	sshrl.u32 s12, $0x2;
	s8 =	sadd.s32 $0x80, s8  }
0x48: {  	s3 =	sadd.s32 $0x2800, s10;
	s10 =	simm.s32 $0x2  }
0x49: {  	[spmem:s1] =	stream.indirect.scatter.add.f32 [tilespmem:s3], [sflag:$0x2], $0x80, s9, s20, $0xb8;
	[tilespmem:$0x1E400] =	vst v63  }
0x4a: {  	_ =	swait.ge [sflag:s10], $0x2000  }
0x4b: {  	[sflag:s10] =	ssyncset.done $0x0  }
0x4c: {  	[sflag:s10] =	ssyncadd.s32 $0xFFFFE000  }
0x4d: {  	_ =	swait.ge [sflag:s10], $0x2000  }
0x4e: {  	[sflag:s10] =	ssyncset.done $0x0  }
0x4f: {  	s11 =	rddreg [dreg:$0x6];
	[sflag:s10] =	ssyncadd.s32 $0xFFFFE000  }
0x50: {  	[tilespmem:s2], [sflag:$0x3] =	stream.linear.gather [hbm4b:s11+s2], $0x1400, $0x38;
	[tilespmem:$0x1E400] =	vst v63  }
0x51: {  	_ =	swait.ge [sflag:s18], $0x1400  }
0x52: {  	[sflag:s18] =	ssyncset.done $0x0  }
0x53: {  	s12 =	rddreg [dreg:$0x7];
	[sflag:s18] =	ssyncadd.s32 $0xFFFFEC00  }
0x54: {  	[tilespmem:s19], [sflag:$0x3] =	stream.linear.gather [hbm4b:s12+s2], $0x1400, $0x38;
	[tilespmem:$0x1E400] =	vst v63  }
0x55: {  	_ =	swait.ge [sflag:s18], $0x1400  }
0x56: {  	[sflag:s18] =	ssyncset.done $0x0  }
0x57: {  	[sflag:s18] =	ssyncadd.s32 $0xFFFFEC00  }
0x58: {  	[tilespmem:s21], [sflag:$0x1] =	stream.indirect.gather [hbm4b:s4+s20], $0x80, s2, s20, $0xb8;
	[tilespmem:$0x1E400] =	vst v63  }
0x59: {  	_ = 	snop  }
0x5a: {  	[tilespmem:s23], [sflag:$0x1] =	stream.indirect.gather [hbm4b:s4+s20], $0x80, s22, s20, $0xb8;
	[tilespmem:$0x1E400] =	vst v63  }
0x5b: {  	_ =	swait.ge [sflag:s24], $0x2000  }
0x5c: {  	[sflag:s24] =	ssyncset.done $0x0  }
0x5d: {  	[sflag:s24] =	ssyncadd.s32 $0xFFFFE000  }
0x5e: {  	[tilespmem:s26], [sflag:$0x1] =	stream.indirect.gather [hbm4b:s4+s20], $0x80, s25, s20, $0xb8;
	[tilespmem:$0x1E400] =	vst v63  }
0x5f: {  	_ = 	snop  }
0x60: {  	[spmem:s1] =	stream.indirect.scatter.add.f32 [tilespmem:s21], [sflag:$0x2], $0x80, s19, s20, $0xb8;
	[tilespmem:$0x1E400] =	vst v63  }
0x61: {  	_ =	swait.ge [sflag:s24], $0x2000  }
0x62: {  	[sflag:s24] =	ssyncset.done $0x0  }
0x63: {  	[sflag:s24] =	ssyncadd.s32 $0xFFFFE000  }
0x64: {  	[tilespmem:s29], [sflag:$0x1] =	stream.indirect.gather [hbm4b:s4+s20], $0x80, s28, s20, $0xb8;
	[tilespmem:$0x1E400] =	vst v63  }
0x65: {  	_ = 	snop  }
0x66: {  	[spmem:s1] =	stream.indirect.scatter.add.f32 [tilespmem:s23], [sflag:$0x2], $0x80, s30, s20, $0xb8;
	[tilespmem:$0x1E400] =	vst v63  }
0x67: {  	s5 =	simm.s32 $0x200;
	p0 =	por $0x0, $0x0;
	_ =	swait.ge [sflag:s24], $0x2000  }
0x68: {  	s8 =	simm.s32 $0x10000;
	s3 =	simm.s32 $0x20000;
	[sflag:s24] =	ssyncset.done $0x0  }
0x69: {  	s7 =	simm.s32 @!p0 $0x40;
	s3 =	sand.u32 @!p0 $0x18000, s3;
	[sflag:s24] =	ssyncadd.s32 $0xFFFFE000  }
0x6a: {  	s8 =	sand.u32 $0x18000, s8;
	s3 =	sshrl.u32 @!p0 s3, $0x2;
	_ =	swait.ge [sflag:s31], $0x2000  }
0x6b: {  	s9 =	simm.s32 $0x1500;
	s3 =	sadd.s32 @!p0 $0x2800, s3;
	[sflag:s31] =	ssyncset.done $0x0  }
0x6c: {  	s10 =	sshrl.u32 s8, $0x2;
	s8 =	simm.s32 $0x280;
	[sflag:s31] =	ssyncadd.s32 $0xFFFFE000  }
0x6d: {  	[tilespmem:s3], [sflag:$0x1] =	stream.indirect.gather @!p0 [hbm4b:s4+s7], $0x80, s5, s7, $0xb8;
	[tilespmem:$0x1E400] =	vst v63  }
0x6e: {  	s3 =	simm.s32 $0x1500;
	s5 =	simm.s32 $0x3;
	s7 =	simm.s32 $0x28000  }
.LBB2_4:
0x6f: {  	s10 =	sadd.s32 $0x2800, s10  }
0x70: {  	s3 =	sadd.s32 $0x80, s3;
	s11 =	smov.u32 s5;
	s5 =	sadd.s32 $0x1, s5  }
0x71: {  	[spmem:s1] =	stream.indirect.scatter.add.f32 [tilespmem:s10], [sflag:$0x2], $0x80, s9, s20, $0xb8;
	[tilespmem:$0x1E400] =	vst v63  }
0x72: {  	p0 =	sne.s32 s5, $0x28;
	s9 =	smov.u32 s3;
	_ =	swait.ge [sflag:s24], $0x2000  }
0x73: {  	p1 =	sgt.u32 s11, $0x25;
	[sflag:s24] =	ssyncset.done $0x0  }
0x74: {  	s10 =	sand.u32 @!p1 $0x18000, s7;
	[sflag:s24] =	ssyncadd.s32 $0xFFFFE000  }
.Ltmp1:
0x75: {  	s11 =	simm.s32 @!p1 $0x40;
	_ =	swait.ge [sflag:s31], $0x2000;
	(pc) =	sbr.rel @p0 .LBB2_4-.Ltmp1, $4  }
0x76: {  	s12 =	sadd.s32 $0xFFFF0000, s7;
	s10 =	sshrl.u32 @!p1 s10, $0x2;
	[sflag:s31] =	ssyncset.done $0x0  }
0x77: {  	s12 =	sand.u32 $0x18000, s12;
	s10 =	sadd.s32 @!p1 $0x2800, s10;
	[sflag:s31] =	ssyncadd.s32 $0xFFFFE000  }
0x78: {  	[tilespmem:s10], [sflag:$0x1] =	stream.indirect.gather @!p1 [hbm4b:s4+s11], $0x80, s8, s11, $0xb8;
	[tilespmem:$0x1E400] =	vst v63  }
0x79: {  	s7 =	sadd.s32 $0x8000, s7;
	s10 =	sshrl.u32 s12, $0x2;
	s8 =	sadd.s32 $0x80, s8  }
0x7a: {  	s3 =	sadd.s32 $0x2800, s10;
	s10 =	simm.s32 $0x2  }
0x7b: {  	[spmem:s1] =	stream.indirect.scatter.add.f32 [tilespmem:s3], [sflag:$0x2], $0x80, s9, s20, $0xb8;
	[tilespmem:$0x1E400] =	vst v63  }
0x7c: {  	_ =	swait.ge [sflag:s10], $0x2000  }
0x7d: {  	[sflag:s10] =	ssyncset.done $0x0  }
0x7e: {  	[sflag:s10] =	ssyncadd.s32 $0xFFFFE000  }
0x7f: {  	_ =	swait.ge [sflag:s10], $0x2000  }
0x80: {  	[sflag:s10] =	ssyncset.done $0x0  }
0x81: {  	s11 =	rddreg [dreg:$0x8];
	[sflag:s10] =	ssyncadd.s32 $0xFFFFE000  }
0x82: {  	[tilespmem:s2], [sflag:$0x3] =	stream.linear.gather [hbm4b:s11+s2], $0x1400, $0x38;
	[tilespmem:$0x1E400] =	vst v63  }
0x83: {  	_ =	swait.ge [sflag:s18], $0x1400  }
0x84: {  	[sflag:s18] =	ssyncset.done $0x0  }
0x85: {  	s12 =	rddreg [dreg:$0x9];
	[sflag:s18] =	ssyncadd.s32 $0xFFFFEC00  }
0x86: {  	[tilespmem:s19], [sflag:$0x3] =	stream.linear.gather [hbm4b:s12+s2], $0x1400, $0x38;
	[tilespmem:$0x1E400] =	vst v63  }
0x87: {  	_ =	swait.ge [sflag:s18], $0x1400  }
0x88: {  	[sflag:s18] =	ssyncset.done $0x0  }
0x89: {  	[sflag:s18] =	ssyncadd.s32 $0xFFFFEC00  }
0x8a: {  	[tilespmem:s21], [sflag:$0x1] =	stream.indirect.gather [hbm4b:s4+s20], $0x80, s2, s20, $0xb8;
	[tilespmem:$0x1E400] =	vst v63  }
0x8b: {  	_ = 	snop  }
0x8c: {  	[tilespmem:s23], [sflag:$0x1] =	stream.indirect.gather [hbm4b:s4+s20], $0x80, s22, s20, $0xb8;
	[tilespmem:$0x1E400] =	vst v63  }
0x8d: {  	_ =	swait.ge [sflag:s24], $0x2000  }
0x8e: {  	[sflag:s24] =	ssyncset.done $0x0  }
0x8f: {  	[sflag:s24] =	ssyncadd.s32 $0xFFFFE000  }
0x90: {  	[tilespmem:s26], [sflag:$0x1] =	stream.indirect.gather [hbm4b:s4+s20], $0x80, s25, s20, $0xb8;
	[tilespmem:$0x1E400] =	vst v63  }
0x91: {  	_ = 	snop  }
0x92: {  	[spmem:s1] =	stream.indirect.scatter.add.f32 [tilespmem:s21], [sflag:$0x2], $0x80, s19, s20, $0xb8;
	[tilespmem:$0x1E400] =	vst v63  }
0x93: {  	_ =	swait.ge [sflag:s24], $0x2000  }
0x94: {  	[sflag:s24] =	ssyncset.done $0x0  }
0x95: {  	[sflag:s24] =	ssyncadd.s32 $0xFFFFE000  }
0x96: {  	[tilespmem:s29], [sflag:$0x1] =	stream.indirect.gather [hbm4b:s4+s20], $0x80, s28, s20, $0xb8;
	[tilespmem:$0x1E400] =	vst v63  }
0x97: {  	_ = 	snop  }
0x98: {  	[spmem:s1] =	stream.indirect.scatter.add.f32 [tilespmem:s23], [sflag:$0x2], $0x80, s30, s20, $0xb8;
	[tilespmem:$0x1E400] =	vst v63  }
0x99: {  	s5 =	simm.s32 $0x200;
	p0 =	por $0x0, $0x0;
	_ =	swait.ge [sflag:s24], $0x2000  }
0x9a: {  	s8 =	simm.s32 $0x10000;
	s3 =	simm.s32 $0x20000;
	[sflag:s24] =	ssyncset.done $0x0  }
0x9b: {  	s7 =	simm.s32 @!p0 $0x40;
	s3 =	sand.u32 @!p0 $0x18000, s3;
	[sflag:s24] =	ssyncadd.s32 $0xFFFFE000  }
0x9c: {  	s8 =	sand.u32 $0x18000, s8;
	s3 =	sshrl.u32 @!p0 s3, $0x2;
	_ =	swait.ge [sflag:s31], $0x2000  }
0x9d: {  	s9 =	simm.s32 $0x1500;
	s3 =	sadd.s32 @!p0 $0x2800, s3;
	[sflag:s31] =	ssyncset.done $0x0  }
0x9e: {  	s10 =	sshrl.u32 s8, $0x2;
	s8 =	simm.s32 $0x280;
	[sflag:s31] =	ssyncadd.s32 $0xFFFFE000  }
0x9f: {  	[tilespmem:s3], [sflag:$0x1] =	stream.indirect.gather @!p0 [hbm4b:s4+s7], $0x80, s5, s7, $0xb8;
	[tilespmem:$0x1E400] =	vst v63  }
0xa0: {  	s3 =	simm.s32 $0x1500;
	s5 =	simm.s32 $0x3;
	s7 =	simm.s32 $0x28000  }
.LBB2_6:
0xa1: {  	s10 =	sadd.s32 $0x2800, s10  }
0xa2: {  	s3 =	sadd.s32 $0x80, s3;
	s11 =	smov.u32 s5;
	s5 =	sadd.s32 $0x1, s5  }
0xa3: {  	[spmem:s1] =	stream.indirect.scatter.add.f32 [tilespmem:s10], [sflag:$0x2], $0x80, s9, s20, $0xb8;
	[tilespmem:$0x1E400] =	vst v63  }
0xa4: {  	p0 =	sne.s32 s5, $0x28;
	s9 =	smov.u32 s3;
	_ =	swait.ge [sflag:s24], $0x2000  }
0xa5: {  	p1 =	sgt.u32 s11, $0x25;
	[sflag:s24] =	ssyncset.done $0x0  }
0xa6: {  	s10 =	sand.u32 @!p1 $0x18000, s7;
	[sflag:s24] =	ssyncadd.s32 $0xFFFFE000  }
.Ltmp2:
0xa7: {  	s11 =	simm.s32 @!p1 $0x40;
	_ =	swait.ge [sflag:s31], $0x2000;
	(pc) =	sbr.rel @p0 .LBB2_6-.Ltmp2, $4  }
0xa8: {  	s12 =	sadd.s32 $0xFFFF0000, s7;
	s10 =	sshrl.u32 @!p1 s10, $0x2;
	[sflag:s31] =	ssyncset.done $0x0  }
0xa9: {  	s12 =	sand.u32 $0x18000, s12;
	s10 =	sadd.s32 @!p1 $0x2800, s10;
	[sflag:s31] =	ssyncadd.s32 $0xFFFFE000  }
0xaa: {  	[tilespmem:s10], [sflag:$0x1] =	stream.indirect.gather @!p1 [hbm4b:s4+s11], $0x80, s8, s11, $0xb8;
	[tilespmem:$0x1E400] =	vst v63  }
0xab: {  	s7 =	sadd.s32 $0x8000, s7;
	s10 =	sshrl.u32 s12, $0x2;
	s8 =	sadd.s32 $0x80, s8  }
0xac: {  	s3 =	sadd.s32 $0x2800, s10;
	s12 =	simm.s32 $0x2  }
0xad: {  	[spmem:s1] =	stream.indirect.scatter.add.f32 [tilespmem:s3], [sflag:$0x2], $0x80, s9, s20, $0xb8;
	[tilespmem:$0x1E400] =	vst v63  }
0xae: {  	_ =	swait.ge [sflag:s12], $0x2000  }
0xaf: {  	[sflag:s12] =	ssyncset.done $0x0  }
0xb0: {  	[sflag:s12] =	ssyncadd.s32 $0xFFFFE000  }
0xb1: {  	_ =	swait.ge [sflag:s12], $0x2000  }
0xb2: {  	[sflag:s12] =	ssyncset.done $0x0  }
0xb3: {  	[sflag:s12] =	ssyncadd.s32 $0xFFFFE000  }
0xb4: {  	[tilespmem:s2], [sflag:$0x3] =	stream.linear.gather [hbm4b:s13+s2], $0x1300, $0x38;
	[tilespmem:$0x1E400] =	vst v63  }
0xb5: {  	_ =	swait.ge [sflag:s18], $0x1300  }
0xb6: {  	[sflag:s18] =	ssyncset.done $0x0  }
0xb7: {  	[sflag:s18] =	ssyncadd.s32 $0xFFFFED00  }
0xb8: {  	[tilespmem:s19], [sflag:$0x3] =	stream.linear.gather [hbm4b:s14+s2], $0x1300, $0x38;
	[tilespmem:$0x1E400] =	vst v63  }
0xb9: {  	_ =	swait.ge [sflag:s18], $0x1300  }
0xba: {  	[sflag:s18] =	ssyncset.done $0x0  }
0xbb: {  	[sflag:s18] =	ssyncadd.s32 $0xFFFFED00  }
0xbc: {  	[tilespmem:s21], [sflag:$0x1] =	stream.indirect.gather [hbm4b:s4+s20], $0x80, s2, s20, $0xb8;
	[tilespmem:$0x1E400] =	vst v63  }
0xbd: {  	_ = 	snop  }
0xbe: {  	[tilespmem:s23], [sflag:$0x1] =	stream.indirect.gather [hbm4b:s4+s20], $0x80, s22, s20, $0xb8;
	[tilespmem:$0x1E400] =	vst v63  }
0xbf: {  	_ =	swait.ge [sflag:s24], $0x2000  }
0xc0: {  	[sflag:s24] =	ssyncset.done $0x0  }
0xc1: {  	[sflag:s24] =	ssyncadd.s32 $0xFFFFE000  }
0xc2: {  	[tilespmem:s26], [sflag:$0x1] =	stream.indirect.gather [hbm4b:s4+s20], $0x80, s25, s20, $0xb8;
	[tilespmem:$0x1E400] =	vst v63  }
0xc3: {  	_ = 	snop  }
0xc4: {  	[spmem:s1] =	stream.indirect.scatter.add.f32 [tilespmem:s21], [sflag:$0x2], $0x80, s19, s20, $0xb8;
	[tilespmem:$0x1E400] =	vst v63  }
0xc5: {  	_ =	swait.ge [sflag:s24], $0x2000  }
0xc6: {  	[sflag:s24] =	ssyncset.done $0x0  }
0xc7: {  	[sflag:s24] =	ssyncadd.s32 $0xFFFFE000  }
0xc8: {  	[tilespmem:s29], [sflag:$0x1] =	stream.indirect.gather [hbm4b:s4+s20], $0x80, s28, s20, $0xb8;
	[tilespmem:$0x1E400] =	vst v63  }
0xc9: {  	_ = 	snop  }
0xca: {  	[spmem:s1] =	stream.indirect.scatter.add.f32 [tilespmem:s23], [sflag:$0x2], $0x80, s30, s20, $0xb8;
	[tilespmem:$0x1E400] =	vst v63  }
0xcb: {  	s5 =	simm.s32 $0x200;
	p0 =	por $0x0, $0x0;
	_ =	swait.ge [sflag:s24], $0x2000  }
0xcc: {  	s8 =	simm.s32 $0x10000;
	s3 =	simm.s32 $0x20000;
	[sflag:s24] =	ssyncset.done $0x0  }
0xcd: {  	s7 =	simm.s32 @!p0 $0x40;
	s8 =	sand.u32 $0x18000, s8;
	[sflag:s24] =	ssyncadd.s32 $0xFFFFE000  }
0xce: {  	s9 =	simm.s32 $0x1500;
	s3 =	sand.u32 @!p0 $0x18000, s3;
	_ =	swait.ge [sflag:s31], $0x2000  }
0xcf: {  	s10 =	sshrl.u32 s8, $0x2;
	s3 =	sshrl.u32 @!p0 s3, $0x2;
	[sflag:s31] =	ssyncset.done $0x0  }
0xd0: {  	s8 =	simm.s32 $0x280;
	s3 =	sadd.s32 @!p0 $0x2800, s3;
	[sflag:s31] =	ssyncadd.s32 $0xFFFFE000  }
0xd1: {  	[tilespmem:s3], [sflag:$0x1] =	stream.indirect.gather @!p0 [hbm4b:s4+s7], $0x80, s5, s7, $0xb8;
	[tilespmem:$0x1E400] =	vst v63  }
0xd2: {  	s3 =	simm.s32 $0x1500;
	s5 =	simm.s32 $0x3;
	s7 =	simm.s32 $0x28000  }
.LBB2_8:
0xd3: {  	s10 =	sadd.s32 $0x2800, s10  }
0xd4: {  	s3 =	sadd.s32 $0x80, s3;
	s11 =	smov.u32 s5;
	s5 =	sadd.s32 $0x1, s5  }
0xd5: {  	[spmem:s1] =	stream.indirect.scatter.add.f32 [tilespmem:s10], [sflag:$0x2], $0x80, s9, s20, $0xb8;
	[tilespmem:$0x1E400] =	vst v63  }
0xd6: {  	p0 =	sne.s32 s5, $0x26;
	s9 =	smov.u32 s3;
	_ =	swait.ge [sflag:s24], $0x2000  }
0xd7: {  	p1 =	sgt.u32 s11, $0x23;
	[sflag:s24] =	ssyncset.done $0x0  }
0xd8: {  	s10 =	sand.u32 @!p1 $0x18000, s7;
	[sflag:s24] =	ssyncadd.s32 $0xFFFFE000  }
.Ltmp3:
0xd9: {  	s11 =	simm.s32 @!p1 $0x40;
	_ =	swait.ge [sflag:s31], $0x2000;
	(pc) =	sbr.rel @p0 .LBB2_8-.Ltmp3, $4  }
0xda: {  	s12 =	sadd.s32 $0xFFFF0000, s7;
	s10 =	sshrl.u32 @!p1 s10, $0x2;
	[sflag:s31] =	ssyncset.done $0x0  }
0xdb: {  	s12 =	sand.u32 $0x18000, s12;
	s10 =	sadd.s32 @!p1 $0x2800, s10;
	[sflag:s31] =	ssyncadd.s32 $0xFFFFE000  }
0xdc: {  	[tilespmem:s10], [sflag:$0x1] =	stream.indirect.gather @!p1 [hbm4b:s4+s11], $0x80, s8, s11, $0xb8;
	[tilespmem:$0x1E400] =	vst v63  }
0xdd: {  	s7 =	sadd.s32 $0x8000, s7;
	s10 =	sshrl.u32 s12, $0x2;
	s8 =	sadd.s32 $0x80, s8  }
0xde: {  	s3 =	sadd.s32 $0x2800, s10  }
0xdf: {  	[spmem:s1] =	stream.indirect.scatter.add.f32 [tilespmem:s3], [sflag:$0x2], $0x80, s9, s20, $0xb8;
	[tilespmem:$0x1E400] =	vst v63  }
0xe0: {  	_ =	swait.ge [sflag:s31], $0x2000  }
0xe1: {  	[sflag:s31] =	ssyncset.done $0x0  }
0xe2: {  	[sflag:s31] =	ssyncadd.s32 $0xFFFFE000  }
0xe3: {  	_ =	swait.ge [sflag:s31], $0x2000  }
0xe4: {  	s0 =	sadd.s32 $0x1, s0;
	[sflag:s31] =	ssyncset.done $0x0  }
0xe5: {  	p0 =	sne.s32 s0, s16;
	[sflag:s31] =	ssyncadd.s32 $0xFFFFE000  }
.Ltmp4:
0xe6: {  	[bflag:$0x0] =	sbarrier.arrive $0xFFFF;
	(pc) =	sbr.rel @p0 .LBB2_1-.Ltmp4, $4  }
0xe7: {  	[hbm:s15], [sflag:s6] =	dma.local [spmem:s17], $0x2780  }
0xe8: {  	_ =	swait.ge [sflag:s18], $0x2780  }
0xe9: {  	[sflag:s18] =	ssyncset.done $0x0  }
0xea: {  	[sflag:s18] =	ssyncadd.s32 $0xFFFFD880  }
0xeb: {  	_ =	sfence.sel $0x180000  }
0xec: {  	[bflag:$0x0] =	sbarrier.arrive $0xFFFF  }
0xed: {  	_ =	strace $0x9000004D  }
0xee: {  	s0 =	stileid.u32;
	[bflag:$0x2] =	sbarrier.arrive $0xFFFF  }
0xef: {  	p0 =	sne.s32 s0, $0x0;
	s0 =	rddreg [dreg:$0x2]  }
0xf0: {  	s0 =	sadd.s32 @!p0 $0x100000, s0  }
0xf1: {  	[sflag:s0] =	ssyncadd.tile.s32 @!p0 $0x1;
	_ =	shalt  }
.Lfunc_end2:
_tile_overlayer_lowered:
.L_overlay_start_2:
0xf2: {  	(tag) =	ssettag $0x2  }
0xf3: {  	s0 =	rddreg [dreg:$0x0];
	s2 =	stileid.u32  }
0xf4: {  	s1 =	rddreg [dreg:$0x1];
	p0 =	sne.s32 s2, $0x0  }
0xf5: {  	s3 =	rddreg [dreg:$0x2];
	[bflag:$0x3] =	sbarrier.arrive $0xFFFF;
	s2 =	simm.s32 @!p0 $0x1C03  }
0xf6: {  	[timem:s3], [sflag:s2] =	dma.local @!p0 [hbm:s0], s1  }
0xf7: {  	s0 =	simm.s32 @!p0 $0x3  }
0xf8: {  	_ =	swait.ge @!p0 [sflag:s0], s1  }
0xf9: {  	s1 =	ssub.s32 @!p0 $0x0, s1;
	[sflag:s0] =	ssyncset.done @!p0 $0x0  }
0xfa: {  	[sflag:s0] =	ssyncadd.s32 @!p0 s1  }
0xfb: {  	[bflag:$0x3] =	sbarrier.arrive $0xFFFF  }
0xfc: {  	_ =	shalt  }

// kernel: kernel.9.cloned.1.call-start
scs
__scs_entry_jumppad:
0x0: {  	(pc) =	sbr.rel $0x88, $3  }
0x1: {  	(tag) =	ssettag $0x0;
	lr =	simm.s32 $0x1  }
0x2: {  	[smem:$0x3F96] =	sst lr;
	_ =	strace $0xD0000000  }
0x3: {  	_ = 	snop  }
0x4: {  	_ = 	snop  }
0x5: {  	_ = 	snop  }
0x6: {  	_ = 	snop  }
0x7: {  	_ = 	snop  }
__scs_overlays_trampoline_lowered:
0x8: {  	[smem:$0x3FA5] =	sst s0  }
0x9: {  	[smem:$0x3FA6] =	sst s1  }
0xa: {  	[smem:$0x3FA7] =	sst s2  }
0xb: {  	[smem:$0x3FA8] =	sst s3  }
0xc: {  	[smem:$0x3FA9] =	sst s4  }
0xd: {  	[smem:$0x3FAA] =	sst s5  }
0xe: {  	[smem:$0x3FAB] =	sst s6  }
0xf: {  	[smem:$0x3FAC] =	sst s7  }
0x10: {  	[smem:$0x3FAD] =	sst s8  }
0x11: {  	[smem:$0x3FAE] =	sst s9;
	s0 =	simm.s32 @!p0 $0x0  }
0x12: {  	s1 =	sld [smem:$0x3F94];
	s0 =	simm.s32 @p0 $0x1  }
0x13: {  	[smem:$0x3FAF] =	sst s0;
	s0 =	simm.s32 @!p1 $0x0  }
0x14: {  	s2 =	sld [smem:$0x3F93];
	s0 =	simm.s32 @p1 $0x1  }
0x15: {  	[smem:$0x3FB0] =	sst s0;
	s0 =	simm.s32 @!p2 $0x0  }
0x16: {  	s3 =	sld [smem:$0x3FDB];
	s0 =	simm.s32 @p2 $0x1  }
0x17: {  	s4 =	simm.s32 $0x1BF5;
	[smem:$0x3FB2] =	sst s0  }
0x18: {  	s0 =	sld [smem:$0x3F95];
	_ =	swait.ge [sflag:s4], $0x0  }
0x19: {  	s7 =	sld [smem:$0x3F96]  }
0x1a: {  	s8 =	sadd.s32 $0xFFFFE003, lr  }
0x1b: {  	s9 =	sadd.s32 $0xFFFFFEF7, lr;
	s5 =	simm.s32 $0xFFFFFFFF;
	p2 =	slt.u32 s8, $0xFFFFF086  }
0x1c: {  	p1 =	slt.u32 s9, $0xF7A;
	s5 =	simm.s32 @!p2 $0x0  }
0x1d: {  	s5 =	simm.s32 @p1 $0x1;
	p0 =	seq.s32 s7, s2  }
0x1e: {  	s7 =	smul.u32 @!p0 $0xF7A, s2;
	p2 =	seq.s32 @!p0 s5, $0x0  }
0x1f: {  	s9 =	smul.u32 $0xF7A, s1;
	s8 =	simm.s32 @!p0 $0x1BF5;
	p2 =	por !p2, p0  }
0x20: {  	[sflag:s8] =	ssyncset.s32 @!p0 $0xFFFFF086;
	s6 =	sadd.s32 @!p0 s3, s7;
	s7 =	simm.s32 @!p0 $0x108  }
0x21: {  	s3 =	sadd.s32 s3, s9;
	s6 =	sadd.s32 @!p0 $0x88, s6;
	s7 =	simm.s32 @p2 $0x1082  }
0x22: {  	[simem:s7], [sflag:s8] =	dma.local @!p0 [hbm:s6], $0xF7A  }
0x23: {  	s9 =	sor.u32 $0xD0000000, s2;
	s6 =	simm.s32 $0x108;
	_ =	swait.ge @!p0 [sflag:s8], $0x0  }
0x24: {  	s3 =	sadd.s32 $0x88, s3;
	s6 =	simm.s32 @!p1 $0x1082;
	[sflag:s4] =	ssyncset.s32 $0xFFFFF086  }
0x25: {  	[simem:s6], [sflag:s4] =	dma.local [hbm:s3], $0xF7A  }
0x26: {  	[smem:$0x3F96] =	sst s1;
	(tag) =	ssettag s2;
	_ =	strace s9  }
0x27: {  	s1 =	sld [smem:$0x3FA6]  }
0x28: {  	s2 =	sld [smem:$0x3FA7]  }
0x29: {  	s4 =	sld [smem:$0x3FA9]  }
0x2a: {  	p0 =	seq.s32 s5, $0x0;
	s5 =	sld [smem:$0x3FAA]  }
0x2b: {  	s6 =	sld [smem:$0x3FAB]  }
0x2c: {  	s7 =	sld [smem:$0x3FAC]  }
0x2d: {  	s3 =	simm.s32 $0x108;
	s8 =	sld [smem:$0x3FAD]  }
0x2e: {  	s3 =	simm.s32 @!p0 $0x1082;
	s9 =	sld [smem:$0x3FAE]  }
0x2f: {  	lr =	sadd.s32 s0, s3;
	s0 =	sld [smem:$0x3FA5]  }
0x30: {  	s3 =	sld [smem:$0x3FA8]  }
0x31: {  	[smem:$0x3FB1] =	sst s10  }
0x32: {  	s10 =	sld [smem:$0x3FAF];
	_ =	sdelay $0x3  }
0x33: {  	p0 =	seq.s32 s10, $0x1;
	s10 =	sld [smem:$0x3FB1];
	_ =	sdelay $0x3  }
0x34: {  	[smem:$0x3FB1] =	sst s10  }
0x35: {  	s10 =	sld [smem:$0x3FB0];
	_ =	sdelay $0x3  }
0x36: {  	p1 =	seq.s32 s10, $0x1;
	s10 =	sld [smem:$0x3FB1];
	_ =	sdelay $0x3  }
0x37: {  	[smem:$0x3FB1] =	sst s10  }
0x38: {  	s10 =	sld [smem:$0x3FB2]  }
0x39: {  	_ = 	snop;
	(pc) =	sbr.ind lr, $3  }
0x3a: {  	_ = 	snop  }
0x3b: {  	_ = 	snop  }
0x3c: {  	p2 =	seq.s32 s10, $0x1;
	s10 =	sld [smem:$0x3FB1]  }
0x3d: {  	_ =	shalt  }
0x3e: {  	_ =	shalt  }
0x3f: {  	_ =	shalt  }
0x40: {  	_ =	shalt  }
0x41: {  	_ =	shalt  }
0x42: {  	_ =	shalt  }
0x43: {  	_ =	shalt  }
0x44: {  	_ =	shalt  }
0x45: {  	_ =	shalt  }
0x46: {  	_ =	shalt  }
0x47: {  	_ =	shalt  }
0x48: {  	_ =	shalt  }
0x49: {  	_ =	shalt  }
0x4a: {  	_ =	shalt  }
0x4b: {  	_ =	shalt  }
0x4c: {  	_ =	shalt  }
0x4d: {  	_ =	shalt  }
0x4e: {  	_ =	shalt  }
0x4f: {  	_ =	shalt  }
0x50: {  	_ =	shalt  }
0x51: {  	_ =	shalt  }
0x52: {  	_ =	shalt  }
0x53: {  	_ =	shalt  }
0x54: {  	_ =	shalt  }
0x55: {  	_ =	shalt  }
0x56: {  	_ =	shalt  }
0x57: {  	_ =	shalt  }
0x58: {  	_ =	shalt  }
0x59: {  	_ =	shalt  }
0x5a: {  	_ =	shalt  }
0x5b: {  	_ =	shalt  }
0x5c: {  	_ =	shalt  }
0x5d: {  	_ =	shalt  }
0x5e: {  	_ =	shalt  }
0x5f: {  	_ =	shalt  }
0x60: {  	_ =	shalt  }
0x61: {  	_ =	shalt  }
0x62: {  	_ =	shalt  }
0x63: {  	_ =	shalt  }
0x64: {  	_ =	shalt  }
0x65: {  	_ =	shalt  }
0x66: {  	_ =	shalt  }
0x67: {  	_ =	shalt  }
0x68: {  	_ =	shalt  }
0x69: {  	_ =	shalt  }
0x6a: {  	_ =	shalt  }
0x6b: {  	_ =	shalt  }
0x6c: {  	_ =	shalt  }
0x6d: {  	_ =	shalt  }
0x6e: {  	_ =	shalt  }
0x6f: {  	_ =	shalt  }
0x70: {  	_ =	shalt  }
0x71: {  	_ =	shalt  }
0x72: {  	_ =	shalt  }
0x73: {  	_ =	shalt  }
0x74: {  	_ =	shalt  }
0x75: {  	_ =	shalt  }
0x76: {  	_ =	shalt  }
0x77: {  	_ =	shalt  }
0x78: {  	_ =	shalt  }
0x79: {  	_ =	shalt  }
0x7a: {  	_ =	shalt  }
0x7b: {  	_ =	shalt  }
0x7c: {  	_ =	shalt  }
0x7d: {  	_ =	shalt  }
0x7e: {  	_ =	shalt  }
0x7f: {  	_ =	shalt  }
0x80: {  	_ =	shalt  }
0x81: {  	_ =	shalt  }
0x82: {  	_ =	shalt  }
0x83: {  	_ =	shalt  }
0x84: {  	_ =	shalt  }
0x85: {  	_ =	shalt  }
0x86: {  	_ =	shalt  }
0x87: {  	_ =	shalt  }
.Lfunc_end0:
.L_simem_size_0:
called_computation_lowered:
.L_overlay_start_0:
0x88: {  	s2 =	sld [smem:$0x3FD9]  }
0x89: {  	s3 =	sld [smem:$0x3FFE];
	_ =	sdelay $0x1  }
0x8a: {  	s1 =	srdreg.scid  }
0x8b: {  	s0 =	sand.u32 $0x1, s1  }
0x8c: {  	s17 =	sshll.u32 s0, $0xA;
	s2 =	sadd.s32 s3, s2  }
0x8d: {  	s2 =	sadd.s32 s2, s17  }
0x8e: {  	[smem:$0x3FBD] =	sst s2  }
0x8f: {  	_ = 	snop  }
0x90: {  	s2 =	sld [smem:$0x3FC9];
	(tm) =	ssettm $0x1  }
0x91: {  	s18 =	sld [smem:$0x3FFB];
	_ =	sdelay $0x3  }
0x92: {  	_ =	strace s18  }
0x93: {  	s3 =	sld [smem:$0x3FFC];
	_ =	sdelay $0x3  }
0x94: {  	_ =	strace s3  }
0x95: {  	s3 =	sld [smem:$0x3FFD];
	_ =	sdelay $0x3  }
0x96: {  	_ =	strace s3  }
0x97: {  	_ =	strace $0x8FFFFFFF  }
0x98: {  	s19 =	sld [smem:$0x3FDB];
	_ =	sdelay $0x1  }
0x99: {  	s4 =	simm.s32 $_scs_section_size  }
0x9a: {  	s5 =	simm.s32 $_size__tile_overlayer_lowered;
	s6 =	simm.s32 $_tile_overlayer_lowered  }
0x9b: {  	s22 =	simm.s32 $0x1BFF;
	s21 =	sshll.u32 s6, $0x1;
	s3 =	sadd.s32 s4, s19  }
0x9c: {  	s7 =	simm.s32 $0x0;
	s20 =	sshll.u32 s5, $0x1;
	s5 =	sadd.s32 s21, s3  }
0x9d: {  	[timem:s7], [sflag:s22] =	dma.local [hbm:s5], s20  }
0x9e: {  	_ =	swait.ge [sflag:s22], s20  }
0x9f: {  	s4 =	ssub.s32 $0x0, s20;
	[sflag:s22] =	ssyncset.done $0x0  }
0xa0: {  	[sflag:s22] =	ssyncadd.s32 s4;
	_ =	sdelay $0x1  }
0xa1: {  	s23 =	simm.s32 $0x1B8B  }
0xa2: {  	_ =	swait.ge [sflag:s23], $0x1  }
0xa3: {  	[sflag:s23] =	ssyncset.done $0x0  }
0xa4: {  	s25 =	simm.s32 $0x1B8E;
	s24 =	sld [smem:$0x3FFE];
	[sflag:s23] =	ssyncadd.s32 $0xFFFFFFFF  }
0xa5: {  	s26 =	simm.s32 $execute0_lowered;
	[smem:$0x3FD2] =	sst s25  }
0xa6: {  	s5 =	sshll.u32 s26, $0x1;
	_ =	strace $0x80000046;
	[dreg:$0x1] =	wrdreg $0xFFFFFFFF  }
0xa7: {  	s28 =	simm.s32 $_size_execute0_lowered;
	s3 =	sadd.s32 s3, s5;
	[dreg:$0x0] =	wrdreg $0x0  }
0xa8: {  	s5 =	sshll.u32 s28, $0x1;
	[dreg:$0x2] =	wrdreg s3  }
0xa9: {  	[dreg:$0x3] =	wrdreg s5  }
0xaa: {  	[dreg:$0x4] =	wrdreg $0xC0  }
0xab: {  	_ =	task [dreg:s7], $0x5FFFF  }
0xac: {  	[dreg:$0x1] =	wrdreg $0xFFFFFFFF  }
0xad: {  	[dreg:$0x0] =	wrdreg $0x60  }
0xae: {  	[dreg:$0x2] =	wrdreg s2  }
0xaf: {  	[dreg:$0x3] =	wrdreg s24  }
0xb0: {  	[dreg:$0x4] =	wrdreg $0xA8000  }
0xb1: {  	[dreg:$0x5] =	wrdreg $0x9  }
0xb2: {  	_ =	task.clear_ibuf [dreg:s7], $0x6FFFF;
	_ =	strace $0x90000046  }
0xb3: {  	s29 =	simm.s32 $0x9;
	_ =	strace $0x80000048  }
0xb4: {  	_ =	swait.ge [sflag:s29], $0x1  }
0xb5: {  	[sflag:s29] =	ssyncadd.s32 $0xFFFFFFFF  }
0xb6: {  	_ =	strace $0x90000048  }
0xb7: {  	_ =	sfence  }
0xb8: {  	s30 =	sld [smem:$0x0];
	_ =	sdelay $0x2  }
0xb9: {  	s31 =	sshll.u32 s1, $0xD;
	s1 =	sshrl.u32 s1, $0x2  }
0xba: {  	s3 =	sand.u32 $0x4000, s31;
	s1 =	sadd.s32 s1, s30  }
0xbb: {  	s0 =	sor.u32 s3, s0;
	s1 =	sshll.u32 s1, $0x11  }
0xbc: {  	s0 =	sor.u32 s1, s0  }
0xbd: {  	s0 =	sadd.s32 $0x8F2B, s0  }
0xbe: {  	[sflag:s0] =	ssyncadd.remote.s32 $0x1  }
0xbf: {  	_ =	sfence.sel $0xFFFF  }
0xc0: {  	[dreg:$0x0] =	wrdreg $0xFFFFFFFF;
	(pc) =	sbr.abs _section_cstart, $3  }
0xc1: {  	[dreg:$0x1] =	wrdreg $0xFFFFFFFF  }
0xc2: {  	_ =	task.clear_ibuf [dreg:s7], $0x2FFFF;
	_ =	strace $0x9FFFFFFF  }
0xc3: {  	(tm) =	ssettm $0x7FFFFFFF  }
tec
execute0_lowered:
.L_overlay_start_1:
0x0: {  	(tag) =	ssettag $0x1  }
0x1: {  	s1 =	rddreg [dreg:$0x0]  }
0x2: {  	s0 =	rddreg [dreg:$0x1]  }
0x3: {  	s2 =	rddreg [dreg:$0x2];
	s4 =	simm.s32 $0x0  }
0x4: {  	s3 =	srdreg.scid;
	s12 =	stileid.u32;
	s28 =	simm.s32 $0x180  }
0x5: {  	s29 =	simm.s32 $0x8800;
	s30 =	simm.s32 $0x1480;
	s6 =	smul.u32 $0x13C00, s12  }
0x6: {  	s31 =	simm.s32 $0x2;
	[smem:$0x7FF] =	sst s4;
	s16 =	smul.u32 $0x5000, s12  }
0x7: {  	s3 =	sand.u32 $0x1, s3;
	s7 =	sadd.s32 $0x2E00, s0;
	s11 =	smul.u32 $0x4F000, s12  }
0x8: {  	s8 =	sadd.s32 $0x16E00, s0;
	s9 =	sadd.s32 $0x2AE00, s0;
	s5 =	smul.u32 $0x13C000, s3  }
0x9: {  	s19 =	sshll.u32 s12, $0x6;
	s15 =	smul.u32 $0x50000, s3;
	s3 =	ssub.s32 $0x2, s3  }
0xa: {  	_ =	strace $0x80000047;
	[dreg:$0x4] =	wrdreg s9;
	s10 =	sshrl.u32 s3, $0x1  }
0xb: {  	s18 =	sshrl.u32 s11, $0x2;
	s5 =	sadd.s32 s6, s5;
	s3 =	ssub.s32 s3, s10  }
0xc: {  	s17 =	sadd.s32 s16, s15;
	s20 =	sadd.s32 s18, s2;
	s6 =	sor.u32 $0x1C03, s19  }
0xd: {  	s18 =	simm.s32 $0x3;
	s19 =	simm.s32 $0x1400;
	s5 =	sshrl.u32 s5, $0x3  }
0xe: {  	s16 =	smax.u32 s3, $0x1;
	s0 =	sadd.s32 s5, s0;
	s5 =	sshrl.u32 s17, $0x3  }
0xf: {  	s17 =	sshrl.u32 s20, $0x3;
	s20 =	simm.s32 $0x40;
	s21 =	sadd.s32 $0x280, s5  }
0x10: {  	s22 =	sadd.s32 s7, s5;
	s23 =	sadd.s32 s8, s5;
	s25 =	sadd.s32 $0x500, s5  }
0x11: {  	s5 =	sadd.s32 $0x780, s5;
	s15 =	sadd.s32 $0x2D600, s0;
	[dreg:$0x5] =	wrdreg s22  }
0x12: {  	s0 =	simm.s32 $0x0;
	[dreg:$0x6] =	wrdreg s23;
	s24 =	sadd.s32 s7, s21  }
0x13: {  	s9 =	sadd.s32 s8, s21;
	s26 =	sadd.s32 s7, s25;
	s13 =	sadd.s32 s7, s5  }
0x14: {  	s14 =	sadd.s32 s8, s5;
	s21 =	simm.s32 $0x2800;
	[dreg:$0x7] =	wrdreg s24  }
0x15: {  	s22 =	simm.s32 $0x80;
	s23 =	simm.s32 $0x4800;
	[dreg:$0x8] =	wrdreg s9  }
0x16: {  	[dreg:$0x9] =	wrdreg s26;
	s9 =	sadd.s32 s8, s25;
	s24 =	simm.s32 $0x1  }
0x17: {  	s25 =	simm.s32 $0x100;
	s26 =	simm.s32 $0x6800;
	[dreg:$0xa] =	wrdreg s9  }
.LBB2_1:
0x18: {  	s3 =	rddreg [dreg:$0x4]  }
0x19: {  	[spmem:s17], [sflag:s6] =	dma.local [hbm:s3], $0x2780  }
0x1a: {  	_ =	swait.ge [sflag:s18], $0x2780  }
0x1b: {  	[sflag:s18] =	ssyncset.done $0x0  }
0x1c: {  	[sflag:s18] =	ssyncadd.s32 $0xFFFFD880  }
0x1d: {  	[bflag:$0x0] =	sbarrier.arrive $0xFFFF  }
0x1e: {  	s11 =	rddreg [dreg:$0x5]  }
0x1f: {  	[tilespmem:s4], [sflag:$0x3] =	stream.linear.gather [hbm4b:s11+s4], $0x1400, $0x38;
	[tilespmem:$0x1E400] =	vst v63  }
0x20: {  	_ =	swait.ge [sflag:s18], $0x1400  }
0x21: {  	[sflag:s18] =	ssyncset.done $0x0  }
0x22: {  	s12 =	rddreg [dreg:$0x6];
	[sflag:s18] =	ssyncadd.s32 $0xFFFFEC00  }
0x23: {  	[tilespmem:s19], [sflag:$0x3] =	stream.linear.gather [hbm4b:s12+s4], $0x1400, $0x38;
	[tilespmem:$0x1E400] =	vst v63  }
0x24: {  	_ =	swait.ge [sflag:s18], $0x1400  }
0x25: {  	[sflag:s18] =	ssyncset.done $0x0  }
0x26: {  	[sflag:s18] =	ssyncadd.s32 $0xFFFFEC00  }
0x27: {  	[tilespmem:s21], [sflag:$0x1] =	stream.indirect.gather [hbm4b:s1+s20], $0x80, s4, s20, $0xb8;
	[tilespmem:$0x1E400] =	vst v63  }
0x28: {  	_ = 	snop  }
0x29: {  	[tilespmem:s23], [sflag:$0x1] =	stream.indirect.gather [hbm4b:s1+s20], $0x80, s22, s20, $0xb8;
	[tilespmem:$0x1E400] =	vst v63  }
0x2a: {  	_ =	swait.ge [sflag:s24], $0x2000  }
0x2b: {  	[sflag:s24] =	ssyncset.done $0x0  }
0x2c: {  	[sflag:s24] =	ssyncadd.s32 $0xFFFFE000  }
0x2d: {  	[tilespmem:s26], [sflag:$0x1] =	stream.indirect.gather [hbm4b:s1+s20], $0x80, s25, s20, $0xb8;
	[tilespmem:$0x1E400] =	vst v63  }
0x2e: {  	_ = 	snop  }
0x2f: {  	[spmem:s2] =	stream.indirect.scatter.add.f32 [tilespmem:s21], [sflag:$0x2], $0x80, s19, s20, $0xb8;
	[tilespmem:$0x1E400] =	vst v63  }
0x30: {  	_ =	swait.ge [sflag:s24], $0x2000  }
0x31: {  	[sflag:s24] =	ssyncset.done $0x0  }
0x32: {  	[sflag:s24] =	ssyncadd.s32 $0xFFFFE000  }
0x33: {  	[tilespmem:s29], [sflag:$0x1] =	stream.indirect.gather [hbm4b:s1+s20], $0x80, s28, s20, $0xb8;
	[tilespmem:$0x1E400] =	vst v63  }
0x34: {  	_ = 	snop  }
0x35: {  	[spmem:s2] =	stream.indirect.scatter.add.f32 [tilespmem:s23], [sflag:$0x2], $0x80, s30, s20, $0xb8;
	[tilespmem:$0x1E400] =	vst v63  }
0x36: {  	s5 =	simm.s32 $0x200;
	p0 =	por $0x0, $0x0;
	_ =	swait.ge [sflag:s24], $0x2000  }
0x37: {  	s8 =	simm.s32 $0x10000;
	s9 =	simm.s32 $0x1500;
	[sflag:s24] =	ssyncset.done $0x0  }
0x38: {  	s3 =	simm.s32 $0x20000;
	s7 =	simm.s32 @!p0 $0x40;
	[sflag:s24] =	ssyncadd.s32 $0xFFFFE000  }
0x39: {  	s8 =	sand.u32 $0x18000, s8;
	s3 =	sand.u32 @!p0 $0x18000, s3;
	_ =	swait.ge [sflag:s31], $0x2000  }
0x3a: {  	s10 =	sshrl.u32 s8, $0x2;
	s3 =	sshrl.u32 @!p0 s3, $0x2;
	[sflag:s31] =	ssyncset.done $0x0  }
0x3b: {  	s8 =	simm.s32 $0x280;
	s3 =	sadd.s32 @!p0 $0x2800, s3;
	[sflag:s31] =	ssyncadd.s32 $0xFFFFE000  }
0x3c: {  	[tilespmem:s3], [sflag:$0x1] =	stream.indirect.gather @!p0 [hbm4b:s1+s7], $0x80, s5, s7, $0xb8;
	[tilespmem:$0x1E400] =	vst v63  }
0x3d: {  	s3 =	simm.s32 $0x1500;
	s5 =	simm.s32 $0x3;
	s7 =	simm.s32 $0x28000  }
.LBB2_2:
0x3e: {  	s10 =	sadd.s32 $0x2800, s10  }
0x3f: {  	s3 =	sadd.s32 $0x80, s3;
	s11 =	smov.u32 s5;
	s5 =	sadd.s32 $0x1, s5  }
0x40: {  	[spmem:s2] =	stream.indirect.scatter.add.f32 [tilespmem:s10], [sflag:$0x2], $0x80, s9, s20, $0xb8;
	[tilespmem:$0x1E400] =	vst v63  }
0x41: {  	p0 =	sne.s32 s5, $0x28;
	s9 =	smov.u32 s3;
	_ =	swait.ge [sflag:s24], $0x2000  }
0x42: {  	p1 =	sgt.u32 s11, $0x25;
	[sflag:s24] =	ssyncset.done $0x0  }
0x43: {  	s10 =	sand.u32 @!p1 $0x18000, s7;
	[sflag:s24] =	ssyncadd.s32 $0xFFFFE000  }
.Ltmp0:
0x44: {  	s11 =	simm.s32 @!p1 $0x40;
	_ =	swait.ge [sflag:s31], $0x2000;
	(pc) =	sbr.rel @p0 .LBB2_2-.Ltmp0, $4  }
0x45: {  	s12 =	sadd.s32 $0xFFFF0000, s7;
	s10 =	sshrl.u32 @!p1 s10, $0x2;
	[sflag:s31] =	ssyncset.done $0x0  }
0x46: {  	s12 =	sand.u32 $0x18000, s12;
	s10 =	sadd.s32 @!p1 $0x2800, s10;
	[sflag:s31] =	ssyncadd.s32 $0xFFFFE000  }
0x47: {  	[tilespmem:s10], [sflag:$0x1] =	stream.indirect.gather @!p1 [hbm4b:s1+s11], $0x80, s8, s11, $0xb8;
	[tilespmem:$0x1E400] =	vst v63  }
0x48: {  	s7 =	sadd.s32 $0x8000, s7;
	s10 =	sshrl.u32 s12, $0x2;
	s8 =	sadd.s32 $0x80, s8  }
0x49: {  	s3 =	sadd.s32 $0x2800, s10;
	s10 =	simm.s32 $0x2  }
0x4a: {  	[spmem:s2] =	stream.indirect.scatter.add.f32 [tilespmem:s3], [sflag:$0x2], $0x80, s9, s20, $0xb8;
	[tilespmem:$0x1E400] =	vst v63  }
0x4b: {  	_ =	swait.ge [sflag:s10], $0x2000  }
0x4c: {  	[sflag:s10] =	ssyncset.done $0x0  }
0x4d: {  	[sflag:s10] =	ssyncadd.s32 $0xFFFFE000  }
0x4e: {  	_ =	swait.ge [sflag:s10], $0x2000  }
0x4f: {  	[sflag:s10] =	ssyncset.done $0x0  }
0x50: {  	s11 =	rddreg [dreg:$0x7];
	[sflag:s10] =	ssyncadd.s32 $0xFFFFE000  }
0x51: {  	[tilespmem:s4], [sflag:$0x3] =	stream.linear.gather [hbm4b:s11+s4], $0x1400, $0x38;
	[tilespmem:$0x1E400] =	vst v63  }
0x52: {  	_ =	swait.ge [sflag:s18], $0x1400  }
0x53: {  	[sflag:s18] =	ssyncset.done $0x0  }
0x54: {  	s12 =	rddreg [dreg:$0x8];
	[sflag:s18] =	ssyncadd.s32 $0xFFFFEC00  }
0x55: {  	[tilespmem:s19], [sflag:$0x3] =	stream.linear.gather [hbm4b:s12+s4], $0x1400, $0x38;
	[tilespmem:$0x1E400] =	vst v63  }
0x56: {  	_ =	swait.ge [sflag:s18], $0x1400  }
0x57: {  	[sflag:s18] =	ssyncset.done $0x0  }
0x58: {  	[sflag:s18] =	ssyncadd.s32 $0xFFFFEC00  }
0x59: {  	[tilespmem:s21], [sflag:$0x1] =	stream.indirect.gather [hbm4b:s1+s20], $0x80, s4, s20, $0xb8;
	[tilespmem:$0x1E400] =	vst v63  }
0x5a: {  	_ = 	snop  }
0x5b: {  	[tilespmem:s23], [sflag:$0x1] =	stream.indirect.gather [hbm4b:s1+s20], $0x80, s22, s20, $0xb8;
	[tilespmem:$0x1E400] =	vst v63  }
0x5c: {  	_ =	swait.ge [sflag:s24], $0x2000  }
0x5d: {  	[sflag:s24] =	ssyncset.done $0x0  }
0x5e: {  	[sflag:s24] =	ssyncadd.s32 $0xFFFFE000  }
0x5f: {  	[tilespmem:s26], [sflag:$0x1] =	stream.indirect.gather [hbm4b:s1+s20], $0x80, s25, s20, $0xb8;
	[tilespmem:$0x1E400] =	vst v63  }
0x60: {  	_ = 	snop  }
0x61: {  	[spmem:s2] =	stream.indirect.scatter.add.f32 [tilespmem:s21], [sflag:$0x2], $0x80, s19, s20, $0xb8;
	[tilespmem:$0x1E400] =	vst v63  }
0x62: {  	_ =	swait.ge [sflag:s24], $0x2000  }
0x63: {  	[sflag:s24] =	ssyncset.done $0x0  }
0x64: {  	[sflag:s24] =	ssyncadd.s32 $0xFFFFE000  }
0x65: {  	[tilespmem:s29], [sflag:$0x1] =	stream.indirect.gather [hbm4b:s1+s20], $0x80, s28, s20, $0xb8;
	[tilespmem:$0x1E400] =	vst v63  }
0x66: {  	_ = 	snop  }
0x67: {  	[spmem:s2] =	stream.indirect.scatter.add.f32 [tilespmem:s23], [sflag:$0x2], $0x80, s30, s20, $0xb8;
	[tilespmem:$0x1E400] =	vst v63  }
0x68: {  	s5 =	simm.s32 $0x200;
	p0 =	por $0x0, $0x0;
	_ =	swait.ge [sflag:s24], $0x2000  }
0x69: {  	s8 =	simm.s32 $0x10000;
	s3 =	simm.s32 $0x20000;
	[sflag:s24] =	ssyncset.done $0x0  }
0x6a: {  	s7 =	simm.s32 @!p0 $0x40;
	s3 =	sand.u32 @!p0 $0x18000, s3;
	[sflag:s24] =	ssyncadd.s32 $0xFFFFE000  }
0x6b: {  	s8 =	sand.u32 $0x18000, s8;
	s3 =	sshrl.u32 @!p0 s3, $0x2;
	_ =	swait.ge [sflag:s31], $0x2000  }
0x6c: {  	s9 =	simm.s32 $0x1500;
	s3 =	sadd.s32 @!p0 $0x2800, s3;
	[sflag:s31] =	ssyncset.done $0x0  }
0x6d: {  	s10 =	sshrl.u32 s8, $0x2;
	s8 =	simm.s32 $0x280;
	[sflag:s31] =	ssyncadd.s32 $0xFFFFE000  }
0x6e: {  	[tilespmem:s3], [sflag:$0x1] =	stream.indirect.gather @!p0 [hbm4b:s1+s7], $0x80, s5, s7, $0xb8;
	[tilespmem:$0x1E400] =	vst v63  }
0x6f: {  	s3 =	simm.s32 $0x1500;
	s5 =	simm.s32 $0x3;
	s7 =	simm.s32 $0x28000  }
.LBB2_4:
0x70: {  	s10 =	sadd.s32 $0x2800, s10  }
0x71: {  	s3 =	sadd.s32 $0x80, s3;
	s11 =	smov.u32 s5;
	s5 =	sadd.s32 $0x1, s5  }
0x72: {  	[spmem:s2] =	stream.indirect.scatter.add.f32 [tilespmem:s10], [sflag:$0x2], $0x80, s9, s20, $0xb8;
	[tilespmem:$0x1E400] =	vst v63  }
0x73: {  	p0 =	sne.s32 s5, $0x28;
	s9 =	smov.u32 s3;
	_ =	swait.ge [sflag:s24], $0x2000  }
0x74: {  	p1 =	sgt.u32 s11, $0x25;
	[sflag:s24] =	ssyncset.done $0x0  }
0x75: {  	s10 =	sand.u32 @!p1 $0x18000, s7;
	[sflag:s24] =	ssyncadd.s32 $0xFFFFE000  }
.Ltmp1:
0x76: {  	s11 =	simm.s32 @!p1 $0x40;
	_ =	swait.ge [sflag:s31], $0x2000;
	(pc) =	sbr.rel @p0 .LBB2_4-.Ltmp1, $4  }
0x77: {  	s12 =	sadd.s32 $0xFFFF0000, s7;
	s10 =	sshrl.u32 @!p1 s10, $0x2;
	[sflag:s31] =	ssyncset.done $0x0  }
0x78: {  	s12 =	sand.u32 $0x18000, s12;
	s10 =	sadd.s32 @!p1 $0x2800, s10;
	[sflag:s31] =	ssyncadd.s32 $0xFFFFE000  }
0x79: {  	[tilespmem:s10], [sflag:$0x1] =	stream.indirect.gather @!p1 [hbm4b:s1+s11], $0x80, s8, s11, $0xb8;
	[tilespmem:$0x1E400] =	vst v63  }
0x7a: {  	s7 =	sadd.s32 $0x8000, s7;
	s10 =	sshrl.u32 s12, $0x2;
	s8 =	sadd.s32 $0x80, s8  }
0x7b: {  	s3 =	sadd.s32 $0x2800, s10;
	s10 =	simm.s32 $0x2  }
0x7c: {  	[spmem:s2] =	stream.indirect.scatter.add.f32 [tilespmem:s3], [sflag:$0x2], $0x80, s9, s20, $0xb8;
	[tilespmem:$0x1E400] =	vst v63  }
0x7d: {  	_ =	swait.ge [sflag:s10], $0x2000  }
0x7e: {  	[sflag:s10] =	ssyncset.done $0x0  }
0x7f: {  	[sflag:s10] =	ssyncadd.s32 $0xFFFFE000  }
0x80: {  	_ =	swait.ge [sflag:s10], $0x2000  }
0x81: {  	[sflag:s10] =	ssyncset.done $0x0  }
0x82: {  	s11 =	rddreg [dreg:$0x9];
	[sflag:s10] =	ssyncadd.s32 $0xFFFFE000  }
0x83: {  	[tilespmem:s4], [sflag:$0x3] =	stream.linear.gather [hbm4b:s11+s4], $0x1400, $0x38;
	[tilespmem:$0x1E400] =	vst v63  }
0x84: {  	_ =	swait.ge [sflag:s18], $0x1400  }
0x85: {  	[sflag:s18] =	ssyncset.done $0x0  }
0x86: {  	s12 =	rddreg [dreg:$0xa];
	[sflag:s18] =	ssyncadd.s32 $0xFFFFEC00  }
0x87: {  	[tilespmem:s19], [sflag:$0x3] =	stream.linear.gather [hbm4b:s12+s4], $0x1400, $0x38;
	[tilespmem:$0x1E400] =	vst v63  }
0x88: {  	_ =	swait.ge [sflag:s18], $0x1400  }
0x89: {  	[sflag:s18] =	ssyncset.done $0x0  }
0x8a: {  	[sflag:s18] =	ssyncadd.s32 $0xFFFFEC00  }
0x8b: {  	[tilespmem:s21], [sflag:$0x1] =	stream.indirect.gather [hbm4b:s1+s20], $0x80, s4, s20, $0xb8;
	[tilespmem:$0x1E400] =	vst v63  }
0x8c: {  	_ = 	snop  }
0x8d: {  	[tilespmem:s23], [sflag:$0x1] =	stream.indirect.gather [hbm4b:s1+s20], $0x80, s22, s20, $0xb8;
	[tilespmem:$0x1E400] =	vst v63  }
0x8e: {  	_ =	swait.ge [sflag:s24], $0x2000  }
0x8f: {  	[sflag:s24] =	ssyncset.done $0x0  }
0x90: {  	[sflag:s24] =	ssyncadd.s32 $0xFFFFE000  }
0x91: {  	[tilespmem:s26], [sflag:$0x1] =	stream.indirect.gather [hbm4b:s1+s20], $0x80, s25, s20, $0xb8;
	[tilespmem:$0x1E400] =	vst v63  }
0x92: {  	_ = 	snop  }
0x93: {  	[spmem:s2] =	stream.indirect.scatter.add.f32 [tilespmem:s21], [sflag:$0x2], $0x80, s19, s20, $0xb8;
	[tilespmem:$0x1E400] =	vst v63  }
0x94: {  	_ =	swait.ge [sflag:s24], $0x2000  }
0x95: {  	[sflag:s24] =	ssyncset.done $0x0  }
0x96: {  	[sflag:s24] =	ssyncadd.s32 $0xFFFFE000  }
0x97: {  	[tilespmem:s29], [sflag:$0x1] =	stream.indirect.gather [hbm4b:s1+s20], $0x80, s28, s20, $0xb8;
	[tilespmem:$0x1E400] =	vst v63  }
0x98: {  	_ = 	snop  }
0x99: {  	[spmem:s2] =	stream.indirect.scatter.add.f32 [tilespmem:s23], [sflag:$0x2], $0x80, s30, s20, $0xb8;
	[tilespmem:$0x1E400] =	vst v63  }
0x9a: {  	s5 =	simm.s32 $0x200;
	p0 =	por $0x0, $0x0;
	_ =	swait.ge [sflag:s24], $0x2000  }
0x9b: {  	s8 =	simm.s32 $0x10000;
	s3 =	simm.s32 $0x20000;
	[sflag:s24] =	ssyncset.done $0x0  }
0x9c: {  	s7 =	simm.s32 @!p0 $0x40;
	s3 =	sand.u32 @!p0 $0x18000, s3;
	[sflag:s24] =	ssyncadd.s32 $0xFFFFE000  }
0x9d: {  	s8 =	sand.u32 $0x18000, s8;
	s3 =	sshrl.u32 @!p0 s3, $0x2;
	_ =	swait.ge [sflag:s31], $0x2000  }
0x9e: {  	s9 =	simm.s32 $0x1500;
	s3 =	sadd.s32 @!p0 $0x2800, s3;
	[sflag:s31] =	ssyncset.done $0x0  }
0x9f: {  	s10 =	sshrl.u32 s8, $0x2;
	s8 =	simm.s32 $0x280;
	[sflag:s31] =	ssyncadd.s32 $0xFFFFE000  }
0xa0: {  	[tilespmem:s3], [sflag:$0x1] =	stream.indirect.gather @!p0 [hbm4b:s1+s7], $0x80, s5, s7, $0xb8;
	[tilespmem:$0x1E400] =	vst v63  }
0xa1: {  	s3 =	simm.s32 $0x1500;
	s5 =	simm.s32 $0x3;
	s7 =	simm.s32 $0x28000  }
.LBB2_6:
0xa2: {  	s10 =	sadd.s32 $0x2800, s10  }
0xa3: {  	s3 =	sadd.s32 $0x80, s3;
	s11 =	smov.u32 s5;
	s5 =	sadd.s32 $0x1, s5  }
0xa4: {  	[spmem:s2] =	stream.indirect.scatter.add.f32 [tilespmem:s10], [sflag:$0x2], $0x80, s9, s20, $0xb8;
	[tilespmem:$0x1E400] =	vst v63  }
0xa5: {  	p0 =	sne.s32 s5, $0x28;
	s9 =	smov.u32 s3;
	_ =	swait.ge [sflag:s24], $0x2000  }
0xa6: {  	p1 =	sgt.u32 s11, $0x25;
	[sflag:s24] =	ssyncset.done $0x0  }
0xa7: {  	s10 =	sand.u32 @!p1 $0x18000, s7;
	[sflag:s24] =	ssyncadd.s32 $0xFFFFE000  }
.Ltmp2:
0xa8: {  	s11 =	simm.s32 @!p1 $0x40;
	_ =	swait.ge [sflag:s31], $0x2000;
	(pc) =	sbr.rel @p0 .LBB2_6-.Ltmp2, $4  }
0xa9: {  	s12 =	sadd.s32 $0xFFFF0000, s7;
	s10 =	sshrl.u32 @!p1 s10, $0x2;
	[sflag:s31] =	ssyncset.done $0x0  }
0xaa: {  	s12 =	sand.u32 $0x18000, s12;
	s10 =	sadd.s32 @!p1 $0x2800, s10;
	[sflag:s31] =	ssyncadd.s32 $0xFFFFE000  }
0xab: {  	[tilespmem:s10], [sflag:$0x1] =	stream.indirect.gather @!p1 [hbm4b:s1+s11], $0x80, s8, s11, $0xb8;
	[tilespmem:$0x1E400] =	vst v63  }
0xac: {  	s7 =	sadd.s32 $0x8000, s7;
	s10 =	sshrl.u32 s12, $0x2;
	s8 =	sadd.s32 $0x80, s8  }
0xad: {  	s3 =	sadd.s32 $0x2800, s10;
	s12 =	simm.s32 $0x2  }
0xae: {  	[spmem:s2] =	stream.indirect.scatter.add.f32 [tilespmem:s3], [sflag:$0x2], $0x80, s9, s20, $0xb8;
	[tilespmem:$0x1E400] =	vst v63  }
0xaf: {  	_ =	swait.ge [sflag:s12], $0x2000  }
0xb0: {  	[sflag:s12] =	ssyncset.done $0x0  }
0xb1: {  	[sflag:s12] =	ssyncadd.s32 $0xFFFFE000  }
0xb2: {  	_ =	swait.ge [sflag:s12], $0x2000  }
0xb3: {  	[sflag:s12] =	ssyncset.done $0x0  }
0xb4: {  	[sflag:s12] =	ssyncadd.s32 $0xFFFFE000  }
0xb5: {  	[tilespmem:s4], [sflag:$0x3] =	stream.linear.gather [hbm4b:s13+s4], $0x1300, $0x38;
	[tilespmem:$0x1E400] =	vst v63  }
0xb6: {  	_ =	swait.ge [sflag:s18], $0x1300  }
0xb7: {  	[sflag:s18] =	ssyncset.done $0x0  }
0xb8: {  	[sflag:s18] =	ssyncadd.s32 $0xFFFFED00  }
0xb9: {  	[tilespmem:s19], [sflag:$0x3] =	stream.linear.gather [hbm4b:s14+s4], $0x1300, $0x38;
	[tilespmem:$0x1E400] =	vst v63  }
0xba: {  	_ =	swait.ge [sflag:s18], $0x1300  }
0xbb: {  	[sflag:s18] =	ssyncset.done $0x0  }
0xbc: {  	[sflag:s18] =	ssyncadd.s32 $0xFFFFED00  }
0xbd: {  	[tilespmem:s21], [sflag:$0x1] =	stream.indirect.gather [hbm4b:s1+s20], $0x80, s4, s20, $0xb8;
	[tilespmem:$0x1E400] =	vst v63  }
0xbe: {  	_ = 	snop  }
0xbf: {  	[tilespmem:s23], [sflag:$0x1] =	stream.indirect.gather [hbm4b:s1+s20], $0x80, s22, s20, $0xb8;
	[tilespmem:$0x1E400] =	vst v63  }
0xc0: {  	_ =	swait.ge [sflag:s24], $0x2000  }
0xc1: {  	[sflag:s24] =	ssyncset.done $0x0  }
0xc2: {  	[sflag:s24] =	ssyncadd.s32 $0xFFFFE000  }
0xc3: {  	[tilespmem:s26], [sflag:$0x1] =	stream.indirect.gather [hbm4b:s1+s20], $0x80, s25, s20, $0xb8;
	[tilespmem:$0x1E400] =	vst v63  }
0xc4: {  	_ = 	snop  }
0xc5: {  	[spmem:s2] =	stream.indirect.scatter.add.f32 [tilespmem:s21], [sflag:$0x2], $0x80, s19, s20, $0xb8;
	[tilespmem:$0x1E400] =	vst v63  }
0xc6: {  	_ =	swait.ge [sflag:s24], $0x2000  }
0xc7: {  	[sflag:s24] =	ssyncset.done $0x0  }
0xc8: {  	[sflag:s24] =	ssyncadd.s32 $0xFFFFE000  }
0xc9: {  	[tilespmem:s29], [sflag:$0x1] =	stream.indirect.gather [hbm4b:s1+s20], $0x80, s28, s20, $0xb8;
	[tilespmem:$0x1E400] =	vst v63  }
0xca: {  	_ = 	snop  }
0xcb: {  	[spmem:s2] =	stream.indirect.scatter.add.f32 [tilespmem:s23], [sflag:$0x2], $0x80, s30, s20, $0xb8;
	[tilespmem:$0x1E400] =	vst v63  }
0xcc: {  	s5 =	simm.s32 $0x200;
	p0 =	por $0x0, $0x0;
	_ =	swait.ge [sflag:s24], $0x2000  }
0xcd: {  	s8 =	simm.s32 $0x10000;
	s3 =	simm.s32 $0x20000;
	[sflag:s24] =	ssyncset.done $0x0  }
0xce: {  	s7 =	simm.s32 @!p0 $0x40;
	s8 =	sand.u32 $0x18000, s8;
	[sflag:s24] =	ssyncadd.s32 $0xFFFFE000  }
0xcf: {  	s9 =	simm.s32 $0x1500;
	s3 =	sand.u32 @!p0 $0x18000, s3;
	_ =	swait.ge [sflag:s31], $0x2000  }
0xd0: {  	s10 =	sshrl.u32 s8, $0x2;
	s3 =	sshrl.u32 @!p0 s3, $0x2;
	[sflag:s31] =	ssyncset.done $0x0  }
0xd1: {  	s8 =	simm.s32 $0x280;
	s3 =	sadd.s32 @!p0 $0x2800, s3;
	[sflag:s31] =	ssyncadd.s32 $0xFFFFE000  }
0xd2: {  	[tilespmem:s3], [sflag:$0x1] =	stream.indirect.gather @!p0 [hbm4b:s1+s7], $0x80, s5, s7, $0xb8;
	[tilespmem:$0x1E400] =	vst v63  }
0xd3: {  	s3 =	simm.s32 $0x1500;
	s5 =	simm.s32 $0x3;
	s7 =	simm.s32 $0x28000  }
.LBB2_8:
0xd4: {  	s10 =	sadd.s32 $0x2800, s10  }
0xd5: {  	s3 =	sadd.s32 $0x80, s3;
	s11 =	smov.u32 s5;
	s5 =	sadd.s32 $0x1, s5  }
0xd6: {  	[spmem:s2] =	stream.indirect.scatter.add.f32 [tilespmem:s10], [sflag:$0x2], $0x80, s9, s20, $0xb8;
	[tilespmem:$0x1E400] =	vst v63  }
0xd7: {  	p0 =	sne.s32 s5, $0x26;
	s9 =	smov.u32 s3;
	_ =	swait.ge [sflag:s24], $0x2000  }
0xd8: {  	p1 =	sgt.u32 s11, $0x23;
	[sflag:s24] =	ssyncset.done $0x0  }
0xd9: {  	s10 =	sand.u32 @!p1 $0x18000, s7;
	[sflag:s24] =	ssyncadd.s32 $0xFFFFE000  }
.Ltmp3:
0xda: {  	s11 =	simm.s32 @!p1 $0x40;
	_ =	swait.ge [sflag:s31], $0x2000;
	(pc) =	sbr.rel @p0 .LBB2_8-.Ltmp3, $4  }
0xdb: {  	s12 =	sadd.s32 $0xFFFF0000, s7;
	s10 =	sshrl.u32 @!p1 s10, $0x2;
	[sflag:s31] =	ssyncset.done $0x0  }
0xdc: {  	s12 =	sand.u32 $0x18000, s12;
	s10 =	sadd.s32 @!p1 $0x2800, s10;
	[sflag:s31] =	ssyncadd.s32 $0xFFFFE000  }
0xdd: {  	[tilespmem:s10], [sflag:$0x1] =	stream.indirect.gather @!p1 [hbm4b:s1+s11], $0x80, s8, s11, $0xb8;
	[tilespmem:$0x1E400] =	vst v63  }
0xde: {  	s7 =	sadd.s32 $0x8000, s7;
	s10 =	sshrl.u32 s12, $0x2;
	s8 =	sadd.s32 $0x80, s8  }
0xdf: {  	s3 =	sadd.s32 $0x2800, s10  }
0xe0: {  	[spmem:s2] =	stream.indirect.scatter.add.f32 [tilespmem:s3], [sflag:$0x2], $0x80, s9, s20, $0xb8;
	[tilespmem:$0x1E400] =	vst v63  }
0xe1: {  	_ =	swait.ge [sflag:s31], $0x2000  }
0xe2: {  	[sflag:s31] =	ssyncset.done $0x0  }
0xe3: {  	[sflag:s31] =	ssyncadd.s32 $0xFFFFE000  }
0xe4: {  	_ =	swait.ge [sflag:s31], $0x2000  }
0xe5: {  	s0 =	sadd.s32 $0x1, s0;
	[sflag:s31] =	ssyncset.done $0x0  }
0xe6: {  	p0 =	sne.s32 s0, s16;
	[sflag:s31] =	ssyncadd.s32 $0xFFFFE000  }
.Ltmp4:
0xe7: {  	[bflag:$0x0] =	sbarrier.arrive $0xFFFF;
	(pc) =	sbr.rel @p0 .LBB2_1-.Ltmp4, $4  }
0xe8: {  	[hbm:s15], [sflag:s6] =	dma.local [spmem:s17], $0x2780  }
0xe9: {  	_ =	swait.ge [sflag:s18], $0x2780  }
0xea: {  	[sflag:s18] =	ssyncset.done $0x0  }
0xeb: {  	[sflag:s18] =	ssyncadd.s32 $0xFFFFD880  }
0xec: {  	_ =	sfence.sel $0x180000  }
0xed: {  	[bflag:$0x0] =	sbarrier.arrive $0xFFFF  }
0xee: {  	_ =	strace $0x90000047  }
0xef: {  	s0 =	stileid.u32;
	[bflag:$0x2] =	sbarrier.arrive $0xFFFF  }
0xf0: {  	p0 =	sne.s32 s0, $0x0;
	s0 =	rddreg [dreg:$0x3]  }
0xf1: {  	s0 =	sadd.s32 @!p0 $0x100000, s0  }
0xf2: {  	[sflag:s0] =	ssyncadd.tile.s32 @!p0 $0x1;
	_ =	shalt  }
.Lfunc_end2:
_tile_overlayer_lowered:
.L_overlay_start_2:
0xf3: {  	(tag) =	ssettag $0x2  }
0xf4: {  	s0 =	rddreg [dreg:$0x0];
	s2 =	stileid.u32  }
0xf5: {  	s1 =	rddreg [dreg:$0x1];
	p0 =	sne.s32 s2, $0x0  }
0xf6: {  	s3 =	rddreg [dreg:$0x2];
	[bflag:$0x3] =	sbarrier.arrive $0xFFFF;
	s2 =	simm.s32 @!p0 $0x1C03  }
0xf7: {  	[timem:s3], [sflag:s2] =	dma.local @!p0 [hbm:s0], s1  }
0xf8: {  	s0 =	simm.s32 @!p0 $0x3  }
0xf9: {  	_ =	swait.ge @!p0 [sflag:s0], s1  }
0xfa: {  	s1 =	ssub.s32 @!p0 $0x0, s1;
	[sflag:s0] =	ssyncset.done @!p0 $0x0  }
0xfb: {  	[sflag:s0] =	ssyncadd.s32 @!p0 s1  }
0xfc: {  	[bflag:$0x3] =	sbarrier.arrive $0xFFFF  }
0xfd: {  	_ =	shalt  }

</sc_bundles>
